<compile_context>
chip_gen: v7x
topology: tpu7x:2x2x1
jax: 0.10.2.dev20260603
libtpu: 0.0.44.dev20260713+nightly
codegen_flags: <defaults>
</compile_context>

<pallas_src>
import functools

import jax
import jax.numpy as jnp
from jax import lax
from jax.experimental import pallas as pl
from jax.experimental.pallas import tpu as pltpu
from jax.experimental.pallas import tpu_sc as plsc

N = 10000
E = 640000
C = 128
XW = 16
CW = 64
KP = 1

NC = 2
NS = 16
NW = NC * NS
CHUNK = 128
N_PAD = 10112
ROWS_PT = N_PAD // NS
CH32 = 160
CH16 = 320
E_PAD = NW * CH32 * CHUNK

PIPE = 5


def _gather_scatter_loop(table, ed_hbm, base, ed_v, rows, acc,
                         isem, gsem, ssem, n_chunks):

    def round_body(r, first):
        for b in range(PIPE):
            j = base + r * PIPE + b
            if not first:
                pltpu.make_async_copy(rows.at[b], acc.at[ed_v.at[b, 1]],
                                      ssem.at[b]).wait()
            pltpu.async_copy(ed_hbm.at[j], ed_v.at[b], isem.at[b])
        for b in range(PIPE):
            j = base + r * PIPE + b
            pltpu.make_async_copy(ed_hbm.at[j], ed_v.at[b], isem.at[b]).wait()
            pltpu.async_copy(table.at[ed_v.at[b, 0]], rows.at[b], gsem.at[b])
        for b in range(PIPE):
            pltpu.make_async_copy(table.at[ed_v.at[b, 0]], rows.at[b],
                                  gsem.at[b]).wait()
            pltpu.async_copy(rows.at[b], acc.at[ed_v.at[b, 1]], ssem.at[b],
                             add=True)

    round_body(0, True)

    def body(r, _):
        round_body(r, False)
        return 0

    lax.fori_loop(1, n_chunks // PIPE, body, 0, unroll=False)
    for b in range(PIPE):
        pltpu.make_async_copy(rows.at[b], acc.at[ed_v.at[b, 1]],
                              ssem.at[b]).wait()


_MESH = plsc.VectorSubcoreMesh(core_axis_name="c", subcore_axis_name="s")


@functools.partial(
    pl.kernel,
    out_type=jax.ShapeDtypeStruct((NC, N_PAD, XW), jnp.float32),
    mesh=_MESH,
    compiler_params=pltpu.CompilerParams(use_tc_tiling_on_sc=False),
    scratch_types=[
        pltpu.VMEM((PIPE, 2, CHUNK), jnp.int32),
        pltpu.VMEM((PIPE, CHUNK, XW), jnp.float32),
        pltpu.VMEM_SHARED((N_PAD, XW), jnp.float32),
        pltpu.SemaphoreType.DMA((PIPE,)),
        pltpu.SemaphoreType.DMA((PIPE,)),
        pltpu.SemaphoreType.DMA((PIPE,)),
    ],
)
def _segsum16(x_hbm, ed_hbm, zeros_hbm, out_hbm,
              ed_v, rows, acc, isem, gsem, ssem):
    cid = lax.axis_index("c")
    sid = lax.axis_index("s")
    wid = cid * NS + sid
    row0 = sid * ROWS_PT
    pltpu.sync_copy(zeros_hbm.at[pl.ds(row0, ROWS_PT)],
                    acc.at[pl.ds(row0, ROWS_PT)])
    plsc.subcore_barrier()
    _gather_scatter_loop(x_hbm, ed_hbm, wid * CH32, ed_v, rows, acc,
                         isem, gsem, ssem, CH32)
    plsc.subcore_barrier()
    pltpu.sync_copy(acc.at[pl.ds(row0, ROWS_PT)],
                    out_hbm.at[cid, pl.ds(row0, ROWS_PT)])


@functools.partial(
    pl.kernel,
    out_type=jax.ShapeDtypeStruct((NC, KP, N_PAD, CW), jnp.float32),
    mesh=_MESH,
    compiler_params=pltpu.CompilerParams(use_tc_tiling_on_sc=False),
    scratch_types=[
        pltpu.VMEM((PIPE, 2, CHUNK), jnp.int32),
        pltpu.VMEM((PIPE, CHUNK, CW), jnp.float32),
        pltpu.VMEM_SHARED((N_PAD, CW), jnp.float32),
        pltpu.SemaphoreType.DMA((PIPE,)),
        pltpu.SemaphoreType.DMA((PIPE,)),
        pltpu.SemaphoreType.DMA((PIPE,)),
    ],
)
def _segsum128(h_hbm, ed_hbm, zeros_hbm, out_hbm,
               ed_v, rows, acc, isem, gsem, ssem):
    cid = lax.axis_index("c")
    sid = lax.axis_index("s")
    row0 = sid * ROWS_PT
    for k in range(KP):
        pltpu.sync_copy(zeros_hbm.at[pl.ds(row0, ROWS_PT)],
                        acc.at[pl.ds(row0, ROWS_PT)])
        plsc.subcore_barrier()
        _gather_scatter_loop(h_hbm.at[cid, k], ed_hbm, sid * CH16, ed_v,
                             rows, acc, isem, gsem, ssem, CH16)
        plsc.subcore_barrier()
        pltpu.sync_copy(acc.at[pl.ds(row0, ROWS_PT)],
                        out_hbm.at[cid, k, pl.ds(row0, ROWS_PT)])


def _tc_body(split_out, p_ref, agg1_ref, h_ref, wl_ref, bl_ref, wr_ref, o_ref):
    if p_ref.ndim == 3:
        agg = p_ref[0] + p_ref[1]
    else:
        agg = jnp.concatenate(
            [p_ref[c, k] for c in range(NC) for k in range(KP)], axis=1)
    a1 = agg1_ref[0] + agg1_ref[1]
    deg = a1[:, 3:4]
    invd = 1.0 / jnp.maximum(deg, 1.0)
    mean = agg * invd
    h = h_ref[...]
    if h.ndim == 4:
        h = jnp.concatenate(
            [h[c, k] for c in range(NC) for k in range(KP)], axis=1)
    y = (jnp.dot(mean, wl_ref[...], preferred_element_type=jnp.float32)
         + bl_ref[...]
         + jnp.dot(h, wr_ref[...], preferred_element_type=jnp.float32))
    y = jnp.maximum(y, 0.0)
    if split_out:
        for c in range(NC):
            for k in range(KP):
                b = (c * KP + k) * CW
                o_ref[c, k] = y[:, b:b + CW]
    else:
        o_ref[...] = y


def _tc_layer(P, agg1, h, WlT, bl, WrT, split_out):
    BR = 1264
    grid = N_PAD // BR
    d_agg = WlT.shape[0]
    d_in = WrT.shape[0]
    p_spec = (pl.BlockSpec((NC, BR, XW), lambda i: (0, i, 0)) if P.ndim == 3
              else pl.BlockSpec((NC, KP, BR, CW), lambda i: (0, 0, i, 0)))
    h_spec = (pl.BlockSpec((NC, KP, BR, CW), lambda i: (0, 0, i, 0))
              if h.ndim == 4
              else pl.BlockSpec((BR, h.shape[1]), lambda i: (i, 0)))
    if split_out:
        out_spec = pl.BlockSpec((NC, KP, BR, CW), lambda i: (0, 0, i, 0))
        out_shape = jax.ShapeDtypeStruct((NC, KP, N_PAD, CW), jnp.float32)
    else:
        out_spec = pl.BlockSpec((BR, C), lambda i: (i, 0))
        out_shape = jax.ShapeDtypeStruct((N_PAD, C), jnp.float32)
    return pl.pallas_call(
        functools.partial(_tc_body, split_out),
        grid=(grid,),
        in_specs=[
            p_spec,
            pl.BlockSpec((NC, BR, XW), lambda i: (0, i, 0)),
            h_spec,
            pl.BlockSpec((d_agg, C), lambda i: (0, 0)),
            pl.BlockSpec((1, C), lambda i: (0, 0)),
            pl.BlockSpec((d_in, C), lambda i: (0, 0)),
        ],
        out_specs=out_spec,
        out_shape=out_shape,
    )(P, agg1, h, WlT, bl, WrT)


def kernel(x, edge_index, Wl1, bl1, Wr1, Wl2, bl2, Wr2, Wl3, bl3, Wr3):
    src = edge_index[0].astype(jnp.int32)
    dst = edge_index[1].astype(jnp.int32)
    src_p = jnp.concatenate([src, jnp.zeros((E_PAD - E,), jnp.int32)])
    dst_p = jnp.concatenate([dst, jnp.full((E_PAD - E,), N, jnp.int32)])
    ed = jnp.stack([src_p.reshape(E_PAD // CHUNK, CHUNK),
                    dst_p.reshape(E_PAD // CHUNK, CHUNK)], axis=1)

    x16 = jnp.zeros((N_PAD, XW), jnp.float32)
    x16 = x16.at[:N, :3].set(x).at[:N, 3].set(1.0)
    z16 = jnp.zeros((N_PAD, XW), jnp.float32)
    z64 = jnp.zeros((N_PAD, CW), jnp.float32)

    Wl1T = jnp.zeros((XW, C), jnp.float32).at[:3].set(Wl1.T)
    Wr1T = jnp.zeros((XW, C), jnp.float32).at[:3].set(Wr1.T)
    b1 = bl1.reshape(1, C)
    Wl2T, Wr2T, b2 = Wl2.T, Wr2.T, bl2.reshape(1, C)
    Wl3T, Wr3T, b3 = Wl3.T, Wr3.T, bl3.reshape(1, C)

    P1 = _segsum16(x16, ed, z16)
    h1 = _tc_layer(P1, P1, x16, Wl1T, b1, Wr1T, split_out=True)

    Wls = jnp.stack([Wl2T, Wl3T])
    bs = jnp.stack([b2, b3])
    Wrs = jnp.stack([Wr2T, Wr3T])

    def step(h, w):
        wl, bb, wr = w
        P = _segsum128(h, ed, z64)
        return _tc_layer(P, P1, h, wl, bb, wr, split_out=True), 0.0

    h3, _ = lax.scan(step, h1, (Wls, bs, Wrs))
    out = jnp.concatenate(
        [h3[c, k] for c in range(NC) for k in range(KP)], axis=1)
    return out[:N]

# --- scband reference (transcript-rebuilt; emitter-appended) ---
"""Pipeline reference for scband-sageconv-model-7361573945898 (READ-ONLY COPY).

The authoritative reference and input builder live on the scoring server;
editing this copy changes nothing except your own understanding.
"""

import jax, jax.numpy as jnp
import numpy as np

N = 10000
E = 640000
C = 128

def _glorot(key, shape):
    fan_in, fan_out = shape[1], shape[0]
    limit = float(np.sqrt(6.0 / (fan_in + fan_out)))
    return jax.random.uniform(key, shape, jnp.float32, -limit, limit)

def setup_inputs(seed: int = 0) -> dict:
    key = jax.random.key(seed)
    ks = jax.random.split(key, 12)
    x = jax.random.normal(ks[0], (N, 3), dtype=jnp.float32)
    edge_index = jax.random.randint(ks[1], (2, E), 0, N, dtype=jnp.int64)
    params = {
        'Wl1': _glorot(ks[2], (C, 3)), 'bl1': jnp.zeros((C,), jnp.float32), 'Wr1': _glorot(ks[3], (C, 3)),
        'Wl2': _glorot(ks[4], (C, C)), 'bl2': jnp.zeros((C,), jnp.float32), 'Wr2': _glorot(ks[5], (C, C)),
        'Wl3': _glorot(ks[6], (C, C)), 'bl3': jnp.zeros((C,), jnp.float32), 'Wr3': _glorot(ks[7], (C, C)),
    }
    return {'x': x, 'edge_index': edge_index, **params}

def _sage_conv(x, src, dst, Wl, bl, Wr, num_nodes):
    # PyG SAGEConv, aggr='mean': out = lin_l(mean_{j in N(i)} x_j) + lin_r(x_i)
    msgs = jnp.take(x, src, axis=0)
    summed = jax.ops.segment_sum(msgs, dst, num_segments=num_nodes)
    deg = jax.ops.segment_sum(jnp.ones((src.shape[0],), jnp.float32), dst, num_segments=num_nodes)
    mean = summed / jnp.clip(deg, 1.0)[:, None]
    return mean @ Wl.T + bl + x @ Wr.T

def reference(x, edge_index, Wl1, bl1, Wr1, Wl2, bl2, Wr2, Wl3, bl3, Wr3):
    src = edge_index[0]
    dst = edge_index[1]
    n = x.shape[0]
    h = jax.nn.relu(_sage_conv(x, src, dst, Wl1, bl1, Wr1, n))
    h = jax.nn.relu(_sage_conv(h, src, dst, Wl2, bl2, Wr2, n))
    h = jax.nn.relu(_sage_conv(h, src, dst, Wl3, bl3, Wr3, n))
    return h

if __name__ == "__main__":
    import jax
    _d = setup_inputs()
    print(jax.jit(kernel)(*tuple(_d.values())))

</pallas_src>

<mosaic_0001>
#map = affine_map<(d0, d1) -> (0, 0, 0, 0)>
#map1 = affine_map<(d0, d1) -> (0, 0, 0)>
#map2 = affine_map<(d0, d1) -> (0, 0)>
module attributes {stable_mosaic.version = 14 : i64} {
  func.func @_segsum128(%arg0: i32, %arg1: i32, %arg2: memref<2x1x10112x64xf32, #tpu.memory_space<hbm>>, %arg3: memref<5120x2x128xi32, #tpu.memory_space<hbm>>, %arg4: memref<10112x64xf32, #tpu.memory_space<hbm>>, %arg5: memref<2x1x10112x64xf32, #tpu.memory_space<hbm>>, %arg6: memref<5x2x128xi32, #tpu.memory_space<vmem>>, %arg7: memref<5x128x64xf32, #tpu.memory_space<vmem>>, %arg8: memref<10112x64xf32, #tpu.memory_space<vmem_shared>>, %arg9: memref<5x!tpu.dma_semaphore, #tpu.memory_space<semaphore_mem>>, %arg10: memref<5x!tpu.dma_semaphore, #tpu.memory_space<semaphore_mem>>, %arg11: memref<5x!tpu.dma_semaphore, #tpu.memory_space<semaphore_mem>>) attributes {dimension_semantics = [#tpu.dimension_semantics<core_parallel>, #tpu.dimension_semantics<subcore_parallel>], iteration_bounds = array<i64: 2, 16>, scalar_prefetch = 0 : i64, scratch_operands = 6 : i64, tpu.core_type = #tpu.core_type<sc_vector_subcore>, window_params = [{transform_indices = #map}, {transform_indices = #map1}, {transform_indices = #map2}, {transform_indices = #map}]} {
    %mul3A = arith.constant 632 : i32
    %mul3A_0 = arith.muli %arg1, %mul3A : i32
    "tpu.region"() ({
      %run_scoped3A_618 = tpu.sem_alloc : memref<!tpu.dma_semaphore, #tpu.memory_space<semaphore_mem>>
      %dma_start3A_619 = arith.constant 0 : i32
      %dma_start3A_620 = tpu.memref_slice %arg8[%mul3A_0, %dma_start3A_619] : memref<10112x64xf32, #tpu.memory_space<vmem_shared>> -> memref<632x64xf32, #tpu.memory_space<vmem_shared>>
      %dma_start3A_621 = arith.constant 0 : i32
      %dma_start3A_622 = tpu.memref_slice %arg4[%mul3A_0, %dma_start3A_621] : memref<10112x64xf32, #tpu.memory_space<hbm>> -> memref<632x64xf32, #tpu.memory_space<hbm>>
      tpu.enqueue_dma source(%dma_start3A_622 : memref<632x64xf32, #tpu.memory_space<hbm>>) target(%dma_start3A_620 : memref<632x64xf32, #tpu.memory_space<vmem_shared>>) target_semaphore(%run_scoped3A_618 : memref<!tpu.dma_semaphore, #tpu.memory_space<semaphore_mem>>)
      %dma_wait3A_623 = arith.constant 0 : i32
      %dma_wait3A_624 = tpu.memref_slice %arg8[%mul3A_0, %dma_wait3A_623] : memref<10112x64xf32, #tpu.memory_space<vmem_shared>> -> memref<632x64xf32, #tpu.memory_space<vmem_shared>>
      %dma_wait3A_625 = arith.constant 0 : i32
      %dma_wait3A_626 = tpu.memref_slice %arg4[%mul3A_0, %dma_wait3A_625] : memref<10112x64xf32, #tpu.memory_space<hbm>> -> memref<632x64xf32, #tpu.memory_space<hbm>>
      tpu.wait_dma2 semaphore(%run_scoped3A_618 : memref<!tpu.dma_semaphore, #tpu.memory_space<semaphore_mem>>) src(%dma_wait3A_626 : memref<632x64xf32, #tpu.memory_space<hbm>>) dst(%dma_wait3A_624 : memref<632x64xf32, #tpu.memory_space<vmem_shared>>)
      tpu.yield
    }) : () -> ()
    %barrier3A = arith.constant 0 : index
    tpu.barrier barrier_id(%barrier3A)
    %mul3A_1 = arith.constant 320 : i32
    %mul3A_2 = arith.muli %arg1, %mul3A_1 : i32
    %add3A = arith.constant 0 : i32
    %add3A_3 = arith.addi %mul3A_2, %add3A : i32
    %add3A_4 = arith.constant 0 : i32
    %add3A_5 = arith.addi %add3A_3, %add3A_4 : i32
    %dma_start3A = arith.constant 0 : i32
    %dma_start3A_6 = arith.constant 0 : i32
    %dma_start3A_7 = arith.constant 0 : i32
    %dma_start3A_8 = arith.constant 0 : i32
    %dma_start3A_9 = tpu.memref_slice %arg6[%dma_start3A, %dma_start3A_7, %dma_start3A_8] : memref<5x2x128xi32, #tpu.memory_space<vmem>> -> memref<1x2x128xi32, #tpu.memory_space<vmem>>
    %dma_start3A_10 = tpu.memref_squeeze %dma_start3A_9 : memref<1x2x128xi32, #tpu.memory_space<vmem>> -> memref<2x128xi32, #tpu.memory_space<vmem>>
    %dma_start3A_11 = arith.constant 0 : i32
    %dma_start3A_12 = arith.constant 0 : i32
    %dma_start3A_13 = tpu.memref_slice %arg3[%add3A_5, %dma_start3A_11, %dma_start3A_12] : memref<5120x2x128xi32, #tpu.memory_space<hbm>> -> memref<1x2x128xi32, #tpu.memory_space<hbm>>
    %dma_start3A_14 = tpu.memref_squeeze %dma_start3A_13 : memref<1x2x128xi32, #tpu.memory_space<hbm>> -> memref<2x128xi32, #tpu.memory_space<hbm>>
    %dma_start3A_15 = tpu.memref_slice %arg9[%dma_start3A_6] : memref<5x!tpu.dma_semaphore, #tpu.memory_space<semaphore_mem>> -> memref<1x!tpu.dma_semaphore, #tpu.memory_space<semaphore_mem>>
    %dma_start3A_16 = tpu.memref_squeeze %dma_start3A_15 : memref<1x!tpu.dma_semaphore, #tpu.memory_space<semaphore_mem>> -> memref<!tpu.dma_semaphore, #tpu.memory_space<semaphore_mem>>
    %dma_start3A_17 = arith.constant 0 : i32
    %dma_start3A_18 = arith.constant 0 : i32
    %dma_start3A_19 = tpu.memref_slice %arg6[%dma_start3A, %dma_start3A_17, %dma_start3A_18] : memref<5x2x128xi32, #tpu.memory_space<vmem>> -> memref<1x2x128xi32, #tpu.memory_space<vmem>>
    %dma_start3A_20 = tpu.memref_squeeze %dma_start3A_19 : memref<1x2x128xi32, #tpu.memory_space<vmem>> -> memref<2x128xi32, #tpu.memory_space<vmem>>
    %dma_start3A_21 = arith.constant 0 : i32
    %dma_start3A_22 = arith.constant 0 : i32
    %dma_start3A_23 = tpu.memref_slice %arg3[%add3A_5, %dma_start3A_21, %dma_start3A_22] : memref<5120x2x128xi32, #tpu.memory_space<hbm>> -> memref<1x2x128xi32, #tpu.memory_space<hbm>>
    %dma_start3A_24 = tpu.memref_squeeze %dma_start3A_23 : memref<1x2x128xi32, #tpu.memory_space<hbm>> -> memref<2x128xi32, #tpu.memory_space<hbm>>
    tpu.enqueue_dma source(%dma_start3A_24 : memref<2x128xi32, #tpu.memory_space<hbm>>) target(%dma_start3A_20 : memref<2x128xi32, #tpu.memory_space<vmem>>) target_semaphore(%dma_start3A_16 : memref<!tpu.dma_semaphore, #tpu.memory_space<semaphore_mem>>)
    %add3A_25 = arith.constant 0 : i32
    %add3A_26 = arith.addi %mul3A_2, %add3A_25 : i32
    %add3A_27 = arith.constant 1 : i32
    %add3A_28 = arith.addi %add3A_26, %add3A_27 : i32
    %dma_start3A_29 = arith.constant 1 : i32
    %dma_start3A_30 = arith.constant 1 : i32
    %dma_start3A_31 = arith.constant 0 : i32
    %dma_start3A_32 = arith.constant 0 : i32
    %dma_start3A_33 = tpu.memref_slice %arg6[%dma_start3A_29, %dma_start3A_31, %dma_start3A_32] : memref<5x2x128xi32, #tpu.memory_space<vmem>> -> memref<1x2x128xi32, #tpu.memory_space<vmem>>
    %dma_start3A_34 = tpu.memref_squeeze %dma_start3A_33 : memref<1x2x128xi32, #tpu.memory_space<vmem>> -> memref<2x128xi32, #tpu.memory_space<vmem>>
    %dma_start3A_35 = arith.constant 0 : i32
    %dma_start3A_36 = arith.constant 0 : i32
    %dma_start3A_37 = tpu.memref_slice %arg3[%add3A_28, %dma_start3A_35, %dma_start3A_36] : memref<5120x2x128xi32, #tpu.memory_space<hbm>> -> memref<1x2x128xi32, #tpu.memory_space<hbm>>
    %dma_start3A_38 = tpu.memref_squeeze %dma_start3A_37 : memref<1x2x128xi32, #tpu.memory_space<hbm>> -> memref<2x128xi32, #tpu.memory_space<hbm>>
    %dma_start3A_39 = tpu.memref_slice %arg9[%dma_start3A_30] : memref<5x!tpu.dma_semaphore, #tpu.memory_space<semaphore_mem>> -> memref<1x!tpu.dma_semaphore, #tpu.memory_space<semaphore_mem>>
    %dma_start3A_40 = tpu.memref_squeeze %dma_start3A_39 : memref<1x!tpu.dma_semaphore, #tpu.memory_space<semaphore_mem>> -> memref<!tpu.dma_semaphore, #tpu.memory_space<semaphore_mem>>
    %dma_start3A_41 = arith.constant 0 : i32
    %dma_start3A_42 = arith.constant 0 : i32
    %dma_start3A_43 = tpu.memref_slice %arg6[%dma_start3A_29, %dma_start3A_41, %dma_start3A_42] : memref<5x2x128xi32, #tpu.memory_space<vmem>> -> memref<1x2x128xi32, #tpu.memory_space<vmem>>
    %dma_start3A_44 = tpu.memref_squeeze %dma_start3A_43 : memref<1x2x128xi32, #tpu.memory_space<vmem>> -> memref<2x128xi32, #tpu.memory_space<vmem>>
    %dma_start3A_45 = arith.constant 0 : i32
    %dma_start3A_46 = arith.constant 0 : i32
    %dma_start3A_47 = tpu.memref_slice %arg3[%add3A_28, %dma_start3A_45, %dma_start3A_46] : memref<5120x2x128xi32, #tpu.memory_space<hbm>> -> memref<1x2x128xi32, #tpu.memory_space<hbm>>
    %dma_start3A_48 = tpu.memref_squeeze %dma_start3A_47 : memref<1x2x128xi32, #tpu.memory_space<hbm>> -> memref<2x128xi32, #tpu.memory_space<hbm>>
    tpu.enqueue_dma source(%dma_start3A_48 : memref<2x128xi32, #tpu.memory_space<hbm>>) target(%dma_start3A_44 : memref<2x128xi32, #tpu.memory_space<vmem>>) target_semaphore(%dma_start3A_40 : memref<!tpu.dma_semaphore, #tpu.memory_space<semaphore_mem>>)
    %add3A_49 = arith.constant 0 : i32
    %add3A_50 = arith.addi %mul3A_2, %add3A_49 : i32
    %add3A_51 = arith.constant 2 : i32
    %add3A_52 = arith.addi %add3A_50, %add3A_51 : i32
    %dma_start3A_53 = arith.constant 2 : i32
    %dma_start3A_54 = arith.constant 2 : i32
    %dma_start3A_55 = arith.constant 0 : i32
    %dma_start3A_56 = arith.constant 0 : i32
    %dma_start3A_57 = tpu.memref_slice %arg6[%dma_start3A_53, %dma_start3A_55, %dma_start3A_56] : memref<5x2x128xi32, #tpu.memory_space<vmem>> -> memref<1x2x128xi32, #tpu.memory_space<vmem>>
    %dma_start3A_58 = tpu.memref_squeeze %dma_start3A_57 : memref<1x2x128xi32, #tpu.memory_space<vmem>> -> memref<2x128xi32, #tpu.memory_space<vmem>>
    %dma_start3A_59 = arith.constant 0 : i32
    %dma_start3A_60 = arith.constant 0 : i32
    %dma_start3A_61 = tpu.memref_slice %arg3[%add3A_52, %dma_start3A_59, %dma_start3A_60] : memref<5120x2x128xi32, #tpu.memory_space<hbm>> -> memref<1x2x128xi32, #tpu.memory_space<hbm>>
    %dma_start3A_62 = tpu.memref_squeeze %dma_start3A_61 : memref<1x2x128xi32, #tpu.memory_space<hbm>> -> memref<2x128xi32, #tpu.memory_space<hbm>>
    %dma_start3A_63 = tpu.memref_slice %arg9[%dma_start3A_54] : memref<5x!tpu.dma_semaphore, #tpu.memory_space<semaphore_mem>> -> memref<1x!tpu.dma_semaphore, #tpu.memory_space<semaphore_mem>>
    %dma_start3A_64 = tpu.memref_squeeze %dma_start3A_63 : memref<1x!tpu.dma_semaphore, #tpu.memory_space<semaphore_mem>> -> memref<!tpu.dma_semaphore, #tpu.memory_space<semaphore_mem>>
    %dma_start3A_65 = arith.constant 0 : i32
    %dma_start3A_66 = arith.constant 0 : i32
    %dma_start3A_67 = tpu.memref_slice %arg6[%dma_start3A_53, %dma_start3A_65, %dma_start3A_66] : memref<5x2x128xi32, #tpu.memory_space<vmem>> -> memref<1x2x128xi32, #tpu.memory_space<vmem>>
    %dma_start3A_68 = tpu.memref_squeeze %dma_start3A_67 : memref<1x2x128xi32, #tpu.memory_space<vmem>> -> memref<2x128xi32, #tpu.memory_space<vmem>>
    %dma_start3A_69 = arith.constant 0 : i32
    %dma_start3A_70 = arith.constant 0 : i32
    %dma_start3A_71 = tpu.memref_slice %arg3[%add3A_52, %dma_start3A_69, %dma_start3A_70] : memref<5120x2x128xi32, #tpu.memory_space<hbm>> -> memref<1x2x128xi32, #tpu.memory_space<hbm>>
    %dma_start3A_72 = tpu.memref_squeeze %dma_start3A_71 : memref<1x2x128xi32, #tpu.memory_space<hbm>> -> memref<2x128xi32, #tpu.memory_space<hbm>>
    tpu.enqueue_dma source(%dma_start3A_72 : memref<2x128xi32, #tpu.memory_space<hbm>>) target(%dma_start3A_68 : memref<2x128xi32, #tpu.memory_space<vmem>>) target_semaphore(%dma_start3A_64 : memref<!tpu.dma_semaphore, #tpu.memory_space<semaphore_mem>>)
    %add3A_73 = arith.constant 0 : i32
    %add3A_74 = arith.addi %mul3A_2, %add3A_73 : i32
    %add3A_75 = arith.constant 3 : i32
    %add3A_76 = arith.addi %add3A_74, %add3A_75 : i32
    %dma_start3A_77 = arith.constant 3 : i32
    %dma_start3A_78 = arith.constant 3 : i32
    %dma_start3A_79 = arith.constant 0 : i32
    %dma_start3A_80 = arith.constant 0 : i32
    %dma_start3A_81 = tpu.memref_slice %arg6[%dma_start3A_77, %dma_start3A_79, %dma_start3A_80] : memref<5x2x128xi32, #tpu.memory_space<vmem>> -> memref<1x2x128xi32, #tpu.memory_space<vmem>>
    %dma_start3A_82 = tpu.memref_squeeze %dma_start3A_81 : memref<1x2x128xi32, #tpu.memory_space<vmem>> -> memref<2x128xi32, #tpu.memory_space<vmem>>
    %dma_start3A_83 = arith.constant 0 : i32
    %dma_start3A_84 = arith.constant 0 : i32
    %dma_start3A_85 = tpu.memref_slice %arg3[%add3A_76, %dma_start3A_83, %dma_start3A_84] : memref<5120x2x128xi32, #tpu.memory_space<hbm>> -> memref<1x2x128xi32, #tpu.memory_space<hbm>>
    %dma_start3A_86 = tpu.memref_squeeze %dma_start3A_85 : memref<1x2x128xi32, #tpu.memory_space<hbm>> -> memref<2x128xi32, #tpu.memory_space<hbm>>
    %dma_start3A_87 = tpu.memref_slice %arg9[%dma_start3A_78] : memref<5x!tpu.dma_semaphore, #tpu.memory_space<semaphore_mem>> -> memref<1x!tpu.dma_semaphore, #tpu.memory_space<semaphore_mem>>
    %dma_start3A_88 = tpu.memref_squeeze %dma_start3A_87 : memref<1x!tpu.dma_semaphore, #tpu.memory_space<semaphore_mem>> -> memref<!tpu.dma_semaphore, #tpu.memory_space<semaphore_mem>>
    %dma_start3A_89 = arith.constant 0 : i32
    %dma_start3A_90 = arith.constant 0 : i32
    %dma_start3A_91 = tpu.memref_slice %arg6[%dma_start3A_77, %dma_start3A_89, %dma_start3A_90] : memref<5x2x128xi32, #tpu.memory_space<vmem>> -> memref<1x2x128xi32, #tpu.memory_space<vmem>>
    %dma_start3A_92 = tpu.memref_squeeze %dma_start3A_91 : memref<1x2x128xi32, #tpu.memory_space<vmem>> -> memref<2x128xi32, #tpu.memory_space<vmem>>
    %dma_start3A_93 = arith.constant 0 : i32
    %dma_start3A_94 = arith.constant 0 : i32
    %dma_start3A_95 = tpu.memref_slice %arg3[%add3A_76, %dma_start3A_93, %dma_start3A_94] : memref<5120x2x128xi32, #tpu.memory_space<hbm>> -> memref<1x2x128xi32, #tpu.memory_space<hbm>>
    %dma_start3A_96 = tpu.memref_squeeze %dma_start3A_95 : memref<1x2x128xi32, #tpu.memory_space<hbm>> -> memref<2x128xi32, #tpu.memory_space<hbm>>
    tpu.enqueue_dma source(%dma_start3A_96 : memref<2x128xi32, #tpu.memory_space<hbm>>) target(%dma_start3A_92 : memref<2x128xi32, #tpu.memory_space<vmem>>) target_semaphore(%dma_start3A_88 : memref<!tpu.dma_semaphore, #tpu.memory_space<semaphore_mem>>)
    %add3A_97 = arith.constant 0 : i32
    %add3A_98 = arith.addi %mul3A_2, %add3A_97 : i32
    %add3A_99 = arith.constant 4 : i32
    %add3A_100 = arith.addi %add3A_98, %add3A_99 : i32
    %dma_start3A_101 = arith.constant 4 : i32
    %dma_start3A_102 = arith.constant 4 : i32
    %dma_start3A_103 = arith.constant 0 : i32
    %dma_start3A_104 = arith.constant 0 : i32
    %dma_start3A_105 = tpu.memref_slice %arg6[%dma_start3A_101, %dma_start3A_103, %dma_start3A_104] : memref<5x2x128xi32, #tpu.memory_space<vmem>> -> memref<1x2x128xi32, #tpu.memory_space<vmem>>
    %dma_start3A_106 = tpu.memref_squeeze %dma_start3A_105 : memref<1x2x128xi32, #tpu.memory_space<vmem>> -> memref<2x128xi32, #tpu.memory_space<vmem>>
    %dma_start3A_107 = arith.constant 0 : i32
    %dma_start3A_108 = arith.constant 0 : i32
    %dma_start3A_109 = tpu.memref_slice %arg3[%add3A_100, %dma_start3A_107, %dma_start3A_108] : memref<5120x2x128xi32, #tpu.memory_space<hbm>> -> memref<1x2x128xi32, #tpu.memory_space<hbm>>
    %dma_start3A_110 = tpu.memref_squeeze %dma_start3A_109 : memref<1x2x128xi32, #tpu.memory_space<hbm>> -> memref<2x128xi32, #tpu.memory_space<hbm>>
    %dma_start3A_111 = tpu.memref_slice %arg9[%dma_start3A_102] : memref<5x!tpu.dma_semaphore, #tpu.memory_space<semaphore_mem>> -> memref<1x!tpu.dma_semaphore, #tpu.memory_space<semaphore_mem>>
    %dma_start3A_112 = tpu.memref_squeeze %dma_start3A_111 : memref<1x!tpu.dma_semaphore, #tpu.memory_space<semaphore_mem>> -> memref<!tpu.dma_semaphore, #tpu.memory_space<semaphore_mem>>
    %dma_start3A_113 = arith.constant 0 : i32
    %dma_start3A_114 = arith.constant 0 : i32
    %dma_start3A_115 = tpu.memref_slice %arg6[%dma_start3A_101, %dma_start3A_113, %dma_start3A_114] : memref<5x2x128xi32, #tpu.memory_space<vmem>> -> memref<1x2x128xi32, #tpu.memory_space<vmem>>
    %dma_start3A_116 = tpu.memref_squeeze %dma_start3A_115 : memref<1x2x128xi32, #tpu.memory_space<vmem>> -> memref<2x128xi32, #tpu.memory_space<vmem>>
    %dma_start3A_117 = arith.constant 0 : i32
    %dma_start3A_118 = arith.constant 0 : i32
    %dma_start3A_119 = tpu.memref_slice %arg3[%add3A_100, %dma_start3A_117, %dma_start3A_118] : memref<5120x2x128xi32, #tpu.memory_space<hbm>> -> memref<1x2x128xi32, #tpu.memory_space<hbm>>
    %dma_start3A_120 = tpu.memref_squeeze %dma_start3A_119 : memref<1x2x128xi32, #tpu.memory_space<hbm>> -> memref<2x128xi32, #tpu.memory_space<hbm>>
    tpu.enqueue_dma source(%dma_start3A_120 : memref<2x128xi32, #tpu.memory_space<hbm>>) target(%dma_start3A_116 : memref<2x128xi32, #tpu.memory_space<vmem>>) target_semaphore(%dma_start3A_112 : memref<!tpu.dma_semaphore, #tpu.memory_space<semaphore_mem>>)
    %add3A_121 = arith.constant 0 : i32
    %add3A_122 = arith.addi %mul3A_2, %add3A_121 : i32
    %add3A_123 = arith.constant 0 : i32
    %add3A_124 = arith.addi %add3A_122, %add3A_123 : i32
    %dma_wait3A = arith.constant 0 : i32
    %dma_wait3A_125 = arith.constant 0 : i32
    %dma_wait3A_126 = arith.constant 0 : i32
    %dma_wait3A_127 = arith.constant 0 : i32
    %dma_wait3A_128 = tpu.memref_slice %arg6[%dma_wait3A, %dma_wait3A_126, %dma_wait3A_127] : memref<5x2x128xi32, #tpu.memory_space<vmem>> -> memref<1x2x128xi32, #tpu.memory_space<vmem>>
    %dma_wait3A_129 = tpu.memref_squeeze %dma_wait3A_128 : memref<1x2x128xi32, #tpu.memory_space<vmem>> -> memref<2x128xi32, #tpu.memory_space<vmem>>
    %dma_wait3A_130 = arith.constant 0 : i32
    %dma_wait3A_131 = arith.constant 0 : i32
    %dma_wait3A_132 = tpu.memref_slice %arg3[%add3A_124, %dma_wait3A_130, %dma_wait3A_131] : memref<5120x2x128xi32, #tpu.memory_space<hbm>> -> memref<1x2x128xi32, #tpu.memory_space<hbm>>
    %dma_wait3A_133 = tpu.memref_squeeze %dma_wait3A_132 : memref<1x2x128xi32, #tpu.memory_space<hbm>> -> memref<2x128xi32, #tpu.memory_space<hbm>>
    %dma_wait3A_134 = tpu.memref_slice %arg9[%dma_wait3A_125] : memref<5x!tpu.dma_semaphore, #tpu.memory_space<semaphore_mem>> -> memref<1x!tpu.dma_semaphore, #tpu.memory_space<semaphore_mem>>
    %dma_wait3A_135 = tpu.memref_squeeze %dma_wait3A_134 : memref<1x!tpu.dma_semaphore, #tpu.memory_space<semaphore_mem>> -> memref<!tpu.dma_semaphore, #tpu.memory_space<semaphore_mem>>
    %dma_wait3A_136 = arith.constant 0 : i32
    %dma_wait3A_137 = arith.constant 0 : i32
    %dma_wait3A_138 = tpu.memref_slice %arg6[%dma_wait3A, %dma_wait3A_136, %dma_wait3A_137] : memref<5x2x128xi32, #tpu.memory_space<vmem>> -> memref<1x2x128xi32, #tpu.memory_space<vmem>>
    %dma_wait3A_139 = tpu.memref_squeeze %dma_wait3A_138 : memref<1x2x128xi32, #tpu.memory_space<vmem>> -> memref<2x128xi32, #tpu.memory_space<vmem>>
    %dma_wait3A_140 = arith.constant 0 : i32
    %dma_wait3A_141 = arith.constant 0 : i32
    %dma_wait3A_142 = tpu.memref_slice %arg3[%add3A_124, %dma_wait3A_140, %dma_wait3A_141] : memref<5120x2x128xi32, #tpu.memory_space<hbm>> -> memref<1x2x128xi32, #tpu.memory_space<hbm>>
    %dma_wait3A_143 = tpu.memref_squeeze %dma_wait3A_142 : memref<1x2x128xi32, #tpu.memory_space<hbm>> -> memref<2x128xi32, #tpu.memory_space<hbm>>
    tpu.wait_dma2 semaphore(%dma_wait3A_135 : memref<!tpu.dma_semaphore, #tpu.memory_space<semaphore_mem>>) src(%dma_wait3A_143 : memref<2x128xi32, #tpu.memory_space<hbm>>) dst(%dma_wait3A_139 : memref<2x128xi32, #tpu.memory_space<vmem>>)
    %dma_start3A_144 = arith.constant 0 : i32
    %dma_start3A_145 = arith.constant 0 : i32
    %dma_start3A_146 = arith.constant 0 : i32
    %dma_start3A_147 = arith.constant 0 : i32
    %dma_start3A_148 = arith.constant 0 : i32
    %dma_start3A_149 = arith.constant 0 : i32
    %dma_start3A_150 = arith.constant 0 : i32
    %dma_start3A_151 = tpu.memref_slice %arg7[%dma_start3A_147, %dma_start3A_149, %dma_start3A_150] : memref<5x128x64xf32, #tpu.memory_space<vmem>> -> memref<1x128x64xf32, #tpu.memory_space<vmem>>
    %dma_start3A_152 = tpu.memref_squeeze %dma_start3A_151 : memref<1x128x64xf32, #tpu.memory_space<vmem>> -> memref<128x64xf32, #tpu.memory_space<vmem>>
    %dma_start3A_153 = arith.constant 0 : i32
    %dma_start3A_154 = tpu.memref_slice %arg6[%dma_start3A_145, %dma_start3A_146, %dma_start3A_153] : memref<5x2x128xi32, #tpu.memory_space<vmem>> -> memref<1x1x128xi32, #tpu.memory_space<vmem>>
    %dma_start3A_155 = tpu.memref_squeeze %dma_start3A_154 : memref<1x1x128xi32, #tpu.memory_space<vmem>> -> memref<128xi32, #tpu.memory_space<vmem>>
    %dma_start3A_156 = arith.constant 0 : i32
    %dma_start3A_157 = arith.constant 0 : i32
    %dma_start3A_158 = tpu.memref_slice %arg2[%arg0, %dma_start3A_144, %dma_start3A_156, %dma_start3A_157] : memref<2x1x10112x64xf32, #tpu.memory_space<hbm>> -> memref<1x1x10112x64xf32, #tpu.memory_space<hbm>>
    %dma_start3A_159 = tpu.memref_squeeze %dma_start3A_158 : memref<1x1x10112x64xf32, #tpu.memory_space<hbm>> -> memref<10112x64xf32, #tpu.memory_space<hbm>>
    %dma_start3A_160 = arith.constant 0 : i32
    %dma_start3A_161 = arith.constant 0 : i32
    %dma_start3A_162 = tpu.memref_slice %dma_start3A_159[%dma_start3A_160, %dma_start3A_161] : memref<10112x64xf32, #tpu.memory_space<hbm>> -> memref<10112x64xf32, #tpu.memory_space<hbm>>
    %dma_start3A_163 = tpu.memref_slice %arg10[%dma_start3A_148] : memref<5x!tpu.dma_semaphore, #tpu.memory_space<semaphore_mem>> -> memref<1x!tpu.dma_semaphore, #tpu.memory_space<semaphore_mem>>
    %dma_start3A_164 = tpu.memref_squeeze %dma_start3A_163 : memref<1x!tpu.dma_semaphore, #tpu.memory_space<semaphore_mem>> -> memref<!tpu.dma_semaphore, #tpu.memory_space<semaphore_mem>>
    tpu.enqueue_indirect_dma source(%dma_start3A_162 : memref<10112x64xf32, #tpu.memory_space<hbm>>) target(%dma_start3A_152 : memref<128x64xf32, #tpu.memory_space<vmem>>) offsets(%dma_start3A_155 : memref<128xi32, #tpu.memory_space<vmem>>) semaphore(%dma_start3A_164 : memref<!tpu.dma_semaphore, #tpu.memory_space<semaphore_mem>>)
    %add3A_165 = arith.constant 0 : i32
    %add3A_166 = arith.addi %mul3A_2, %add3A_165 : i32
    %add3A_167 = arith.constant 1 : i32
    %add3A_168 = arith.addi %add3A_166, %add3A_167 : i32
    %dma_wait3A_169 = arith.constant 1 : i32
    %dma_wait3A_170 = arith.constant 1 : i32
    %dma_wait3A_171 = arith.constant 0 : i32
    %dma_wait3A_172 = arith.constant 0 : i32
    %dma_wait3A_173 = tpu.memref_slice %arg6[%dma_wait3A_169, %dma_wait3A_171, %dma_wait3A_172] : memref<5x2x128xi32, #tpu.memory_space<vmem>> -> memref<1x2x128xi32, #tpu.memory_space<vmem>>
    %dma_wait3A_174 = tpu.memref_squeeze %dma_wait3A_173 : memref<1x2x128xi32, #tpu.memory_space<vmem>> -> memref<2x128xi32, #tpu.memory_space<vmem>>
    %dma_wait3A_175 = arith.constant 0 : i32
    %dma_wait3A_176 = arith.constant 0 : i32
    %dma_wait3A_177 = tpu.memref_slice %arg3[%add3A_168, %dma_wait3A_175, %dma_wait3A_176] : memref<5120x2x128xi32, #tpu.memory_space<hbm>> -> memref<1x2x128xi32, #tpu.memory_space<hbm>>
    %dma_wait3A_178 = tpu.memref_squeeze %dma_wait3A_177 : memref<1x2x128xi32, #tpu.memory_space<hbm>> -> memref<2x128xi32, #tpu.memory_space<hbm>>
    %dma_wait3A_179 = tpu.memref_slice %arg9[%dma_wait3A_170] : memref<5x!tpu.dma_semaphore, #tpu.memory_space<semaphore_mem>> -> memref<1x!tpu.dma_semaphore, #tpu.memory_space<semaphore_mem>>
    %dma_wait3A_180 = tpu.memref_squeeze %dma_wait3A_179 : memref<1x!tpu.dma_semaphore, #tpu.memory_space<semaphore_mem>> -> memref<!tpu.dma_semaphore, #tpu.memory_space<semaphore_mem>>
    %dma_wait3A_181 = arith.constant 0 : i32
    %dma_wait3A_182 = arith.constant 0 : i32
    %dma_wait3A_183 = tpu.memref_slice %arg6[%dma_wait3A_169, %dma_wait3A_181, %dma_wait3A_182] : memref<5x2x128xi32, #tpu.memory_space<vmem>> -> memref<1x2x128xi32, #tpu.memory_space<vmem>>
    %dma_wait3A_184 = tpu.memref_squeeze %dma_wait3A_183 : memref<1x2x128xi32, #tpu.memory_space<vmem>> -> memref<2x128xi32, #tpu.memory_space<vmem>>
    %dma_wait3A_185 = arith.constant 0 : i32
    %dma_wait3A_186 = arith.constant 0 : i32
    %dma_wait3A_187 = tpu.memref_slice %arg3[%add3A_168, %dma_wait3A_185, %dma_wait3A_186] : memref<5120x2x128xi32, #tpu.memory_space<hbm>> -> memref<1x2x128xi32, #tpu.memory_space<hbm>>
    %dma_wait3A_188 = tpu.memref_squeeze %dma_wait3A_187 : memref<1x2x128xi32, #tpu.memory_space<hbm>> -> memref<2x128xi32, #tpu.memory_space<hbm>>
    tpu.wait_dma2 semaphore(%dma_wait3A_180 : memref<!tpu.dma_semaphore, #tpu.memory_space<semaphore_mem>>) src(%dma_wait3A_188 : memref<2x128xi32, #tpu.memory_space<hbm>>) dst(%dma_wait3A_184 : memref<2x128xi32, #tpu.memory_space<vmem>>)
    %dma_start3A_189 = arith.constant 0 : i32
    %dma_start3A_190 = arith.constant 1 : i32
    %dma_start3A_191 = arith.constant 0 : i32
    %dma_start3A_192 = arith.constant 1 : i32
    %dma_start3A_193 = arith.constant 1 : i32
    %dma_start3A_194 = arith.constant 0 : i32
    %dma_start3A_195 = arith.constant 0 : i32
    %dma_start3A_196 = tpu.memref_slice %arg7[%dma_start3A_192, %dma_start3A_194, %dma_start3A_195] : memref<5x128x64xf32, #tpu.memory_space<vmem>> -> memref<1x128x64xf32, #tpu.memory_space<vmem>>
    %dma_start3A_197 = tpu.memref_squeeze %dma_start3A_196 : memref<1x128x64xf32, #tpu.memory_space<vmem>> -> memref<128x64xf32, #tpu.memory_space<vmem>>
    %dma_start3A_198 = arith.constant 0 : i32
    %dma_start3A_199 = tpu.memref_slice %arg6[%dma_start3A_190, %dma_start3A_191, %dma_start3A_198] : memref<5x2x128xi32, #tpu.memory_space<vmem>> -> memref<1x1x128xi32, #tpu.memory_space<vmem>>
    %dma_start3A_200 = tpu.memref_squeeze %dma_start3A_199 : memref<1x1x128xi32, #tpu.memory_space<vmem>> -> memref<128xi32, #tpu.memory_space<vmem>>
    %dma_start3A_201 = arith.constant 0 : i32
    %dma_start3A_202 = arith.constant 0 : i32
    %dma_start3A_203 = tpu.memref_slice %arg2[%arg0, %dma_start3A_189, %dma_start3A_201, %dma_start3A_202] : memref<2x1x10112x64xf32, #tpu.memory_space<hbm>> -> memref<1x1x10112x64xf32, #tpu.memory_space<hbm>>
    %dma_start3A_204 = tpu.memref_squeeze %dma_start3A_203 : memref<1x1x10112x64xf32, #tpu.memory_space<hbm>> -> memref<10112x64xf32, #tpu.memory_space<hbm>>
    %dma_start3A_205 = arith.constant 0 : i32
    %dma_start3A_206 = arith.constant 0 : i32
    %dma_start3A_207 = tpu.memref_slice %dma_start3A_204[%dma_start3A_205, %dma_start3A_206] : memref<10112x64xf32, #tpu.memory_space<hbm>> -> memref<10112x64xf32, #tpu.memory_space<hbm>>
    %dma_start3A_208 = tpu.memref_slice %arg10[%dma_start3A_193] : memref<5x!tpu.dma_semaphore, #tpu.memory_space<semaphore_mem>> -> memref<1x!tpu.dma_semaphore, #tpu.memory_space<semaphore_mem>>
    %dma_start3A_209 = tpu.memref_squeeze %dma_start3A_208 : memref<1x!tpu.dma_semaphore, #tpu.memory_space<semaphore_mem>> -> memref<!tpu.dma_semaphore, #tpu.memory_space<semaphore_mem>>
    tpu.enqueue_indirect_dma source(%dma_start3A_207 : memref<10112x64xf32, #tpu.memory_space<hbm>>) target(%dma_start3A_197 : memref<128x64xf32, #tpu.memory_space<vmem>>) offsets(%dma_start3A_200 : memref<128xi32, #tpu.memory_space<vmem>>) semaphore(%dma_start3A_209 : memref<!tpu.dma_semaphore, #tpu.memory_space<semaphore_mem>>)
    %add3A_210 = arith.constant 0 : i32
    %add3A_211 = arith.addi %mul3A_2, %add3A_210 : i32
    %add3A_212 = arith.constant 2 : i32
    %add3A_213 = arith.addi %add3A_211, %add3A_212 : i32
    %dma_wait3A_214 = arith.constant 2 : i32
    %dma_wait3A_215 = arith.constant 2 : i32
    %dma_wait3A_216 = arith.constant 0 : i32
    %dma_wait3A_217 = arith.constant 0 : i32
    %dma_wait3A_218 = tpu.memref_slice %arg6[%dma_wait3A_214, %dma_wait3A_216, %dma_wait3A_217] : memref<5x2x128xi32, #tpu.memory_space<vmem>> -> memref<1x2x128xi32, #tpu.memory_space<vmem>>
    %dma_wait3A_219 = tpu.memref_squeeze %dma_wait3A_218 : memref<1x2x128xi32, #tpu.memory_space<vmem>> -> memref<2x128xi32, #tpu.memory_space<vmem>>
    %dma_wait3A_220 = arith.constant 0 : i32
    %dma_wait3A_221 = arith.constant 0 : i32
    %dma_wait3A_222 = tpu.memref_slice %arg3[%add3A_213, %dma_wait3A_220, %dma_wait3A_221] : memref<5120x2x128xi32, #tpu.memory_space<hbm>> -> memref<1x2x128xi32, #tpu.memory_space<hbm>>
    %dma_wait3A_223 = tpu.memref_squeeze %dma_wait3A_222 : memref<1x2x128xi32, #tpu.memory_space<hbm>> -> memref<2x128xi32, #tpu.memory_space<hbm>>
    %dma_wait3A_224 = tpu.memref_slice %arg9[%dma_wait3A_215] : memref<5x!tpu.dma_semaphore, #tpu.memory_space<semaphore_mem>> -> memref<1x!tpu.dma_semaphore, #tpu.memory_space<semaphore_mem>>
    %dma_wait3A_225 = tpu.memref_squeeze %dma_wait3A_224 : memref<1x!tpu.dma_semaphore, #tpu.memory_space<semaphore_mem>> -> memref<!tpu.dma_semaphore, #tpu.memory_space<semaphore_mem>>
    %dma_wait3A_226 = arith.constant 0 : i32
    %dma_wait3A_227 = arith.constant 0 : i32
    %dma_wait3A_228 = tpu.memref_slice %arg6[%dma_wait3A_214, %dma_wait3A_226, %dma_wait3A_227] : memref<5x2x128xi32, #tpu.memory_space<vmem>> -> memref<1x2x128xi32, #tpu.memory_space<vmem>>
    %dma_wait3A_229 = tpu.memref_squeeze %dma_wait3A_228 : memref<1x2x128xi32, #tpu.memory_space<vmem>> -> memref<2x128xi32, #tpu.memory_space<vmem>>
    %dma_wait3A_230 = arith.constant 0 : i32
    %dma_wait3A_231 = arith.constant 0 : i32
    %dma_wait3A_232 = tpu.memref_slice %arg3[%add3A_213, %dma_wait3A_230, %dma_wait3A_231] : memref<5120x2x128xi32, #tpu.memory_space<hbm>> -> memref<1x2x128xi32, #tpu.memory_space<hbm>>
    %dma_wait3A_233 = tpu.memref_squeeze %dma_wait3A_232 : memref<1x2x128xi32, #tpu.memory_space<hbm>> -> memref<2x128xi32, #tpu.memory_space<hbm>>
    tpu.wait_dma2 semaphore(%dma_wait3A_225 : memref<!tpu.dma_semaphore, #tpu.memory_space<semaphore_mem>>) src(%dma_wait3A_233 : memref<2x128xi32, #tpu.memory_space<hbm>>) dst(%dma_wait3A_229 : memref<2x128xi32, #tpu.memory_space<vmem>>)
    %dma_start3A_234 = arith.constant 0 : i32
    %dma_start3A_235 = arith.constant 2 : i32
    %dma_start3A_236 = arith.constant 0 : i32
    %dma_start3A_237 = arith.constant 2 : i32
    %dma_start3A_238 = arith.constant 2 : i32
    %dma_start3A_239 = arith.constant 0 : i32
    %dma_start3A_240 = arith.constant 0 : i32
    %dma_start3A_241 = tpu.memref_slice %arg7[%dma_start3A_237, %dma_start3A_239, %dma_start3A_240] : memref<5x128x64xf32, #tpu.memory_space<vmem>> -> memref<1x128x64xf32, #tpu.memory_space<vmem>>
    %dma_start3A_242 = tpu.memref_squeeze %dma_start3A_241 : memref<1x128x64xf32, #tpu.memory_space<vmem>> -> memref<128x64xf32, #tpu.memory_space<vmem>>
    %dma_start3A_243 = arith.constant 0 : i32
    %dma_start3A_244 = tpu.memref_slice %arg6[%dma_start3A_235, %dma_start3A_236, %dma_start3A_243] : memref<5x2x128xi32, #tpu.memory_space<vmem>> -> memref<1x1x128xi32, #tpu.memory_space<vmem>>
    %dma_start3A_245 = tpu.memref_squeeze %dma_start3A_244 : memref<1x1x128xi32, #tpu.memory_space<vmem>> -> memref<128xi32, #tpu.memory_space<vmem>>
    %dma_start3A_246 = arith.constant 0 : i32
    %dma_start3A_247 = arith.constant 0 : i32
    %dma_start3A_248 = tpu.memref_slice %arg2[%arg0, %dma_start3A_234, %dma_start3A_246, %dma_start3A_247] : memref<2x1x10112x64xf32, #tpu.memory_space<hbm>> -> memref<1x1x10112x64xf32, #tpu.memory_space<hbm>>
    %dma_start3A_249 = tpu.memref_squeeze %dma_start3A_248 : memref<1x1x10112x64xf32, #tpu.memory_space<hbm>> -> memref<10112x64xf32, #tpu.memory_space<hbm>>
    %dma_start3A_250 = arith.constant 0 : i32
    %dma_start3A_251 = arith.constant 0 : i32
    %dma_start3A_252 = tpu.memref_slice %dma_start3A_249[%dma_start3A_250, %dma_start3A_251] : memref<10112x64xf32, #tpu.memory_space<hbm>> -> memref<10112x64xf32, #tpu.memory_space<hbm>>
    %dma_start3A_253 = tpu.memref_slice %arg10[%dma_start3A_238] : memref<5x!tpu.dma_semaphore, #tpu.memory_space<semaphore_mem>> -> memref<1x!tpu.dma_semaphore, #tpu.memory_space<semaphore_mem>>
    %dma_start3A_254 = tpu.memref_squeeze %dma_start3A_253 : memref<1x!tpu.dma_semaphore, #tpu.memory_space<semaphore_mem>> -> memref<!tpu.dma_semaphore, #tpu.memory_space<semaphore_mem>>
    tpu.enqueue_indirect_dma source(%dma_start3A_252 : memref<10112x64xf32, #tpu.memory_space<hbm>>) target(%dma_start3A_242 : memref<128x64xf32, #tpu.memory_space<vmem>>) offsets(%dma_start3A_245 : memref<128xi32, #tpu.memory_space<vmem>>) semaphore(%dma_start3A_254 : memref<!tpu.dma_semaphore, #tpu.memory_space<semaphore_mem>>)
    %add3A_255 = arith.constant 0 : i32
    %add3A_256 = arith.addi %mul3A_2, %add3A_255 : i32
    %add3A_257 = arith.constant 3 : i32
    %add3A_258 = arith.addi %add3A_256, %add3A_257 : i32
    %dma_wait3A_259 = arith.constant 3 : i32
    %dma_wait3A_260 = arith.constant 3 : i32
    %dma_wait3A_261 = arith.constant 0 : i32
    %dma_wait3A_262 = arith.constant 0 : i32
    %dma_wait3A_263 = tpu.memref_slice %arg6[%dma_wait3A_259, %dma_wait3A_261, %dma_wait3A_262] : memref<5x2x128xi32, #tpu.memory_space<vmem>> -> memref<1x2x128xi32, #tpu.memory_space<vmem>>
    %dma_wait3A_264 = tpu.memref_squeeze %dma_wait3A_263 : memref<1x2x128xi32, #tpu.memory_space<vmem>> -> memref<2x128xi32, #tpu.memory_space<vmem>>
    %dma_wait3A_265 = arith.constant 0 : i32
    %dma_wait3A_266 = arith.constant 0 : i32
    %dma_wait3A_267 = tpu.memref_slice %arg3[%add3A_258, %dma_wait3A_265, %dma_wait3A_266] : memref<5120x2x128xi32, #tpu.memory_space<hbm>> -> memref<1x2x128xi32, #tpu.memory_space<hbm>>
    %dma_wait3A_268 = tpu.memref_squeeze %dma_wait3A_267 : memref<1x2x128xi32, #tpu.memory_space<hbm>> -> memref<2x128xi32, #tpu.memory_space<hbm>>
    %dma_wait3A_269 = tpu.memref_slice %arg9[%dma_wait3A_260] : memref<5x!tpu.dma_semaphore, #tpu.memory_space<semaphore_mem>> -> memref<1x!tpu.dma_semaphore, #tpu.memory_space<semaphore_mem>>
    %dma_wait3A_270 = tpu.memref_squeeze %dma_wait3A_269 : memref<1x!tpu.dma_semaphore, #tpu.memory_space<semaphore_mem>> -> memref<!tpu.dma_semaphore, #tpu.memory_space<semaphore_mem>>
    %dma_wait3A_271 = arith.constant 0 : i32
    %dma_wait3A_272 = arith.constant 0 : i32
    %dma_wait3A_273 = tpu.memref_slice %arg6[%dma_wait3A_259, %dma_wait3A_271, %dma_wait3A_272] : memref<5x2x128xi32, #tpu.memory_space<vmem>> -> memref<1x2x128xi32, #tpu.memory_space<vmem>>
    %dma_wait3A_274 = tpu.memref_squeeze %dma_wait3A_273 : memref<1x2x128xi32, #tpu.memory_space<vmem>> -> memref<2x128xi32, #tpu.memory_space<vmem>>
    %dma_wait3A_275 = arith.constant 0 : i32
    %dma_wait3A_276 = arith.constant 0 : i32
    %dma_wait3A_277 = tpu.memref_slice %arg3[%add3A_258, %dma_wait3A_275, %dma_wait3A_276] : memref<5120x2x128xi32, #tpu.memory_space<hbm>> -> memref<1x2x128xi32, #tpu.memory_space<hbm>>
    %dma_wait3A_278 = tpu.memref_squeeze %dma_wait3A_277 : memref<1x2x128xi32, #tpu.memory_space<hbm>> -> memref<2x128xi32, #tpu.memory_space<hbm>>
    tpu.wait_dma2 semaphore(%dma_wait3A_270 : memref<!tpu.dma_semaphore, #tpu.memory_space<semaphore_mem>>) src(%dma_wait3A_278 : memref<2x128xi32, #tpu.memory_space<hbm>>) dst(%dma_wait3A_274 : memref<2x128xi32, #tpu.memory_space<vmem>>)
    %dma_start3A_279 = arith.constant 0 : i32
    %dma_start3A_280 = arith.constant 3 : i32
    %dma_start3A_281 = arith.constant 0 : i32
    %dma_start3A_282 = arith.constant 3 : i32
    %dma_start3A_283 = arith.constant 3 : i32
    %dma_start3A_284 = arith.constant 0 : i32
    %dma_start3A_285 = arith.constant 0 : i32
    %dma_start3A_286 = tpu.memref_slice %arg7[%dma_start3A_282, %dma_start3A_284, %dma_start3A_285] : memref<5x128x64xf32, #tpu.memory_space<vmem>> -> memref<1x128x64xf32, #tpu.memory_space<vmem>>
    %dma_start3A_287 = tpu.memref_squeeze %dma_start3A_286 : memref<1x128x64xf32, #tpu.memory_space<vmem>> -> memref<128x64xf32, #tpu.memory_space<vmem>>
    %dma_start3A_288 = arith.constant 0 : i32
    %dma_start3A_289 = tpu.memref_slice %arg6[%dma_start3A_280, %dma_start3A_281, %dma_start3A_288] : memref<5x2x128xi32, #tpu.memory_space<vmem>> -> memref<1x1x128xi32, #tpu.memory_space<vmem>>
    %dma_start3A_290 = tpu.memref_squeeze %dma_start3A_289 : memref<1x1x128xi32, #tpu.memory_space<vmem>> -> memref<128xi32, #tpu.memory_space<vmem>>
    %dma_start3A_291 = arith.constant 0 : i32
    %dma_start3A_292 = arith.constant 0 : i32
    %dma_start3A_293 = tpu.memref_slice %arg2[%arg0, %dma_start3A_279, %dma_start3A_291, %dma_start3A_292] : memref<2x1x10112x64xf32, #tpu.memory_space<hbm>> -> memref<1x1x10112x64xf32, #tpu.memory_space<hbm>>
    %dma_start3A_294 = tpu.memref_squeeze %dma_start3A_293 : memref<1x1x10112x64xf32, #tpu.memory_space<hbm>> -> memref<10112x64xf32, #tpu.memory_space<hbm>>
    %dma_start3A_295 = arith.constant 0 : i32
    %dma_start3A_296 = arith.constant 0 : i32
    %dma_start3A_297 = tpu.memref_slice %dma_start3A_294[%dma_start3A_295, %dma_start3A_296] : memref<10112x64xf32, #tpu.memory_space<hbm>> -> memref<10112x64xf32, #tpu.memory_space<hbm>>
    %dma_start3A_298 = tpu.memref_slice %arg10[%dma_start3A_283] : memref<5x!tpu.dma_semaphore, #tpu.memory_space<semaphore_mem>> -> memref<1x!tpu.dma_semaphore, #tpu.memory_space<semaphore_mem>>
    %dma_start3A_299 = tpu.memref_squeeze %dma_start3A_298 : memref<1x!tpu.dma_semaphore, #tpu.memory_space<semaphore_mem>> -> memref<!tpu.dma_semaphore, #tpu.memory_space<semaphore_mem>>
    tpu.enqueue_indirect_dma source(%dma_start3A_297 : memref<10112x64xf32, #tpu.memory_space<hbm>>) target(%dma_start3A_287 : memref<128x64xf32, #tpu.memory_space<vmem>>) offsets(%dma_start3A_290 : memref<128xi32, #tpu.memory_space<vmem>>) semaphore(%dma_start3A_299 : memref<!tpu.dma_semaphore, #tpu.memory_space<semaphore_mem>>)
    %add3A_300 = arith.constant 0 : i32
    %add3A_301 = arith.addi %mul3A_2, %add3A_300 : i32
    %add3A_302 = arith.constant 4 : i32
    %add3A_303 = arith.addi %add3A_301, %add3A_302 : i32
    %dma_wait3A_304 = arith.constant 4 : i32
    %dma_wait3A_305 = arith.constant 4 : i32
    %dma_wait3A_306 = arith.constant 0 : i32
    %dma_wait3A_307 = arith.constant 0 : i32
    %dma_wait3A_308 = tpu.memref_slice %arg6[%dma_wait3A_304, %dma_wait3A_306, %dma_wait3A_307] : memref<5x2x128xi32, #tpu.memory_space<vmem>> -> memref<1x2x128xi32, #tpu.memory_space<vmem>>
    %dma_wait3A_309 = tpu.memref_squeeze %dma_wait3A_308 : memref<1x2x128xi32, #tpu.memory_space<vmem>> -> memref<2x128xi32, #tpu.memory_space<vmem>>
    %dma_wait3A_310 = arith.constant 0 : i32
    %dma_wait3A_311 = arith.constant 0 : i32
    %dma_wait3A_312 = tpu.memref_slice %arg3[%add3A_303, %dma_wait3A_310, %dma_wait3A_311] : memref<5120x2x128xi32, #tpu.memory_space<hbm>> -> memref<1x2x128xi32, #tpu.memory_space<hbm>>
    %dma_wait3A_313 = tpu.memref_squeeze %dma_wait3A_312 : memref<1x2x128xi32, #tpu.memory_space<hbm>> -> memref<2x128xi32, #tpu.memory_space<hbm>>
    %dma_wait3A_314 = tpu.memref_slice %arg9[%dma_wait3A_305] : memref<5x!tpu.dma_semaphore, #tpu.memory_space<semaphore_mem>> -> memref<1x!tpu.dma_semaphore, #tpu.memory_space<semaphore_mem>>
    %dma_wait3A_315 = tpu.memref_squeeze %dma_wait3A_314 : memref<1x!tpu.dma_semaphore, #tpu.memory_space<semaphore_mem>> -> memref<!tpu.dma_semaphore, #tpu.memory_space<semaphore_mem>>
    %dma_wait3A_316 = arith.constant 0 : i32
    %dma_wait3A_317 = arith.constant 0 : i32
    %dma_wait3A_318 = tpu.memref_slice %arg6[%dma_wait3A_304, %dma_wait3A_316, %dma_wait3A_317] : memref<5x2x128xi32, #tpu.memory_space<vmem>> -> memref<1x2x128xi32, #tpu.memory_space<vmem>>
    %dma_wait3A_319 = tpu.memref_squeeze %dma_wait3A_318 : memref<1x2x128xi32, #tpu.memory_space<vmem>> -> memref<2x128xi32, #tpu.memory_space<vmem>>
    %dma_wait3A_320 = arith.constant 0 : i32
    %dma_wait3A_321 = arith.constant 0 : i32
    %dma_wait3A_322 = tpu.memref_slice %arg3[%add3A_303, %dma_wait3A_320, %dma_wait3A_321] : memref<5120x2x128xi32, #tpu.memory_space<hbm>> -> memref<1x2x128xi32, #tpu.memory_space<hbm>>
    %dma_wait3A_323 = tpu.memref_squeeze %dma_wait3A_322 : memref<1x2x128xi32, #tpu.memory_space<hbm>> -> memref<2x128xi32, #tpu.memory_space<hbm>>
    tpu.wait_dma2 semaphore(%dma_wait3A_315 : memref<!tpu.dma_semaphore, #tpu.memory_space<semaphore_mem>>) src(%dma_wait3A_323 : memref<2x128xi32, #tpu.memory_space<hbm>>) dst(%dma_wait3A_319 : memref<2x128xi32, #tpu.memory_space<vmem>>)
    %dma_start3A_324 = arith.constant 0 : i32
    %dma_start3A_325 = arith.constant 4 : i32
    %dma_start3A_326 = arith.constant 0 : i32
    %dma_start3A_327 = arith.constant 4 : i32
    %dma_start3A_328 = arith.constant 4 : i32
    %dma_start3A_329 = arith.constant 0 : i32
    %dma_start3A_330 = arith.constant 0 : i32
    %dma_start3A_331 = tpu.memref_slice %arg7[%dma_start3A_327, %dma_start3A_329, %dma_start3A_330] : memref<5x128x64xf32, #tpu.memory_space<vmem>> -> memref<1x128x64xf32, #tpu.memory_space<vmem>>
    %dma_start3A_332 = tpu.memref_squeeze %dma_start3A_331 : memref<1x128x64xf32, #tpu.memory_space<vmem>> -> memref<128x64xf32, #tpu.memory_space<vmem>>
    %dma_start3A_333 = arith.constant 0 : i32
    %dma_start3A_334 = tpu.memref_slice %arg6[%dma_start3A_325, %dma_start3A_326, %dma_start3A_333] : memref<5x2x128xi32, #tpu.memory_space<vmem>> -> memref<1x1x128xi32, #tpu.memory_space<vmem>>
    %dma_start3A_335 = tpu.memref_squeeze %dma_start3A_334 : memref<1x1x128xi32, #tpu.memory_space<vmem>> -> memref<128xi32, #tpu.memory_space<vmem>>
    %dma_start3A_336 = arith.constant 0 : i32
    %dma_start3A_337 = arith.constant 0 : i32
    %dma_start3A_338 = tpu.memref_slice %arg2[%arg0, %dma_start3A_324, %dma_start3A_336, %dma_start3A_337] : memref<2x1x10112x64xf32, #tpu.memory_space<hbm>> -> memref<1x1x10112x64xf32, #tpu.memory_space<hbm>>
    %dma_start3A_339 = tpu.memref_squeeze %dma_start3A_338 : memref<1x1x10112x64xf32, #tpu.memory_space<hbm>> -> memref<10112x64xf32, #tpu.memory_space<hbm>>
    %dma_start3A_340 = arith.constant 0 : i32
    %dma_start3A_341 = arith.constant 0 : i32
    %dma_start3A_342 = tpu.memref_slice %dma_start3A_339[%dma_start3A_340, %dma_start3A_341] : memref<10112x64xf32, #tpu.memory_space<hbm>> -> memref<10112x64xf32, #tpu.memory_space<hbm>>
    %dma_start3A_343 = tpu.memref_slice %arg10[%dma_start3A_328] : memref<5x!tpu.dma_semaphore, #tpu.memory_space<semaphore_mem>> -> memref<1x!tpu.dma_semaphore, #tpu.memory_space<semaphore_mem>>
    %dma_start3A_344 = tpu.memref_squeeze %dma_start3A_343 : memref<1x!tpu.dma_semaphore, #tpu.memory_space<semaphore_mem>> -> memref<!tpu.dma_semaphore, #tpu.memory_space<semaphore_mem>>
    tpu.enqueue_indirect_dma source(%dma_start3A_342 : memref<10112x64xf32, #tpu.memory_space<hbm>>) target(%dma_start3A_332 : memref<128x64xf32, #tpu.memory_space<vmem>>) offsets(%dma_start3A_335 : memref<128xi32, #tpu.memory_space<vmem>>) semaphore(%dma_start3A_344 : memref<!tpu.dma_semaphore, #tpu.memory_space<semaphore_mem>>)
    %dma_wait3A_345 = arith.constant 0 : i32
    %dma_wait3A_346 = arith.constant 0 : i32
    %dma_wait3A_347 = arith.constant 0 : i32
    %dma_wait3A_348 = arith.constant 0 : i32
    %dma_wait3A_349 = arith.constant 0 : i32
    %dma_wait3A_350 = arith.constant 0 : i32
    %dma_wait3A_351 = arith.constant 0 : i32
    %dma_wait3A_352 = tpu.memref_slice %arg7[%dma_wait3A_348, %dma_wait3A_350, %dma_wait3A_351] : memref<5x128x64xf32, #tpu.memory_space<vmem>> -> memref<1x128x64xf32, #tpu.memory_space<vmem>>
    %dma_wait3A_353 = tpu.memref_squeeze %dma_wait3A_352 : memref<1x128x64xf32, #tpu.memory_space<vmem>> -> memref<128x64xf32, #tpu.memory_space<vmem>>
    %dma_wait3A_354 = arith.constant 0 : i32
    %dma_wait3A_355 = tpu.memref_slice %arg6[%dma_wait3A_346, %dma_wait3A_347, %dma_wait3A_354] : memref<5x2x128xi32, #tpu.memory_space<vmem>> -> memref<1x1x128xi32, #tpu.memory_space<vmem>>
    %dma_wait3A_356 = tpu.memref_squeeze %dma_wait3A_355 : memref<1x1x128xi32, #tpu.memory_space<vmem>> -> memref<128xi32, #tpu.memory_space<vmem>>
    %dma_wait3A_357 = arith.constant 0 : i32
    %dma_wait3A_358 = arith.constant 0 : i32
    %dma_wait3A_359 = tpu.memref_slice %arg2[%arg0, %dma_wait3A_345, %dma_wait3A_357, %dma_wait3A_358] : memref<2x1x10112x64xf32, #tpu.memory_space<hbm>> -> memref<1x1x10112x64xf32, #tpu.memory_space<hbm>>
    %dma_wait3A_360 = tpu.memref_squeeze %dma_wait3A_359 : memref<1x1x10112x64xf32, #tpu.memory_space<hbm>> -> memref<10112x64xf32, #tpu.memory_space<hbm>>
    %dma_wait3A_361 = arith.constant 0 : i32
    %dma_wait3A_362 = arith.constant 0 : i32
    %dma_wait3A_363 = tpu.memref_slice %dma_wait3A_360[%dma_wait3A_361, %dma_wait3A_362] : memref<10112x64xf32, #tpu.memory_space<hbm>> -> memref<10112x64xf32, #tpu.memory_space<hbm>>
    %dma_wait3A_364 = tpu.memref_slice %arg10[%dma_wait3A_349] : memref<5x!tpu.dma_semaphore, #tpu.memory_space<semaphore_mem>> -> memref<1x!tpu.dma_semaphore, #tpu.memory_space<semaphore_mem>>
    %dma_wait3A_365 = tpu.memref_squeeze %dma_wait3A_364 : memref<1x!tpu.dma_semaphore, #tpu.memory_space<semaphore_mem>> -> memref<!tpu.dma_semaphore, #tpu.memory_space<semaphore_mem>>
    tpu.wait_indirect_dma semaphore(%dma_wait3A_365 : memref<!tpu.dma_semaphore, #tpu.memory_space<semaphore_mem>>) src(%dma_wait3A_363 : memref<10112x64xf32, #tpu.memory_space<hbm>>) dst(%dma_wait3A_353 : memref<128x64xf32, #tpu.memory_space<vmem>>)
    %dma_start3A_366 = arith.constant 0 : i32
    %dma_start3A_367 = arith.constant 0 : i32
    %dma_start3A_368 = arith.constant 1 : i32
    %dma_start3A_369 = arith.constant 0 : i32
    %dma_start3A_370 = arith.constant 0 : i32
    %dma_start3A_371 = arith.constant 0 : i32
    %dma_start3A_372 = tpu.memref_slice %arg7[%dma_start3A_366, %dma_start3A_370, %dma_start3A_371] : memref<5x128x64xf32, #tpu.memory_space<vmem>> -> memref<1x128x64xf32, #tpu.memory_space<vmem>>
    %dma_start3A_373 = tpu.memref_squeeze %dma_start3A_372 : memref<1x128x64xf32, #tpu.memory_space<vmem>> -> memref<128x64xf32, #tpu.memory_space<vmem>>
    %dma_start3A_374 = arith.constant 0 : i32
    %dma_start3A_375 = tpu.memref_slice %arg6[%dma_start3A_367, %dma_start3A_368, %dma_start3A_374] : memref<5x2x128xi32, #tpu.memory_space<vmem>> -> memref<1x1x128xi32, #tpu.memory_space<vmem>>
    %dma_start3A_376 = tpu.memref_squeeze %dma_start3A_375 : memref<1x1x128xi32, #tpu.memory_space<vmem>> -> memref<128xi32, #tpu.memory_space<vmem>>
    %dma_start3A_377 = arith.constant 0 : i32
    %dma_start3A_378 = arith.constant 0 : i32
    %dma_start3A_379 = tpu.memref_slice %arg8[%dma_start3A_377, %dma_start3A_378] : memref<10112x64xf32, #tpu.memory_space<vmem_shared>> -> memref<10112x64xf32, #tpu.memory_space<vmem_shared>>
    %dma_start3A_380 = tpu.memref_slice %arg11[%dma_start3A_369] : memref<5x!tpu.dma_semaphore, #tpu.memory_space<semaphore_mem>> -> memref<1x!tpu.dma_semaphore, #tpu.memory_space<semaphore_mem>>
    %dma_start3A_381 = tpu.memref_squeeze %dma_start3A_380 : memref<1x!tpu.dma_semaphore, #tpu.memory_space<semaphore_mem>> -> memref<!tpu.dma_semaphore, #tpu.memory_space<semaphore_mem>>
    tpu.enqueue_indirect_dma source(%dma_start3A_373 : memref<128x64xf32, #tpu.memory_space<vmem>>) target(%dma_start3A_379 : memref<10112x64xf32, #tpu.memory_space<vmem_shared>>) offsets(%dma_start3A_376 : memref<128xi32, #tpu.memory_space<vmem>>) semaphore(%dma_start3A_381 : memref<!tpu.dma_semaphore, #tpu.memory_space<semaphore_mem>>) {add = true}
    %dma_wait3A_382 = arith.constant 0 : i32
    %dma_wait3A_383 = arith.constant 1 : i32
    %dma_wait3A_384 = arith.constant 0 : i32
    %dma_wait3A_385 = arith.constant 1 : i32
    %dma_wait3A_386 = arith.constant 1 : i32
    %dma_wait3A_387 = arith.constant 0 : i32
    %dma_wait3A_388 = arith.constant 0 : i32
    %dma_wait3A_389 = tpu.memref_slice %arg7[%dma_wait3A_385, %dma_wait3A_387, %dma_wait3A_388] : memref<5x128x64xf32, #tpu.memory_space<vmem>> -> memref<1x128x64xf32, #tpu.memory_space<vmem>>
    %dma_wait3A_390 = tpu.memref_squeeze %dma_wait3A_389 : memref<1x128x64xf32, #tpu.memory_space<vmem>> -> memref<128x64xf32, #tpu.memory_space<vmem>>
    %dma_wait3A_391 = arith.constant 0 : i32
    %dma_wait3A_392 = tpu.memref_slice %arg6[%dma_wait3A_383, %dma_wait3A_384, %dma_wait3A_391] : memref<5x2x128xi32, #tpu.memory_space<vmem>> -> memref<1x1x128xi32, #tpu.memory_space<vmem>>
    %dma_wait3A_393 = tpu.memref_squeeze %dma_wait3A_392 : memref<1x1x128xi32, #tpu.memory_space<vmem>> -> memref<128xi32, #tpu.memory_space<vmem>>
    %dma_wait3A_394 = arith.constant 0 : i32
    %dma_wait3A_395 = arith.constant 0 : i32
    %dma_wait3A_396 = tpu.memref_slice %arg2[%arg0, %dma_wait3A_382, %dma_wait3A_394, %dma_wait3A_395] : memref<2x1x10112x64xf32, #tpu.memory_space<hbm>> -> memref<1x1x10112x64xf32, #tpu.memory_space<hbm>>
    %dma_wait3A_397 = tpu.memref_squeeze %dma_wait3A_396 : memref<1x1x10112x64xf32, #tpu.memory_space<hbm>> -> memref<10112x64xf32, #tpu.memory_space<hbm>>
    %dma_wait3A_398 = arith.constant 0 : i32
    %dma_wait3A_399 = arith.constant 0 : i32
    %dma_wait3A_400 = tpu.memref_slice %dma_wait3A_397[%dma_wait3A_398, %dma_wait3A_399] : memref<10112x64xf32, #tpu.memory_space<hbm>> -> memref<10112x64xf32, #tpu.memory_space<hbm>>
    %dma_wait3A_401 = tpu.memref_slice %arg10[%dma_wait3A_386] : memref<5x!tpu.dma_semaphore, #tpu.memory_space<semaphore_mem>> -> memref<1x!tpu.dma_semaphore, #tpu.memory_space<semaphore_mem>>
    %dma_wait3A_402 = tpu.memref_squeeze %dma_wait3A_401 : memref<1x!tpu.dma_semaphore, #tpu.memory_space<semaphore_mem>> -> memref<!tpu.dma_semaphore, #tpu.memory_space<semaphore_mem>>
    tpu.wait_indirect_dma semaphore(%dma_wait3A_402 : memref<!tpu.dma_semaphore, #tpu.memory_space<semaphore_mem>>) src(%dma_wait3A_400 : memref<10112x64xf32, #tpu.memory_space<hbm>>) dst(%dma_wait3A_390 : memref<128x64xf32, #tpu.memory_space<vmem>>)
    %dma_start3A_403 = arith.constant 1 : i32
    %dma_start3A_404 = arith.constant 1 : i32
    %dma_start3A_405 = arith.constant 1 : i32
    %dma_start3A_406 = arith.constant 1 : i32
    %dma_start3A_407 = arith.constant 0 : i32
    %dma_start3A_408 = arith.constant 0 : i32
    %dma_start3A_409 = tpu.memref_slice %arg7[%dma_start3A_403, %dma_start3A_407, %dma_start3A_408] : memref<5x128x64xf32, #tpu.memory_space<vmem>> -> memref<1x128x64xf32, #tpu.memory_space<vmem>>
    %dma_start3A_410 = tpu.memref_squeeze %dma_start3A_409 : memref<1x128x64xf32, #tpu.memory_space<vmem>> -> memref<128x64xf32, #tpu.memory_space<vmem>>
    %dma_start3A_411 = arith.constant 0 : i32
    %dma_start3A_412 = tpu.memref_slice %arg6[%dma_start3A_404, %dma_start3A_405, %dma_start3A_411] : memref<5x2x128xi32, #tpu.memory_space<vmem>> -> memref<1x1x128xi32, #tpu.memory_space<vmem>>
    %dma_start3A_413 = tpu.memref_squeeze %dma_start3A_412 : memref<1x1x128xi32, #tpu.memory_space<vmem>> -> memref<128xi32, #tpu.memory_space<vmem>>
    %dma_start3A_414 = arith.constant 0 : i32
    %dma_start3A_415 = arith.constant 0 : i32
    %dma_start3A_416 = tpu.memref_slice %arg8[%dma_start3A_414, %dma_start3A_415] : memref<10112x64xf32, #tpu.memory_space<vmem_shared>> -> memref<10112x64xf32, #tpu.memory_space<vmem_shared>>
    %dma_start3A_417 = tpu.memref_slice %arg11[%dma_start3A_406] : memref<5x!tpu.dma_semaphore, #tpu.memory_space<semaphore_mem>> -> memref<1x!tpu.dma_semaphore, #tpu.memory_space<semaphore_mem>>
    %dma_start3A_418 = tpu.memref_squeeze %dma_start3A_417 : memref<1x!tpu.dma_semaphore, #tpu.memory_space<semaphore_mem>> -> memref<!tpu.dma_semaphore, #tpu.memory_space<semaphore_mem>>
    tpu.enqueue_indirect_dma source(%dma_start3A_410 : memref<128x64xf32, #tpu.memory_space<vmem>>) target(%dma_start3A_416 : memref<10112x64xf32, #tpu.memory_space<vmem_shared>>) offsets(%dma_start3A_413 : memref<128xi32, #tpu.memory_space<vmem>>) semaphore(%dma_start3A_418 : memref<!tpu.dma_semaphore, #tpu.memory_space<semaphore_mem>>) {add = true}
    %dma_wait3A_419 = arith.constant 0 : i32
    %dma_wait3A_420 = arith.constant 2 : i32
    %dma_wait3A_421 = arith.constant 0 : i32
    %dma_wait3A_422 = arith.constant 2 : i32
    %dma_wait3A_423 = arith.constant 2 : i32
    %dma_wait3A_424 = arith.constant 0 : i32
    %dma_wait3A_425 = arith.constant 0 : i32
    %dma_wait3A_426 = tpu.memref_slice %arg7[%dma_wait3A_422, %dma_wait3A_424, %dma_wait3A_425] : memref<5x128x64xf32, #tpu.memory_space<vmem>> -> memref<1x128x64xf32, #tpu.memory_space<vmem>>
    %dma_wait3A_427 = tpu.memref_squeeze %dma_wait3A_426 : memref<1x128x64xf32, #tpu.memory_space<vmem>> -> memref<128x64xf32, #tpu.memory_space<vmem>>
    %dma_wait3A_428 = arith.constant 0 : i32
    %dma_wait3A_429 = tpu.memref_slice %arg6[%dma_wait3A_420, %dma_wait3A_421, %dma_wait3A_428] : memref<5x2x128xi32, #tpu.memory_space<vmem>> -> memref<1x1x128xi32, #tpu.memory_space<vmem>>
    %dma_wait3A_430 = tpu.memref_squeeze %dma_wait3A_429 : memref<1x1x128xi32, #tpu.memory_space<vmem>> -> memref<128xi32, #tpu.memory_space<vmem>>
    %dma_wait3A_431 = arith.constant 0 : i32
    %dma_wait3A_432 = arith.constant 0 : i32
    %dma_wait3A_433 = tpu.memref_slice %arg2[%arg0, %dma_wait3A_419, %dma_wait3A_431, %dma_wait3A_432] : memref<2x1x10112x64xf32, #tpu.memory_space<hbm>> -> memref<1x1x10112x64xf32, #tpu.memory_space<hbm>>
    %dma_wait3A_434 = tpu.memref_squeeze %dma_wait3A_433 : memref<1x1x10112x64xf32, #tpu.memory_space<hbm>> -> memref<10112x64xf32, #tpu.memory_space<hbm>>
    %dma_wait3A_435 = arith.constant 0 : i32
    %dma_wait3A_436 = arith.constant 0 : i32
    %dma_wait3A_437 = tpu.memref_slice %dma_wait3A_434[%dma_wait3A_435, %dma_wait3A_436] : memref<10112x64xf32, #tpu.memory_space<hbm>> -> memref<10112x64xf32, #tpu.memory_space<hbm>>
    %dma_wait3A_438 = tpu.memref_slice %arg10[%dma_wait3A_423] : memref<5x!tpu.dma_semaphore, #tpu.memory_space<semaphore_mem>> -> memref<1x!tpu.dma_semaphore, #tpu.memory_space<semaphore_mem>>
    %dma_wait3A_439 = tpu.memref_squeeze %dma_wait3A_438 : memref<1x!tpu.dma_semaphore, #tpu.memory_space<semaphore_mem>> -> memref<!tpu.dma_semaphore, #tpu.memory_space<semaphore_mem>>
    tpu.wait_indirect_dma semaphore(%dma_wait3A_439 : memref<!tpu.dma_semaphore, #tpu.memory_space<semaphore_mem>>) src(%dma_wait3A_437 : memref<10112x64xf32, #tpu.memory_space<hbm>>) dst(%dma_wait3A_427 : memref<128x64xf32, #tpu.memory_space<vmem>>)
    %dma_start3A_440 = arith.constant 2 : i32
    %dma_start3A_441 = arith.constant 2 : i32
    %dma_start3A_442 = arith.constant 1 : i32
    %dma_start3A_443 = arith.constant 2 : i32
    %dma_start3A_444 = arith.constant 0 : i32
    %dma_start3A_445 = arith.constant 0 : i32
    %dma_start3A_446 = tpu.memref_slice %arg7[%dma_start3A_440, %dma_start3A_444, %dma_start3A_445] : memref<5x128x64xf32, #tpu.memory_space<vmem>> -> memref<1x128x64xf32, #tpu.memory_space<vmem>>
    %dma_start3A_447 = tpu.memref_squeeze %dma_start3A_446 : memref<1x128x64xf32, #tpu.memory_space<vmem>> -> memref<128x64xf32, #tpu.memory_space<vmem>>
    %dma_start3A_448 = arith.constant 0 : i32
    %dma_start3A_449 = tpu.memref_slice %arg6[%dma_start3A_441, %dma_start3A_442, %dma_start3A_448] : memref<5x2x128xi32, #tpu.memory_space<vmem>> -> memref<1x1x128xi32, #tpu.memory_space<vmem>>
    %dma_start3A_450 = tpu.memref_squeeze %dma_start3A_449 : memref<1x1x128xi32, #tpu.memory_space<vmem>> -> memref<128xi32, #tpu.memory_space<vmem>>
    %dma_start3A_451 = arith.constant 0 : i32
    %dma_start3A_452 = arith.constant 0 : i32
    %dma_start3A_453 = tpu.memref_slice %arg8[%dma_start3A_451, %dma_start3A_452] : memref<10112x64xf32, #tpu.memory_space<vmem_shared>> -> memref<10112x64xf32, #tpu.memory_space<vmem_shared>>
    %dma_start3A_454 = tpu.memref_slice %arg11[%dma_start3A_443] : memref<5x!tpu.dma_semaphore, #tpu.memory_space<semaphore_mem>> -> memref<1x!tpu.dma_semaphore, #tpu.memory_space<semaphore_mem>>
    %dma_start3A_455 = tpu.memref_squeeze %dma_start3A_454 : memref<1x!tpu.dma_semaphore, #tpu.memory_space<semaphore_mem>> -> memref<!tpu.dma_semaphore, #tpu.memory_space<semaphore_mem>>
    tpu.enqueue_indirect_dma source(%dma_start3A_447 : memref<128x64xf32, #tpu.memory_space<vmem>>) target(%dma_start3A_453 : memref<10112x64xf32, #tpu.memory_space<vmem_shared>>) offsets(%dma_start3A_450 : memref<128xi32, #tpu.memory_space<vmem>>) semaphore(%dma_start3A_455 : memref<!tpu.dma_semaphore, #tpu.memory_space<semaphore_mem>>) {add = true}
    %dma_wait3A_456 = arith.constant 0 : i32
    %dma_wait3A_457 = arith.constant 3 : i32
    %dma_wait3A_458 = arith.constant 0 : i32
    %dma_wait3A_459 = arith.constant 3 : i32
    %dma_wait3A_460 = arith.constant 3 : i32
    %dma_wait3A_461 = arith.constant 0 : i32
    %dma_wait3A_462 = arith.constant 0 : i32
    %dma_wait3A_463 = tpu.memref_slice %arg7[%dma_wait3A_459, %dma_wait3A_461, %dma_wait3A_462] : memref<5x128x64xf32, #tpu.memory_space<vmem>> -> memref<1x128x64xf32, #tpu.memory_space<vmem>>
    %dma_wait3A_464 = tpu.memref_squeeze %dma_wait3A_463 : memref<1x128x64xf32, #tpu.memory_space<vmem>> -> memref<128x64xf32, #tpu.memory_space<vmem>>
    %dma_wait3A_465 = arith.constant 0 : i32
    %dma_wait3A_466 = tpu.memref_slice %arg6[%dma_wait3A_457, %dma_wait3A_458, %dma_wait3A_465] : memref<5x2x128xi32, #tpu.memory_space<vmem>> -> memref<1x1x128xi32, #tpu.memory_space<vmem>>
    %dma_wait3A_467 = tpu.memref_squeeze %dma_wait3A_466 : memref<1x1x128xi32, #tpu.memory_space<vmem>> -> memref<128xi32, #tpu.memory_space<vmem>>
    %dma_wait3A_468 = arith.constant 0 : i32
    %dma_wait3A_469 = arith.constant 0 : i32
    %dma_wait3A_470 = tpu.memref_slice %arg2[%arg0, %dma_wait3A_456, %dma_wait3A_468, %dma_wait3A_469] : memref<2x1x10112x64xf32, #tpu.memory_space<hbm>> -> memref<1x1x10112x64xf32, #tpu.memory_space<hbm>>
    %dma_wait3A_471 = tpu.memref_squeeze %dma_wait3A_470 : memref<1x1x10112x64xf32, #tpu.memory_space<hbm>> -> memref<10112x64xf32, #tpu.memory_space<hbm>>
    %dma_wait3A_472 = arith.constant 0 : i32
    %dma_wait3A_473 = arith.constant 0 : i32
    %dma_wait3A_474 = tpu.memref_slice %dma_wait3A_471[%dma_wait3A_472, %dma_wait3A_473] : memref<10112x64xf32, #tpu.memory_space<hbm>> -> memref<10112x64xf32, #tpu.memory_space<hbm>>
    %dma_wait3A_475 = tpu.memref_slice %arg10[%dma_wait3A_460] : memref<5x!tpu.dma_semaphore, #tpu.memory_space<semaphore_mem>> -> memref<1x!tpu.dma_semaphore, #tpu.memory_space<semaphore_mem>>
    %dma_wait3A_476 = tpu.memref_squeeze %dma_wait3A_475 : memref<1x!tpu.dma_semaphore, #tpu.memory_space<semaphore_mem>> -> memref<!tpu.dma_semaphore, #tpu.memory_space<semaphore_mem>>
    tpu.wait_indirect_dma semaphore(%dma_wait3A_476 : memref<!tpu.dma_semaphore, #tpu.memory_space<semaphore_mem>>) src(%dma_wait3A_474 : memref<10112x64xf32, #tpu.memory_space<hbm>>) dst(%dma_wait3A_464 : memref<128x64xf32, #tpu.memory_space<vmem>>)
    %dma_start3A_477 = arith.constant 3 : i32
    %dma_start3A_478 = arith.constant 3 : i32
    %dma_start3A_479 = arith.constant 1 : i32
    %dma_start3A_480 = arith.constant 3 : i32
    %dma_start3A_481 = arith.constant 0 : i32
    %dma_start3A_482 = arith.constant 0 : i32
    %dma_start3A_483 = tpu.memref_slice %arg7[%dma_start3A_477, %dma_start3A_481, %dma_start3A_482] : memref<5x128x64xf32, #tpu.memory_space<vmem>> -> memref<1x128x64xf32, #tpu.memory_space<vmem>>
    %dma_start3A_484 = tpu.memref_squeeze %dma_start3A_483 : memref<1x128x64xf32, #tpu.memory_space<vmem>> -> memref<128x64xf32, #tpu.memory_space<vmem>>
    %dma_start3A_485 = arith.constant 0 : i32
    %dma_start3A_486 = tpu.memref_slice %arg6[%dma_start3A_478, %dma_start3A_479, %dma_start3A_485] : memref<5x2x128xi32, #tpu.memory_space<vmem>> -> memref<1x1x128xi32, #tpu.memory_space<vmem>>
    %dma_start3A_487 = tpu.memref_squeeze %dma_start3A_486 : memref<1x1x128xi32, #tpu.memory_space<vmem>> -> memref<128xi32, #tpu.memory_space<vmem>>
    %dma_start3A_488 = arith.constant 0 : i32
    %dma_start3A_489 = arith.constant 0 : i32
    %dma_start3A_490 = tpu.memref_slice %arg8[%dma_start3A_488, %dma_start3A_489] : memref<10112x64xf32, #tpu.memory_space<vmem_shared>> -> memref<10112x64xf32, #tpu.memory_space<vmem_shared>>
    %dma_start3A_491 = tpu.memref_slice %arg11[%dma_start3A_480] : memref<5x!tpu.dma_semaphore, #tpu.memory_space<semaphore_mem>> -> memref<1x!tpu.dma_semaphore, #tpu.memory_space<semaphore_mem>>
    %dma_start3A_492 = tpu.memref_squeeze %dma_start3A_491 : memref<1x!tpu.dma_semaphore, #tpu.memory_space<semaphore_mem>> -> memref<!tpu.dma_semaphore, #tpu.memory_space<semaphore_mem>>
    tpu.enqueue_indirect_dma source(%dma_start3A_484 : memref<128x64xf32, #tpu.memory_space<vmem>>) target(%dma_start3A_490 : memref<10112x64xf32, #tpu.memory_space<vmem_shared>>) offsets(%dma_start3A_487 : memref<128xi32, #tpu.memory_space<vmem>>) semaphore(%dma_start3A_492 : memref<!tpu.dma_semaphore, #tpu.memory_space<semaphore_mem>>) {add = true}
    %dma_wait3A_493 = arith.constant 0 : i32
    %dma_wait3A_494 = arith.constant 4 : i32
    %dma_wait3A_495 = arith.constant 0 : i32
    %dma_wait3A_496 = arith.constant 4 : i32
    %dma_wait3A_497 = arith.constant 4 : i32
    %dma_wait3A_498 = arith.constant 0 : i32
    %dma_wait3A_499 = arith.constant 0 : i32
    %dma_wait3A_500 = tpu.memref_slice %arg7[%dma_wait3A_496, %dma_wait3A_498, %dma_wait3A_499] : memref<5x128x64xf32, #tpu.memory_space<vmem>> -> memref<1x128x64xf32, #tpu.memory_space<vmem>>
    %dma_wait3A_501 = tpu.memref_squeeze %dma_wait3A_500 : memref<1x128x64xf32, #tpu.memory_space<vmem>> -> memref<128x64xf32, #tpu.memory_space<vmem>>
    %dma_wait3A_502 = arith.constant 0 : i32
    %dma_wait3A_503 = tpu.memref_slice %arg6[%dma_wait3A_494, %dma_wait3A_495, %dma_wait3A_502] : memref<5x2x128xi32, #tpu.memory_space<vmem>> -> memref<1x1x128xi32, #tpu.memory_space<vmem>>
    %dma_wait3A_504 = tpu.memref_squeeze %dma_wait3A_503 : memref<1x1x128xi32, #tpu.memory_space<vmem>> -> memref<128xi32, #tpu.memory_space<vmem>>
    %dma_wait3A_505 = arith.constant 0 : i32
    %dma_wait3A_506 = arith.constant 0 : i32
    %dma_wait3A_507 = tpu.memref_slice %arg2[%arg0, %dma_wait3A_493, %dma_wait3A_505, %dma_wait3A_506] : memref<2x1x10112x64xf32, #tpu.memory_space<hbm>> -> memref<1x1x10112x64xf32, #tpu.memory_space<hbm>>
    %dma_wait3A_508 = tpu.memref_squeeze %dma_wait3A_507 : memref<1x1x10112x64xf32, #tpu.memory_space<hbm>> -> memref<10112x64xf32, #tpu.memory_space<hbm>>
    %dma_wait3A_509 = arith.constant 0 : i32
    %dma_wait3A_510 = arith.constant 0 : i32
    %dma_wait3A_511 = tpu.memref_slice %dma_wait3A_508[%dma_wait3A_509, %dma_wait3A_510] : memref<10112x64xf32, #tpu.memory_space<hbm>> -> memref<10112x64xf32, #tpu.memory_space<hbm>>
    %dma_wait3A_512 = tpu.memref_slice %arg10[%dma_wait3A_497] : memref<5x!tpu.dma_semaphore, #tpu.memory_space<semaphore_mem>> -> memref<1x!tpu.dma_semaphore, #tpu.memory_space<semaphore_mem>>
    %dma_wait3A_513 = tpu.memref_squeeze %dma_wait3A_512 : memref<1x!tpu.dma_semaphore, #tpu.memory_space<semaphore_mem>> -> memref<!tpu.dma_semaphore, #tpu.memory_space<semaphore_mem>>
    tpu.wait_indirect_dma semaphore(%dma_wait3A_513 : memref<!tpu.dma_semaphore, #tpu.memory_space<semaphore_mem>>) src(%dma_wait3A_511 : memref<10112x64xf32, #tpu.memory_space<hbm>>) dst(%dma_wait3A_501 : memref<128x64xf32, #tpu.memory_space<vmem>>)
    %dma_start3A_514 = arith.constant 4 : i32
    %dma_start3A_515 = arith.constant 4 : i32
    %dma_start3A_516 = arith.constant 1 : i32
    %dma_start3A_517 = arith.constant 4 : i32
    %dma_start3A_518 = arith.constant 0 : i32
    %dma_start3A_519 = arith.constant 0 : i32
    %dma_start3A_520 = tpu.memref_slice %arg7[%dma_start3A_514, %dma_start3A_518, %dma_start3A_519] : memref<5x128x64xf32, #tpu.memory_space<vmem>> -> memref<1x128x64xf32, #tpu.memory_space<vmem>>
    %dma_start3A_521 = tpu.memref_squeeze %dma_start3A_520 : memref<1x128x64xf32, #tpu.memory_space<vmem>> -> memref<128x64xf32, #tpu.memory_space<vmem>>
    %dma_start3A_522 = arith.constant 0 : i32
    %dma_start3A_523 = tpu.memref_slice %arg6[%dma_start3A_515, %dma_start3A_516, %dma_start3A_522] : memref<5x2x128xi32, #tpu.memory_space<vmem>> -> memref<1x1x128xi32, #tpu.memory_space<vmem>>
    %dma_start3A_524 = tpu.memref_squeeze %dma_start3A_523 : memref<1x1x128xi32, #tpu.memory_space<vmem>> -> memref<128xi32, #tpu.memory_space<vmem>>
    %dma_start3A_525 = arith.constant 0 : i32
    %dma_start3A_526 = arith.constant 0 : i32
    %dma_start3A_527 = tpu.memref_slice %arg8[%dma_start3A_525, %dma_start3A_526] : memref<10112x64xf32, #tpu.memory_space<vmem_shared>> -> memref<10112x64xf32, #tpu.memory_space<vmem_shared>>
    %dma_start3A_528 = tpu.memref_slice %arg11[%dma_start3A_517] : memref<5x!tpu.dma_semaphore, #tpu.memory_space<semaphore_mem>> -> memref<1x!tpu.dma_semaphore, #tpu.memory_space<semaphore_mem>>
    %dma_start3A_529 = tpu.memref_squeeze %dma_start3A_528 : memref<1x!tpu.dma_semaphore, #tpu.memory_space<semaphore_mem>> -> memref<!tpu.dma_semaphore, #tpu.memory_space<semaphore_mem>>
    tpu.enqueue_indirect_dma source(%dma_start3A_521 : memref<128x64xf32, #tpu.memory_space<vmem>>) target(%dma_start3A_527 : memref<10112x64xf32, #tpu.memory_space<vmem_shared>>) offsets(%dma_start3A_524 : memref<128xi32, #tpu.memory_space<vmem>>) semaphore(%dma_start3A_529 : memref<!tpu.dma_semaphore, #tpu.memory_space<semaphore_mem>>) {add = true}
    %scan3A = arith.constant 0 : i32
    %scan3A_530 = arith.constant 0 : i32
    %scan3A_531 = arith.constant 1 : i32
    %scan3A_532 = arith.constant 63 : i32
    %scan3A_533 = arith.addi %scan3A_531, %scan3A_532 : i32
    %scan3A_534 = arith.constant 1 : i32
    %scan3A_535 = scf.for %scan3A_618 = %scan3A_531 to %scan3A_533 step %scan3A_534 iter_args(%scan3A_619 = %scan3A_530) -> (i32)  : i32 {
      %mul3A_620 = arith.constant 5 : i32
      %mul3A_621 = arith.muli %scan3A_618, %mul3A_620 : i32
      %add3A_622 = arith.addi %mul3A_2, %mul3A_621 : i32
      %add3A_623 = arith.constant 0 : i32
      %add3A_624 = arith.addi %add3A_622, %add3A_623 : i32
      %dma_wait3A_625 = arith.constant 0 : i32
      %dma_wait3A_626 = arith.constant 0 : i32
      %dma_wait3A_627 = arith.constant 1 : i32
      %dma_wait3A_628 = arith.constant 0 : i32
      %dma_wait3A_629 = arith.constant 0 : i32
      %dma_wait3A_630 = arith.constant 0 : i32
      %dma_wait3A_631 = tpu.memref_slice %arg7[%dma_wait3A_625, %dma_wait3A_629, %dma_wait3A_630] : memref<5x128x64xf32, #tpu.memory_space<vmem>> -> memref<1x128x64xf32, #tpu.memory_space<vmem>>
      %dma_wait3A_632 = tpu.memref_squeeze %dma_wait3A_631 : memref<1x128x64xf32, #tpu.memory_space<vmem>> -> memref<128x64xf32, #tpu.memory_space<vmem>>
      %dma_wait3A_633 = arith.constant 0 : i32
      %dma_wait3A_634 = tpu.memref_slice %arg6[%dma_wait3A_626, %dma_wait3A_627, %dma_wait3A_633] : memref<5x2x128xi32, #tpu.memory_space<vmem>> -> memref<1x1x128xi32, #tpu.memory_space<vmem>>
      %dma_wait3A_635 = tpu.memref_squeeze %dma_wait3A_634 : memref<1x1x128xi32, #tpu.memory_space<vmem>> -> memref<128xi32, #tpu.memory_space<vmem>>
      %dma_wait3A_636 = arith.constant 0 : i32
      %dma_wait3A_637 = arith.constant 0 : i32
      %dma_wait3A_638 = tpu.memref_slice %arg8[%dma_wait3A_636, %dma_wait3A_637] : memref<10112x64xf32, #tpu.memory_space<vmem_shared>> -> memref<10112x64xf32, #tpu.memory_space<vmem_shared>>
      %dma_wait3A_639 = tpu.memref_slice %arg11[%dma_wait3A_628] : memref<5x!tpu.dma_semaphore, #tpu.memory_space<semaphore_mem>> -> memref<1x!tpu.dma_semaphore, #tpu.memory_space<semaphore_mem>>
      %dma_wait3A_640 = tpu.memref_squeeze %dma_wait3A_639 : memref<1x!tpu.dma_semaphore, #tpu.memory_space<semaphore_mem>> -> memref<!tpu.dma_semaphore, #tpu.memory_space<semaphore_mem>>
      tpu.wait_indirect_dma semaphore(%dma_wait3A_640 : memref<!tpu.dma_semaphore, #tpu.memory_space<semaphore_mem>>) src(%dma_wait3A_632 : memref<128x64xf32, #tpu.memory_space<vmem>>) dst(%dma_wait3A_638 : memref<10112x64xf32, #tpu.memory_space<vmem_shared>>)
      %dma_start3A_641 = arith.constant 0 : i32
      %dma_start3A_642 = arith.constant 0 : i32
      %dma_start3A_643 = arith.constant 0 : i32
      %dma_start3A_644 = arith.constant 0 : i32
      %dma_start3A_645 = tpu.memref_slice %arg6[%dma_start3A_641, %dma_start3A_643, %dma_start3A_644] : memref<5x2x128xi32, #tpu.memory_space<vmem>> -> memref<1x2x128xi32, #tpu.memory_space<vmem>>
      %dma_start3A_646 = tpu.memref_squeeze %dma_start3A_645 : memref<1x2x128xi32, #tpu.memory_space<vmem>> -> memref<2x128xi32, #tpu.memory_space<vmem>>
      %dma_start3A_647 = arith.constant 0 : i32
      %dma_start3A_648 = arith.constant 0 : i32
      %dma_start3A_649 = tpu.memref_slice %arg3[%add3A_624, %dma_start3A_647, %dma_start3A_648] : memref<5120x2x128xi32, #tpu.memory_space<hbm>> -> memref<1x2x128xi32, #tpu.memory_space<hbm>>
      %dma_start3A_650 = tpu.memref_squeeze %dma_start3A_649 : memref<1x2x128xi32, #tpu.memory_space<hbm>> -> memref<2x128xi32, #tpu.memory_space<hbm>>
      %dma_start3A_651 = tpu.memref_slice %arg9[%dma_start3A_642] : memref<5x!tpu.dma_semaphore, #tpu.memory_space<semaphore_mem>> -> memref<1x!tpu.dma_semaphore, #tpu.memory_space<semaphore_mem>>
      %dma_start3A_652 = tpu.memref_squeeze %dma_start3A_651 : memref<1x!tpu.dma_semaphore, #tpu.memory_space<semaphore_mem>> -> memref<!tpu.dma_semaphore, #tpu.memory_space<semaphore_mem>>
      %dma_start3A_653 = arith.constant 0 : i32
      %dma_start3A_654 = arith.constant 0 : i32
      %dma_start3A_655 = tpu.memref_slice %arg6[%dma_start3A_641, %dma_start3A_653, %dma_start3A_654] : memref<5x2x128xi32, #tpu.memory_space<vmem>> -> memref<1x2x128xi32, #tpu.memory_space<vmem>>
      %dma_start3A_656 = tpu.memref_squeeze %dma_start3A_655 : memref<1x2x128xi32, #tpu.memory_space<vmem>> -> memref<2x128xi32, #tpu.memory_space<vmem>>
      %dma_start3A_657 = arith.constant 0 : i32
      %dma_start3A_658 = arith.constant 0 : i32
      %dma_start3A_659 = tpu.memref_slice %arg3[%add3A_624, %dma_start3A_657, %dma_start3A_658] : memref<5120x2x128xi32, #tpu.memory_space<hbm>> -> memref<1x2x128xi32, #tpu.memory_space<hbm>>
      %dma_start3A_660 = tpu.memref_squeeze %dma_start3A_659 : memref<1x2x128xi32, #tpu.memory_space<hbm>> -> memref<2x128xi32, #tpu.memory_space<hbm>>
      tpu.enqueue_dma source(%dma_start3A_660 : memref<2x128xi32, #tpu.memory_space<hbm>>) target(%dma_start3A_656 : memref<2x128xi32, #tpu.memory_space<vmem>>) target_semaphore(%dma_start3A_652 : memref<!tpu.dma_semaphore, #tpu.memory_space<semaphore_mem>>)
      %mul3A_661 = arith.constant 5 : i32
      %mul3A_662 = arith.muli %scan3A_618, %mul3A_661 : i32
      %add3A_663 = arith.addi %mul3A_2, %mul3A_662 : i32
      %add3A_664 = arith.constant 1 : i32
      %add3A_665 = arith.addi %add3A_663, %add3A_664 : i32
      %dma_wait3A_666 = arith.constant 1 : i32
      %dma_wait3A_667 = arith.constant 1 : i32
      %dma_wait3A_668 = arith.constant 1 : i32
      %dma_wait3A_669 = arith.constant 1 : i32
      %dma_wait3A_670 = arith.constant 0 : i32
      %dma_wait3A_671 = arith.constant 0 : i32
      %dma_wait3A_672 = tpu.memref_slice %arg7[%dma_wait3A_666, %dma_wait3A_670, %dma_wait3A_671] : memref<5x128x64xf32, #tpu.memory_space<vmem>> -> memref<1x128x64xf32, #tpu.memory_space<vmem>>
      %dma_wait3A_673 = tpu.memref_squeeze %dma_wait3A_672 : memref<1x128x64xf32, #tpu.memory_space<vmem>> -> memref<128x64xf32, #tpu.memory_space<vmem>>
      %dma_wait3A_674 = arith.constant 0 : i32
      %dma_wait3A_675 = tpu.memref_slice %arg6[%dma_wait3A_667, %dma_wait3A_668, %dma_wait3A_674] : memref<5x2x128xi32, #tpu.memory_space<vmem>> -> memref<1x1x128xi32, #tpu.memory_space<vmem>>
      %dma_wait3A_676 = tpu.memref_squeeze %dma_wait3A_675 : memref<1x1x128xi32, #tpu.memory_space<vmem>> -> memref<128xi32, #tpu.memory_space<vmem>>
      %dma_wait3A_677 = arith.constant 0 : i32
      %dma_wait3A_678 = arith.constant 0 : i32
      %dma_wait3A_679 = tpu.memref_slice %arg8[%dma_wait3A_677, %dma_wait3A_678] : memref<10112x64xf32, #tpu.memory_space<vmem_shared>> -> memref<10112x64xf32, #tpu.memory_space<vmem_shared>>
      %dma_wait3A_680 = tpu.memref_slice %arg11[%dma_wait3A_669] : memref<5x!tpu.dma_semaphore, #tpu.memory_space<semaphore_mem>> -> memref<1x!tpu.dma_semaphore, #tpu.memory_space<semaphore_mem>>
      %dma_wait3A_681 = tpu.memref_squeeze %dma_wait3A_680 : memref<1x!tpu.dma_semaphore, #tpu.memory_space<semaphore_mem>> -> memref<!tpu.dma_semaphore, #tpu.memory_space<semaphore_mem>>
      tpu.wait_indirect_dma semaphore(%dma_wait3A_681 : memref<!tpu.dma_semaphore, #tpu.memory_space<semaphore_mem>>) src(%dma_wait3A_673 : memref<128x64xf32, #tpu.memory_space<vmem>>) dst(%dma_wait3A_679 : memref<10112x64xf32, #tpu.memory_space<vmem_shared>>)
      %dma_start3A_682 = arith.constant 1 : i32
      %dma_start3A_683 = arith.constant 1 : i32
      %dma_start3A_684 = arith.constant 0 : i32
      %dma_start3A_685 = arith.constant 0 : i32
      %dma_start3A_686 = tpu.memref_slice %arg6[%dma_start3A_682, %dma_start3A_684, %dma_start3A_685] : memref<5x2x128xi32, #tpu.memory_space<vmem>> -> memref<1x2x128xi32, #tpu.memory_space<vmem>>
      %dma_start3A_687 = tpu.memref_squeeze %dma_start3A_686 : memref<1x2x128xi32, #tpu.memory_space<vmem>> -> memref<2x128xi32, #tpu.memory_space<vmem>>
      %dma_start3A_688 = arith.constant 0 : i32
      %dma_start3A_689 = arith.constant 0 : i32
      %dma_start3A_690 = tpu.memref_slice %arg3[%add3A_665, %dma_start3A_688, %dma_start3A_689] : memref<5120x2x128xi32, #tpu.memory_space<hbm>> -> memref<1x2x128xi32, #tpu.memory_space<hbm>>
      %dma_start3A_691 = tpu.memref_squeeze %dma_start3A_690 : memref<1x2x128xi32, #tpu.memory_space<hbm>> -> memref<2x128xi32, #tpu.memory_space<hbm>>
      %dma_start3A_692 = tpu.memref_slice %arg9[%dma_start3A_683] : memref<5x!tpu.dma_semaphore, #tpu.memory_space<semaphore_mem>> -> memref<1x!tpu.dma_semaphore, #tpu.memory_space<semaphore_mem>>
      %dma_start3A_693 = tpu.memref_squeeze %dma_start3A_692 : memref<1x!tpu.dma_semaphore, #tpu.memory_space<semaphore_mem>> -> memref<!tpu.dma_semaphore, #tpu.memory_space<semaphore_mem>>
      %dma_start3A_694 = arith.constant 0 : i32
      %dma_start3A_695 = arith.constant 0 : i32
      %dma_start3A_696 = tpu.memref_slice %arg6[%dma_start3A_682, %dma_start3A_694, %dma_start3A_695] : memref<5x2x128xi32, #tpu.memory_space<vmem>> -> memref<1x2x128xi32, #tpu.memory_space<vmem>>
      %dma_start3A_697 = tpu.memref_squeeze %dma_start3A_696 : memref<1x2x128xi32, #tpu.memory_space<vmem>> -> memref<2x128xi32, #tpu.memory_space<vmem>>
      %dma_start3A_698 = arith.constant 0 : i32
      %dma_start3A_699 = arith.constant 0 : i32
      %dma_start3A_700 = tpu.memref_slice %arg3[%add3A_665, %dma_start3A_698, %dma_start3A_699] : memref<5120x2x128xi32, #tpu.memory_space<hbm>> -> memref<1x2x128xi32, #tpu.memory_space<hbm>>
      %dma_start3A_701 = tpu.memref_squeeze %dma_start3A_700 : memref<1x2x128xi32, #tpu.memory_space<hbm>> -> memref<2x128xi32, #tpu.memory_space<hbm>>
      tpu.enqueue_dma source(%dma_start3A_701 : memref<2x128xi32, #tpu.memory_space<hbm>>) target(%dma_start3A_697 : memref<2x128xi32, #tpu.memory_space<vmem>>) target_semaphore(%dma_start3A_693 : memref<!tpu.dma_semaphore, #tpu.memory_space<semaphore_mem>>)
      %mul3A_702 = arith.constant 5 : i32
      %mul3A_703 = arith.muli %scan3A_618, %mul3A_702 : i32
      %add3A_704 = arith.addi %mul3A_2, %mul3A_703 : i32
      %add3A_705 = arith.constant 2 : i32
      %add3A_706 = arith.addi %add3A_704, %add3A_705 : i32
      %dma_wait3A_707 = arith.constant 2 : i32
      %dma_wait3A_708 = arith.constant 2 : i32
      %dma_wait3A_709 = arith.constant 1 : i32
      %dma_wait3A_710 = arith.constant 2 : i32
      %dma_wait3A_711 = arith.constant 0 : i32
      %dma_wait3A_712 = arith.constant 0 : i32
      %dma_wait3A_713 = tpu.memref_slice %arg7[%dma_wait3A_707, %dma_wait3A_711, %dma_wait3A_712] : memref<5x128x64xf32, #tpu.memory_space<vmem>> -> memref<1x128x64xf32, #tpu.memory_space<vmem>>
      %dma_wait3A_714 = tpu.memref_squeeze %dma_wait3A_713 : memref<1x128x64xf32, #tpu.memory_space<vmem>> -> memref<128x64xf32, #tpu.memory_space<vmem>>
      %dma_wait3A_715 = arith.constant 0 : i32
      %dma_wait3A_716 = tpu.memref_slice %arg6[%dma_wait3A_708, %dma_wait3A_709, %dma_wait3A_715] : memref<5x2x128xi32, #tpu.memory_space<vmem>> -> memref<1x1x128xi32, #tpu.memory_space<vmem>>
      %dma_wait3A_717 = tpu.memref_squeeze %dma_wait3A_716 : memref<1x1x128xi32, #tpu.memory_space<vmem>> -> memref<128xi32, #tpu.memory_space<vmem>>
      %dma_wait3A_718 = arith.constant 0 : i32
      %dma_wait3A_719 = arith.constant 0 : i32
      %dma_wait3A_720 = tpu.memref_slice %arg8[%dma_wait3A_718, %dma_wait3A_719] : memref<10112x64xf32, #tpu.memory_space<vmem_shared>> -> memref<10112x64xf32, #tpu.memory_space<vmem_shared>>
      %dma_wait3A_721 = tpu.memref_slice %arg11[%dma_wait3A_710] : memref<5x!tpu.dma_semaphore, #tpu.memory_space<semaphore_mem>> -> memref<1x!tpu.dma_semaphore, #tpu.memory_space<semaphore_mem>>
      %dma_wait3A_722 = tpu.memref_squeeze %dma_wait3A_721 : memref<1x!tpu.dma_semaphore, #tpu.memory_space<semaphore_mem>> -> memref<!tpu.dma_semaphore, #tpu.memory_space<semaphore_mem>>
      tpu.wait_indirect_dma semaphore(%dma_wait3A_722 : memref<!tpu.dma_semaphore, #tpu.memory_space<semaphore_mem>>) src(%dma_wait3A_714 : memref<128x64xf32, #tpu.memory_space<vmem>>) dst(%dma_wait3A_720 : memref<10112x64xf32, #tpu.memory_space<vmem_shared>>)
      %dma_start3A_723 = arith.constant 2 : i32
      %dma_start3A_724 = arith.constant 2 : i32
      %dma_start3A_725 = arith.constant 0 : i32
      %dma_start3A_726 = arith.constant 0 : i32
      %dma_start3A_727 = tpu.memref_slice %arg6[%dma_start3A_723, %dma_start3A_725, %dma_start3A_726] : memref<5x2x128xi32, #tpu.memory_space<vmem>> -> memref<1x2x128xi32, #tpu.memory_space<vmem>>
      %dma_start3A_728 = tpu.memref_squeeze %dma_start3A_727 : memref<1x2x128xi32, #tpu.memory_space<vmem>> -> memref<2x128xi32, #tpu.memory_space<vmem>>
      %dma_start3A_729 = arith.constant 0 : i32
      %dma_start3A_730 = arith.constant 0 : i32
      %dma_start3A_731 = tpu.memref_slice %arg3[%add3A_706, %dma_start3A_729, %dma_start3A_730] : memref<5120x2x128xi32, #tpu.memory_space<hbm>> -> memref<1x2x128xi32, #tpu.memory_space<hbm>>
      %dma_start3A_732 = tpu.memref_squeeze %dma_start3A_731 : memref<1x2x128xi32, #tpu.memory_space<hbm>> -> memref<2x128xi32, #tpu.memory_space<hbm>>
      %dma_start3A_733 = tpu.memref_slice %arg9[%dma_start3A_724] : memref<5x!tpu.dma_semaphore, #tpu.memory_space<semaphore_mem>> -> memref<1x!tpu.dma_semaphore, #tpu.memory_space<semaphore_mem>>
      %dma_start3A_734 = tpu.memref_squeeze %dma_start3A_733 : memref<1x!tpu.dma_semaphore, #tpu.memory_space<semaphore_mem>> -> memref<!tpu.dma_semaphore, #tpu.memory_space<semaphore_mem>>
      %dma_start3A_735 = arith.constant 0 : i32
      %dma_start3A_736 = arith.constant 0 : i32
      %dma_start3A_737 = tpu.memref_slice %arg6[%dma_start3A_723, %dma_start3A_735, %dma_start3A_736] : memref<5x2x128xi32, #tpu.memory_space<vmem>> -> memref<1x2x128xi32, #tpu.memory_space<vmem>>
      %dma_start3A_738 = tpu.memref_squeeze %dma_start3A_737 : memref<1x2x128xi32, #tpu.memory_space<vmem>> -> memref<2x128xi32, #tpu.memory_space<vmem>>
      %dma_start3A_739 = arith.constant 0 : i32
      %dma_start3A_740 = arith.constant 0 : i32
      %dma_start3A_741 = tpu.memref_slice %arg3[%add3A_706, %dma_start3A_739, %dma_start3A_740] : memref<5120x2x128xi32, #tpu.memory_space<hbm>> -> memref<1x2x128xi32, #tpu.memory_space<hbm>>
      %dma_start3A_742 = tpu.memref_squeeze %dma_start3A_741 : memref<1x2x128xi32, #tpu.memory_space<hbm>> -> memref<2x128xi32, #tpu.memory_space<hbm>>
      tpu.enqueue_dma source(%dma_start3A_742 : memref<2x128xi32, #tpu.memory_space<hbm>>) target(%dma_start3A_738 : memref<2x128xi32, #tpu.memory_space<vmem>>) target_semaphore(%dma_start3A_734 : memref<!tpu.dma_semaphore, #tpu.memory_space<semaphore_mem>>)
      %mul3A_743 = arith.constant 5 : i32
      %mul3A_744 = arith.muli %scan3A_618, %mul3A_743 : i32
      %add3A_745 = arith.addi %mul3A_2, %mul3A_744 : i32
      %add3A_746 = arith.constant 3 : i32
      %add3A_747 = arith.addi %add3A_745, %add3A_746 : i32
      %dma_wait3A_748 = arith.constant 3 : i32
      %dma_wait3A_749 = arith.constant 3 : i32
      %dma_wait3A_750 = arith.constant 1 : i32
      %dma_wait3A_751 = arith.constant 3 : i32
      %dma_wait3A_752 = arith.constant 0 : i32
      %dma_wait3A_753 = arith.constant 0 : i32
      %dma_wait3A_754 = tpu.memref_slice %arg7[%dma_wait3A_748, %dma_wait3A_752, %dma_wait3A_753] : memref<5x128x64xf32, #tpu.memory_space<vmem>> -> memref<1x128x64xf32, #tpu.memory_space<vmem>>
      %dma_wait3A_755 = tpu.memref_squeeze %dma_wait3A_754 : memref<1x128x64xf32, #tpu.memory_space<vmem>> -> memref<128x64xf32, #tpu.memory_space<vmem>>
      %dma_wait3A_756 = arith.constant 0 : i32
      %dma_wait3A_757 = tpu.memref_slice %arg6[%dma_wait3A_749, %dma_wait3A_750, %dma_wait3A_756] : memref<5x2x128xi32, #tpu.memory_space<vmem>> -> memref<1x1x128xi32, #tpu.memory_space<vmem>>
      %dma_wait3A_758 = tpu.memref_squeeze %dma_wait3A_757 : memref<1x1x128xi32, #tpu.memory_space<vmem>> -> memref<128xi32, #tpu.memory_space<vmem>>
      %dma_wait3A_759 = arith.constant 0 : i32
      %dma_wait3A_760 = arith.constant 0 : i32
      %dma_wait3A_761 = tpu.memref_slice %arg8[%dma_wait3A_759, %dma_wait3A_760] : memref<10112x64xf32, #tpu.memory_space<vmem_shared>> -> memref<10112x64xf32, #tpu.memory_space<vmem_shared>>
      %dma_wait3A_762 = tpu.memref_slice %arg11[%dma_wait3A_751] : memref<5x!tpu.dma_semaphore, #tpu.memory_space<semaphore_mem>> -> memref<1x!tpu.dma_semaphore, #tpu.memory_space<semaphore_mem>>
      %dma_wait3A_763 = tpu.memref_squeeze %dma_wait3A_762 : memref<1x!tpu.dma_semaphore, #tpu.memory_space<semaphore_mem>> -> memref<!tpu.dma_semaphore, #tpu.memory_space<semaphore_mem>>
      tpu.wait_indirect_dma semaphore(%dma_wait3A_763 : memref<!tpu.dma_semaphore, #tpu.memory_space<semaphore_mem>>) src(%dma_wait3A_755 : memref<128x64xf32, #tpu.memory_space<vmem>>) dst(%dma_wait3A_761 : memref<10112x64xf32, #tpu.memory_space<vmem_shared>>)
      %dma_start3A_764 = arith.constant 3 : i32
      %dma_start3A_765 = arith.constant 3 : i32
      %dma_start3A_766 = arith.constant 0 : i32
      %dma_start3A_767 = arith.constant 0 : i32
      %dma_start3A_768 = tpu.memref_slice %arg6[%dma_start3A_764, %dma_start3A_766, %dma_start3A_767] : memref<5x2x128xi32, #tpu.memory_space<vmem>> -> memref<1x2x128xi32, #tpu.memory_space<vmem>>
      %dma_start3A_769 = tpu.memref_squeeze %dma_start3A_768 : memref<1x2x128xi32, #tpu.memory_space<vmem>> -> memref<2x128xi32, #tpu.memory_space<vmem>>
      %dma_start3A_770 = arith.constant 0 : i32
      %dma_start3A_771 = arith.constant 0 : i32
      %dma_start3A_772 = tpu.memref_slice %arg3[%add3A_747, %dma_start3A_770, %dma_start3A_771] : memref<5120x2x128xi32, #tpu.memory_space<hbm>> -> memref<1x2x128xi32, #tpu.memory_space<hbm>>
      %dma_start3A_773 = tpu.memref_squeeze %dma_start3A_772 : memref<1x2x128xi32, #tpu.memory_space<hbm>> -> memref<2x128xi32, #tpu.memory_space<hbm>>
      %dma_start3A_774 = tpu.memref_slice %arg9[%dma_start3A_765] : memref<5x!tpu.dma_semaphore, #tpu.memory_space<semaphore_mem>> -> memref<1x!tpu.dma_semaphore, #tpu.memory_space<semaphore_mem>>
      %dma_start3A_775 = tpu.memref_squeeze %dma_start3A_774 : memref<1x!tpu.dma_semaphore, #tpu.memory_space<semaphore_mem>> -> memref<!tpu.dma_semaphore, #tpu.memory_space<semaphore_mem>>
      %dma_start3A_776 = arith.constant 0 : i32
      %dma_start3A_777 = arith.constant 0 : i32
      %dma_start3A_778 = tpu.memref_slice %arg6[%dma_start3A_764, %dma_start3A_776, %dma_start3A_777] : memref<5x2x128xi32, #tpu.memory_space<vmem>> -> memref<1x2x128xi32, #tpu.memory_space<vmem>>
      %dma_start3A_779 = tpu.memref_squeeze %dma_start3A_778 : memref<1x2x128xi32, #tpu.memory_space<vmem>> -> memref<2x128xi32, #tpu.memory_space<vmem>>
      %dma_start3A_780 = arith.constant 0 : i32
      %dma_start3A_781 = arith.constant 0 : i32
      %dma_start3A_782 = tpu.memref_slice %arg3[%add3A_747, %dma_start3A_780, %dma_start3A_781] : memref<5120x2x128xi32, #tpu.memory_space<hbm>> -> memref<1x2x128xi32, #tpu.memory_space<hbm>>
      %dma_start3A_783 = tpu.memref_squeeze %dma_start3A_782 : memref<1x2x128xi32, #tpu.memory_space<hbm>> -> memref<2x128xi32, #tpu.memory_space<hbm>>
      tpu.enqueue_dma source(%dma_start3A_783 : memref<2x128xi32, #tpu.memory_space<hbm>>) target(%dma_start3A_779 : memref<2x128xi32, #tpu.memory_space<vmem>>) target_semaphore(%dma_start3A_775 : memref<!tpu.dma_semaphore, #tpu.memory_space<semaphore_mem>>)
      %mul3A_784 = arith.constant 5 : i32
      %mul3A_785 = arith.muli %scan3A_618, %mul3A_784 : i32
      %add3A_786 = arith.addi %mul3A_2, %mul3A_785 : i32
      %add3A_787 = arith.constant 4 : i32
      %add3A_788 = arith.addi %add3A_786, %add3A_787 : i32
      %dma_wait3A_789 = arith.constant 4 : i32
      %dma_wait3A_790 = arith.constant 4 : i32
      %dma_wait3A_791 = arith.constant 1 : i32
      %dma_wait3A_792 = arith.constant 4 : i32
      %dma_wait3A_793 = arith.constant 0 : i32
      %dma_wait3A_794 = arith.constant 0 : i32
      %dma_wait3A_795 = tpu.memref_slice %arg7[%dma_wait3A_789, %dma_wait3A_793, %dma_wait3A_794] : memref<5x128x64xf32, #tpu.memory_space<vmem>> -> memref<1x128x64xf32, #tpu.memory_space<vmem>>
      %dma_wait3A_796 = tpu.memref_squeeze %dma_wait3A_795 : memref<1x128x64xf32, #tpu.memory_space<vmem>> -> memref<128x64xf32, #tpu.memory_space<vmem>>
      %dma_wait3A_797 = arith.constant 0 : i32
      %dma_wait3A_798 = tpu.memref_slice %arg6[%dma_wait3A_790, %dma_wait3A_791, %dma_wait3A_797] : memref<5x2x128xi32, #tpu.memory_space<vmem>> -> memref<1x1x128xi32, #tpu.memory_space<vmem>>
      %dma_wait3A_799 = tpu.memref_squeeze %dma_wait3A_798 : memref<1x1x128xi32, #tpu.memory_space<vmem>> -> memref<128xi32, #tpu.memory_space<vmem>>
      %dma_wait3A_800 = arith.constant 0 : i32
      %dma_wait3A_801 = arith.constant 0 : i32
      %dma_wait3A_802 = tpu.memref_slice %arg8[%dma_wait3A_800, %dma_wait3A_801] : memref<10112x64xf32, #tpu.memory_space<vmem_shared>> -> memref<10112x64xf32, #tpu.memory_space<vmem_shared>>
      %dma_wait3A_803 = tpu.memref_slice %arg11[%dma_wait3A_792] : memref<5x!tpu.dma_semaphore, #tpu.memory_space<semaphore_mem>> -> memref<1x!tpu.dma_semaphore, #tpu.memory_space<semaphore_mem>>
      %dma_wait3A_804 = tpu.memref_squeeze %dma_wait3A_803 : memref<1x!tpu.dma_semaphore, #tpu.memory_space<semaphore_mem>> -> memref<!tpu.dma_semaphore, #tpu.memory_space<semaphore_mem>>
      tpu.wait_indirect_dma semaphore(%dma_wait3A_804 : memref<!tpu.dma_semaphore, #tpu.memory_space<semaphore_mem>>) src(%dma_wait3A_796 : memref<128x64xf32, #tpu.memory_space<vmem>>) dst(%dma_wait3A_802 : memref<10112x64xf32, #tpu.memory_space<vmem_shared>>)
      %dma_start3A_805 = arith.constant 4 : i32
      %dma_start3A_806 = arith.constant 4 : i32
      %dma_start3A_807 = arith.constant 0 : i32
      %dma_start3A_808 = arith.constant 0 : i32
      %dma_start3A_809 = tpu.memref_slice %arg6[%dma_start3A_805, %dma_start3A_807, %dma_start3A_808] : memref<5x2x128xi32, #tpu.memory_space<vmem>> -> memref<1x2x128xi32, #tpu.memory_space<vmem>>
      %dma_start3A_810 = tpu.memref_squeeze %dma_start3A_809 : memref<1x2x128xi32, #tpu.memory_space<vmem>> -> memref<2x128xi32, #tpu.memory_space<vmem>>
      %dma_start3A_811 = arith.constant 0 : i32
      %dma_start3A_812 = arith.constant 0 : i32
      %dma_start3A_813 = tpu.memref_slice %arg3[%add3A_788, %dma_start3A_811, %dma_start3A_812] : memref<5120x2x128xi32, #tpu.memory_space<hbm>> -> memref<1x2x128xi32, #tpu.memory_space<hbm>>
      %dma_start3A_814 = tpu.memref_squeeze %dma_start3A_813 : memref<1x2x128xi32, #tpu.memory_space<hbm>> -> memref<2x128xi32, #tpu.memory_space<hbm>>
      %dma_start3A_815 = tpu.memref_slice %arg9[%dma_start3A_806] : memref<5x!tpu.dma_semaphore, #tpu.memory_space<semaphore_mem>> -> memref<1x!tpu.dma_semaphore, #tpu.memory_space<semaphore_mem>>
      %dma_start3A_816 = tpu.memref_squeeze %dma_start3A_815 : memref<1x!tpu.dma_semaphore, #tpu.memory_space<semaphore_mem>> -> memref<!tpu.dma_semaphore, #tpu.memory_space<semaphore_mem>>
      %dma_start3A_817 = arith.constant 0 : i32
      %dma_start3A_818 = arith.constant 0 : i32
      %dma_start3A_819 = tpu.memref_slice %arg6[%dma_start3A_805, %dma_start3A_817, %dma_start3A_818] : memref<5x2x128xi32, #tpu.memory_space<vmem>> -> memref<1x2x128xi32, #tpu.memory_space<vmem>>
      %dma_start3A_820 = tpu.memref_squeeze %dma_start3A_819 : memref<1x2x128xi32, #tpu.memory_space<vmem>> -> memref<2x128xi32, #tpu.memory_space<vmem>>
      %dma_start3A_821 = arith.constant 0 : i32
      %dma_start3A_822 = arith.constant 0 : i32
      %dma_start3A_823 = tpu.memref_slice %arg3[%add3A_788, %dma_start3A_821, %dma_start3A_822] : memref<5120x2x128xi32, #tpu.memory_space<hbm>> -> memref<1x2x128xi32, #tpu.memory_space<hbm>>
      %dma_start3A_824 = tpu.memref_squeeze %dma_start3A_823 : memref<1x2x128xi32, #tpu.memory_space<hbm>> -> memref<2x128xi32, #tpu.memory_space<hbm>>
      tpu.enqueue_dma source(%dma_start3A_824 : memref<2x128xi32, #tpu.memory_space<hbm>>) target(%dma_start3A_820 : memref<2x128xi32, #tpu.memory_space<vmem>>) target_semaphore(%dma_start3A_816 : memref<!tpu.dma_semaphore, #tpu.memory_space<semaphore_mem>>)
      %mul3A_825 = arith.constant 5 : i32
      %mul3A_826 = arith.muli %scan3A_618, %mul3A_825 : i32
      %add3A_827 = arith.addi %mul3A_2, %mul3A_826 : i32
      %add3A_828 = arith.constant 0 : i32
      %add3A_829 = arith.addi %add3A_827, %add3A_828 : i32
      %dma_wait3A_830 = arith.constant 0 : i32
      %dma_wait3A_831 = arith.constant 0 : i32
      %dma_wait3A_832 = arith.constant 0 : i32
      %dma_wait3A_833 = arith.constant 0 : i32
      %dma_wait3A_834 = tpu.memref_slice %arg6[%dma_wait3A_830, %dma_wait3A_832, %dma_wait3A_833] : memref<5x2x128xi32, #tpu.memory_space<vmem>> -> memref<1x2x128xi32, #tpu.memory_space<vmem>>
      %dma_wait3A_835 = tpu.memref_squeeze %dma_wait3A_834 : memref<1x2x128xi32, #tpu.memory_space<vmem>> -> memref<2x128xi32, #tpu.memory_space<vmem>>
      %dma_wait3A_836 = arith.constant 0 : i32
      %dma_wait3A_837 = arith.constant 0 : i32
      %dma_wait3A_838 = tpu.memref_slice %arg3[%add3A_829, %dma_wait3A_836, %dma_wait3A_837] : memref<5120x2x128xi32, #tpu.memory_space<hbm>> -> memref<1x2x128xi32, #tpu.memory_space<hbm>>
      %dma_wait3A_839 = tpu.memref_squeeze %dma_wait3A_838 : memref<1x2x128xi32, #tpu.memory_space<hbm>> -> memref<2x128xi32, #tpu.memory_space<hbm>>
      %dma_wait3A_840 = tpu.memref_slice %arg9[%dma_wait3A_831] : memref<5x!tpu.dma_semaphore, #tpu.memory_space<semaphore_mem>> -> memref<1x!tpu.dma_semaphore, #tpu.memory_space<semaphore_mem>>
      %dma_wait3A_841 = tpu.memref_squeeze %dma_wait3A_840 : memref<1x!tpu.dma_semaphore, #tpu.memory_space<semaphore_mem>> -> memref<!tpu.dma_semaphore, #tpu.memory_space<semaphore_mem>>
      %dma_wait3A_842 = arith.constant 0 : i32
      %dma_wait3A_843 = arith.constant 0 : i32
      %dma_wait3A_844 = tpu.memref_slice %arg6[%dma_wait3A_830, %dma_wait3A_842, %dma_wait3A_843] : memref<5x2x128xi32, #tpu.memory_space<vmem>> -> memref<1x2x128xi32, #tpu.memory_space<vmem>>
      %dma_wait3A_845 = tpu.memref_squeeze %dma_wait3A_844 : memref<1x2x128xi32, #tpu.memory_space<vmem>> -> memref<2x128xi32, #tpu.memory_space<vmem>>
      %dma_wait3A_846 = arith.constant 0 : i32
      %dma_wait3A_847 = arith.constant 0 : i32
      %dma_wait3A_848 = tpu.memref_slice %arg3[%add3A_829, %dma_wait3A_846, %dma_wait3A_847] : memref<5120x2x128xi32, #tpu.memory_space<hbm>> -> memref<1x2x128xi32, #tpu.memory_space<hbm>>
      %dma_wait3A_849 = tpu.memref_squeeze %dma_wait3A_848 : memref<1x2x128xi32, #tpu.memory_space<hbm>> -> memref<2x128xi32, #tpu.memory_space<hbm>>
      tpu.wait_dma2 semaphore(%dma_wait3A_841 : memref<!tpu.dma_semaphore, #tpu.memory_space<semaphore_mem>>) src(%dma_wait3A_849 : memref<2x128xi32, #tpu.memory_space<hbm>>) dst(%dma_wait3A_845 : memref<2x128xi32, #tpu.memory_space<vmem>>)
      %dma_start3A_850 = arith.constant 0 : i32
      %dma_start3A_851 = arith.constant 0 : i32
      %dma_start3A_852 = arith.constant 0 : i32
      %dma_start3A_853 = arith.constant 0 : i32
      %dma_start3A_854 = arith.constant 0 : i32
      %dma_start3A_855 = arith.constant 0 : i32
      %dma_start3A_856 = tpu.memref_slice %arg7[%dma_start3A_852, %dma_start3A_854, %dma_start3A_855] : memref<5x128x64xf32, #tpu.memory_space<vmem>> -> memref<1x128x64xf32, #tpu.memory_space<vmem>>
      %dma_start3A_857 = tpu.memref_squeeze %dma_start3A_856 : memref<1x128x64xf32, #tpu.memory_space<vmem>> -> memref<128x64xf32, #tpu.memory_space<vmem>>
      %dma_start3A_858 = arith.constant 0 : i32
      %dma_start3A_859 = tpu.memref_slice %arg6[%dma_start3A_850, %dma_start3A_851, %dma_start3A_858] : memref<5x2x128xi32, #tpu.memory_space<vmem>> -> memref<1x1x128xi32, #tpu.memory_space<vmem>>
      %dma_start3A_860 = tpu.memref_squeeze %dma_start3A_859 : memref<1x1x128xi32, #tpu.memory_space<vmem>> -> memref<128xi32, #tpu.memory_space<vmem>>
      %dma_start3A_861 = arith.constant 0 : i32
      %dma_start3A_862 = arith.constant 0 : i32
      %dma_start3A_863 = tpu.memref_slice %arg2[%arg0, %scan3A, %dma_start3A_861, %dma_start3A_862] : memref<2x1x10112x64xf32, #tpu.memory_space<hbm>> -> memref<1x1x10112x64xf32, #tpu.memory_space<hbm>>
      %dma_start3A_864 = tpu.memref_squeeze %dma_start3A_863 : memref<1x1x10112x64xf32, #tpu.memory_space<hbm>> -> memref<10112x64xf32, #tpu.memory_space<hbm>>
      %dma_start3A_865 = arith.constant 0 : i32
      %dma_start3A_866 = arith.constant 0 : i32
      %dma_start3A_867 = tpu.memref_slice %dma_start3A_864[%dma_start3A_865, %dma_start3A_866] : memref<10112x64xf32, #tpu.memory_space<hbm>> -> memref<10112x64xf32, #tpu.memory_space<hbm>>
      %dma_start3A_868 = tpu.memref_slice %arg10[%dma_start3A_853] : memref<5x!tpu.dma_semaphore, #tpu.memory_space<semaphore_mem>> -> memref<1x!tpu.dma_semaphore, #tpu.memory_space<semaphore_mem>>
      %dma_start3A_869 = tpu.memref_squeeze %dma_start3A_868 : memref<1x!tpu.dma_semaphore, #tpu.memory_space<semaphore_mem>> -> memref<!tpu.dma_semaphore, #tpu.memory_space<semaphore_mem>>
      tpu.enqueue_indirect_dma source(%dma_start3A_867 : memref<10112x64xf32, #tpu.memory_space<hbm>>) target(%dma_start3A_857 : memref<128x64xf32, #tpu.memory_space<vmem>>) offsets(%dma_start3A_860 : memref<128xi32, #tpu.memory_space<vmem>>) semaphore(%dma_start3A_869 : memref<!tpu.dma_semaphore, #tpu.memory_space<semaphore_mem>>)
      %mul3A_870 = arith.constant 5 : i32
      %mul3A_871 = arith.muli %scan3A_618, %mul3A_870 : i32
      %add3A_872 = arith.addi %mul3A_2, %mul3A_871 : i32
      %add3A_873 = arith.constant 1 : i32
      %add3A_874 = arith.addi %add3A_872, %add3A_873 : i32
      %dma_wait3A_875 = arith.constant 1 : i32
      %dma_wait3A_876 = arith.constant 1 : i32
      %dma_wait3A_877 = arith.constant 0 : i32
      %dma_wait3A_878 = arith.constant 0 : i32
      %dma_wait3A_879 = tpu.memref_slice %arg6[%dma_wait3A_875, %dma_wait3A_877, %dma_wait3A_878] : memref<5x2x128xi32, #tpu.memory_space<vmem>> -> memref<1x2x128xi32, #tpu.memory_space<vmem>>
      %dma_wait3A_880 = tpu.memref_squeeze %dma_wait3A_879 : memref<1x2x128xi32, #tpu.memory_space<vmem>> -> memref<2x128xi32, #tpu.memory_space<vmem>>
      %dma_wait3A_881 = arith.constant 0 : i32
      %dma_wait3A_882 = arith.constant 0 : i32
      %dma_wait3A_883 = tpu.memref_slice %arg3[%add3A_874, %dma_wait3A_881, %dma_wait3A_882] : memref<5120x2x128xi32, #tpu.memory_space<hbm>> -> memref<1x2x128xi32, #tpu.memory_space<hbm>>
      %dma_wait3A_884 = tpu.memref_squeeze %dma_wait3A_883 : memref<1x2x128xi32, #tpu.memory_space<hbm>> -> memref<2x128xi32, #tpu.memory_space<hbm>>
      %dma_wait3A_885 = tpu.memref_slice %arg9[%dma_wait3A_876] : memref<5x!tpu.dma_semaphore, #tpu.memory_space<semaphore_mem>> -> memref<1x!tpu.dma_semaphore, #tpu.memory_space<semaphore_mem>>
      %dma_wait3A_886 = tpu.memref_squeeze %dma_wait3A_885 : memref<1x!tpu.dma_semaphore, #tpu.memory_space<semaphore_mem>> -> memref<!tpu.dma_semaphore, #tpu.memory_space<semaphore_mem>>
      %dma_wait3A_887 = arith.constant 0 : i32
      %dma_wait3A_888 = arith.constant 0 : i32
      %dma_wait3A_889 = tpu.memref_slice %arg6[%dma_wait3A_875, %dma_wait3A_887, %dma_wait3A_888] : memref<5x2x128xi32, #tpu.memory_space<vmem>> -> memref<1x2x128xi32, #tpu.memory_space<vmem>>
      %dma_wait3A_890 = tpu.memref_squeeze %dma_wait3A_889 : memref<1x2x128xi32, #tpu.memory_space<vmem>> -> memref<2x128xi32, #tpu.memory_space<vmem>>
      %dma_wait3A_891 = arith.constant 0 : i32
      %dma_wait3A_892 = arith.constant 0 : i32
      %dma_wait3A_893 = tpu.memref_slice %arg3[%add3A_874, %dma_wait3A_891, %dma_wait3A_892] : memref<5120x2x128xi32, #tpu.memory_space<hbm>> -> memref<1x2x128xi32, #tpu.memory_space<hbm>>
      %dma_wait3A_894 = tpu.memref_squeeze %dma_wait3A_893 : memref<1x2x128xi32, #tpu.memory_space<hbm>> -> memref<2x128xi32, #tpu.memory_space<hbm>>
      tpu.wait_dma2 semaphore(%dma_wait3A_886 : memref<!tpu.dma_semaphore, #tpu.memory_space<semaphore_mem>>) src(%dma_wait3A_894 : memref<2x128xi32, #tpu.memory_space<hbm>>) dst(%dma_wait3A_890 : memref<2x128xi32, #tpu.memory_space<vmem>>)
      %dma_start3A_895 = arith.constant 1 : i32
      %dma_start3A_896 = arith.constant 0 : i32
      %dma_start3A_897 = arith.constant 1 : i32
      %dma_start3A_898 = arith.constant 1 : i32
      %dma_start3A_899 = arith.constant 0 : i32
      %dma_start3A_900 = arith.constant 0 : i32
      %dma_start3A_901 = tpu.memref_slice %arg7[%dma_start3A_897, %dma_start3A_899, %dma_start3A_900] : memref<5x128x64xf32, #tpu.memory_space<vmem>> -> memref<1x128x64xf32, #tpu.memory_space<vmem>>
      %dma_start3A_902 = tpu.memref_squeeze %dma_start3A_901 : memref<1x128x64xf32, #tpu.memory_space<vmem>> -> memref<128x64xf32, #tpu.memory_space<vmem>>
      %dma_start3A_903 = arith.constant 0 : i32
      %dma_start3A_904 = tpu.memref_slice %arg6[%dma_start3A_895, %dma_start3A_896, %dma_start3A_903] : memref<5x2x128xi32, #tpu.memory_space<vmem>> -> memref<1x1x128xi32, #tpu.memory_space<vmem>>
      %dma_start3A_905 = tpu.memref_squeeze %dma_start3A_904 : memref<1x1x128xi32, #tpu.memory_space<vmem>> -> memref<128xi32, #tpu.memory_space<vmem>>
      %dma_start3A_906 = arith.constant 0 : i32
      %dma_start3A_907 = arith.constant 0 : i32
      %dma_start3A_908 = tpu.memref_slice %arg2[%arg0, %scan3A, %dma_start3A_906, %dma_start3A_907] : memref<2x1x10112x64xf32, #tpu.memory_space<hbm>> -> memref<1x1x10112x64xf32, #tpu.memory_space<hbm>>
      %dma_start3A_909 = tpu.memref_squeeze %dma_start3A_908 : memref<1x1x10112x64xf32, #tpu.memory_space<hbm>> -> memref<10112x64xf32, #tpu.memory_space<hbm>>
      %dma_start3A_910 = arith.constant 0 : i32
      %dma_start3A_911 = arith.constant 0 : i32
      %dma_start3A_912 = tpu.memref_slice %dma_start3A_909[%dma_start3A_910, %dma_start3A_911] : memref<10112x64xf32, #tpu.memory_space<hbm>> -> memref<10112x64xf32, #tpu.memory_space<hbm>>
      %dma_start3A_913 = tpu.memref_slice %arg10[%dma_start3A_898] : memref<5x!tpu.dma_semaphore, #tpu.memory_space<semaphore_mem>> -> memref<1x!tpu.dma_semaphore, #tpu.memory_space<semaphore_mem>>
      %dma_start3A_914 = tpu.memref_squeeze %dma_start3A_913 : memref<1x!tpu.dma_semaphore, #tpu.memory_space<semaphore_mem>> -> memref<!tpu.dma_semaphore, #tpu.memory_space<semaphore_mem>>
      tpu.enqueue_indirect_dma source(%dma_start3A_912 : memref<10112x64xf32, #tpu.memory_space<hbm>>) target(%dma_start3A_902 : memref<128x64xf32, #tpu.memory_space<vmem>>) offsets(%dma_start3A_905 : memref<128xi32, #tpu.memory_space<vmem>>) semaphore(%dma_start3A_914 : memref<!tpu.dma_semaphore, #tpu.memory_space<semaphore_mem>>)
      %mul3A_915 = arith.constant 5 : i32
      %mul3A_916 = arith.muli %scan3A_618, %mul3A_915 : i32
      %add3A_917 = arith.addi %mul3A_2, %mul3A_916 : i32
      %add3A_918 = arith.constant 2 : i32
      %add3A_919 = arith.addi %add3A_917, %add3A_918 : i32
      %dma_wait3A_920 = arith.constant 2 : i32
      %dma_wait3A_921 = arith.constant 2 : i32
      %dma_wait3A_922 = arith.constant 0 : i32
      %dma_wait3A_923 = arith.constant 0 : i32
      %dma_wait3A_924 = tpu.memref_slice %arg6[%dma_wait3A_920, %dma_wait3A_922, %dma_wait3A_923] : memref<5x2x128xi32, #tpu.memory_space<vmem>> -> memref<1x2x128xi32, #tpu.memory_space<vmem>>
      %dma_wait3A_925 = tpu.memref_squeeze %dma_wait3A_924 : memref<1x2x128xi32, #tpu.memory_space<vmem>> -> memref<2x128xi32, #tpu.memory_space<vmem>>
      %dma_wait3A_926 = arith.constant 0 : i32
      %dma_wait3A_927 = arith.constant 0 : i32
      %dma_wait3A_928 = tpu.memref_slice %arg3[%add3A_919, %dma_wait3A_926, %dma_wait3A_927] : memref<5120x2x128xi32, #tpu.memory_space<hbm>> -> memref<1x2x128xi32, #tpu.memory_space<hbm>>
      %dma_wait3A_929 = tpu.memref_squeeze %dma_wait3A_928 : memref<1x2x128xi32, #tpu.memory_space<hbm>> -> memref<2x128xi32, #tpu.memory_space<hbm>>
      %dma_wait3A_930 = tpu.memref_slice %arg9[%dma_wait3A_921] : memref<5x!tpu.dma_semaphore, #tpu.memory_space<semaphore_mem>> -> memref<1x!tpu.dma_semaphore, #tpu.memory_space<semaphore_mem>>
      %dma_wait3A_931 = tpu.memref_squeeze %dma_wait3A_930 : memref<1x!tpu.dma_semaphore, #tpu.memory_space<semaphore_mem>> -> memref<!tpu.dma_semaphore, #tpu.memory_space<semaphore_mem>>
      %dma_wait3A_932 = arith.constant 0 : i32
      %dma_wait3A_933 = arith.constant 0 : i32
      %dma_wait3A_934 = tpu.memref_slice %arg6[%dma_wait3A_920, %dma_wait3A_932, %dma_wait3A_933] : memref<5x2x128xi32, #tpu.memory_space<vmem>> -> memref<1x2x128xi32, #tpu.memory_space<vmem>>
      %dma_wait3A_935 = tpu.memref_squeeze %dma_wait3A_934 : memref<1x2x128xi32, #tpu.memory_space<vmem>> -> memref<2x128xi32, #tpu.memory_space<vmem>>
      %dma_wait3A_936 = arith.constant 0 : i32
      %dma_wait3A_937 = arith.constant 0 : i32
      %dma_wait3A_938 = tpu.memref_slice %arg3[%add3A_919, %dma_wait3A_936, %dma_wait3A_937] : memref<5120x2x128xi32, #tpu.memory_space<hbm>> -> memref<1x2x128xi32, #tpu.memory_space<hbm>>
      %dma_wait3A_939 = tpu.memref_squeeze %dma_wait3A_938 : memref<1x2x128xi32, #tpu.memory_space<hbm>> -> memref<2x128xi32, #tpu.memory_space<hbm>>
      tpu.wait_dma2 semaphore(%dma_wait3A_931 : memref<!tpu.dma_semaphore, #tpu.memory_space<semaphore_mem>>) src(%dma_wait3A_939 : memref<2x128xi32, #tpu.memory_space<hbm>>) dst(%dma_wait3A_935 : memref<2x128xi32, #tpu.memory_space<vmem>>)
      %dma_start3A_940 = arith.constant 2 : i32
      %dma_start3A_941 = arith.constant 0 : i32
      %dma_start3A_942 = arith.constant 2 : i32
      %dma_start3A_943 = arith.constant 2 : i32
      %dma_start3A_944 = arith.constant 0 : i32
      %dma_start3A_945 = arith.constant 0 : i32
      %dma_start3A_946 = tpu.memref_slice %arg7[%dma_start3A_942, %dma_start3A_944, %dma_start3A_945] : memref<5x128x64xf32, #tpu.memory_space<vmem>> -> memref<1x128x64xf32, #tpu.memory_space<vmem>>
      %dma_start3A_947 = tpu.memref_squeeze %dma_start3A_946 : memref<1x128x64xf32, #tpu.memory_space<vmem>> -> memref<128x64xf32, #tpu.memory_space<vmem>>
      %dma_start3A_948 = arith.constant 0 : i32
      %dma_start3A_949 = tpu.memref_slice %arg6[%dma_start3A_940, %dma_start3A_941, %dma_start3A_948] : memref<5x2x128xi32, #tpu.memory_space<vmem>> -> memref<1x1x128xi32, #tpu.memory_space<vmem>>
      %dma_start3A_950 = tpu.memref_squeeze %dma_start3A_949 : memref<1x1x128xi32, #tpu.memory_space<vmem>> -> memref<128xi32, #tpu.memory_space<vmem>>
      %dma_start3A_951 = arith.constant 0 : i32
      %dma_start3A_952 = arith.constant 0 : i32
      %dma_start3A_953 = tpu.memref_slice %arg2[%arg0, %scan3A, %dma_start3A_951, %dma_start3A_952] : memref<2x1x10112x64xf32, #tpu.memory_space<hbm>> -> memref<1x1x10112x64xf32, #tpu.memory_space<hbm>>
      %dma_start3A_954 = tpu.memref_squeeze %dma_start3A_953 : memref<1x1x10112x64xf32, #tpu.memory_space<hbm>> -> memref<10112x64xf32, #tpu.memory_space<hbm>>
      %dma_start3A_955 = arith.constant 0 : i32
      %dma_start3A_956 = arith.constant 0 : i32
      %dma_start3A_957 = tpu.memref_slice %dma_start3A_954[%dma_start3A_955, %dma_start3A_956] : memref<10112x64xf32, #tpu.memory_space<hbm>> -> memref<10112x64xf32, #tpu.memory_space<hbm>>
      %dma_start3A_958 = tpu.memref_slice %arg10[%dma_start3A_943] : memref<5x!tpu.dma_semaphore, #tpu.memory_space<semaphore_mem>> -> memref<1x!tpu.dma_semaphore, #tpu.memory_space<semaphore_mem>>
      %dma_start3A_959 = tpu.memref_squeeze %dma_start3A_958 : memref<1x!tpu.dma_semaphore, #tpu.memory_space<semaphore_mem>> -> memref<!tpu.dma_semaphore, #tpu.memory_space<semaphore_mem>>
      tpu.enqueue_indirect_dma source(%dma_start3A_957 : memref<10112x64xf32, #tpu.memory_space<hbm>>) target(%dma_start3A_947 : memref<128x64xf32, #tpu.memory_space<vmem>>) offsets(%dma_start3A_950 : memref<128xi32, #tpu.memory_space<vmem>>) semaphore(%dma_start3A_959 : memref<!tpu.dma_semaphore, #tpu.memory_space<semaphore_mem>>)
      %mul3A_960 = arith.constant 5 : i32
      %mul3A_961 = arith.muli %scan3A_618, %mul3A_960 : i32
      %add3A_962 = arith.addi %mul3A_2, %mul3A_961 : i32
      %add3A_963 = arith.constant 3 : i32
      %add3A_964 = arith.addi %add3A_962, %add3A_963 : i32
      %dma_wait3A_965 = arith.constant 3 : i32
      %dma_wait3A_966 = arith.constant 3 : i32
      %dma_wait3A_967 = arith.constant 0 : i32
      %dma_wait3A_968 = arith.constant 0 : i32
      %dma_wait3A_969 = tpu.memref_slice %arg6[%dma_wait3A_965, %dma_wait3A_967, %dma_wait3A_968] : memref<5x2x128xi32, #tpu.memory_space<vmem>> -> memref<1x2x128xi32, #tpu.memory_space<vmem>>
      %dma_wait3A_970 = tpu.memref_squeeze %dma_wait3A_969 : memref<1x2x128xi32, #tpu.memory_space<vmem>> -> memref<2x128xi32, #tpu.memory_space<vmem>>
      %dma_wait3A_971 = arith.constant 0 : i32
      %dma_wait3A_972 = arith.constant 0 : i32
      %dma_wait3A_973 = tpu.memref_slice %arg3[%add3A_964, %dma_wait3A_971, %dma_wait3A_972] : memref<5120x2x128xi32, #tpu.memory_space<hbm>> -> memref<1x2x128xi32, #tpu.memory_space<hbm>>
      %dma_wait3A_974 = tpu.memref_squeeze %dma_wait3A_973 : memref<1x2x128xi32, #tpu.memory_space<hbm>> -> memref<2x128xi32, #tpu.memory_space<hbm>>
      %dma_wait3A_975 = tpu.memref_slice %arg9[%dma_wait3A_966] : memref<5x!tpu.dma_semaphore, #tpu.memory_space<semaphore_mem>> -> memref<1x!tpu.dma_semaphore, #tpu.memory_space<semaphore_mem>>
      %dma_wait3A_976 = tpu.memref_squeeze %dma_wait3A_975 : memref<1x!tpu.dma_semaphore, #tpu.memory_space<semaphore_mem>> -> memref<!tpu.dma_semaphore, #tpu.memory_space<semaphore_mem>>
      %dma_wait3A_977 = arith.constant 0 : i32
      %dma_wait3A_978 = arith.constant 0 : i32
      %dma_wait3A_979 = tpu.memref_slice %arg6[%dma_wait3A_965, %dma_wait3A_977, %dma_wait3A_978] : memref<5x2x128xi32, #tpu.memory_space<vmem>> -> memref<1x2x128xi32, #tpu.memory_space<vmem>>
      %dma_wait3A_980 = tpu.memref_squeeze %dma_wait3A_979 : memref<1x2x128xi32, #tpu.memory_space<vmem>> -> memref<2x128xi32, #tpu.memory_space<vmem>>
      %dma_wait3A_981 = arith.constant 0 : i32
      %dma_wait3A_982 = arith.constant 0 : i32
      %dma_wait3A_983 = tpu.memref_slice %arg3[%add3A_964, %dma_wait3A_981, %dma_wait3A_982] : memref<5120x2x128xi32, #tpu.memory_space<hbm>> -> memref<1x2x128xi32, #tpu.memory_space<hbm>>
      %dma_wait3A_984 = tpu.memref_squeeze %dma_wait3A_983 : memref<1x2x128xi32, #tpu.memory_space<hbm>> -> memref<2x128xi32, #tpu.memory_space<hbm>>
      tpu.wait_dma2 semaphore(%dma_wait3A_976 : memref<!tpu.dma_semaphore, #tpu.memory_space<semaphore_mem>>) src(%dma_wait3A_984 : memref<2x128xi32, #tpu.memory_space<hbm>>) dst(%dma_wait3A_980 : memref<2x128xi32, #tpu.memory_space<vmem>>)
      %dma_start3A_985 = arith.constant 3 : i32
      %dma_start3A_986 = arith.constant 0 : i32
      %dma_start3A_987 = arith.constant 3 : i32
      %dma_start3A_988 = arith.constant 3 : i32
      %dma_start3A_989 = arith.constant 0 : i32
      %dma_start3A_990 = arith.constant 0 : i32
      %dma_start3A_991 = tpu.memref_slice %arg7[%dma_start3A_987, %dma_start3A_989, %dma_start3A_990] : memref<5x128x64xf32, #tpu.memory_space<vmem>> -> memref<1x128x64xf32, #tpu.memory_space<vmem>>
      %dma_start3A_992 = tpu.memref_squeeze %dma_start3A_991 : memref<1x128x64xf32, #tpu.memory_space<vmem>> -> memref<128x64xf32, #tpu.memory_space<vmem>>
      %dma_start3A_993 = arith.constant 0 : i32
      %dma_start3A_994 = tpu.memref_slice %arg6[%dma_start3A_985, %dma_start3A_986, %dma_start3A_993] : memref<5x2x128xi32, #tpu.memory_space<vmem>> -> memref<1x1x128xi32, #tpu.memory_space<vmem>>
      %dma_start3A_995 = tpu.memref_squeeze %dma_start3A_994 : memref<1x1x128xi32, #tpu.memory_space<vmem>> -> memref<128xi32, #tpu.memory_space<vmem>>
      %dma_start3A_996 = arith.constant 0 : i32
      %dma_start3A_997 = arith.constant 0 : i32
      %dma_start3A_998 = tpu.memref_slice %arg2[%arg0, %scan3A, %dma_start3A_996, %dma_start3A_997] : memref<2x1x10112x64xf32, #tpu.memory_space<hbm>> -> memref<1x1x10112x64xf32, #tpu.memory_space<hbm>>
      %dma_start3A_999 = tpu.memref_squeeze %dma_start3A_998 : memref<1x1x10112x64xf32, #tpu.memory_space<hbm>> -> memref<10112x64xf32, #tpu.memory_space<hbm>>
      %dma_start3A_1000 = arith.constant 0 : i32
      %dma_start3A_1001 = arith.constant 0 : i32
      %dma_start3A_1002 = tpu.memref_slice %dma_start3A_999[%dma_start3A_1000, %dma_start3A_1001] : memref<10112x64xf32, #tpu.memory_space<hbm>> -> memref<10112x64xf32, #tpu.memory_space<hbm>>
      %dma_start3A_1003 = tpu.memref_slice %arg10[%dma_start3A_988] : memref<5x!tpu.dma_semaphore, #tpu.memory_space<semaphore_mem>> -> memref<1x!tpu.dma_semaphore, #tpu.memory_space<semaphore_mem>>
      %dma_start3A_1004 = tpu.memref_squeeze %dma_start3A_1003 : memref<1x!tpu.dma_semaphore, #tpu.memory_space<semaphore_mem>> -> memref<!tpu.dma_semaphore, #tpu.memory_space<semaphore_mem>>
      tpu.enqueue_indirect_dma source(%dma_start3A_1002 : memref<10112x64xf32, #tpu.memory_space<hbm>>) target(%dma_start3A_992 : memref<128x64xf32, #tpu.memory_space<vmem>>) offsets(%dma_start3A_995 : memref<128xi32, #tpu.memory_space<vmem>>) semaphore(%dma_start3A_1004 : memref<!tpu.dma_semaphore, #tpu.memory_space<semaphore_mem>>)
      %mul3A_1005 = arith.constant 5 : i32
      %mul3A_1006 = arith.muli %scan3A_618, %mul3A_1005 : i32
      %add3A_1007 = arith.addi %mul3A_2, %mul3A_1006 : i32
      %add3A_1008 = arith.constant 4 : i32
      %add3A_1009 = arith.addi %add3A_1007, %add3A_1008 : i32
      %dma_wait3A_1010 = arith.constant 4 : i32
      %dma_wait3A_1011 = arith.constant 4 : i32
      %dma_wait3A_1012 = arith.constant 0 : i32
      %dma_wait3A_1013 = arith.constant 0 : i32
      %dma_wait3A_1014 = tpu.memref_slice %arg6[%dma_wait3A_1010, %dma_wait3A_1012, %dma_wait3A_1013] : memref<5x2x128xi32, #tpu.memory_space<vmem>> -> memref<1x2x128xi32, #tpu.memory_space<vmem>>
      %dma_wait3A_1015 = tpu.memref_squeeze %dma_wait3A_1014 : memref<1x2x128xi32, #tpu.memory_space<vmem>> -> memref<2x128xi32, #tpu.memory_space<vmem>>
      %dma_wait3A_1016 = arith.constant 0 : i32
      %dma_wait3A_1017 = arith.constant 0 : i32
      %dma_wait3A_1018 = tpu.memref_slice %arg3[%add3A_1009, %dma_wait3A_1016, %dma_wait3A_1017] : memref<5120x2x128xi32, #tpu.memory_space<hbm>> -> memref<1x2x128xi32, #tpu.memory_space<hbm>>
      %dma_wait3A_1019 = tpu.memref_squeeze %dma_wait3A_1018 : memref<1x2x128xi32, #tpu.memory_space<hbm>> -> memref<2x128xi32, #tpu.memory_space<hbm>>
      %dma_wait3A_1020 = tpu.memref_slice %arg9[%dma_wait3A_1011] : memref<5x!tpu.dma_semaphore, #tpu.memory_space<semaphore_mem>> -> memref<1x!tpu.dma_semaphore, #tpu.memory_space<semaphore_mem>>
      %dma_wait3A_1021 = tpu.memref_squeeze %dma_wait3A_1020 : memref<1x!tpu.dma_semaphore, #tpu.memory_space<semaphore_mem>> -> memref<!tpu.dma_semaphore, #tpu.memory_space<semaphore_mem>>
      %dma_wait3A_1022 = arith.constant 0 : i32
      %dma_wait3A_1023 = arith.constant 0 : i32
      %dma_wait3A_1024 = tpu.memref_slice %arg6[%dma_wait3A_1010, %dma_wait3A_1022, %dma_wait3A_1023] : memref<5x2x128xi32, #tpu.memory_space<vmem>> -> memref<1x2x128xi32, #tpu.memory_space<vmem>>
      %dma_wait3A_1025 = tpu.memref_squeeze %dma_wait3A_1024 : memref<1x2x128xi32, #tpu.memory_space<vmem>> -> memref<2x128xi32, #tpu.memory_space<vmem>>
      %dma_wait3A_1026 = arith.constant 0 : i32
      %dma_wait3A_1027 = arith.constant 0 : i32
      %dma_wait3A_1028 = tpu.memref_slice %arg3[%add3A_1009, %dma_wait3A_1026, %dma_wait3A_1027] : memref<5120x2x128xi32, #tpu.memory_space<hbm>> -> memref<1x2x128xi32, #tpu.memory_space<hbm>>
      %dma_wait3A_1029 = tpu.memref_squeeze %dma_wait3A_1028 : memref<1x2x128xi32, #tpu.memory_space<hbm>> -> memref<2x128xi32, #tpu.memory_space<hbm>>
      tpu.wait_dma2 semaphore(%dma_wait3A_1021 : memref<!tpu.dma_semaphore, #tpu.memory_space<semaphore_mem>>) src(%dma_wait3A_1029 : memref<2x128xi32, #tpu.memory_space<hbm>>) dst(%dma_wait3A_1025 : memref<2x128xi32, #tpu.memory_space<vmem>>)
      %dma_start3A_1030 = arith.constant 4 : i32
      %dma_start3A_1031 = arith.constant 0 : i32
      %dma_start3A_1032 = arith.constant 4 : i32
      %dma_start3A_1033 = arith.constant 4 : i32
      %dma_start3A_1034 = arith.constant 0 : i32
      %dma_start3A_1035 = arith.constant 0 : i32
      %dma_start3A_1036 = tpu.memref_slice %arg7[%dma_start3A_1032, %dma_start3A_1034, %dma_start3A_1035] : memref<5x128x64xf32, #tpu.memory_space<vmem>> -> memref<1x128x64xf32, #tpu.memory_space<vmem>>
      %dma_start3A_1037 = tpu.memref_squeeze %dma_start3A_1036 : memref<1x128x64xf32, #tpu.memory_space<vmem>> -> memref<128x64xf32, #tpu.memory_space<vmem>>
      %dma_start3A_1038 = arith.constant 0 : i32
      %dma_start3A_1039 = tpu.memref_slice %arg6[%dma_start3A_1030, %dma_start3A_1031, %dma_start3A_1038] : memref<5x2x128xi32, #tpu.memory_space<vmem>> -> memref<1x1x128xi32, #tpu.memory_space<vmem>>
      %dma_start3A_1040 = tpu.memref_squeeze %dma_start3A_1039 : memref<1x1x128xi32, #tpu.memory_space<vmem>> -> memref<128xi32, #tpu.memory_space<vmem>>
      %dma_start3A_1041 = arith.constant 0 : i32
      %dma_start3A_1042 = arith.constant 0 : i32
      %dma_start3A_1043 = tpu.memref_slice %arg2[%arg0, %scan3A, %dma_start3A_1041, %dma_start3A_1042] : memref<2x1x10112x64xf32, #tpu.memory_space<hbm>> -> memref<1x1x10112x64xf32, #tpu.memory_space<hbm>>
      %dma_start3A_1044 = tpu.memref_squeeze %dma_start3A_1043 : memref<1x1x10112x64xf32, #tpu.memory_space<hbm>> -> memref<10112x64xf32, #tpu.memory_space<hbm>>
      %dma_start3A_1045 = arith.constant 0 : i32
      %dma_start3A_1046 = arith.constant 0 : i32
      %dma_start3A_1047 = tpu.memref_slice %dma_start3A_1044[%dma_start3A_1045, %dma_start3A_1046] : memref<10112x64xf32, #tpu.memory_space<hbm>> -> memref<10112x64xf32, #tpu.memory_space<hbm>>
      %dma_start3A_1048 = tpu.memref_slice %arg10[%dma_start3A_1033] : memref<5x!tpu.dma_semaphore, #tpu.memory_space<semaphore_mem>> -> memref<1x!tpu.dma_semaphore, #tpu.memory_space<semaphore_mem>>
      %dma_start3A_1049 = tpu.memref_squeeze %dma_start3A_1048 : memref<1x!tpu.dma_semaphore, #tpu.memory_space<semaphore_mem>> -> memref<!tpu.dma_semaphore, #tpu.memory_space<semaphore_mem>>
      tpu.enqueue_indirect_dma source(%dma_start3A_1047 : memref<10112x64xf32, #tpu.memory_space<hbm>>) target(%dma_start3A_1037 : memref<128x64xf32, #tpu.memory_space<vmem>>) offsets(%dma_start3A_1040 : memref<128xi32, #tpu.memory_space<vmem>>) semaphore(%dma_start3A_1049 : memref<!tpu.dma_semaphore, #tpu.memory_space<semaphore_mem>>)
      %dma_wait3A_1050 = arith.constant 0 : i32
      %dma_wait3A_1051 = arith.constant 0 : i32
      %dma_wait3A_1052 = arith.constant 0 : i32
      %dma_wait3A_1053 = arith.constant 0 : i32
      %dma_wait3A_1054 = arith.constant 0 : i32
      %dma_wait3A_1055 = arith.constant 0 : i32
      %dma_wait3A_1056 = tpu.memref_slice %arg7[%dma_wait3A_1052, %dma_wait3A_1054, %dma_wait3A_1055] : memref<5x128x64xf32, #tpu.memory_space<vmem>> -> memref<1x128x64xf32, #tpu.memory_space<vmem>>
      %dma_wait3A_1057 = tpu.memref_squeeze %dma_wait3A_1056 : memref<1x128x64xf32, #tpu.memory_space<vmem>> -> memref<128x64xf32, #tpu.memory_space<vmem>>
      %dma_wait3A_1058 = arith.constant 0 : i32
      %dma_wait3A_1059 = tpu.memref_slice %arg6[%dma_wait3A_1050, %dma_wait3A_1051, %dma_wait3A_1058] : memref<5x2x128xi32, #tpu.memory_space<vmem>> -> memref<1x1x128xi32, #tpu.memory_space<vmem>>
      %dma_wait3A_1060 = tpu.memref_squeeze %dma_wait3A_1059 : memref<1x1x128xi32, #tpu.memory_space<vmem>> -> memref<128xi32, #tpu.memory_space<vmem>>
      %dma_wait3A_1061 = arith.constant 0 : i32
      %dma_wait3A_1062 = arith.constant 0 : i32
      %dma_wait3A_1063 = tpu.memref_slice %arg2[%arg0, %scan3A, %dma_wait3A_1061, %dma_wait3A_1062] : memref<2x1x10112x64xf32, #tpu.memory_space<hbm>> -> memref<1x1x10112x64xf32, #tpu.memory_space<hbm>>
      %dma_wait3A_1064 = tpu.memref_squeeze %dma_wait3A_1063 : memref<1x1x10112x64xf32, #tpu.memory_space<hbm>> -> memref<10112x64xf32, #tpu.memory_space<hbm>>
      %dma_wait3A_1065 = arith.constant 0 : i32
      %dma_wait3A_1066 = arith.constant 0 : i32
      %dma_wait3A_1067 = tpu.memref_slice %dma_wait3A_1064[%dma_wait3A_1065, %dma_wait3A_1066] : memref<10112x64xf32, #tpu.memory_space<hbm>> -> memref<10112x64xf32, #tpu.memory_space<hbm>>
      %dma_wait3A_1068 = tpu.memref_slice %arg10[%dma_wait3A_1053] : memref<5x!tpu.dma_semaphore, #tpu.memory_space<semaphore_mem>> -> memref<1x!tpu.dma_semaphore, #tpu.memory_space<semaphore_mem>>
      %dma_wait3A_1069 = tpu.memref_squeeze %dma_wait3A_1068 : memref<1x!tpu.dma_semaphore, #tpu.memory_space<semaphore_mem>> -> memref<!tpu.dma_semaphore, #tpu.memory_space<semaphore_mem>>
      tpu.wait_indirect_dma semaphore(%dma_wait3A_1069 : memref<!tpu.dma_semaphore, #tpu.memory_space<semaphore_mem>>) src(%dma_wait3A_1067 : memref<10112x64xf32, #tpu.memory_space<hbm>>) dst(%dma_wait3A_1057 : memref<128x64xf32, #tpu.memory_space<vmem>>)
      %dma_start3A_1070 = arith.constant 0 : i32
      %dma_start3A_1071 = arith.constant 0 : i32
      %dma_start3A_1072 = arith.constant 1 : i32
      %dma_start3A_1073 = arith.constant 0 : i32
      %dma_start3A_1074 = arith.constant 0 : i32
      %dma_start3A_1075 = arith.constant 0 : i32
      %dma_start3A_1076 = tpu.memref_slice %arg7[%dma_start3A_1070, %dma_start3A_1074, %dma_start3A_1075] : memref<5x128x64xf32, #tpu.memory_space<vmem>> -> memref<1x128x64xf32, #tpu.memory_space<vmem>>
      %dma_start3A_1077 = tpu.memref_squeeze %dma_start3A_1076 : memref<1x128x64xf32, #tpu.memory_space<vmem>> -> memref<128x64xf32, #tpu.memory_space<vmem>>
      %dma_start3A_1078 = arith.constant 0 : i32
      %dma_start3A_1079 = tpu.memref_slice %arg6[%dma_start3A_1071, %dma_start3A_1072, %dma_start3A_1078] : memref<5x2x128xi32, #tpu.memory_space<vmem>> -> memref<1x1x128xi32, #tpu.memory_space<vmem>>
      %dma_start3A_1080 = tpu.memref_squeeze %dma_start3A_1079 : memref<1x1x128xi32, #tpu.memory_space<vmem>> -> memref<128xi32, #tpu.memory_space<vmem>>
      %dma_start3A_1081 = arith.constant 0 : i32
      %dma_start3A_1082 = arith.constant 0 : i32
      %dma_start3A_1083 = tpu.memref_slice %arg8[%dma_start3A_1081, %dma_start3A_1082] : memref<10112x64xf32, #tpu.memory_space<vmem_shared>> -> memref<10112x64xf32, #tpu.memory_space<vmem_shared>>
      %dma_start3A_1084 = tpu.memref_slice %arg11[%dma_start3A_1073] : memref<5x!tpu.dma_semaphore, #tpu.memory_space<semaphore_mem>> -> memref<1x!tpu.dma_semaphore, #tpu.memory_space<semaphore_mem>>
      %dma_start3A_1085 = tpu.memref_squeeze %dma_start3A_1084 : memref<1x!tpu.dma_semaphore, #tpu.memory_space<semaphore_mem>> -> memref<!tpu.dma_semaphore, #tpu.memory_space<semaphore_mem>>
      tpu.enqueue_indirect_dma source(%dma_start3A_1077 : memref<128x64xf32, #tpu.memory_space<vmem>>) target(%dma_start3A_1083 : memref<10112x64xf32, #tpu.memory_space<vmem_shared>>) offsets(%dma_start3A_1080 : memref<128xi32, #tpu.memory_space<vmem>>) semaphore(%dma_start3A_1085 : memref<!tpu.dma_semaphore, #tpu.memory_space<semaphore_mem>>) {add = true}
      %dma_wait3A_1086 = arith.constant 1 : i32
      %dma_wait3A_1087 = arith.constant 0 : i32
      %dma_wait3A_1088 = arith.constant 1 : i32
      %dma_wait3A_1089 = arith.constant 1 : i32
      %dma_wait3A_1090 = arith.constant 0 : i32
      %dma_wait3A_1091 = arith.constant 0 : i32
      %dma_wait3A_1092 = tpu.memref_slice %arg7[%dma_wait3A_1088, %dma_wait3A_1090, %dma_wait3A_1091] : memref<5x128x64xf32, #tpu.memory_space<vmem>> -> memref<1x128x64xf32, #tpu.memory_space<vmem>>
      %dma_wait3A_1093 = tpu.memref_squeeze %dma_wait3A_1092 : memref<1x128x64xf32, #tpu.memory_space<vmem>> -> memref<128x64xf32, #tpu.memory_space<vmem>>
      %dma_wait3A_1094 = arith.constant 0 : i32
      %dma_wait3A_1095 = tpu.memref_slice %arg6[%dma_wait3A_1086, %dma_wait3A_1087, %dma_wait3A_1094] : memref<5x2x128xi32, #tpu.memory_space<vmem>> -> memref<1x1x128xi32, #tpu.memory_space<vmem>>
      %dma_wait3A_1096 = tpu.memref_squeeze %dma_wait3A_1095 : memref<1x1x128xi32, #tpu.memory_space<vmem>> -> memref<128xi32, #tpu.memory_space<vmem>>
      %dma_wait3A_1097 = arith.constant 0 : i32
      %dma_wait3A_1098 = arith.constant 0 : i32
      %dma_wait3A_1099 = tpu.memref_slice %arg2[%arg0, %scan3A, %dma_wait3A_1097, %dma_wait3A_1098] : memref<2x1x10112x64xf32, #tpu.memory_space<hbm>> -> memref<1x1x10112x64xf32, #tpu.memory_space<hbm>>
      %dma_wait3A_1100 = tpu.memref_squeeze %dma_wait3A_1099 : memref<1x1x10112x64xf32, #tpu.memory_space<hbm>> -> memref<10112x64xf32, #tpu.memory_space<hbm>>
      %dma_wait3A_1101 = arith.constant 0 : i32
      %dma_wait3A_1102 = arith.constant 0 : i32
      %dma_wait3A_1103 = tpu.memref_slice %dma_wait3A_1100[%dma_wait3A_1101, %dma_wait3A_1102] : memref<10112x64xf32, #tpu.memory_space<hbm>> -> memref<10112x64xf32, #tpu.memory_space<hbm>>
      %dma_wait3A_1104 = tpu.memref_slice %arg10[%dma_wait3A_1089] : memref<5x!tpu.dma_semaphore, #tpu.memory_space<semaphore_mem>> -> memref<1x!tpu.dma_semaphore, #tpu.memory_space<semaphore_mem>>
      %dma_wait3A_1105 = tpu.memref_squeeze %dma_wait3A_1104 : memref<1x!tpu.dma_semaphore, #tpu.memory_space<semaphore_mem>> -> memref<!tpu.dma_semaphore, #tpu.memory_space<semaphore_mem>>
      tpu.wait_indirect_dma semaphore(%dma_wait3A_1105 : memref<!tpu.dma_semaphore, #tpu.memory_space<semaphore_mem>>) src(%dma_wait3A_1103 : memref<10112x64xf32, #tpu.memory_space<hbm>>) dst(%dma_wait3A_1093 : memref<128x64xf32, #tpu.memory_space<vmem>>)
      %dma_start3A_1106 = arith.constant 1 : i32
      %dma_start3A_1107 = arith.constant 1 : i32
      %dma_start3A_1108 = arith.constant 1 : i32
      %dma_start3A_1109 = arith.constant 1 : i32
      %dma_start3A_1110 = arith.constant 0 : i32
      %dma_start3A_1111 = arith.constant 0 : i32
      %dma_start3A_1112 = tpu.memref_slice %arg7[%dma_start3A_1106, %dma_start3A_1110, %dma_start3A_1111] : memref<5x128x64xf32, #tpu.memory_space<vmem>> -> memref<1x128x64xf32, #tpu.memory_space<vmem>>
      %dma_start3A_1113 = tpu.memref_squeeze %dma_start3A_1112 : memref<1x128x64xf32, #tpu.memory_space<vmem>> -> memref<128x64xf32, #tpu.memory_space<vmem>>
      %dma_start3A_1114 = arith.constant 0 : i32
      %dma_start3A_1115 = tpu.memref_slice %arg6[%dma_start3A_1107, %dma_start3A_1108, %dma_start3A_1114] : memref<5x2x128xi32, #tpu.memory_space<vmem>> -> memref<1x1x128xi32, #tpu.memory_space<vmem>>
      %dma_start3A_1116 = tpu.memref_squeeze %dma_start3A_1115 : memref<1x1x128xi32, #tpu.memory_space<vmem>> -> memref<128xi32, #tpu.memory_space<vmem>>
      %dma_start3A_1117 = arith.constant 0 : i32
      %dma_start3A_1118 = arith.constant 0 : i32
      %dma_start3A_1119 = tpu.memref_slice %arg8[%dma_start3A_1117, %dma_start3A_1118] : memref<10112x64xf32, #tpu.memory_space<vmem_shared>> -> memref<10112x64xf32, #tpu.memory_space<vmem_shared>>
      %dma_start3A_1120 = tpu.memref_slice %arg11[%dma_start3A_1109] : memref<5x!tpu.dma_semaphore, #tpu.memory_space<semaphore_mem>> -> memref<1x!tpu.dma_semaphore, #tpu.memory_space<semaphore_mem>>
      %dma_start3A_1121 = tpu.memref_squeeze %dma_start3A_1120 : memref<1x!tpu.dma_semaphore, #tpu.memory_space<semaphore_mem>> -> memref<!tpu.dma_semaphore, #tpu.memory_space<semaphore_mem>>
      tpu.enqueue_indirect_dma source(%dma_start3A_1113 : memref<128x64xf32, #tpu.memory_space<vmem>>) target(%dma_start3A_1119 : memref<10112x64xf32, #tpu.memory_space<vmem_shared>>) offsets(%dma_start3A_1116 : memref<128xi32, #tpu.memory_space<vmem>>) semaphore(%dma_start3A_1121 : memref<!tpu.dma_semaphore, #tpu.memory_space<semaphore_mem>>) {add = true}
      %dma_wait3A_1122 = arith.constant 2 : i32
      %dma_wait3A_1123 = arith.constant 0 : i32
      %dma_wait3A_1124 = arith.constant 2 : i32
      %dma_wait3A_1125 = arith.constant 2 : i32
      %dma_wait3A_1126 = arith.constant 0 : i32
      %dma_wait3A_1127 = arith.constant 0 : i32
      %dma_wait3A_1128 = tpu.memref_slice %arg7[%dma_wait3A_1124, %dma_wait3A_1126, %dma_wait3A_1127] : memref<5x128x64xf32, #tpu.memory_space<vmem>> -> memref<1x128x64xf32, #tpu.memory_space<vmem>>
      %dma_wait3A_1129 = tpu.memref_squeeze %dma_wait3A_1128 : memref<1x128x64xf32, #tpu.memory_space<vmem>> -> memref<128x64xf32, #tpu.memory_space<vmem>>
      %dma_wait3A_1130 = arith.constant 0 : i32
      %dma_wait3A_1131 = tpu.memref_slice %arg6[%dma_wait3A_1122, %dma_wait3A_1123, %dma_wait3A_1130] : memref<5x2x128xi32, #tpu.memory_space<vmem>> -> memref<1x1x128xi32, #tpu.memory_space<vmem>>
      %dma_wait3A_1132 = tpu.memref_squeeze %dma_wait3A_1131 : memref<1x1x128xi32, #tpu.memory_space<vmem>> -> memref<128xi32, #tpu.memory_space<vmem>>
      %dma_wait3A_1133 = arith.constant 0 : i32
      %dma_wait3A_1134 = arith.constant 0 : i32
      %dma_wait3A_1135 = tpu.memref_slice %arg2[%arg0, %scan3A, %dma_wait3A_1133, %dma_wait3A_1134] : memref<2x1x10112x64xf32, #tpu.memory_space<hbm>> -> memref<1x1x10112x64xf32, #tpu.memory_space<hbm>>
      %dma_wait3A_1136 = tpu.memref_squeeze %dma_wait3A_1135 : memref<1x1x10112x64xf32, #tpu.memory_space<hbm>> -> memref<10112x64xf32, #tpu.memory_space<hbm>>
      %dma_wait3A_1137 = arith.constant 0 : i32
      %dma_wait3A_1138 = arith.constant 0 : i32
      %dma_wait3A_1139 = tpu.memref_slice %dma_wait3A_1136[%dma_wait3A_1137, %dma_wait3A_1138] : memref<10112x64xf32, #tpu.memory_space<hbm>> -> memref<10112x64xf32, #tpu.memory_space<hbm>>
      %dma_wait3A_1140 = tpu.memref_slice %arg10[%dma_wait3A_1125] : memref<5x!tpu.dma_semaphore, #tpu.memory_space<semaphore_mem>> -> memref<1x!tpu.dma_semaphore, #tpu.memory_space<semaphore_mem>>
      %dma_wait3A_1141 = tpu.memref_squeeze %dma_wait3A_1140 : memref<1x!tpu.dma_semaphore, #tpu.memory_space<semaphore_mem>> -> memref<!tpu.dma_semaphore, #tpu.memory_space<semaphore_mem>>
      tpu.wait_indirect_dma semaphore(%dma_wait3A_1141 : memref<!tpu.dma_semaphore, #tpu.memory_space<semaphore_mem>>) src(%dma_wait3A_1139 : memref<10112x64xf32, #tpu.memory_space<hbm>>) dst(%dma_wait3A_1129 : memref<128x64xf32, #tpu.memory_space<vmem>>)
      %dma_start3A_1142 = arith.constant 2 : i32
      %dma_start3A_1143 = arith.constant 2 : i32
      %dma_start3A_1144 = arith.constant 1 : i32
      %dma_start3A_1145 = arith.constant 2 : i32
      %dma_start3A_1146 = arith.constant 0 : i32
      %dma_start3A_1147 = arith.constant 0 : i32
      %dma_start3A_1148 = tpu.memref_slice %arg7[%dma_start3A_1142, %dma_start3A_1146, %dma_start3A_1147] : memref<5x128x64xf32, #tpu.memory_space<vmem>> -> memref<1x128x64xf32, #tpu.memory_space<vmem>>
      %dma_start3A_1149 = tpu.memref_squeeze %dma_start3A_1148 : memref<1x128x64xf32, #tpu.memory_space<vmem>> -> memref<128x64xf32, #tpu.memory_space<vmem>>
      %dma_start3A_1150 = arith.constant 0 : i32
      %dma_start3A_1151 = tpu.memref_slice %arg6[%dma_start3A_1143, %dma_start3A_1144, %dma_start3A_1150] : memref<5x2x128xi32, #tpu.memory_space<vmem>> -> memref<1x1x128xi32, #tpu.memory_space<vmem>>
      %dma_start3A_1152 = tpu.memref_squeeze %dma_start3A_1151 : memref<1x1x128xi32, #tpu.memory_space<vmem>> -> memref<128xi32, #tpu.memory_space<vmem>>
      %dma_start3A_1153 = arith.constant 0 : i32
      %dma_start3A_1154 = arith.constant 0 : i32
      %dma_start3A_1155 = tpu.memref_slice %arg8[%dma_start3A_1153, %dma_start3A_1154] : memref<10112x64xf32, #tpu.memory_space<vmem_shared>> -> memref<10112x64xf32, #tpu.memory_space<vmem_shared>>
      %dma_start3A_1156 = tpu.memref_slice %arg11[%dma_start3A_1145] : memref<5x!tpu.dma_semaphore, #tpu.memory_space<semaphore_mem>> -> memref<1x!tpu.dma_semaphore, #tpu.memory_space<semaphore_mem>>
      %dma_start3A_1157 = tpu.memref_squeeze %dma_start3A_1156 : memref<1x!tpu.dma_semaphore, #tpu.memory_space<semaphore_mem>> -> memref<!tpu.dma_semaphore, #tpu.memory_space<semaphore_mem>>
      tpu.enqueue_indirect_dma source(%dma_start3A_1149 : memref<128x64xf32, #tpu.memory_space<vmem>>) target(%dma_start3A_1155 : memref<10112x64xf32, #tpu.memory_space<vmem_shared>>) offsets(%dma_start3A_1152 : memref<128xi32, #tpu.memory_space<vmem>>) semaphore(%dma_start3A_1157 : memref<!tpu.dma_semaphore, #tpu.memory_space<semaphore_mem>>) {add = true}
      %dma_wait3A_1158 = arith.constant 3 : i32
      %dma_wait3A_1159 = arith.constant 0 : i32
      %dma_wait3A_1160 = arith.constant 3 : i32
      %dma_wait3A_1161 = arith.constant 3 : i32
      %dma_wait3A_1162 = arith.constant 0 : i32
      %dma_wait3A_1163 = arith.constant 0 : i32
      %dma_wait3A_1164 = tpu.memref_slice %arg7[%dma_wait3A_1160, %dma_wait3A_1162, %dma_wait3A_1163] : memref<5x128x64xf32, #tpu.memory_space<vmem>> -> memref<1x128x64xf32, #tpu.memory_space<vmem>>
      %dma_wait3A_1165 = tpu.memref_squeeze %dma_wait3A_1164 : memref<1x128x64xf32, #tpu.memory_space<vmem>> -> memref<128x64xf32, #tpu.memory_space<vmem>>
      %dma_wait3A_1166 = arith.constant 0 : i32
      %dma_wait3A_1167 = tpu.memref_slice %arg6[%dma_wait3A_1158, %dma_wait3A_1159, %dma_wait3A_1166] : memref<5x2x128xi32, #tpu.memory_space<vmem>> -> memref<1x1x128xi32, #tpu.memory_space<vmem>>
      %dma_wait3A_1168 = tpu.memref_squeeze %dma_wait3A_1167 : memref<1x1x128xi32, #tpu.memory_space<vmem>> -> memref<128xi32, #tpu.memory_space<vmem>>
      %dma_wait3A_1169 = arith.constant 0 : i32
      %dma_wait3A_1170 = arith.constant 0 : i32
      %dma_wait3A_1171 = tpu.memref_slice %arg2[%arg0, %scan3A, %dma_wait3A_1169, %dma_wait3A_1170] : memref<2x1x10112x64xf32, #tpu.memory_space<hbm>> -> memref<1x1x10112x64xf32, #tpu.memory_space<hbm>>
      %dma_wait3A_1172 = tpu.memref_squeeze %dma_wait3A_1171 : memref<1x1x10112x64xf32, #tpu.memory_space<hbm>> -> memref<10112x64xf32, #tpu.memory_space<hbm>>
      %dma_wait3A_1173 = arith.constant 0 : i32
      %dma_wait3A_1174 = arith.constant 0 : i32
      %dma_wait3A_1175 = tpu.memref_slice %dma_wait3A_1172[%dma_wait3A_1173, %dma_wait3A_1174] : memref<10112x64xf32, #tpu.memory_space<hbm>> -> memref<10112x64xf32, #tpu.memory_space<hbm>>
      %dma_wait3A_1176 = tpu.memref_slice %arg10[%dma_wait3A_1161] : memref<5x!tpu.dma_semaphore, #tpu.memory_space<semaphore_mem>> -> memref<1x!tpu.dma_semaphore, #tpu.memory_space<semaphore_mem>>
      %dma_wait3A_1177 = tpu.memref_squeeze %dma_wait3A_1176 : memref<1x!tpu.dma_semaphore, #tpu.memory_space<semaphore_mem>> -> memref<!tpu.dma_semaphore, #tpu.memory_space<semaphore_mem>>
      tpu.wait_indirect_dma semaphore(%dma_wait3A_1177 : memref<!tpu.dma_semaphore, #tpu.memory_space<semaphore_mem>>) src(%dma_wait3A_1175 : memref<10112x64xf32, #tpu.memory_space<hbm>>) dst(%dma_wait3A_1165 : memref<128x64xf32, #tpu.memory_space<vmem>>)
      %dma_start3A_1178 = arith.constant 3 : i32
      %dma_start3A_1179 = arith.constant 3 : i32
      %dma_start3A_1180 = arith.constant 1 : i32
      %dma_start3A_1181 = arith.constant 3 : i32
      %dma_start3A_1182 = arith.constant 0 : i32
      %dma_start3A_1183 = arith.constant 0 : i32
      %dma_start3A_1184 = tpu.memref_slice %arg7[%dma_start3A_1178, %dma_start3A_1182, %dma_start3A_1183] : memref<5x128x64xf32, #tpu.memory_space<vmem>> -> memref<1x128x64xf32, #tpu.memory_space<vmem>>
      %dma_start3A_1185 = tpu.memref_squeeze %dma_start3A_1184 : memref<1x128x64xf32, #tpu.memory_space<vmem>> -> memref<128x64xf32, #tpu.memory_space<vmem>>
      %dma_start3A_1186 = arith.constant 0 : i32
      %dma_start3A_1187 = tpu.memref_slice %arg6[%dma_start3A_1179, %dma_start3A_1180, %dma_start3A_1186] : memref<5x2x128xi32, #tpu.memory_space<vmem>> -> memref<1x1x128xi32, #tpu.memory_space<vmem>>
      %dma_start3A_1188 = tpu.memref_squeeze %dma_start3A_1187 : memref<1x1x128xi32, #tpu.memory_space<vmem>> -> memref<128xi32, #tpu.memory_space<vmem>>
      %dma_start3A_1189 = arith.constant 0 : i32
      %dma_start3A_1190 = arith.constant 0 : i32
      %dma_start3A_1191 = tpu.memref_slice %arg8[%dma_start3A_1189, %dma_start3A_1190] : memref<10112x64xf32, #tpu.memory_space<vmem_shared>> -> memref<10112x64xf32, #tpu.memory_space<vmem_shared>>
      %dma_start3A_1192 = tpu.memref_slice %arg11[%dma_start3A_1181] : memref<5x!tpu.dma_semaphore, #tpu.memory_space<semaphore_mem>> -> memref<1x!tpu.dma_semaphore, #tpu.memory_space<semaphore_mem>>
      %dma_start3A_1193 = tpu.memref_squeeze %dma_start3A_1192 : memref<1x!tpu.dma_semaphore, #tpu.memory_space<semaphore_mem>> -> memref<!tpu.dma_semaphore, #tpu.memory_space<semaphore_mem>>
      tpu.enqueue_indirect_dma source(%dma_start3A_1185 : memref<128x64xf32, #tpu.memory_space<vmem>>) target(%dma_start3A_1191 : memref<10112x64xf32, #tpu.memory_space<vmem_shared>>) offsets(%dma_start3A_1188 : memref<128xi32, #tpu.memory_space<vmem>>) semaphore(%dma_start3A_1193 : memref<!tpu.dma_semaphore, #tpu.memory_space<semaphore_mem>>) {add = true}
      %dma_wait3A_1194 = arith.constant 4 : i32
      %dma_wait3A_1195 = arith.constant 0 : i32
      %dma_wait3A_1196 = arith.constant 4 : i32
      %dma_wait3A_1197 = arith.constant 4 : i32
      %dma_wait3A_1198 = arith.constant 0 : i32
      %dma_wait3A_1199 = arith.constant 0 : i32
      %dma_wait3A_1200 = tpu.memref_slice %arg7[%dma_wait3A_1196, %dma_wait3A_1198, %dma_wait3A_1199] : memref<5x128x64xf32, #tpu.memory_space<vmem>> -> memref<1x128x64xf32, #tpu.memory_space<vmem>>
      %dma_wait3A_1201 = tpu.memref_squeeze %dma_wait3A_1200 : memref<1x128x64xf32, #tpu.memory_space<vmem>> -> memref<128x64xf32, #tpu.memory_space<vmem>>
      %dma_wait3A_1202 = arith.constant 0 : i32
      %dma_wait3A_1203 = tpu.memref_slice %arg6[%dma_wait3A_1194, %dma_wait3A_1195, %dma_wait3A_1202] : memref<5x2x128xi32, #tpu.memory_space<vmem>> -> memref<1x1x128xi32, #tpu.memory_space<vmem>>
      %dma_wait3A_1204 = tpu.memref_squeeze %dma_wait3A_1203 : memref<1x1x128xi32, #tpu.memory_space<vmem>> -> memref<128xi32, #tpu.memory_space<vmem>>
      %dma_wait3A_1205 = arith.constant 0 : i32
      %dma_wait3A_1206 = arith.constant 0 : i32
      %dma_wait3A_1207 = tpu.memref_slice %arg2[%arg0, %scan3A, %dma_wait3A_1205, %dma_wait3A_1206] : memref<2x1x10112x64xf32, #tpu.memory_space<hbm>> -> memref<1x1x10112x64xf32, #tpu.memory_space<hbm>>
      %dma_wait3A_1208 = tpu.memref_squeeze %dma_wait3A_1207 : memref<1x1x10112x64xf32, #tpu.memory_space<hbm>> -> memref<10112x64xf32, #tpu.memory_space<hbm>>
      %dma_wait3A_1209 = arith.constant 0 : i32
      %dma_wait3A_1210 = arith.constant 0 : i32
      %dma_wait3A_1211 = tpu.memref_slice %dma_wait3A_1208[%dma_wait3A_1209, %dma_wait3A_1210] : memref<10112x64xf32, #tpu.memory_space<hbm>> -> memref<10112x64xf32, #tpu.memory_space<hbm>>
      %dma_wait3A_1212 = tpu.memref_slice %arg10[%dma_wait3A_1197] : memref<5x!tpu.dma_semaphore, #tpu.memory_space<semaphore_mem>> -> memref<1x!tpu.dma_semaphore, #tpu.memory_space<semaphore_mem>>
      %dma_wait3A_1213 = tpu.memref_squeeze %dma_wait3A_1212 : memref<1x!tpu.dma_semaphore, #tpu.memory_space<semaphore_mem>> -> memref<!tpu.dma_semaphore, #tpu.memory_space<semaphore_mem>>
      tpu.wait_indirect_dma semaphore(%dma_wait3A_1213 : memref<!tpu.dma_semaphore, #tpu.memory_space<semaphore_mem>>) src(%dma_wait3A_1211 : memref<10112x64xf32, #tpu.memory_space<hbm>>) dst(%dma_wait3A_1201 : memref<128x64xf32, #tpu.memory_space<vmem>>)
      %dma_start3A_1214 = arith.constant 4 : i32
      %dma_start3A_1215 = arith.constant 4 : i32
      %dma_start3A_1216 = arith.constant 1 : i32
      %dma_start3A_1217 = arith.constant 4 : i32
      %dma_start3A_1218 = arith.constant 0 : i32
      %dma_start3A_1219 = arith.constant 0 : i32
      %dma_start3A_1220 = tpu.memref_slice %arg7[%dma_start3A_1214, %dma_start3A_1218, %dma_start3A_1219] : memref<5x128x64xf32, #tpu.memory_space<vmem>> -> memref<1x128x64xf32, #tpu.memory_space<vmem>>
      %dma_start3A_1221 = tpu.memref_squeeze %dma_start3A_1220 : memref<1x128x64xf32, #tpu.memory_space<vmem>> -> memref<128x64xf32, #tpu.memory_space<vmem>>
      %dma_start3A_1222 = arith.constant 0 : i32
      %dma_start3A_1223 = tpu.memref_slice %arg6[%dma_start3A_1215, %dma_start3A_1216, %dma_start3A_1222] : memref<5x2x128xi32, #tpu.memory_space<vmem>> -> memref<1x1x128xi32, #tpu.memory_space<vmem>>
      %dma_start3A_1224 = tpu.memref_squeeze %dma_start3A_1223 : memref<1x1x128xi32, #tpu.memory_space<vmem>> -> memref<128xi32, #tpu.memory_space<vmem>>
      %dma_start3A_1225 = arith.constant 0 : i32
      %dma_start3A_1226 = arith.constant 0 : i32
      %dma_start3A_1227 = tpu.memref_slice %arg8[%dma_start3A_1225, %dma_start3A_1226] : memref<10112x64xf32, #tpu.memory_space<vmem_shared>> -> memref<10112x64xf32, #tpu.memory_space<vmem_shared>>
      %dma_start3A_1228 = tpu.memref_slice %arg11[%dma_start3A_1217] : memref<5x!tpu.dma_semaphore, #tpu.memory_space<semaphore_mem>> -> memref<1x!tpu.dma_semaphore, #tpu.memory_space<semaphore_mem>>
      %dma_start3A_1229 = tpu.memref_squeeze %dma_start3A_1228 : memref<1x!tpu.dma_semaphore, #tpu.memory_space<semaphore_mem>> -> memref<!tpu.dma_semaphore, #tpu.memory_space<semaphore_mem>>
      tpu.enqueue_indirect_dma source(%dma_start3A_1221 : memref<128x64xf32, #tpu.memory_space<vmem>>) target(%dma_start3A_1227 : memref<10112x64xf32, #tpu.memory_space<vmem_shared>>) offsets(%dma_start3A_1224 : memref<128xi32, #tpu.memory_space<vmem>>) semaphore(%dma_start3A_1229 : memref<!tpu.dma_semaphore, #tpu.memory_space<semaphore_mem>>) {add = true}
      %scan3A_1230 = arith.constant 0 : i32
      scf.yield %scan3A_1230 : i32
    }
    %scan3A_536 = arith.constant 63 : i32
    %dma_wait3A_537 = arith.constant 0 : i32
    %dma_wait3A_538 = arith.constant 0 : i32
    %dma_wait3A_539 = arith.constant 1 : i32
    %dma_wait3A_540 = arith.constant 0 : i32
    %dma_wait3A_541 = arith.constant 0 : i32
    %dma_wait3A_542 = arith.constant 0 : i32
    %dma_wait3A_543 = tpu.memref_slice %arg7[%dma_wait3A_537, %dma_wait3A_541, %dma_wait3A_542] : memref<5x128x64xf32, #tpu.memory_space<vmem>> -> memref<1x128x64xf32, #tpu.memory_space<vmem>>
    %dma_wait3A_544 = tpu.memref_squeeze %dma_wait3A_543 : memref<1x128x64xf32, #tpu.memory_space<vmem>> -> memref<128x64xf32, #tpu.memory_space<vmem>>
    %dma_wait3A_545 = arith.constant 0 : i32
    %dma_wait3A_546 = tpu.memref_slice %arg6[%dma_wait3A_538, %dma_wait3A_539, %dma_wait3A_545] : memref<5x2x128xi32, #tpu.memory_space<vmem>> -> memref<1x1x128xi32, #tpu.memory_space<vmem>>
    %dma_wait3A_547 = tpu.memref_squeeze %dma_wait3A_546 : memref<1x1x128xi32, #tpu.memory_space<vmem>> -> memref<128xi32, #tpu.memory_space<vmem>>
    %dma_wait3A_548 = arith.constant 0 : i32
    %dma_wait3A_549 = arith.constant 0 : i32
    %dma_wait3A_550 = tpu.memref_slice %arg8[%dma_wait3A_548, %dma_wait3A_549] : memref<10112x64xf32, #tpu.memory_space<vmem_shared>> -> memref<10112x64xf32, #tpu.memory_space<vmem_shared>>
    %dma_wait3A_551 = tpu.memref_slice %arg11[%dma_wait3A_540] : memref<5x!tpu.dma_semaphore, #tpu.memory_space<semaphore_mem>> -> memref<1x!tpu.dma_semaphore, #tpu.memory_space<semaphore_mem>>
    %dma_wait3A_552 = tpu.memref_squeeze %dma_wait3A_551 : memref<1x!tpu.dma_semaphore, #tpu.memory_space<semaphore_mem>> -> memref<!tpu.dma_semaphore, #tpu.memory_space<semaphore_mem>>
    tpu.wait_indirect_dma semaphore(%dma_wait3A_552 : memref<!tpu.dma_semaphore, #tpu.memory_space<semaphore_mem>>) src(%dma_wait3A_544 : memref<128x64xf32, #tpu.memory_space<vmem>>) dst(%dma_wait3A_550 : memref<10112x64xf32, #tpu.memory_space<vmem_shared>>)
    %dma_wait3A_553 = arith.constant 1 : i32
    %dma_wait3A_554 = arith.constant 1 : i32
    %dma_wait3A_555 = arith.constant 1 : i32
    %dma_wait3A_556 = arith.constant 1 : i32
    %dma_wait3A_557 = arith.constant 0 : i32
    %dma_wait3A_558 = arith.constant 0 : i32
    %dma_wait3A_559 = tpu.memref_slice %arg7[%dma_wait3A_553, %dma_wait3A_557, %dma_wait3A_558] : memref<5x128x64xf32, #tpu.memory_space<vmem>> -> memref<1x128x64xf32, #tpu.memory_space<vmem>>
    %dma_wait3A_560 = tpu.memref_squeeze %dma_wait3A_559 : memref<1x128x64xf32, #tpu.memory_space<vmem>> -> memref<128x64xf32, #tpu.memory_space<vmem>>
    %dma_wait3A_561 = arith.constant 0 : i32
    %dma_wait3A_562 = tpu.memref_slice %arg6[%dma_wait3A_554, %dma_wait3A_555, %dma_wait3A_561] : memref<5x2x128xi32, #tpu.memory_space<vmem>> -> memref<1x1x128xi32, #tpu.memory_space<vmem>>
    %dma_wait3A_563 = tpu.memref_squeeze %dma_wait3A_562 : memref<1x1x128xi32, #tpu.memory_space<vmem>> -> memref<128xi32, #tpu.memory_space<vmem>>
    %dma_wait3A_564 = arith.constant 0 : i32
    %dma_wait3A_565 = arith.constant 0 : i32
    %dma_wait3A_566 = tpu.memref_slice %arg8[%dma_wait3A_564, %dma_wait3A_565] : memref<10112x64xf32, #tpu.memory_space<vmem_shared>> -> memref<10112x64xf32, #tpu.memory_space<vmem_shared>>
    %dma_wait3A_567 = tpu.memref_slice %arg11[%dma_wait3A_556] : memref<5x!tpu.dma_semaphore, #tpu.memory_space<semaphore_mem>> -> memref<1x!tpu.dma_semaphore, #tpu.memory_space<semaphore_mem>>
    %dma_wait3A_568 = tpu.memref_squeeze %dma_wait3A_567 : memref<1x!tpu.dma_semaphore, #tpu.memory_space<semaphore_mem>> -> memref<!tpu.dma_semaphore, #tpu.memory_space<semaphore_mem>>
    tpu.wait_indirect_dma semaphore(%dma_wait3A_568 : memref<!tpu.dma_semaphore, #tpu.memory_space<semaphore_mem>>) src(%dma_wait3A_560 : memref<128x64xf32, #tpu.memory_space<vmem>>) dst(%dma_wait3A_566 : memref<10112x64xf32, #tpu.memory_space<vmem_shared>>)
    %dma_wait3A_569 = arith.constant 2 : i32
    %dma_wait3A_570 = arith.constant 2 : i32
    %dma_wait3A_571 = arith.constant 1 : i32
    %dma_wait3A_572 = arith.constant 2 : i32
    %dma_wait3A_573 = arith.constant 0 : i32
    %dma_wait3A_574 = arith.constant 0 : i32
    %dma_wait3A_575 = tpu.memref_slice %arg7[%dma_wait3A_569, %dma_wait3A_573, %dma_wait3A_574] : memref<5x128x64xf32, #tpu.memory_space<vmem>> -> memref<1x128x64xf32, #tpu.memory_space<vmem>>
    %dma_wait3A_576 = tpu.memref_squeeze %dma_wait3A_575 : memref<1x128x64xf32, #tpu.memory_space<vmem>> -> memref<128x64xf32, #tpu.memory_space<vmem>>
    %dma_wait3A_577 = arith.constant 0 : i32
    %dma_wait3A_578 = tpu.memref_slice %arg6[%dma_wait3A_570, %dma_wait3A_571, %dma_wait3A_577] : memref<5x2x128xi32, #tpu.memory_space<vmem>> -> memref<1x1x128xi32, #tpu.memory_space<vmem>>
    %dma_wait3A_579 = tpu.memref_squeeze %dma_wait3A_578 : memref<1x1x128xi32, #tpu.memory_space<vmem>> -> memref<128xi32, #tpu.memory_space<vmem>>
    %dma_wait3A_580 = arith.constant 0 : i32
    %dma_wait3A_581 = arith.constant 0 : i32
    %dma_wait3A_582 = tpu.memref_slice %arg8[%dma_wait3A_580, %dma_wait3A_581] : memref<10112x64xf32, #tpu.memory_space<vmem_shared>> -> memref<10112x64xf32, #tpu.memory_space<vmem_shared>>
    %dma_wait3A_583 = tpu.memref_slice %arg11[%dma_wait3A_572] : memref<5x!tpu.dma_semaphore, #tpu.memory_space<semaphore_mem>> -> memref<1x!tpu.dma_semaphore, #tpu.memory_space<semaphore_mem>>
    %dma_wait3A_584 = tpu.memref_squeeze %dma_wait3A_583 : memref<1x!tpu.dma_semaphore, #tpu.memory_space<semaphore_mem>> -> memref<!tpu.dma_semaphore, #tpu.memory_space<semaphore_mem>>
    tpu.wait_indirect_dma semaphore(%dma_wait3A_584 : memref<!tpu.dma_semaphore, #tpu.memory_space<semaphore_mem>>) src(%dma_wait3A_576 : memref<128x64xf32, #tpu.memory_space<vmem>>) dst(%dma_wait3A_582 : memref<10112x64xf32, #tpu.memory_space<vmem_shared>>)
    %dma_wait3A_585 = arith.constant 3 : i32
    %dma_wait3A_586 = arith.constant 3 : i32
    %dma_wait3A_587 = arith.constant 1 : i32
    %dma_wait3A_588 = arith.constant 3 : i32
    %dma_wait3A_589 = arith.constant 0 : i32
    %dma_wait3A_590 = arith.constant 0 : i32
    %dma_wait3A_591 = tpu.memref_slice %arg7[%dma_wait3A_585, %dma_wait3A_589, %dma_wait3A_590] : memref<5x128x64xf32, #tpu.memory_space<vmem>> -> memref<1x128x64xf32, #tpu.memory_space<vmem>>
    %dma_wait3A_592 = tpu.memref_squeeze %dma_wait3A_591 : memref<1x128x64xf32, #tpu.memory_space<vmem>> -> memref<128x64xf32, #tpu.memory_space<vmem>>
    %dma_wait3A_593 = arith.constant 0 : i32
    %dma_wait3A_594 = tpu.memref_slice %arg6[%dma_wait3A_586, %dma_wait3A_587, %dma_wait3A_593] : memref<5x2x128xi32, #tpu.memory_space<vmem>> -> memref<1x1x128xi32, #tpu.memory_space<vmem>>
    %dma_wait3A_595 = tpu.memref_squeeze %dma_wait3A_594 : memref<1x1x128xi32, #tpu.memory_space<vmem>> -> memref<128xi32, #tpu.memory_space<vmem>>
    %dma_wait3A_596 = arith.constant 0 : i32
    %dma_wait3A_597 = arith.constant 0 : i32
    %dma_wait3A_598 = tpu.memref_slice %arg8[%dma_wait3A_596, %dma_wait3A_597] : memref<10112x64xf32, #tpu.memory_space<vmem_shared>> -> memref<10112x64xf32, #tpu.memory_space<vmem_shared>>
    %dma_wait3A_599 = tpu.memref_slice %arg11[%dma_wait3A_588] : memref<5x!tpu.dma_semaphore, #tpu.memory_space<semaphore_mem>> -> memref<1x!tpu.dma_semaphore, #tpu.memory_space<semaphore_mem>>
    %dma_wait3A_600 = tpu.memref_squeeze %dma_wait3A_599 : memref<1x!tpu.dma_semaphore, #tpu.memory_space<semaphore_mem>> -> memref<!tpu.dma_semaphore, #tpu.memory_space<semaphore_mem>>
    tpu.wait_indirect_dma semaphore(%dma_wait3A_600 : memref<!tpu.dma_semaphore, #tpu.memory_space<semaphore_mem>>) src(%dma_wait3A_592 : memref<128x64xf32, #tpu.memory_space<vmem>>) dst(%dma_wait3A_598 : memref<10112x64xf32, #tpu.memory_space<vmem_shared>>)
    %dma_wait3A_601 = arith.constant 4 : i32
    %dma_wait3A_602 = arith.constant 4 : i32
    %dma_wait3A_603 = arith.constant 1 : i32
    %dma_wait3A_604 = arith.constant 4 : i32
    %dma_wait3A_605 = arith.constant 0 : i32
    %dma_wait3A_606 = arith.constant 0 : i32
    %dma_wait3A_607 = tpu.memref_slice %arg7[%dma_wait3A_601, %dma_wait3A_605, %dma_wait3A_606] : memref<5x128x64xf32, #tpu.memory_space<vmem>> -> memref<1x128x64xf32, #tpu.memory_space<vmem>>
    %dma_wait3A_608 = tpu.memref_squeeze %dma_wait3A_607 : memref<1x128x64xf32, #tpu.memory_space<vmem>> -> memref<128x64xf32, #tpu.memory_space<vmem>>
    %dma_wait3A_609 = arith.constant 0 : i32
    %dma_wait3A_610 = tpu.memref_slice %arg6[%dma_wait3A_602, %dma_wait3A_603, %dma_wait3A_609] : memref<5x2x128xi32, #tpu.memory_space<vmem>> -> memref<1x1x128xi32, #tpu.memory_space<vmem>>
    %dma_wait3A_611 = tpu.memref_squeeze %dma_wait3A_610 : memref<1x1x128xi32, #tpu.memory_space<vmem>> -> memref<128xi32, #tpu.memory_space<vmem>>
    %dma_wait3A_612 = arith.constant 0 : i32
    %dma_wait3A_613 = arith.constant 0 : i32
    %dma_wait3A_614 = tpu.memref_slice %arg8[%dma_wait3A_612, %dma_wait3A_613] : memref<10112x64xf32, #tpu.memory_space<vmem_shared>> -> memref<10112x64xf32, #tpu.memory_space<vmem_shared>>
    %dma_wait3A_615 = tpu.memref_slice %arg11[%dma_wait3A_604] : memref<5x!tpu.dma_semaphore, #tpu.memory_space<semaphore_mem>> -> memref<1x!tpu.dma_semaphore, #tpu.memory_space<semaphore_mem>>
    %dma_wait3A_616 = tpu.memref_squeeze %dma_wait3A_615 : memref<1x!tpu.dma_semaphore, #tpu.memory_space<semaphore_mem>> -> memref<!tpu.dma_semaphore, #tpu.memory_space<semaphore_mem>>
    tpu.wait_indirect_dma semaphore(%dma_wait3A_616 : memref<!tpu.dma_semaphore, #tpu.memory_space<semaphore_mem>>) src(%dma_wait3A_608 : memref<128x64xf32, #tpu.memory_space<vmem>>) dst(%dma_wait3A_614 : memref<10112x64xf32, #tpu.memory_space<vmem_shared>>)
    %barrier3A_617 = arith.constant 0 : index
    tpu.barrier barrier_id(%barrier3A_617)
    %run_scoped3A = arith.constant 0 : i32
    "tpu.region"() ({
      %run_scoped3A_618 = tpu.sem_alloc : memref<!tpu.dma_semaphore, #tpu.memory_space<semaphore_mem>>
      %dma_start3A_619 = arith.constant 0 : i32
      %dma_start3A_620 = tpu.memref_slice %arg5[%arg0, %run_scoped3A, %mul3A_0, %dma_start3A_619] : memref<2x1x10112x64xf32, #tpu.memory_space<hbm>> -> memref<1x1x632x64xf32, #tpu.memory_space<hbm>>
      %dma_start3A_621 = tpu.memref_squeeze %dma_start3A_620 : memref<1x1x632x64xf32, #tpu.memory_space<hbm>> -> memref<632x64xf32, #tpu.memory_space<hbm>>
      %dma_start3A_622 = arith.constant 0 : i32
      %dma_start3A_623 = tpu.memref_slice %arg8[%mul3A_0, %dma_start3A_622] : memref<10112x64xf32, #tpu.memory_space<vmem_shared>> -> memref<632x64xf32, #tpu.memory_space<vmem_shared>>
      tpu.enqueue_dma source(%dma_start3A_623 : memref<632x64xf32, #tpu.memory_space<vmem_shared>>) target(%dma_start3A_621 : memref<632x64xf32, #tpu.memory_space<hbm>>) target_semaphore(%run_scoped3A_618 : memref<!tpu.dma_semaphore, #tpu.memory_space<semaphore_mem>>)
      %dma_wait3A_624 = arith.constant 0 : i32
      %dma_wait3A_625 = tpu.memref_slice %arg5[%arg0, %run_scoped3A, %mul3A_0, %dma_wait3A_624] : memref<2x1x10112x64xf32, #tpu.memory_space<hbm>> -> memref<1x1x632x64xf32, #tpu.memory_space<hbm>>
      %dma_wait3A_626 = tpu.memref_squeeze %dma_wait3A_625 : memref<1x1x632x64xf32, #tpu.memory_space<hbm>> -> memref<632x64xf32, #tpu.memory_space<hbm>>
      %dma_wait3A_627 = arith.constant 0 : i32
      %dma_wait3A_628 = tpu.memref_slice %arg8[%mul3A_0, %dma_wait3A_627] : memref<10112x64xf32, #tpu.memory_space<vmem_shared>> -> memref<632x64xf32, #tpu.memory_space<vmem_shared>>
      tpu.wait_dma2 semaphore(%run_scoped3A_618 : memref<!tpu.dma_semaphore, #tpu.memory_space<semaphore_mem>>) src(%dma_wait3A_628 : memref<632x64xf32, #tpu.memory_space<vmem_shared>>) dst(%dma_wait3A_626 : memref<632x64xf32, #tpu.memory_space<hbm>>)
      tpu.yield
    }) : () -> ()
    return
  }
}

#map = affine_map<(d0, d1) -> (0, 0)>
#map1 = affine_map<(d0, d1) -> (0, 0, 0)>
module attributes {stable_mosaic.version = 14 : i64} {
  func.func @_segsum16(%arg0: i32, %arg1: i32, %arg2: memref<10112x16xf32, #tpu.memory_space<hbm>>, %arg3: memref<5120x2x128xi32, #tpu.memory_space<hbm>>, %arg4: memref<10112x16xf32, #tpu.memory_space<hbm>>, %arg5: memref<2x10112x16xf32, #tpu.memory_space<hbm>>, %arg6: memref<5x2x128xi32, #tpu.memory_space<vmem>>, %arg7: memref<5x128x16xf32, #tpu.memory_space<vmem>>, %arg8: memref<10112x16xf32, #tpu.memory_space<vmem_shared>>, %arg9: memref<5x!tpu.dma_semaphore, #tpu.memory_space<semaphore_mem>>, %arg10: memref<5x!tpu.dma_semaphore, #tpu.memory_space<semaphore_mem>>, %arg11: memref<5x!tpu.dma_semaphore, #tpu.memory_space<semaphore_mem>>) attributes {dimension_semantics = [#tpu.dimension_semantics<core_parallel>, #tpu.dimension_semantics<subcore_parallel>], iteration_bounds = array<i64: 2, 16>, scalar_prefetch = 0 : i64, scratch_operands = 6 : i64, tpu.core_type = #tpu.core_type<sc_vector_subcore>, window_params = [{transform_indices = #map}, {transform_indices = #map1}, {transform_indices = #map}, {transform_indices = #map1}]} {
    %mul3A = arith.constant 16 : i32
    %mul3A_0 = arith.muli %arg0, %mul3A : i32
    %add3A = arith.addi %mul3A_0, %arg1 : i32
    %mul3A_1 = arith.constant 632 : i32
    %mul3A_2 = arith.muli %arg1, %mul3A_1 : i32
    "tpu.region"() ({
      %run_scoped3A = tpu.sem_alloc : memref<!tpu.dma_semaphore, #tpu.memory_space<semaphore_mem>>
      %dma_start3A_570 = arith.constant 0 : i32
      %dma_start3A_571 = tpu.memref_slice %arg8[%mul3A_2, %dma_start3A_570] : memref<10112x16xf32, #tpu.memory_space<vmem_shared>> -> memref<632x16xf32, #tpu.memory_space<vmem_shared>>
      %dma_start3A_572 = arith.constant 0 : i32
      %dma_start3A_573 = tpu.memref_slice %arg4[%mul3A_2, %dma_start3A_572] : memref<10112x16xf32, #tpu.memory_space<hbm>> -> memref<632x16xf32, #tpu.memory_space<hbm>>
      tpu.enqueue_dma source(%dma_start3A_573 : memref<632x16xf32, #tpu.memory_space<hbm>>) target(%dma_start3A_571 : memref<632x16xf32, #tpu.memory_space<vmem_shared>>) target_semaphore(%run_scoped3A : memref<!tpu.dma_semaphore, #tpu.memory_space<semaphore_mem>>)
      %dma_wait3A_574 = arith.constant 0 : i32
      %dma_wait3A_575 = tpu.memref_slice %arg8[%mul3A_2, %dma_wait3A_574] : memref<10112x16xf32, #tpu.memory_space<vmem_shared>> -> memref<632x16xf32, #tpu.memory_space<vmem_shared>>
      %dma_wait3A_576 = arith.constant 0 : i32
      %dma_wait3A_577 = tpu.memref_slice %arg4[%mul3A_2, %dma_wait3A_576] : memref<10112x16xf32, #tpu.memory_space<hbm>> -> memref<632x16xf32, #tpu.memory_space<hbm>>
      tpu.wait_dma2 semaphore(%run_scoped3A : memref<!tpu.dma_semaphore, #tpu.memory_space<semaphore_mem>>) src(%dma_wait3A_577 : memref<632x16xf32, #tpu.memory_space<hbm>>) dst(%dma_wait3A_575 : memref<632x16xf32, #tpu.memory_space<vmem_shared>>)
      tpu.yield
    }) : () -> ()
    %barrier3A = arith.constant 0 : index
    tpu.barrier barrier_id(%barrier3A)
    %mul3A_3 = arith.constant 160 : i32
    %mul3A_4 = arith.muli %add3A, %mul3A_3 : i32
    %add3A_5 = arith.constant 0 : i32
    %add3A_6 = arith.addi %mul3A_4, %add3A_5 : i32
    %add3A_7 = arith.constant 0 : i32
    %add3A_8 = arith.addi %add3A_6, %add3A_7 : i32
    %dma_start3A = arith.constant 0 : i32
    %dma_start3A_9 = arith.constant 0 : i32
    %dma_start3A_10 = arith.constant 0 : i32
    %dma_start3A_11 = arith.constant 0 : i32
    %dma_start3A_12 = tpu.memref_slice %arg6[%dma_start3A, %dma_start3A_10, %dma_start3A_11] : memref<5x2x128xi32, #tpu.memory_space<vmem>> -> memref<1x2x128xi32, #tpu.memory_space<vmem>>
    %dma_start3A_13 = tpu.memref_squeeze %dma_start3A_12 : memref<1x2x128xi32, #tpu.memory_space<vmem>> -> memref<2x128xi32, #tpu.memory_space<vmem>>
    %dma_start3A_14 = arith.constant 0 : i32
    %dma_start3A_15 = arith.constant 0 : i32
    %dma_start3A_16 = tpu.memref_slice %arg3[%add3A_8, %dma_start3A_14, %dma_start3A_15] : memref<5120x2x128xi32, #tpu.memory_space<hbm>> -> memref<1x2x128xi32, #tpu.memory_space<hbm>>
    %dma_start3A_17 = tpu.memref_squeeze %dma_start3A_16 : memref<1x2x128xi32, #tpu.memory_space<hbm>> -> memref<2x128xi32, #tpu.memory_space<hbm>>
    %dma_start3A_18 = tpu.memref_slice %arg9[%dma_start3A_9] : memref<5x!tpu.dma_semaphore, #tpu.memory_space<semaphore_mem>> -> memref<1x!tpu.dma_semaphore, #tpu.memory_space<semaphore_mem>>
    %dma_start3A_19 = tpu.memref_squeeze %dma_start3A_18 : memref<1x!tpu.dma_semaphore, #tpu.memory_space<semaphore_mem>> -> memref<!tpu.dma_semaphore, #tpu.memory_space<semaphore_mem>>
    %dma_start3A_20 = arith.constant 0 : i32
    %dma_start3A_21 = arith.constant 0 : i32
    %dma_start3A_22 = tpu.memref_slice %arg6[%dma_start3A, %dma_start3A_20, %dma_start3A_21] : memref<5x2x128xi32, #tpu.memory_space<vmem>> -> memref<1x2x128xi32, #tpu.memory_space<vmem>>
    %dma_start3A_23 = tpu.memref_squeeze %dma_start3A_22 : memref<1x2x128xi32, #tpu.memory_space<vmem>> -> memref<2x128xi32, #tpu.memory_space<vmem>>
    %dma_start3A_24 = arith.constant 0 : i32
    %dma_start3A_25 = arith.constant 0 : i32
    %dma_start3A_26 = tpu.memref_slice %arg3[%add3A_8, %dma_start3A_24, %dma_start3A_25] : memref<5120x2x128xi32, #tpu.memory_space<hbm>> -> memref<1x2x128xi32, #tpu.memory_space<hbm>>
    %dma_start3A_27 = tpu.memref_squeeze %dma_start3A_26 : memref<1x2x128xi32, #tpu.memory_space<hbm>> -> memref<2x128xi32, #tpu.memory_space<hbm>>
    tpu.enqueue_dma source(%dma_start3A_27 : memref<2x128xi32, #tpu.memory_space<hbm>>) target(%dma_start3A_23 : memref<2x128xi32, #tpu.memory_space<vmem>>) target_semaphore(%dma_start3A_19 : memref<!tpu.dma_semaphore, #tpu.memory_space<semaphore_mem>>)
    %add3A_28 = arith.constant 0 : i32
    %add3A_29 = arith.addi %mul3A_4, %add3A_28 : i32
    %add3A_30 = arith.constant 1 : i32
    %add3A_31 = arith.addi %add3A_29, %add3A_30 : i32
    %dma_start3A_32 = arith.constant 1 : i32
    %dma_start3A_33 = arith.constant 1 : i32
    %dma_start3A_34 = arith.constant 0 : i32
    %dma_start3A_35 = arith.constant 0 : i32
    %dma_start3A_36 = tpu.memref_slice %arg6[%dma_start3A_32, %dma_start3A_34, %dma_start3A_35] : memref<5x2x128xi32, #tpu.memory_space<vmem>> -> memref<1x2x128xi32, #tpu.memory_space<vmem>>
    %dma_start3A_37 = tpu.memref_squeeze %dma_start3A_36 : memref<1x2x128xi32, #tpu.memory_space<vmem>> -> memref<2x128xi32, #tpu.memory_space<vmem>>
    %dma_start3A_38 = arith.constant 0 : i32
    %dma_start3A_39 = arith.constant 0 : i32
    %dma_start3A_40 = tpu.memref_slice %arg3[%add3A_31, %dma_start3A_38, %dma_start3A_39] : memref<5120x2x128xi32, #tpu.memory_space<hbm>> -> memref<1x2x128xi32, #tpu.memory_space<hbm>>
    %dma_start3A_41 = tpu.memref_squeeze %dma_start3A_40 : memref<1x2x128xi32, #tpu.memory_space<hbm>> -> memref<2x128xi32, #tpu.memory_space<hbm>>
    %dma_start3A_42 = tpu.memref_slice %arg9[%dma_start3A_33] : memref<5x!tpu.dma_semaphore, #tpu.memory_space<semaphore_mem>> -> memref<1x!tpu.dma_semaphore, #tpu.memory_space<semaphore_mem>>
    %dma_start3A_43 = tpu.memref_squeeze %dma_start3A_42 : memref<1x!tpu.dma_semaphore, #tpu.memory_space<semaphore_mem>> -> memref<!tpu.dma_semaphore, #tpu.memory_space<semaphore_mem>>
    %dma_start3A_44 = arith.constant 0 : i32
    %dma_start3A_45 = arith.constant 0 : i32
    %dma_start3A_46 = tpu.memref_slice %arg6[%dma_start3A_32, %dma_start3A_44, %dma_start3A_45] : memref<5x2x128xi32, #tpu.memory_space<vmem>> -> memref<1x2x128xi32, #tpu.memory_space<vmem>>
    %dma_start3A_47 = tpu.memref_squeeze %dma_start3A_46 : memref<1x2x128xi32, #tpu.memory_space<vmem>> -> memref<2x128xi32, #tpu.memory_space<vmem>>
    %dma_start3A_48 = arith.constant 0 : i32
    %dma_start3A_49 = arith.constant 0 : i32
    %dma_start3A_50 = tpu.memref_slice %arg3[%add3A_31, %dma_start3A_48, %dma_start3A_49] : memref<5120x2x128xi32, #tpu.memory_space<hbm>> -> memref<1x2x128xi32, #tpu.memory_space<hbm>>
    %dma_start3A_51 = tpu.memref_squeeze %dma_start3A_50 : memref<1x2x128xi32, #tpu.memory_space<hbm>> -> memref<2x128xi32, #tpu.memory_space<hbm>>
    tpu.enqueue_dma source(%dma_start3A_51 : memref<2x128xi32, #tpu.memory_space<hbm>>) target(%dma_start3A_47 : memref<2x128xi32, #tpu.memory_space<vmem>>) target_semaphore(%dma_start3A_43 : memref<!tpu.dma_semaphore, #tpu.memory_space<semaphore_mem>>)
    %add3A_52 = arith.constant 0 : i32
    %add3A_53 = arith.addi %mul3A_4, %add3A_52 : i32
    %add3A_54 = arith.constant 2 : i32
    %add3A_55 = arith.addi %add3A_53, %add3A_54 : i32
    %dma_start3A_56 = arith.constant 2 : i32
    %dma_start3A_57 = arith.constant 2 : i32
    %dma_start3A_58 = arith.constant 0 : i32
    %dma_start3A_59 = arith.constant 0 : i32
    %dma_start3A_60 = tpu.memref_slice %arg6[%dma_start3A_56, %dma_start3A_58, %dma_start3A_59] : memref<5x2x128xi32, #tpu.memory_space<vmem>> -> memref<1x2x128xi32, #tpu.memory_space<vmem>>
    %dma_start3A_61 = tpu.memref_squeeze %dma_start3A_60 : memref<1x2x128xi32, #tpu.memory_space<vmem>> -> memref<2x128xi32, #tpu.memory_space<vmem>>
    %dma_start3A_62 = arith.constant 0 : i32
    %dma_start3A_63 = arith.constant 0 : i32
    %dma_start3A_64 = tpu.memref_slice %arg3[%add3A_55, %dma_start3A_62, %dma_start3A_63] : memref<5120x2x128xi32, #tpu.memory_space<hbm>> -> memref<1x2x128xi32, #tpu.memory_space<hbm>>
    %dma_start3A_65 = tpu.memref_squeeze %dma_start3A_64 : memref<1x2x128xi32, #tpu.memory_space<hbm>> -> memref<2x128xi32, #tpu.memory_space<hbm>>
    %dma_start3A_66 = tpu.memref_slice %arg9[%dma_start3A_57] : memref<5x!tpu.dma_semaphore, #tpu.memory_space<semaphore_mem>> -> memref<1x!tpu.dma_semaphore, #tpu.memory_space<semaphore_mem>>
    %dma_start3A_67 = tpu.memref_squeeze %dma_start3A_66 : memref<1x!tpu.dma_semaphore, #tpu.memory_space<semaphore_mem>> -> memref<!tpu.dma_semaphore, #tpu.memory_space<semaphore_mem>>
    %dma_start3A_68 = arith.constant 0 : i32
    %dma_start3A_69 = arith.constant 0 : i32
    %dma_start3A_70 = tpu.memref_slice %arg6[%dma_start3A_56, %dma_start3A_68, %dma_start3A_69] : memref<5x2x128xi32, #tpu.memory_space<vmem>> -> memref<1x2x128xi32, #tpu.memory_space<vmem>>
    %dma_start3A_71 = tpu.memref_squeeze %dma_start3A_70 : memref<1x2x128xi32, #tpu.memory_space<vmem>> -> memref<2x128xi32, #tpu.memory_space<vmem>>
    %dma_start3A_72 = arith.constant 0 : i32
    %dma_start3A_73 = arith.constant 0 : i32
    %dma_start3A_74 = tpu.memref_slice %arg3[%add3A_55, %dma_start3A_72, %dma_start3A_73] : memref<5120x2x128xi32, #tpu.memory_space<hbm>> -> memref<1x2x128xi32, #tpu.memory_space<hbm>>
    %dma_start3A_75 = tpu.memref_squeeze %dma_start3A_74 : memref<1x2x128xi32, #tpu.memory_space<hbm>> -> memref<2x128xi32, #tpu.memory_space<hbm>>
    tpu.enqueue_dma source(%dma_start3A_75 : memref<2x128xi32, #tpu.memory_space<hbm>>) target(%dma_start3A_71 : memref<2x128xi32, #tpu.memory_space<vmem>>) target_semaphore(%dma_start3A_67 : memref<!tpu.dma_semaphore, #tpu.memory_space<semaphore_mem>>)
    %add3A_76 = arith.constant 0 : i32
    %add3A_77 = arith.addi %mul3A_4, %add3A_76 : i32
    %add3A_78 = arith.constant 3 : i32
    %add3A_79 = arith.addi %add3A_77, %add3A_78 : i32
    %dma_start3A_80 = arith.constant 3 : i32
    %dma_start3A_81 = arith.constant 3 : i32
    %dma_start3A_82 = arith.constant 0 : i32
    %dma_start3A_83 = arith.constant 0 : i32
    %dma_start3A_84 = tpu.memref_slice %arg6[%dma_start3A_80, %dma_start3A_82, %dma_start3A_83] : memref<5x2x128xi32, #tpu.memory_space<vmem>> -> memref<1x2x128xi32, #tpu.memory_space<vmem>>
    %dma_start3A_85 = tpu.memref_squeeze %dma_start3A_84 : memref<1x2x128xi32, #tpu.memory_space<vmem>> -> memref<2x128xi32, #tpu.memory_space<vmem>>
    %dma_start3A_86 = arith.constant 0 : i32
    %dma_start3A_87 = arith.constant 0 : i32
    %dma_start3A_88 = tpu.memref_slice %arg3[%add3A_79, %dma_start3A_86, %dma_start3A_87] : memref<5120x2x128xi32, #tpu.memory_space<hbm>> -> memref<1x2x128xi32, #tpu.memory_space<hbm>>
    %dma_start3A_89 = tpu.memref_squeeze %dma_start3A_88 : memref<1x2x128xi32, #tpu.memory_space<hbm>> -> memref<2x128xi32, #tpu.memory_space<hbm>>
    %dma_start3A_90 = tpu.memref_slice %arg9[%dma_start3A_81] : memref<5x!tpu.dma_semaphore, #tpu.memory_space<semaphore_mem>> -> memref<1x!tpu.dma_semaphore, #tpu.memory_space<semaphore_mem>>
    %dma_start3A_91 = tpu.memref_squeeze %dma_start3A_90 : memref<1x!tpu.dma_semaphore, #tpu.memory_space<semaphore_mem>> -> memref<!tpu.dma_semaphore, #tpu.memory_space<semaphore_mem>>
    %dma_start3A_92 = arith.constant 0 : i32
    %dma_start3A_93 = arith.constant 0 : i32
    %dma_start3A_94 = tpu.memref_slice %arg6[%dma_start3A_80, %dma_start3A_92, %dma_start3A_93] : memref<5x2x128xi32, #tpu.memory_space<vmem>> -> memref<1x2x128xi32, #tpu.memory_space<vmem>>
    %dma_start3A_95 = tpu.memref_squeeze %dma_start3A_94 : memref<1x2x128xi32, #tpu.memory_space<vmem>> -> memref<2x128xi32, #tpu.memory_space<vmem>>
    %dma_start3A_96 = arith.constant 0 : i32
    %dma_start3A_97 = arith.constant 0 : i32
    %dma_start3A_98 = tpu.memref_slice %arg3[%add3A_79, %dma_start3A_96, %dma_start3A_97] : memref<5120x2x128xi32, #tpu.memory_space<hbm>> -> memref<1x2x128xi32, #tpu.memory_space<hbm>>
    %dma_start3A_99 = tpu.memref_squeeze %dma_start3A_98 : memref<1x2x128xi32, #tpu.memory_space<hbm>> -> memref<2x128xi32, #tpu.memory_space<hbm>>
    tpu.enqueue_dma source(%dma_start3A_99 : memref<2x128xi32, #tpu.memory_space<hbm>>) target(%dma_start3A_95 : memref<2x128xi32, #tpu.memory_space<vmem>>) target_semaphore(%dma_start3A_91 : memref<!tpu.dma_semaphore, #tpu.memory_space<semaphore_mem>>)
    %add3A_100 = arith.constant 0 : i32
    %add3A_101 = arith.addi %mul3A_4, %add3A_100 : i32
    %add3A_102 = arith.constant 4 : i32
    %add3A_103 = arith.addi %add3A_101, %add3A_102 : i32
    %dma_start3A_104 = arith.constant 4 : i32
    %dma_start3A_105 = arith.constant 4 : i32
    %dma_start3A_106 = arith.constant 0 : i32
    %dma_start3A_107 = arith.constant 0 : i32
    %dma_start3A_108 = tpu.memref_slice %arg6[%dma_start3A_104, %dma_start3A_106, %dma_start3A_107] : memref<5x2x128xi32, #tpu.memory_space<vmem>> -> memref<1x2x128xi32, #tpu.memory_space<vmem>>
    %dma_start3A_109 = tpu.memref_squeeze %dma_start3A_108 : memref<1x2x128xi32, #tpu.memory_space<vmem>> -> memref<2x128xi32, #tpu.memory_space<vmem>>
    %dma_start3A_110 = arith.constant 0 : i32
    %dma_start3A_111 = arith.constant 0 : i32
    %dma_start3A_112 = tpu.memref_slice %arg3[%add3A_103, %dma_start3A_110, %dma_start3A_111] : memref<5120x2x128xi32, #tpu.memory_space<hbm>> -> memref<1x2x128xi32, #tpu.memory_space<hbm>>
    %dma_start3A_113 = tpu.memref_squeeze %dma_start3A_112 : memref<1x2x128xi32, #tpu.memory_space<hbm>> -> memref<2x128xi32, #tpu.memory_space<hbm>>
    %dma_start3A_114 = tpu.memref_slice %arg9[%dma_start3A_105] : memref<5x!tpu.dma_semaphore, #tpu.memory_space<semaphore_mem>> -> memref<1x!tpu.dma_semaphore, #tpu.memory_space<semaphore_mem>>
    %dma_start3A_115 = tpu.memref_squeeze %dma_start3A_114 : memref<1x!tpu.dma_semaphore, #tpu.memory_space<semaphore_mem>> -> memref<!tpu.dma_semaphore, #tpu.memory_space<semaphore_mem>>
    %dma_start3A_116 = arith.constant 0 : i32
    %dma_start3A_117 = arith.constant 0 : i32
    %dma_start3A_118 = tpu.memref_slice %arg6[%dma_start3A_104, %dma_start3A_116, %dma_start3A_117] : memref<5x2x128xi32, #tpu.memory_space<vmem>> -> memref<1x2x128xi32, #tpu.memory_space<vmem>>
    %dma_start3A_119 = tpu.memref_squeeze %dma_start3A_118 : memref<1x2x128xi32, #tpu.memory_space<vmem>> -> memref<2x128xi32, #tpu.memory_space<vmem>>
    %dma_start3A_120 = arith.constant 0 : i32
    %dma_start3A_121 = arith.constant 0 : i32
    %dma_start3A_122 = tpu.memref_slice %arg3[%add3A_103, %dma_start3A_120, %dma_start3A_121] : memref<5120x2x128xi32, #tpu.memory_space<hbm>> -> memref<1x2x128xi32, #tpu.memory_space<hbm>>
    %dma_start3A_123 = tpu.memref_squeeze %dma_start3A_122 : memref<1x2x128xi32, #tpu.memory_space<hbm>> -> memref<2x128xi32, #tpu.memory_space<hbm>>
    tpu.enqueue_dma source(%dma_start3A_123 : memref<2x128xi32, #tpu.memory_space<hbm>>) target(%dma_start3A_119 : memref<2x128xi32, #tpu.memory_space<vmem>>) target_semaphore(%dma_start3A_115 : memref<!tpu.dma_semaphore, #tpu.memory_space<semaphore_mem>>)
    %add3A_124 = arith.constant 0 : i32
    %add3A_125 = arith.addi %mul3A_4, %add3A_124 : i32
    %add3A_126 = arith.constant 0 : i32
    %add3A_127 = arith.addi %add3A_125, %add3A_126 : i32
    %dma_wait3A = arith.constant 0 : i32
    %dma_wait3A_128 = arith.constant 0 : i32
    %dma_wait3A_129 = arith.constant 0 : i32
    %dma_wait3A_130 = arith.constant 0 : i32
    %dma_wait3A_131 = tpu.memref_slice %arg6[%dma_wait3A, %dma_wait3A_129, %dma_wait3A_130] : memref<5x2x128xi32, #tpu.memory_space<vmem>> -> memref<1x2x128xi32, #tpu.memory_space<vmem>>
    %dma_wait3A_132 = tpu.memref_squeeze %dma_wait3A_131 : memref<1x2x128xi32, #tpu.memory_space<vmem>> -> memref<2x128xi32, #tpu.memory_space<vmem>>
    %dma_wait3A_133 = arith.constant 0 : i32
    %dma_wait3A_134 = arith.constant 0 : i32
    %dma_wait3A_135 = tpu.memref_slice %arg3[%add3A_127, %dma_wait3A_133, %dma_wait3A_134] : memref<5120x2x128xi32, #tpu.memory_space<hbm>> -> memref<1x2x128xi32, #tpu.memory_space<hbm>>
    %dma_wait3A_136 = tpu.memref_squeeze %dma_wait3A_135 : memref<1x2x128xi32, #tpu.memory_space<hbm>> -> memref<2x128xi32, #tpu.memory_space<hbm>>
    %dma_wait3A_137 = tpu.memref_slice %arg9[%dma_wait3A_128] : memref<5x!tpu.dma_semaphore, #tpu.memory_space<semaphore_mem>> -> memref<1x!tpu.dma_semaphore, #tpu.memory_space<semaphore_mem>>
    %dma_wait3A_138 = tpu.memref_squeeze %dma_wait3A_137 : memref<1x!tpu.dma_semaphore, #tpu.memory_space<semaphore_mem>> -> memref<!tpu.dma_semaphore, #tpu.memory_space<semaphore_mem>>
    %dma_wait3A_139 = arith.constant 0 : i32
    %dma_wait3A_140 = arith.constant 0 : i32
    %dma_wait3A_141 = tpu.memref_slice %arg6[%dma_wait3A, %dma_wait3A_139, %dma_wait3A_140] : memref<5x2x128xi32, #tpu.memory_space<vmem>> -> memref<1x2x128xi32, #tpu.memory_space<vmem>>
    %dma_wait3A_142 = tpu.memref_squeeze %dma_wait3A_141 : memref<1x2x128xi32, #tpu.memory_space<vmem>> -> memref<2x128xi32, #tpu.memory_space<vmem>>
    %dma_wait3A_143 = arith.constant 0 : i32
    %dma_wait3A_144 = arith.constant 0 : i32
    %dma_wait3A_145 = tpu.memref_slice %arg3[%add3A_127, %dma_wait3A_143, %dma_wait3A_144] : memref<5120x2x128xi32, #tpu.memory_space<hbm>> -> memref<1x2x128xi32, #tpu.memory_space<hbm>>
    %dma_wait3A_146 = tpu.memref_squeeze %dma_wait3A_145 : memref<1x2x128xi32, #tpu.memory_space<hbm>> -> memref<2x128xi32, #tpu.memory_space<hbm>>
    tpu.wait_dma2 semaphore(%dma_wait3A_138 : memref<!tpu.dma_semaphore, #tpu.memory_space<semaphore_mem>>) src(%dma_wait3A_146 : memref<2x128xi32, #tpu.memory_space<hbm>>) dst(%dma_wait3A_142 : memref<2x128xi32, #tpu.memory_space<vmem>>)
    %dma_start3A_147 = arith.constant 0 : i32
    %dma_start3A_148 = arith.constant 0 : i32
    %dma_start3A_149 = arith.constant 0 : i32
    %dma_start3A_150 = arith.constant 0 : i32
    %dma_start3A_151 = arith.constant 0 : i32
    %dma_start3A_152 = arith.constant 0 : i32
    %dma_start3A_153 = tpu.memref_slice %arg7[%dma_start3A_149, %dma_start3A_151, %dma_start3A_152] : memref<5x128x16xf32, #tpu.memory_space<vmem>> -> memref<1x128x16xf32, #tpu.memory_space<vmem>>
    %dma_start3A_154 = tpu.memref_squeeze %dma_start3A_153 : memref<1x128x16xf32, #tpu.memory_space<vmem>> -> memref<128x16xf32, #tpu.memory_space<vmem>>
    %dma_start3A_155 = arith.constant 0 : i32
    %dma_start3A_156 = tpu.memref_slice %arg6[%dma_start3A_147, %dma_start3A_148, %dma_start3A_155] : memref<5x2x128xi32, #tpu.memory_space<vmem>> -> memref<1x1x128xi32, #tpu.memory_space<vmem>>
    %dma_start3A_157 = tpu.memref_squeeze %dma_start3A_156 : memref<1x1x128xi32, #tpu.memory_space<vmem>> -> memref<128xi32, #tpu.memory_space<vmem>>
    %dma_start3A_158 = arith.constant 0 : i32
    %dma_start3A_159 = arith.constant 0 : i32
    %dma_start3A_160 = tpu.memref_slice %arg2[%dma_start3A_158, %dma_start3A_159] : memref<10112x16xf32, #tpu.memory_space<hbm>> -> memref<10112x16xf32, #tpu.memory_space<hbm>>
    %dma_start3A_161 = tpu.memref_slice %arg10[%dma_start3A_150] : memref<5x!tpu.dma_semaphore, #tpu.memory_space<semaphore_mem>> -> memref<1x!tpu.dma_semaphore, #tpu.memory_space<semaphore_mem>>
    %dma_start3A_162 = tpu.memref_squeeze %dma_start3A_161 : memref<1x!tpu.dma_semaphore, #tpu.memory_space<semaphore_mem>> -> memref<!tpu.dma_semaphore, #tpu.memory_space<semaphore_mem>>
    tpu.enqueue_indirect_dma source(%dma_start3A_160 : memref<10112x16xf32, #tpu.memory_space<hbm>>) target(%dma_start3A_154 : memref<128x16xf32, #tpu.memory_space<vmem>>) offsets(%dma_start3A_157 : memref<128xi32, #tpu.memory_space<vmem>>) semaphore(%dma_start3A_162 : memref<!tpu.dma_semaphore, #tpu.memory_space<semaphore_mem>>)
    %add3A_163 = arith.constant 0 : i32
    %add3A_164 = arith.addi %mul3A_4, %add3A_163 : i32
    %add3A_165 = arith.constant 1 : i32
    %add3A_166 = arith.addi %add3A_164, %add3A_165 : i32
    %dma_wait3A_167 = arith.constant 1 : i32
    %dma_wait3A_168 = arith.constant 1 : i32
    %dma_wait3A_169 = arith.constant 0 : i32
    %dma_wait3A_170 = arith.constant 0 : i32
    %dma_wait3A_171 = tpu.memref_slice %arg6[%dma_wait3A_167, %dma_wait3A_169, %dma_wait3A_170] : memref<5x2x128xi32, #tpu.memory_space<vmem>> -> memref<1x2x128xi32, #tpu.memory_space<vmem>>
    %dma_wait3A_172 = tpu.memref_squeeze %dma_wait3A_171 : memref<1x2x128xi32, #tpu.memory_space<vmem>> -> memref<2x128xi32, #tpu.memory_space<vmem>>
    %dma_wait3A_173 = arith.constant 0 : i32
    %dma_wait3A_174 = arith.constant 0 : i32
    %dma_wait3A_175 = tpu.memref_slice %arg3[%add3A_166, %dma_wait3A_173, %dma_wait3A_174] : memref<5120x2x128xi32, #tpu.memory_space<hbm>> -> memref<1x2x128xi32, #tpu.memory_space<hbm>>
    %dma_wait3A_176 = tpu.memref_squeeze %dma_wait3A_175 : memref<1x2x128xi32, #tpu.memory_space<hbm>> -> memref<2x128xi32, #tpu.memory_space<hbm>>
    %dma_wait3A_177 = tpu.memref_slice %arg9[%dma_wait3A_168] : memref<5x!tpu.dma_semaphore, #tpu.memory_space<semaphore_mem>> -> memref<1x!tpu.dma_semaphore, #tpu.memory_space<semaphore_mem>>
    %dma_wait3A_178 = tpu.memref_squeeze %dma_wait3A_177 : memref<1x!tpu.dma_semaphore, #tpu.memory_space<semaphore_mem>> -> memref<!tpu.dma_semaphore, #tpu.memory_space<semaphore_mem>>
    %dma_wait3A_179 = arith.constant 0 : i32
    %dma_wait3A_180 = arith.constant 0 : i32
    %dma_wait3A_181 = tpu.memref_slice %arg6[%dma_wait3A_167, %dma_wait3A_179, %dma_wait3A_180] : memref<5x2x128xi32, #tpu.memory_space<vmem>> -> memref<1x2x128xi32, #tpu.memory_space<vmem>>
    %dma_wait3A_182 = tpu.memref_squeeze %dma_wait3A_181 : memref<1x2x128xi32, #tpu.memory_space<vmem>> -> memref<2x128xi32, #tpu.memory_space<vmem>>
    %dma_wait3A_183 = arith.constant 0 : i32
    %dma_wait3A_184 = arith.constant 0 : i32
    %dma_wait3A_185 = tpu.memref_slice %arg3[%add3A_166, %dma_wait3A_183, %dma_wait3A_184] : memref<5120x2x128xi32, #tpu.memory_space<hbm>> -> memref<1x2x128xi32, #tpu.memory_space<hbm>>
    %dma_wait3A_186 = tpu.memref_squeeze %dma_wait3A_185 : memref<1x2x128xi32, #tpu.memory_space<hbm>> -> memref<2x128xi32, #tpu.memory_space<hbm>>
    tpu.wait_dma2 semaphore(%dma_wait3A_178 : memref<!tpu.dma_semaphore, #tpu.memory_space<semaphore_mem>>) src(%dma_wait3A_186 : memref<2x128xi32, #tpu.memory_space<hbm>>) dst(%dma_wait3A_182 : memref<2x128xi32, #tpu.memory_space<vmem>>)
    %dma_start3A_187 = arith.constant 1 : i32
    %dma_start3A_188 = arith.constant 0 : i32
    %dma_start3A_189 = arith.constant 1 : i32
    %dma_start3A_190 = arith.constant 1 : i32
    %dma_start3A_191 = arith.constant 0 : i32
    %dma_start3A_192 = arith.constant 0 : i32
    %dma_start3A_193 = tpu.memref_slice %arg7[%dma_start3A_189, %dma_start3A_191, %dma_start3A_192] : memref<5x128x16xf32, #tpu.memory_space<vmem>> -> memref<1x128x16xf32, #tpu.memory_space<vmem>>
    %dma_start3A_194 = tpu.memref_squeeze %dma_start3A_193 : memref<1x128x16xf32, #tpu.memory_space<vmem>> -> memref<128x16xf32, #tpu.memory_space<vmem>>
    %dma_start3A_195 = arith.constant 0 : i32
    %dma_start3A_196 = tpu.memref_slice %arg6[%dma_start3A_187, %dma_start3A_188, %dma_start3A_195] : memref<5x2x128xi32, #tpu.memory_space<vmem>> -> memref<1x1x128xi32, #tpu.memory_space<vmem>>
    %dma_start3A_197 = tpu.memref_squeeze %dma_start3A_196 : memref<1x1x128xi32, #tpu.memory_space<vmem>> -> memref<128xi32, #tpu.memory_space<vmem>>
    %dma_start3A_198 = arith.constant 0 : i32
    %dma_start3A_199 = arith.constant 0 : i32
    %dma_start3A_200 = tpu.memref_slice %arg2[%dma_start3A_198, %dma_start3A_199] : memref<10112x16xf32, #tpu.memory_space<hbm>> -> memref<10112x16xf32, #tpu.memory_space<hbm>>
    %dma_start3A_201 = tpu.memref_slice %arg10[%dma_start3A_190] : memref<5x!tpu.dma_semaphore, #tpu.memory_space<semaphore_mem>> -> memref<1x!tpu.dma_semaphore, #tpu.memory_space<semaphore_mem>>
    %dma_start3A_202 = tpu.memref_squeeze %dma_start3A_201 : memref<1x!tpu.dma_semaphore, #tpu.memory_space<semaphore_mem>> -> memref<!tpu.dma_semaphore, #tpu.memory_space<semaphore_mem>>
    tpu.enqueue_indirect_dma source(%dma_start3A_200 : memref<10112x16xf32, #tpu.memory_space<hbm>>) target(%dma_start3A_194 : memref<128x16xf32, #tpu.memory_space<vmem>>) offsets(%dma_start3A_197 : memref<128xi32, #tpu.memory_space<vmem>>) semaphore(%dma_start3A_202 : memref<!tpu.dma_semaphore, #tpu.memory_space<semaphore_mem>>)
    %add3A_203 = arith.constant 0 : i32
    %add3A_204 = arith.addi %mul3A_4, %add3A_203 : i32
    %add3A_205 = arith.constant 2 : i32
    %add3A_206 = arith.addi %add3A_204, %add3A_205 : i32
    %dma_wait3A_207 = arith.constant 2 : i32
    %dma_wait3A_208 = arith.constant 2 : i32
    %dma_wait3A_209 = arith.constant 0 : i32
    %dma_wait3A_210 = arith.constant 0 : i32
    %dma_wait3A_211 = tpu.memref_slice %arg6[%dma_wait3A_207, %dma_wait3A_209, %dma_wait3A_210] : memref<5x2x128xi32, #tpu.memory_space<vmem>> -> memref<1x2x128xi32, #tpu.memory_space<vmem>>
    %dma_wait3A_212 = tpu.memref_squeeze %dma_wait3A_211 : memref<1x2x128xi32, #tpu.memory_space<vmem>> -> memref<2x128xi32, #tpu.memory_space<vmem>>
    %dma_wait3A_213 = arith.constant 0 : i32
    %dma_wait3A_214 = arith.constant 0 : i32
    %dma_wait3A_215 = tpu.memref_slice %arg3[%add3A_206, %dma_wait3A_213, %dma_wait3A_214] : memref<5120x2x128xi32, #tpu.memory_space<hbm>> -> memref<1x2x128xi32, #tpu.memory_space<hbm>>
    %dma_wait3A_216 = tpu.memref_squeeze %dma_wait3A_215 : memref<1x2x128xi32, #tpu.memory_space<hbm>> -> memref<2x128xi32, #tpu.memory_space<hbm>>
    %dma_wait3A_217 = tpu.memref_slice %arg9[%dma_wait3A_208] : memref<5x!tpu.dma_semaphore, #tpu.memory_space<semaphore_mem>> -> memref<1x!tpu.dma_semaphore, #tpu.memory_space<semaphore_mem>>
    %dma_wait3A_218 = tpu.memref_squeeze %dma_wait3A_217 : memref<1x!tpu.dma_semaphore, #tpu.memory_space<semaphore_mem>> -> memref<!tpu.dma_semaphore, #tpu.memory_space<semaphore_mem>>
    %dma_wait3A_219 = arith.constant 0 : i32
    %dma_wait3A_220 = arith.constant 0 : i32
    %dma_wait3A_221 = tpu.memref_slice %arg6[%dma_wait3A_207, %dma_wait3A_219, %dma_wait3A_220] : memref<5x2x128xi32, #tpu.memory_space<vmem>> -> memref<1x2x128xi32, #tpu.memory_space<vmem>>
    %dma_wait3A_222 = tpu.memref_squeeze %dma_wait3A_221 : memref<1x2x128xi32, #tpu.memory_space<vmem>> -> memref<2x128xi32, #tpu.memory_space<vmem>>
    %dma_wait3A_223 = arith.constant 0 : i32
    %dma_wait3A_224 = arith.constant 0 : i32
    %dma_wait3A_225 = tpu.memref_slice %arg3[%add3A_206, %dma_wait3A_223, %dma_wait3A_224] : memref<5120x2x128xi32, #tpu.memory_space<hbm>> -> memref<1x2x128xi32, #tpu.memory_space<hbm>>
    %dma_wait3A_226 = tpu.memref_squeeze %dma_wait3A_225 : memref<1x2x128xi32, #tpu.memory_space<hbm>> -> memref<2x128xi32, #tpu.memory_space<hbm>>
    tpu.wait_dma2 semaphore(%dma_wait3A_218 : memref<!tpu.dma_semaphore, #tpu.memory_space<semaphore_mem>>) src(%dma_wait3A_226 : memref<2x128xi32, #tpu.memory_space<hbm>>) dst(%dma_wait3A_222 : memref<2x128xi32, #tpu.memory_space<vmem>>)
    %dma_start3A_227 = arith.constant 2 : i32
    %dma_start3A_228 = arith.constant 0 : i32
    %dma_start3A_229 = arith.constant 2 : i32
    %dma_start3A_230 = arith.constant 2 : i32
    %dma_start3A_231 = arith.constant 0 : i32
    %dma_start3A_232 = arith.constant 0 : i32
    %dma_start3A_233 = tpu.memref_slice %arg7[%dma_start3A_229, %dma_start3A_231, %dma_start3A_232] : memref<5x128x16xf32, #tpu.memory_space<vmem>> -> memref<1x128x16xf32, #tpu.memory_space<vmem>>
    %dma_start3A_234 = tpu.memref_squeeze %dma_start3A_233 : memref<1x128x16xf32, #tpu.memory_space<vmem>> -> memref<128x16xf32, #tpu.memory_space<vmem>>
    %dma_start3A_235 = arith.constant 0 : i32
    %dma_start3A_236 = tpu.memref_slice %arg6[%dma_start3A_227, %dma_start3A_228, %dma_start3A_235] : memref<5x2x128xi32, #tpu.memory_space<vmem>> -> memref<1x1x128xi32, #tpu.memory_space<vmem>>
    %dma_start3A_237 = tpu.memref_squeeze %dma_start3A_236 : memref<1x1x128xi32, #tpu.memory_space<vmem>> -> memref<128xi32, #tpu.memory_space<vmem>>
    %dma_start3A_238 = arith.constant 0 : i32
    %dma_start3A_239 = arith.constant 0 : i32
    %dma_start3A_240 = tpu.memref_slice %arg2[%dma_start3A_238, %dma_start3A_239] : memref<10112x16xf32, #tpu.memory_space<hbm>> -> memref<10112x16xf32, #tpu.memory_space<hbm>>
    %dma_start3A_241 = tpu.memref_slice %arg10[%dma_start3A_230] : memref<5x!tpu.dma_semaphore, #tpu.memory_space<semaphore_mem>> -> memref<1x!tpu.dma_semaphore, #tpu.memory_space<semaphore_mem>>
    %dma_start3A_242 = tpu.memref_squeeze %dma_start3A_241 : memref<1x!tpu.dma_semaphore, #tpu.memory_space<semaphore_mem>> -> memref<!tpu.dma_semaphore, #tpu.memory_space<semaphore_mem>>
    tpu.enqueue_indirect_dma source(%dma_start3A_240 : memref<10112x16xf32, #tpu.memory_space<hbm>>) target(%dma_start3A_234 : memref<128x16xf32, #tpu.memory_space<vmem>>) offsets(%dma_start3A_237 : memref<128xi32, #tpu.memory_space<vmem>>) semaphore(%dma_start3A_242 : memref<!tpu.dma_semaphore, #tpu.memory_space<semaphore_mem>>)
    %add3A_243 = arith.constant 0 : i32
    %add3A_244 = arith.addi %mul3A_4, %add3A_243 : i32
    %add3A_245 = arith.constant 3 : i32
    %add3A_246 = arith.addi %add3A_244, %add3A_245 : i32
    %dma_wait3A_247 = arith.constant 3 : i32
    %dma_wait3A_248 = arith.constant 3 : i32
    %dma_wait3A_249 = arith.constant 0 : i32
    %dma_wait3A_250 = arith.constant 0 : i32
    %dma_wait3A_251 = tpu.memref_slice %arg6[%dma_wait3A_247, %dma_wait3A_249, %dma_wait3A_250] : memref<5x2x128xi32, #tpu.memory_space<vmem>> -> memref<1x2x128xi32, #tpu.memory_space<vmem>>
    %dma_wait3A_252 = tpu.memref_squeeze %dma_wait3A_251 : memref<1x2x128xi32, #tpu.memory_space<vmem>> -> memref<2x128xi32, #tpu.memory_space<vmem>>
    %dma_wait3A_253 = arith.constant 0 : i32
    %dma_wait3A_254 = arith.constant 0 : i32
    %dma_wait3A_255 = tpu.memref_slice %arg3[%add3A_246, %dma_wait3A_253, %dma_wait3A_254] : memref<5120x2x128xi32, #tpu.memory_space<hbm>> -> memref<1x2x128xi32, #tpu.memory_space<hbm>>
    %dma_wait3A_256 = tpu.memref_squeeze %dma_wait3A_255 : memref<1x2x128xi32, #tpu.memory_space<hbm>> -> memref<2x128xi32, #tpu.memory_space<hbm>>
    %dma_wait3A_257 = tpu.memref_slice %arg9[%dma_wait3A_248] : memref<5x!tpu.dma_semaphore, #tpu.memory_space<semaphore_mem>> -> memref<1x!tpu.dma_semaphore, #tpu.memory_space<semaphore_mem>>
    %dma_wait3A_258 = tpu.memref_squeeze %dma_wait3A_257 : memref<1x!tpu.dma_semaphore, #tpu.memory_space<semaphore_mem>> -> memref<!tpu.dma_semaphore, #tpu.memory_space<semaphore_mem>>
    %dma_wait3A_259 = arith.constant 0 : i32
    %dma_wait3A_260 = arith.constant 0 : i32
    %dma_wait3A_261 = tpu.memref_slice %arg6[%dma_wait3A_247, %dma_wait3A_259, %dma_wait3A_260] : memref<5x2x128xi32, #tpu.memory_space<vmem>> -> memref<1x2x128xi32, #tpu.memory_space<vmem>>
    %dma_wait3A_262 = tpu.memref_squeeze %dma_wait3A_261 : memref<1x2x128xi32, #tpu.memory_space<vmem>> -> memref<2x128xi32, #tpu.memory_space<vmem>>
    %dma_wait3A_263 = arith.constant 0 : i32
    %dma_wait3A_264 = arith.constant 0 : i32
    %dma_wait3A_265 = tpu.memref_slice %arg3[%add3A_246, %dma_wait3A_263, %dma_wait3A_264] : memref<5120x2x128xi32, #tpu.memory_space<hbm>> -> memref<1x2x128xi32, #tpu.memory_space<hbm>>
    %dma_wait3A_266 = tpu.memref_squeeze %dma_wait3A_265 : memref<1x2x128xi32, #tpu.memory_space<hbm>> -> memref<2x128xi32, #tpu.memory_space<hbm>>
    tpu.wait_dma2 semaphore(%dma_wait3A_258 : memref<!tpu.dma_semaphore, #tpu.memory_space<semaphore_mem>>) src(%dma_wait3A_266 : memref<2x128xi32, #tpu.memory_space<hbm>>) dst(%dma_wait3A_262 : memref<2x128xi32, #tpu.memory_space<vmem>>)
    %dma_start3A_267 = arith.constant 3 : i32
    %dma_start3A_268 = arith.constant 0 : i32
    %dma_start3A_269 = arith.constant 3 : i32
    %dma_start3A_270 = arith.constant 3 : i32
    %dma_start3A_271 = arith.constant 0 : i32
    %dma_start3A_272 = arith.constant 0 : i32
    %dma_start3A_273 = tpu.memref_slice %arg7[%dma_start3A_269, %dma_start3A_271, %dma_start3A_272] : memref<5x128x16xf32, #tpu.memory_space<vmem>> -> memref<1x128x16xf32, #tpu.memory_space<vmem>>
    %dma_start3A_274 = tpu.memref_squeeze %dma_start3A_273 : memref<1x128x16xf32, #tpu.memory_space<vmem>> -> memref<128x16xf32, #tpu.memory_space<vmem>>
    %dma_start3A_275 = arith.constant 0 : i32
    %dma_start3A_276 = tpu.memref_slice %arg6[%dma_start3A_267, %dma_start3A_268, %dma_start3A_275] : memref<5x2x128xi32, #tpu.memory_space<vmem>> -> memref<1x1x128xi32, #tpu.memory_space<vmem>>
    %dma_start3A_277 = tpu.memref_squeeze %dma_start3A_276 : memref<1x1x128xi32, #tpu.memory_space<vmem>> -> memref<128xi32, #tpu.memory_space<vmem>>
    %dma_start3A_278 = arith.constant 0 : i32
    %dma_start3A_279 = arith.constant 0 : i32
    %dma_start3A_280 = tpu.memref_slice %arg2[%dma_start3A_278, %dma_start3A_279] : memref<10112x16xf32, #tpu.memory_space<hbm>> -> memref<10112x16xf32, #tpu.memory_space<hbm>>
    %dma_start3A_281 = tpu.memref_slice %arg10[%dma_start3A_270] : memref<5x!tpu.dma_semaphore, #tpu.memory_space<semaphore_mem>> -> memref<1x!tpu.dma_semaphore, #tpu.memory_space<semaphore_mem>>
    %dma_start3A_282 = tpu.memref_squeeze %dma_start3A_281 : memref<1x!tpu.dma_semaphore, #tpu.memory_space<semaphore_mem>> -> memref<!tpu.dma_semaphore, #tpu.memory_space<semaphore_mem>>
    tpu.enqueue_indirect_dma source(%dma_start3A_280 : memref<10112x16xf32, #tpu.memory_space<hbm>>) target(%dma_start3A_274 : memref<128x16xf32, #tpu.memory_space<vmem>>) offsets(%dma_start3A_277 : memref<128xi32, #tpu.memory_space<vmem>>) semaphore(%dma_start3A_282 : memref<!tpu.dma_semaphore, #tpu.memory_space<semaphore_mem>>)
    %add3A_283 = arith.constant 0 : i32
    %add3A_284 = arith.addi %mul3A_4, %add3A_283 : i32
    %add3A_285 = arith.constant 4 : i32
    %add3A_286 = arith.addi %add3A_284, %add3A_285 : i32
    %dma_wait3A_287 = arith.constant 4 : i32
    %dma_wait3A_288 = arith.constant 4 : i32
    %dma_wait3A_289 = arith.constant 0 : i32
    %dma_wait3A_290 = arith.constant 0 : i32
    %dma_wait3A_291 = tpu.memref_slice %arg6[%dma_wait3A_287, %dma_wait3A_289, %dma_wait3A_290] : memref<5x2x128xi32, #tpu.memory_space<vmem>> -> memref<1x2x128xi32, #tpu.memory_space<vmem>>
    %dma_wait3A_292 = tpu.memref_squeeze %dma_wait3A_291 : memref<1x2x128xi32, #tpu.memory_space<vmem>> -> memref<2x128xi32, #tpu.memory_space<vmem>>
    %dma_wait3A_293 = arith.constant 0 : i32
    %dma_wait3A_294 = arith.constant 0 : i32
    %dma_wait3A_295 = tpu.memref_slice %arg3[%add3A_286, %dma_wait3A_293, %dma_wait3A_294] : memref<5120x2x128xi32, #tpu.memory_space<hbm>> -> memref<1x2x128xi32, #tpu.memory_space<hbm>>
    %dma_wait3A_296 = tpu.memref_squeeze %dma_wait3A_295 : memref<1x2x128xi32, #tpu.memory_space<hbm>> -> memref<2x128xi32, #tpu.memory_space<hbm>>
    %dma_wait3A_297 = tpu.memref_slice %arg9[%dma_wait3A_288] : memref<5x!tpu.dma_semaphore, #tpu.memory_space<semaphore_mem>> -> memref<1x!tpu.dma_semaphore, #tpu.memory_space<semaphore_mem>>
    %dma_wait3A_298 = tpu.memref_squeeze %dma_wait3A_297 : memref<1x!tpu.dma_semaphore, #tpu.memory_space<semaphore_mem>> -> memref<!tpu.dma_semaphore, #tpu.memory_space<semaphore_mem>>
    %dma_wait3A_299 = arith.constant 0 : i32
    %dma_wait3A_300 = arith.constant 0 : i32
    %dma_wait3A_301 = tpu.memref_slice %arg6[%dma_wait3A_287, %dma_wait3A_299, %dma_wait3A_300] : memref<5x2x128xi32, #tpu.memory_space<vmem>> -> memref<1x2x128xi32, #tpu.memory_space<vmem>>
    %dma_wait3A_302 = tpu.memref_squeeze %dma_wait3A_301 : memref<1x2x128xi32, #tpu.memory_space<vmem>> -> memref<2x128xi32, #tpu.memory_space<vmem>>
    %dma_wait3A_303 = arith.constant 0 : i32
    %dma_wait3A_304 = arith.constant 0 : i32
    %dma_wait3A_305 = tpu.memref_slice %arg3[%add3A_286, %dma_wait3A_303, %dma_wait3A_304] : memref<5120x2x128xi32, #tpu.memory_space<hbm>> -> memref<1x2x128xi32, #tpu.memory_space<hbm>>
    %dma_wait3A_306 = tpu.memref_squeeze %dma_wait3A_305 : memref<1x2x128xi32, #tpu.memory_space<hbm>> -> memref<2x128xi32, #tpu.memory_space<hbm>>
    tpu.wait_dma2 semaphore(%dma_wait3A_298 : memref<!tpu.dma_semaphore, #tpu.memory_space<semaphore_mem>>) src(%dma_wait3A_306 : memref<2x128xi32, #tpu.memory_space<hbm>>) dst(%dma_wait3A_302 : memref<2x128xi32, #tpu.memory_space<vmem>>)
    %dma_start3A_307 = arith.constant 4 : i32
    %dma_start3A_308 = arith.constant 0 : i32
    %dma_start3A_309 = arith.constant 4 : i32
    %dma_start3A_310 = arith.constant 4 : i32
    %dma_start3A_311 = arith.constant 0 : i32
    %dma_start3A_312 = arith.constant 0 : i32
    %dma_start3A_313 = tpu.memref_slice %arg7[%dma_start3A_309, %dma_start3A_311, %dma_start3A_312] : memref<5x128x16xf32, #tpu.memory_space<vmem>> -> memref<1x128x16xf32, #tpu.memory_space<vmem>>
    %dma_start3A_314 = tpu.memref_squeeze %dma_start3A_313 : memref<1x128x16xf32, #tpu.memory_space<vmem>> -> memref<128x16xf32, #tpu.memory_space<vmem>>
    %dma_start3A_315 = arith.constant 0 : i32
    %dma_start3A_316 = tpu.memref_slice %arg6[%dma_start3A_307, %dma_start3A_308, %dma_start3A_315] : memref<5x2x128xi32, #tpu.memory_space<vmem>> -> memref<1x1x128xi32, #tpu.memory_space<vmem>>
    %dma_start3A_317 = tpu.memref_squeeze %dma_start3A_316 : memref<1x1x128xi32, #tpu.memory_space<vmem>> -> memref<128xi32, #tpu.memory_space<vmem>>
    %dma_start3A_318 = arith.constant 0 : i32
    %dma_start3A_319 = arith.constant 0 : i32
    %dma_start3A_320 = tpu.memref_slice %arg2[%dma_start3A_318, %dma_start3A_319] : memref<10112x16xf32, #tpu.memory_space<hbm>> -> memref<10112x16xf32, #tpu.memory_space<hbm>>
    %dma_start3A_321 = tpu.memref_slice %arg10[%dma_start3A_310] : memref<5x!tpu.dma_semaphore, #tpu.memory_space<semaphore_mem>> -> memref<1x!tpu.dma_semaphore, #tpu.memory_space<semaphore_mem>>
    %dma_start3A_322 = tpu.memref_squeeze %dma_start3A_321 : memref<1x!tpu.dma_semaphore, #tpu.memory_space<semaphore_mem>> -> memref<!tpu.dma_semaphore, #tpu.memory_space<semaphore_mem>>
    tpu.enqueue_indirect_dma source(%dma_start3A_320 : memref<10112x16xf32, #tpu.memory_space<hbm>>) target(%dma_start3A_314 : memref<128x16xf32, #tpu.memory_space<vmem>>) offsets(%dma_start3A_317 : memref<128xi32, #tpu.memory_space<vmem>>) semaphore(%dma_start3A_322 : memref<!tpu.dma_semaphore, #tpu.memory_space<semaphore_mem>>)
    %dma_wait3A_323 = arith.constant 0 : i32
    %dma_wait3A_324 = arith.constant 0 : i32
    %dma_wait3A_325 = arith.constant 0 : i32
    %dma_wait3A_326 = arith.constant 0 : i32
    %dma_wait3A_327 = arith.constant 0 : i32
    %dma_wait3A_328 = arith.constant 0 : i32
    %dma_wait3A_329 = tpu.memref_slice %arg7[%dma_wait3A_325, %dma_wait3A_327, %dma_wait3A_328] : memref<5x128x16xf32, #tpu.memory_space<vmem>> -> memref<1x128x16xf32, #tpu.memory_space<vmem>>
    %dma_wait3A_330 = tpu.memref_squeeze %dma_wait3A_329 : memref<1x128x16xf32, #tpu.memory_space<vmem>> -> memref<128x16xf32, #tpu.memory_space<vmem>>
    %dma_wait3A_331 = arith.constant 0 : i32
    %dma_wait3A_332 = tpu.memref_slice %arg6[%dma_wait3A_323, %dma_wait3A_324, %dma_wait3A_331] : memref<5x2x128xi32, #tpu.memory_space<vmem>> -> memref<1x1x128xi32, #tpu.memory_space<vmem>>
    %dma_wait3A_333 = tpu.memref_squeeze %dma_wait3A_332 : memref<1x1x128xi32, #tpu.memory_space<vmem>> -> memref<128xi32, #tpu.memory_space<vmem>>
    %dma_wait3A_334 = arith.constant 0 : i32
    %dma_wait3A_335 = arith.constant 0 : i32
    %dma_wait3A_336 = tpu.memref_slice %arg2[%dma_wait3A_334, %dma_wait3A_335] : memref<10112x16xf32, #tpu.memory_space<hbm>> -> memref<10112x16xf32, #tpu.memory_space<hbm>>
    %dma_wait3A_337 = tpu.memref_slice %arg10[%dma_wait3A_326] : memref<5x!tpu.dma_semaphore, #tpu.memory_space<semaphore_mem>> -> memref<1x!tpu.dma_semaphore, #tpu.memory_space<semaphore_mem>>
    %dma_wait3A_338 = tpu.memref_squeeze %dma_wait3A_337 : memref<1x!tpu.dma_semaphore, #tpu.memory_space<semaphore_mem>> -> memref<!tpu.dma_semaphore, #tpu.memory_space<semaphore_mem>>
    tpu.wait_indirect_dma semaphore(%dma_wait3A_338 : memref<!tpu.dma_semaphore, #tpu.memory_space<semaphore_mem>>) src(%dma_wait3A_336 : memref<10112x16xf32, #tpu.memory_space<hbm>>) dst(%dma_wait3A_330 : memref<128x16xf32, #tpu.memory_space<vmem>>)
    %dma_start3A_339 = arith.constant 0 : i32
    %dma_start3A_340 = arith.constant 0 : i32
    %dma_start3A_341 = arith.constant 1 : i32
    %dma_start3A_342 = arith.constant 0 : i32
    %dma_start3A_343 = arith.constant 0 : i32
    %dma_start3A_344 = arith.constant 0 : i32
    %dma_start3A_345 = tpu.memref_slice %arg7[%dma_start3A_339, %dma_start3A_343, %dma_start3A_344] : memref<5x128x16xf32, #tpu.memory_space<vmem>> -> memref<1x128x16xf32, #tpu.memory_space<vmem>>
    %dma_start3A_346 = tpu.memref_squeeze %dma_start3A_345 : memref<1x128x16xf32, #tpu.memory_space<vmem>> -> memref<128x16xf32, #tpu.memory_space<vmem>>
    %dma_start3A_347 = arith.constant 0 : i32
    %dma_start3A_348 = tpu.memref_slice %arg6[%dma_start3A_340, %dma_start3A_341, %dma_start3A_347] : memref<5x2x128xi32, #tpu.memory_space<vmem>> -> memref<1x1x128xi32, #tpu.memory_space<vmem>>
    %dma_start3A_349 = tpu.memref_squeeze %dma_start3A_348 : memref<1x1x128xi32, #tpu.memory_space<vmem>> -> memref<128xi32, #tpu.memory_space<vmem>>
    %dma_start3A_350 = arith.constant 0 : i32
    %dma_start3A_351 = arith.constant 0 : i32
    %dma_start3A_352 = tpu.memref_slice %arg8[%dma_start3A_350, %dma_start3A_351] : memref<10112x16xf32, #tpu.memory_space<vmem_shared>> -> memref<10112x16xf32, #tpu.memory_space<vmem_shared>>
    %dma_start3A_353 = tpu.memref_slice %arg11[%dma_start3A_342] : memref<5x!tpu.dma_semaphore, #tpu.memory_space<semaphore_mem>> -> memref<1x!tpu.dma_semaphore, #tpu.memory_space<semaphore_mem>>
    %dma_start3A_354 = tpu.memref_squeeze %dma_start3A_353 : memref<1x!tpu.dma_semaphore, #tpu.memory_space<semaphore_mem>> -> memref<!tpu.dma_semaphore, #tpu.memory_space<semaphore_mem>>
    tpu.enqueue_indirect_dma source(%dma_start3A_346 : memref<128x16xf32, #tpu.memory_space<vmem>>) target(%dma_start3A_352 : memref<10112x16xf32, #tpu.memory_space<vmem_shared>>) offsets(%dma_start3A_349 : memref<128xi32, #tpu.memory_space<vmem>>) semaphore(%dma_start3A_354 : memref<!tpu.dma_semaphore, #tpu.memory_space<semaphore_mem>>) {add = true}
    %dma_wait3A_355 = arith.constant 1 : i32
    %dma_wait3A_356 = arith.constant 0 : i32
    %dma_wait3A_357 = arith.constant 1 : i32
    %dma_wait3A_358 = arith.constant 1 : i32
    %dma_wait3A_359 = arith.constant 0 : i32
    %dma_wait3A_360 = arith.constant 0 : i32
    %dma_wait3A_361 = tpu.memref_slice %arg7[%dma_wait3A_357, %dma_wait3A_359, %dma_wait3A_360] : memref<5x128x16xf32, #tpu.memory_space<vmem>> -> memref<1x128x16xf32, #tpu.memory_space<vmem>>
    %dma_wait3A_362 = tpu.memref_squeeze %dma_wait3A_361 : memref<1x128x16xf32, #tpu.memory_space<vmem>> -> memref<128x16xf32, #tpu.memory_space<vmem>>
    %dma_wait3A_363 = arith.constant 0 : i32
    %dma_wait3A_364 = tpu.memref_slice %arg6[%dma_wait3A_355, %dma_wait3A_356, %dma_wait3A_363] : memref<5x2x128xi32, #tpu.memory_space<vmem>> -> memref<1x1x128xi32, #tpu.memory_space<vmem>>
    %dma_wait3A_365 = tpu.memref_squeeze %dma_wait3A_364 : memref<1x1x128xi32, #tpu.memory_space<vmem>> -> memref<128xi32, #tpu.memory_space<vmem>>
    %dma_wait3A_366 = arith.constant 0 : i32
    %dma_wait3A_367 = arith.constant 0 : i32
    %dma_wait3A_368 = tpu.memref_slice %arg2[%dma_wait3A_366, %dma_wait3A_367] : memref<10112x16xf32, #tpu.memory_space<hbm>> -> memref<10112x16xf32, #tpu.memory_space<hbm>>
    %dma_wait3A_369 = tpu.memref_slice %arg10[%dma_wait3A_358] : memref<5x!tpu.dma_semaphore, #tpu.memory_space<semaphore_mem>> -> memref<1x!tpu.dma_semaphore, #tpu.memory_space<semaphore_mem>>
    %dma_wait3A_370 = tpu.memref_squeeze %dma_wait3A_369 : memref<1x!tpu.dma_semaphore, #tpu.memory_space<semaphore_mem>> -> memref<!tpu.dma_semaphore, #tpu.memory_space<semaphore_mem>>
    tpu.wait_indirect_dma semaphore(%dma_wait3A_370 : memref<!tpu.dma_semaphore, #tpu.memory_space<semaphore_mem>>) src(%dma_wait3A_368 : memref<10112x16xf32, #tpu.memory_space<hbm>>) dst(%dma_wait3A_362 : memref<128x16xf32, #tpu.memory_space<vmem>>)
    %dma_start3A_371 = arith.constant 1 : i32
    %dma_start3A_372 = arith.constant 1 : i32
    %dma_start3A_373 = arith.constant 1 : i32
    %dma_start3A_374 = arith.constant 1 : i32
    %dma_start3A_375 = arith.constant 0 : i32
    %dma_start3A_376 = arith.constant 0 : i32
    %dma_start3A_377 = tpu.memref_slice %arg7[%dma_start3A_371, %dma_start3A_375, %dma_start3A_376] : memref<5x128x16xf32, #tpu.memory_space<vmem>> -> memref<1x128x16xf32, #tpu.memory_space<vmem>>
    %dma_start3A_378 = tpu.memref_squeeze %dma_start3A_377 : memref<1x128x16xf32, #tpu.memory_space<vmem>> -> memref<128x16xf32, #tpu.memory_space<vmem>>
    %dma_start3A_379 = arith.constant 0 : i32
    %dma_start3A_380 = tpu.memref_slice %arg6[%dma_start3A_372, %dma_start3A_373, %dma_start3A_379] : memref<5x2x128xi32, #tpu.memory_space<vmem>> -> memref<1x1x128xi32, #tpu.memory_space<vmem>>
    %dma_start3A_381 = tpu.memref_squeeze %dma_start3A_380 : memref<1x1x128xi32, #tpu.memory_space<vmem>> -> memref<128xi32, #tpu.memory_space<vmem>>
    %dma_start3A_382 = arith.constant 0 : i32
    %dma_start3A_383 = arith.constant 0 : i32
    %dma_start3A_384 = tpu.memref_slice %arg8[%dma_start3A_382, %dma_start3A_383] : memref<10112x16xf32, #tpu.memory_space<vmem_shared>> -> memref<10112x16xf32, #tpu.memory_space<vmem_shared>>
    %dma_start3A_385 = tpu.memref_slice %arg11[%dma_start3A_374] : memref<5x!tpu.dma_semaphore, #tpu.memory_space<semaphore_mem>> -> memref<1x!tpu.dma_semaphore, #tpu.memory_space<semaphore_mem>>
    %dma_start3A_386 = tpu.memref_squeeze %dma_start3A_385 : memref<1x!tpu.dma_semaphore, #tpu.memory_space<semaphore_mem>> -> memref<!tpu.dma_semaphore, #tpu.memory_space<semaphore_mem>>
    tpu.enqueue_indirect_dma source(%dma_start3A_378 : memref<128x16xf32, #tpu.memory_space<vmem>>) target(%dma_start3A_384 : memref<10112x16xf32, #tpu.memory_space<vmem_shared>>) offsets(%dma_start3A_381 : memref<128xi32, #tpu.memory_space<vmem>>) semaphore(%dma_start3A_386 : memref<!tpu.dma_semaphore, #tpu.memory_space<semaphore_mem>>) {add = true}
    %dma_wait3A_387 = arith.constant 2 : i32
    %dma_wait3A_388 = arith.constant 0 : i32
    %dma_wait3A_389 = arith.constant 2 : i32
    %dma_wait3A_390 = arith.constant 2 : i32
    %dma_wait3A_391 = arith.constant 0 : i32
    %dma_wait3A_392 = arith.constant 0 : i32
    %dma_wait3A_393 = tpu.memref_slice %arg7[%dma_wait3A_389, %dma_wait3A_391, %dma_wait3A_392] : memref<5x128x16xf32, #tpu.memory_space<vmem>> -> memref<1x128x16xf32, #tpu.memory_space<vmem>>
    %dma_wait3A_394 = tpu.memref_squeeze %dma_wait3A_393 : memref<1x128x16xf32, #tpu.memory_space<vmem>> -> memref<128x16xf32, #tpu.memory_space<vmem>>
    %dma_wait3A_395 = arith.constant 0 : i32
    %dma_wait3A_396 = tpu.memref_slice %arg6[%dma_wait3A_387, %dma_wait3A_388, %dma_wait3A_395] : memref<5x2x128xi32, #tpu.memory_space<vmem>> -> memref<1x1x128xi32, #tpu.memory_space<vmem>>
    %dma_wait3A_397 = tpu.memref_squeeze %dma_wait3A_396 : memref<1x1x128xi32, #tpu.memory_space<vmem>> -> memref<128xi32, #tpu.memory_space<vmem>>
    %dma_wait3A_398 = arith.constant 0 : i32
    %dma_wait3A_399 = arith.constant 0 : i32
    %dma_wait3A_400 = tpu.memref_slice %arg2[%dma_wait3A_398, %dma_wait3A_399] : memref<10112x16xf32, #tpu.memory_space<hbm>> -> memref<10112x16xf32, #tpu.memory_space<hbm>>
    %dma_wait3A_401 = tpu.memref_slice %arg10[%dma_wait3A_390] : memref<5x!tpu.dma_semaphore, #tpu.memory_space<semaphore_mem>> -> memref<1x!tpu.dma_semaphore, #tpu.memory_space<semaphore_mem>>
    %dma_wait3A_402 = tpu.memref_squeeze %dma_wait3A_401 : memref<1x!tpu.dma_semaphore, #tpu.memory_space<semaphore_mem>> -> memref<!tpu.dma_semaphore, #tpu.memory_space<semaphore_mem>>
    tpu.wait_indirect_dma semaphore(%dma_wait3A_402 : memref<!tpu.dma_semaphore, #tpu.memory_space<semaphore_mem>>) src(%dma_wait3A_400 : memref<10112x16xf32, #tpu.memory_space<hbm>>) dst(%dma_wait3A_394 : memref<128x16xf32, #tpu.memory_space<vmem>>)
    %dma_start3A_403 = arith.constant 2 : i32
    %dma_start3A_404 = arith.constant 2 : i32
    %dma_start3A_405 = arith.constant 1 : i32
    %dma_start3A_406 = arith.constant 2 : i32
    %dma_start3A_407 = arith.constant 0 : i32
    %dma_start3A_408 = arith.constant 0 : i32
    %dma_start3A_409 = tpu.memref_slice %arg7[%dma_start3A_403, %dma_start3A_407, %dma_start3A_408] : memref<5x128x16xf32, #tpu.memory_space<vmem>> -> memref<1x128x16xf32, #tpu.memory_space<vmem>>
    %dma_start3A_410 = tpu.memref_squeeze %dma_start3A_409 : memref<1x128x16xf32, #tpu.memory_space<vmem>> -> memref<128x16xf32, #tpu.memory_space<vmem>>
    %dma_start3A_411 = arith.constant 0 : i32
    %dma_start3A_412 = tpu.memref_slice %arg6[%dma_start3A_404, %dma_start3A_405, %dma_start3A_411] : memref<5x2x128xi32, #tpu.memory_space<vmem>> -> memref<1x1x128xi32, #tpu.memory_space<vmem>>
    %dma_start3A_413 = tpu.memref_squeeze %dma_start3A_412 : memref<1x1x128xi32, #tpu.memory_space<vmem>> -> memref<128xi32, #tpu.memory_space<vmem>>
    %dma_start3A_414 = arith.constant 0 : i32
    %dma_start3A_415 = arith.constant 0 : i32
    %dma_start3A_416 = tpu.memref_slice %arg8[%dma_start3A_414, %dma_start3A_415] : memref<10112x16xf32, #tpu.memory_space<vmem_shared>> -> memref<10112x16xf32, #tpu.memory_space<vmem_shared>>
    %dma_start3A_417 = tpu.memref_slice %arg11[%dma_start3A_406] : memref<5x!tpu.dma_semaphore, #tpu.memory_space<semaphore_mem>> -> memref<1x!tpu.dma_semaphore, #tpu.memory_space<semaphore_mem>>
    %dma_start3A_418 = tpu.memref_squeeze %dma_start3A_417 : memref<1x!tpu.dma_semaphore, #tpu.memory_space<semaphore_mem>> -> memref<!tpu.dma_semaphore, #tpu.memory_space<semaphore_mem>>
    tpu.enqueue_indirect_dma source(%dma_start3A_410 : memref<128x16xf32, #tpu.memory_space<vmem>>) target(%dma_start3A_416 : memref<10112x16xf32, #tpu.memory_space<vmem_shared>>) offsets(%dma_start3A_413 : memref<128xi32, #tpu.memory_space<vmem>>) semaphore(%dma_start3A_418 : memref<!tpu.dma_semaphore, #tpu.memory_space<semaphore_mem>>) {add = true}
    %dma_wait3A_419 = arith.constant 3 : i32
    %dma_wait3A_420 = arith.constant 0 : i32
    %dma_wait3A_421 = arith.constant 3 : i32
    %dma_wait3A_422 = arith.constant 3 : i32
    %dma_wait3A_423 = arith.constant 0 : i32
    %dma_wait3A_424 = arith.constant 0 : i32
    %dma_wait3A_425 = tpu.memref_slice %arg7[%dma_wait3A_421, %dma_wait3A_423, %dma_wait3A_424] : memref<5x128x16xf32, #tpu.memory_space<vmem>> -> memref<1x128x16xf32, #tpu.memory_space<vmem>>
    %dma_wait3A_426 = tpu.memref_squeeze %dma_wait3A_425 : memref<1x128x16xf32, #tpu.memory_space<vmem>> -> memref<128x16xf32, #tpu.memory_space<vmem>>
    %dma_wait3A_427 = arith.constant 0 : i32
    %dma_wait3A_428 = tpu.memref_slice %arg6[%dma_wait3A_419, %dma_wait3A_420, %dma_wait3A_427] : memref<5x2x128xi32, #tpu.memory_space<vmem>> -> memref<1x1x128xi32, #tpu.memory_space<vmem>>
    %dma_wait3A_429 = tpu.memref_squeeze %dma_wait3A_428 : memref<1x1x128xi32, #tpu.memory_space<vmem>> -> memref<128xi32, #tpu.memory_space<vmem>>
    %dma_wait3A_430 = arith.constant 0 : i32
    %dma_wait3A_431 = arith.constant 0 : i32
    %dma_wait3A_432 = tpu.memref_slice %arg2[%dma_wait3A_430, %dma_wait3A_431] : memref<10112x16xf32, #tpu.memory_space<hbm>> -> memref<10112x16xf32, #tpu.memory_space<hbm>>
    %dma_wait3A_433 = tpu.memref_slice %arg10[%dma_wait3A_422] : memref<5x!tpu.dma_semaphore, #tpu.memory_space<semaphore_mem>> -> memref<1x!tpu.dma_semaphore, #tpu.memory_space<semaphore_mem>>
    %dma_wait3A_434 = tpu.memref_squeeze %dma_wait3A_433 : memref<1x!tpu.dma_semaphore, #tpu.memory_space<semaphore_mem>> -> memref<!tpu.dma_semaphore, #tpu.memory_space<semaphore_mem>>
    tpu.wait_indirect_dma semaphore(%dma_wait3A_434 : memref<!tpu.dma_semaphore, #tpu.memory_space<semaphore_mem>>) src(%dma_wait3A_432 : memref<10112x16xf32, #tpu.memory_space<hbm>>) dst(%dma_wait3A_426 : memref<128x16xf32, #tpu.memory_space<vmem>>)
    %dma_start3A_435 = arith.constant 3 : i32
    %dma_start3A_436 = arith.constant 3 : i32
    %dma_start3A_437 = arith.constant 1 : i32
    %dma_start3A_438 = arith.constant 3 : i32
    %dma_start3A_439 = arith.constant 0 : i32
    %dma_start3A_440 = arith.constant 0 : i32
    %dma_start3A_441 = tpu.memref_slice %arg7[%dma_start3A_435, %dma_start3A_439, %dma_start3A_440] : memref<5x128x16xf32, #tpu.memory_space<vmem>> -> memref<1x128x16xf32, #tpu.memory_space<vmem>>
    %dma_start3A_442 = tpu.memref_squeeze %dma_start3A_441 : memref<1x128x16xf32, #tpu.memory_space<vmem>> -> memref<128x16xf32, #tpu.memory_space<vmem>>
    %dma_start3A_443 = arith.constant 0 : i32
    %dma_start3A_444 = tpu.memref_slice %arg6[%dma_start3A_436, %dma_start3A_437, %dma_start3A_443] : memref<5x2x128xi32, #tpu.memory_space<vmem>> -> memref<1x1x128xi32, #tpu.memory_space<vmem>>
    %dma_start3A_445 = tpu.memref_squeeze %dma_start3A_444 : memref<1x1x128xi32, #tpu.memory_space<vmem>> -> memref<128xi32, #tpu.memory_space<vmem>>
    %dma_start3A_446 = arith.constant 0 : i32
    %dma_start3A_447 = arith.constant 0 : i32
    %dma_start3A_448 = tpu.memref_slice %arg8[%dma_start3A_446, %dma_start3A_447] : memref<10112x16xf32, #tpu.memory_space<vmem_shared>> -> memref<10112x16xf32, #tpu.memory_space<vmem_shared>>
    %dma_start3A_449 = tpu.memref_slice %arg11[%dma_start3A_438] : memref<5x!tpu.dma_semaphore, #tpu.memory_space<semaphore_mem>> -> memref<1x!tpu.dma_semaphore, #tpu.memory_space<semaphore_mem>>
    %dma_start3A_450 = tpu.memref_squeeze %dma_start3A_449 : memref<1x!tpu.dma_semaphore, #tpu.memory_space<semaphore_mem>> -> memref<!tpu.dma_semaphore, #tpu.memory_space<semaphore_mem>>
    tpu.enqueue_indirect_dma source(%dma_start3A_442 : memref<128x16xf32, #tpu.memory_space<vmem>>) target(%dma_start3A_448 : memref<10112x16xf32, #tpu.memory_space<vmem_shared>>) offsets(%dma_start3A_445 : memref<128xi32, #tpu.memory_space<vmem>>) semaphore(%dma_start3A_450 : memref<!tpu.dma_semaphore, #tpu.memory_space<semaphore_mem>>) {add = true}
    %dma_wait3A_451 = arith.constant 4 : i32
    %dma_wait3A_452 = arith.constant 0 : i32
    %dma_wait3A_453 = arith.constant 4 : i32
    %dma_wait3A_454 = arith.constant 4 : i32
    %dma_wait3A_455 = arith.constant 0 : i32
    %dma_wait3A_456 = arith.constant 0 : i32
    %dma_wait3A_457 = tpu.memref_slice %arg7[%dma_wait3A_453, %dma_wait3A_455, %dma_wait3A_456] : memref<5x128x16xf32, #tpu.memory_space<vmem>> -> memref<1x128x16xf32, #tpu.memory_space<vmem>>
    %dma_wait3A_458 = tpu.memref_squeeze %dma_wait3A_457 : memref<1x128x16xf32, #tpu.memory_space<vmem>> -> memref<128x16xf32, #tpu.memory_space<vmem>>
    %dma_wait3A_459 = arith.constant 0 : i32
    %dma_wait3A_460 = tpu.memref_slice %arg6[%dma_wait3A_451, %dma_wait3A_452, %dma_wait3A_459] : memref<5x2x128xi32, #tpu.memory_space<vmem>> -> memref<1x1x128xi32, #tpu.memory_space<vmem>>
    %dma_wait3A_461 = tpu.memref_squeeze %dma_wait3A_460 : memref<1x1x128xi32, #tpu.memory_space<vmem>> -> memref<128xi32, #tpu.memory_space<vmem>>
    %dma_wait3A_462 = arith.constant 0 : i32
    %dma_wait3A_463 = arith.constant 0 : i32
    %dma_wait3A_464 = tpu.memref_slice %arg2[%dma_wait3A_462, %dma_wait3A_463] : memref<10112x16xf32, #tpu.memory_space<hbm>> -> memref<10112x16xf32, #tpu.memory_space<hbm>>
    %dma_wait3A_465 = tpu.memref_slice %arg10[%dma_wait3A_454] : memref<5x!tpu.dma_semaphore, #tpu.memory_space<semaphore_mem>> -> memref<1x!tpu.dma_semaphore, #tpu.memory_space<semaphore_mem>>
    %dma_wait3A_466 = tpu.memref_squeeze %dma_wait3A_465 : memref<1x!tpu.dma_semaphore, #tpu.memory_space<semaphore_mem>> -> memref<!tpu.dma_semaphore, #tpu.memory_space<semaphore_mem>>
    tpu.wait_indirect_dma semaphore(%dma_wait3A_466 : memref<!tpu.dma_semaphore, #tpu.memory_space<semaphore_mem>>) src(%dma_wait3A_464 : memref<10112x16xf32, #tpu.memory_space<hbm>>) dst(%dma_wait3A_458 : memref<128x16xf32, #tpu.memory_space<vmem>>)
    %dma_start3A_467 = arith.constant 4 : i32
    %dma_start3A_468 = arith.constant 4 : i32
    %dma_start3A_469 = arith.constant 1 : i32
    %dma_start3A_470 = arith.constant 4 : i32
    %dma_start3A_471 = arith.constant 0 : i32
    %dma_start3A_472 = arith.constant 0 : i32
    %dma_start3A_473 = tpu.memref_slice %arg7[%dma_start3A_467, %dma_start3A_471, %dma_start3A_472] : memref<5x128x16xf32, #tpu.memory_space<vmem>> -> memref<1x128x16xf32, #tpu.memory_space<vmem>>
    %dma_start3A_474 = tpu.memref_squeeze %dma_start3A_473 : memref<1x128x16xf32, #tpu.memory_space<vmem>> -> memref<128x16xf32, #tpu.memory_space<vmem>>
    %dma_start3A_475 = arith.constant 0 : i32
    %dma_start3A_476 = tpu.memref_slice %arg6[%dma_start3A_468, %dma_start3A_469, %dma_start3A_475] : memref<5x2x128xi32, #tpu.memory_space<vmem>> -> memref<1x1x128xi32, #tpu.memory_space<vmem>>
    %dma_start3A_477 = tpu.memref_squeeze %dma_start3A_476 : memref<1x1x128xi32, #tpu.memory_space<vmem>> -> memref<128xi32, #tpu.memory_space<vmem>>
    %dma_start3A_478 = arith.constant 0 : i32
    %dma_start3A_479 = arith.constant 0 : i32
    %dma_start3A_480 = tpu.memref_slice %arg8[%dma_start3A_478, %dma_start3A_479] : memref<10112x16xf32, #tpu.memory_space<vmem_shared>> -> memref<10112x16xf32, #tpu.memory_space<vmem_shared>>
    %dma_start3A_481 = tpu.memref_slice %arg11[%dma_start3A_470] : memref<5x!tpu.dma_semaphore, #tpu.memory_space<semaphore_mem>> -> memref<1x!tpu.dma_semaphore, #tpu.memory_space<semaphore_mem>>
    %dma_start3A_482 = tpu.memref_squeeze %dma_start3A_481 : memref<1x!tpu.dma_semaphore, #tpu.memory_space<semaphore_mem>> -> memref<!tpu.dma_semaphore, #tpu.memory_space<semaphore_mem>>
    tpu.enqueue_indirect_dma source(%dma_start3A_474 : memref<128x16xf32, #tpu.memory_space<vmem>>) target(%dma_start3A_480 : memref<10112x16xf32, #tpu.memory_space<vmem_shared>>) offsets(%dma_start3A_477 : memref<128xi32, #tpu.memory_space<vmem>>) semaphore(%dma_start3A_482 : memref<!tpu.dma_semaphore, #tpu.memory_space<semaphore_mem>>) {add = true}
    %scan3A = arith.constant 0 : i32
    %scan3A_483 = arith.constant 1 : i32
    %scan3A_484 = arith.constant 31 : i32
    %scan3A_485 = arith.addi %scan3A_483, %scan3A_484 : i32
    %scan3A_486 = arith.constant 1 : i32
    %scan3A_487 = scf.for %scan3A_570 = %scan3A_483 to %scan3A_485 step %scan3A_486 iter_args(%scan3A_571 = %scan3A) -> (i32)  : i32 {
      %mul3A_572 = arith.constant 5 : i32
      %mul3A_573 = arith.muli %scan3A_570, %mul3A_572 : i32
      %add3A_574 = arith.addi %mul3A_4, %mul3A_573 : i32
      %add3A_575 = arith.constant 0 : i32
      %add3A_576 = arith.addi %add3A_574, %add3A_575 : i32
      %dma_wait3A_577 = arith.constant 0 : i32
      %dma_wait3A_578 = arith.constant 0 : i32
      %dma_wait3A_579 = arith.constant 1 : i32
      %dma_wait3A_580 = arith.constant 0 : i32
      %dma_wait3A_581 = arith.constant 0 : i32
      %dma_wait3A_582 = arith.constant 0 : i32
      %dma_wait3A_583 = tpu.memref_slice %arg7[%dma_wait3A_577, %dma_wait3A_581, %dma_wait3A_582] : memref<5x128x16xf32, #tpu.memory_space<vmem>> -> memref<1x128x16xf32, #tpu.memory_space<vmem>>
      %dma_wait3A_584 = tpu.memref_squeeze %dma_wait3A_583 : memref<1x128x16xf32, #tpu.memory_space<vmem>> -> memref<128x16xf32, #tpu.memory_space<vmem>>
      %dma_wait3A_585 = arith.constant 0 : i32
      %dma_wait3A_586 = tpu.memref_slice %arg6[%dma_wait3A_578, %dma_wait3A_579, %dma_wait3A_585] : memref<5x2x128xi32, #tpu.memory_space<vmem>> -> memref<1x1x128xi32, #tpu.memory_space<vmem>>
      %dma_wait3A_587 = tpu.memref_squeeze %dma_wait3A_586 : memref<1x1x128xi32, #tpu.memory_space<vmem>> -> memref<128xi32, #tpu.memory_space<vmem>>
      %dma_wait3A_588 = arith.constant 0 : i32
      %dma_wait3A_589 = arith.constant 0 : i32
      %dma_wait3A_590 = tpu.memref_slice %arg8[%dma_wait3A_588, %dma_wait3A_589] : memref<10112x16xf32, #tpu.memory_space<vmem_shared>> -> memref<10112x16xf32, #tpu.memory_space<vmem_shared>>
      %dma_wait3A_591 = tpu.memref_slice %arg11[%dma_wait3A_580] : memref<5x!tpu.dma_semaphore, #tpu.memory_space<semaphore_mem>> -> memref<1x!tpu.dma_semaphore, #tpu.memory_space<semaphore_mem>>
      %dma_wait3A_592 = tpu.memref_squeeze %dma_wait3A_591 : memref<1x!tpu.dma_semaphore, #tpu.memory_space<semaphore_mem>> -> memref<!tpu.dma_semaphore, #tpu.memory_space<semaphore_mem>>
      tpu.wait_indirect_dma semaphore(%dma_wait3A_592 : memref<!tpu.dma_semaphore, #tpu.memory_space<semaphore_mem>>) src(%dma_wait3A_584 : memref<128x16xf32, #tpu.memory_space<vmem>>) dst(%dma_wait3A_590 : memref<10112x16xf32, #tpu.memory_space<vmem_shared>>)
      %dma_start3A_593 = arith.constant 0 : i32
      %dma_start3A_594 = arith.constant 0 : i32
      %dma_start3A_595 = arith.constant 0 : i32
      %dma_start3A_596 = arith.constant 0 : i32
      %dma_start3A_597 = tpu.memref_slice %arg6[%dma_start3A_593, %dma_start3A_595, %dma_start3A_596] : memref<5x2x128xi32, #tpu.memory_space<vmem>> -> memref<1x2x128xi32, #tpu.memory_space<vmem>>
      %dma_start3A_598 = tpu.memref_squeeze %dma_start3A_597 : memref<1x2x128xi32, #tpu.memory_space<vmem>> -> memref<2x128xi32, #tpu.memory_space<vmem>>
      %dma_start3A_599 = arith.constant 0 : i32
      %dma_start3A_600 = arith.constant 0 : i32
      %dma_start3A_601 = tpu.memref_slice %arg3[%add3A_576, %dma_start3A_599, %dma_start3A_600] : memref<5120x2x128xi32, #tpu.memory_space<hbm>> -> memref<1x2x128xi32, #tpu.memory_space<hbm>>
      %dma_start3A_602 = tpu.memref_squeeze %dma_start3A_601 : memref<1x2x128xi32, #tpu.memory_space<hbm>> -> memref<2x128xi32, #tpu.memory_space<hbm>>
      %dma_start3A_603 = tpu.memref_slice %arg9[%dma_start3A_594] : memref<5x!tpu.dma_semaphore, #tpu.memory_space<semaphore_mem>> -> memref<1x!tpu.dma_semaphore, #tpu.memory_space<semaphore_mem>>
      %dma_start3A_604 = tpu.memref_squeeze %dma_start3A_603 : memref<1x!tpu.dma_semaphore, #tpu.memory_space<semaphore_mem>> -> memref<!tpu.dma_semaphore, #tpu.memory_space<semaphore_mem>>
      %dma_start3A_605 = arith.constant 0 : i32
      %dma_start3A_606 = arith.constant 0 : i32
      %dma_start3A_607 = tpu.memref_slice %arg6[%dma_start3A_593, %dma_start3A_605, %dma_start3A_606] : memref<5x2x128xi32, #tpu.memory_space<vmem>> -> memref<1x2x128xi32, #tpu.memory_space<vmem>>
      %dma_start3A_608 = tpu.memref_squeeze %dma_start3A_607 : memref<1x2x128xi32, #tpu.memory_space<vmem>> -> memref<2x128xi32, #tpu.memory_space<vmem>>
      %dma_start3A_609 = arith.constant 0 : i32
      %dma_start3A_610 = arith.constant 0 : i32
      %dma_start3A_611 = tpu.memref_slice %arg3[%add3A_576, %dma_start3A_609, %dma_start3A_610] : memref<5120x2x128xi32, #tpu.memory_space<hbm>> -> memref<1x2x128xi32, #tpu.memory_space<hbm>>
      %dma_start3A_612 = tpu.memref_squeeze %dma_start3A_611 : memref<1x2x128xi32, #tpu.memory_space<hbm>> -> memref<2x128xi32, #tpu.memory_space<hbm>>
      tpu.enqueue_dma source(%dma_start3A_612 : memref<2x128xi32, #tpu.memory_space<hbm>>) target(%dma_start3A_608 : memref<2x128xi32, #tpu.memory_space<vmem>>) target_semaphore(%dma_start3A_604 : memref<!tpu.dma_semaphore, #tpu.memory_space<semaphore_mem>>)
      %mul3A_613 = arith.constant 5 : i32
      %mul3A_614 = arith.muli %scan3A_570, %mul3A_613 : i32
      %add3A_615 = arith.addi %mul3A_4, %mul3A_614 : i32
      %add3A_616 = arith.constant 1 : i32
      %add3A_617 = arith.addi %add3A_615, %add3A_616 : i32
      %dma_wait3A_618 = arith.constant 1 : i32
      %dma_wait3A_619 = arith.constant 1 : i32
      %dma_wait3A_620 = arith.constant 1 : i32
      %dma_wait3A_621 = arith.constant 1 : i32
      %dma_wait3A_622 = arith.constant 0 : i32
      %dma_wait3A_623 = arith.constant 0 : i32
      %dma_wait3A_624 = tpu.memref_slice %arg7[%dma_wait3A_618, %dma_wait3A_622, %dma_wait3A_623] : memref<5x128x16xf32, #tpu.memory_space<vmem>> -> memref<1x128x16xf32, #tpu.memory_space<vmem>>
      %dma_wait3A_625 = tpu.memref_squeeze %dma_wait3A_624 : memref<1x128x16xf32, #tpu.memory_space<vmem>> -> memref<128x16xf32, #tpu.memory_space<vmem>>
      %dma_wait3A_626 = arith.constant 0 : i32
      %dma_wait3A_627 = tpu.memref_slice %arg6[%dma_wait3A_619, %dma_wait3A_620, %dma_wait3A_626] : memref<5x2x128xi32, #tpu.memory_space<vmem>> -> memref<1x1x128xi32, #tpu.memory_space<vmem>>
      %dma_wait3A_628 = tpu.memref_squeeze %dma_wait3A_627 : memref<1x1x128xi32, #tpu.memory_space<vmem>> -> memref<128xi32, #tpu.memory_space<vmem>>
      %dma_wait3A_629 = arith.constant 0 : i32
      %dma_wait3A_630 = arith.constant 0 : i32
      %dma_wait3A_631 = tpu.memref_slice %arg8[%dma_wait3A_629, %dma_wait3A_630] : memref<10112x16xf32, #tpu.memory_space<vmem_shared>> -> memref<10112x16xf32, #tpu.memory_space<vmem_shared>>
      %dma_wait3A_632 = tpu.memref_slice %arg11[%dma_wait3A_621] : memref<5x!tpu.dma_semaphore, #tpu.memory_space<semaphore_mem>> -> memref<1x!tpu.dma_semaphore, #tpu.memory_space<semaphore_mem>>
      %dma_wait3A_633 = tpu.memref_squeeze %dma_wait3A_632 : memref<1x!tpu.dma_semaphore, #tpu.memory_space<semaphore_mem>> -> memref<!tpu.dma_semaphore, #tpu.memory_space<semaphore_mem>>
      tpu.wait_indirect_dma semaphore(%dma_wait3A_633 : memref<!tpu.dma_semaphore, #tpu.memory_space<semaphore_mem>>) src(%dma_wait3A_625 : memref<128x16xf32, #tpu.memory_space<vmem>>) dst(%dma_wait3A_631 : memref<10112x16xf32, #tpu.memory_space<vmem_shared>>)
      %dma_start3A_634 = arith.constant 1 : i32
      %dma_start3A_635 = arith.constant 1 : i32
      %dma_start3A_636 = arith.constant 0 : i32
      %dma_start3A_637 = arith.constant 0 : i32
      %dma_start3A_638 = tpu.memref_slice %arg6[%dma_start3A_634, %dma_start3A_636, %dma_start3A_637] : memref<5x2x128xi32, #tpu.memory_space<vmem>> -> memref<1x2x128xi32, #tpu.memory_space<vmem>>
      %dma_start3A_639 = tpu.memref_squeeze %dma_start3A_638 : memref<1x2x128xi32, #tpu.memory_space<vmem>> -> memref<2x128xi32, #tpu.memory_space<vmem>>
      %dma_start3A_640 = arith.constant 0 : i32
      %dma_start3A_641 = arith.constant 0 : i32
      %dma_start3A_642 = tpu.memref_slice %arg3[%add3A_617, %dma_start3A_640, %dma_start3A_641] : memref<5120x2x128xi32, #tpu.memory_space<hbm>> -> memref<1x2x128xi32, #tpu.memory_space<hbm>>
      %dma_start3A_643 = tpu.memref_squeeze %dma_start3A_642 : memref<1x2x128xi32, #tpu.memory_space<hbm>> -> memref<2x128xi32, #tpu.memory_space<hbm>>
      %dma_start3A_644 = tpu.memref_slice %arg9[%dma_start3A_635] : memref<5x!tpu.dma_semaphore, #tpu.memory_space<semaphore_mem>> -> memref<1x!tpu.dma_semaphore, #tpu.memory_space<semaphore_mem>>
      %dma_start3A_645 = tpu.memref_squeeze %dma_start3A_644 : memref<1x!tpu.dma_semaphore, #tpu.memory_space<semaphore_mem>> -> memref<!tpu.dma_semaphore, #tpu.memory_space<semaphore_mem>>
      %dma_start3A_646 = arith.constant 0 : i32
      %dma_start3A_647 = arith.constant 0 : i32
      %dma_start3A_648 = tpu.memref_slice %arg6[%dma_start3A_634, %dma_start3A_646, %dma_start3A_647] : memref<5x2x128xi32, #tpu.memory_space<vmem>> -> memref<1x2x128xi32, #tpu.memory_space<vmem>>
      %dma_start3A_649 = tpu.memref_squeeze %dma_start3A_648 : memref<1x2x128xi32, #tpu.memory_space<vmem>> -> memref<2x128xi32, #tpu.memory_space<vmem>>
      %dma_start3A_650 = arith.constant 0 : i32
      %dma_start3A_651 = arith.constant 0 : i32
      %dma_start3A_652 = tpu.memref_slice %arg3[%add3A_617, %dma_start3A_650, %dma_start3A_651] : memref<5120x2x128xi32, #tpu.memory_space<hbm>> -> memref<1x2x128xi32, #tpu.memory_space<hbm>>
      %dma_start3A_653 = tpu.memref_squeeze %dma_start3A_652 : memref<1x2x128xi32, #tpu.memory_space<hbm>> -> memref<2x128xi32, #tpu.memory_space<hbm>>
      tpu.enqueue_dma source(%dma_start3A_653 : memref<2x128xi32, #tpu.memory_space<hbm>>) target(%dma_start3A_649 : memref<2x128xi32, #tpu.memory_space<vmem>>) target_semaphore(%dma_start3A_645 : memref<!tpu.dma_semaphore, #tpu.memory_space<semaphore_mem>>)
      %mul3A_654 = arith.constant 5 : i32
      %mul3A_655 = arith.muli %scan3A_570, %mul3A_654 : i32
      %add3A_656 = arith.addi %mul3A_4, %mul3A_655 : i32
      %add3A_657 = arith.constant 2 : i32
      %add3A_658 = arith.addi %add3A_656, %add3A_657 : i32
      %dma_wait3A_659 = arith.constant 2 : i32
      %dma_wait3A_660 = arith.constant 2 : i32
      %dma_wait3A_661 = arith.constant 1 : i32
      %dma_wait3A_662 = arith.constant 2 : i32
      %dma_wait3A_663 = arith.constant 0 : i32
      %dma_wait3A_664 = arith.constant 0 : i32
      %dma_wait3A_665 = tpu.memref_slice %arg7[%dma_wait3A_659, %dma_wait3A_663, %dma_wait3A_664] : memref<5x128x16xf32, #tpu.memory_space<vmem>> -> memref<1x128x16xf32, #tpu.memory_space<vmem>>
      %dma_wait3A_666 = tpu.memref_squeeze %dma_wait3A_665 : memref<1x128x16xf32, #tpu.memory_space<vmem>> -> memref<128x16xf32, #tpu.memory_space<vmem>>
      %dma_wait3A_667 = arith.constant 0 : i32
      %dma_wait3A_668 = tpu.memref_slice %arg6[%dma_wait3A_660, %dma_wait3A_661, %dma_wait3A_667] : memref<5x2x128xi32, #tpu.memory_space<vmem>> -> memref<1x1x128xi32, #tpu.memory_space<vmem>>
      %dma_wait3A_669 = tpu.memref_squeeze %dma_wait3A_668 : memref<1x1x128xi32, #tpu.memory_space<vmem>> -> memref<128xi32, #tpu.memory_space<vmem>>
      %dma_wait3A_670 = arith.constant 0 : i32
      %dma_wait3A_671 = arith.constant 0 : i32
      %dma_wait3A_672 = tpu.memref_slice %arg8[%dma_wait3A_670, %dma_wait3A_671] : memref<10112x16xf32, #tpu.memory_space<vmem_shared>> -> memref<10112x16xf32, #tpu.memory_space<vmem_shared>>
      %dma_wait3A_673 = tpu.memref_slice %arg11[%dma_wait3A_662] : memref<5x!tpu.dma_semaphore, #tpu.memory_space<semaphore_mem>> -> memref<1x!tpu.dma_semaphore, #tpu.memory_space<semaphore_mem>>
      %dma_wait3A_674 = tpu.memref_squeeze %dma_wait3A_673 : memref<1x!tpu.dma_semaphore, #tpu.memory_space<semaphore_mem>> -> memref<!tpu.dma_semaphore, #tpu.memory_space<semaphore_mem>>
      tpu.wait_indirect_dma semaphore(%dma_wait3A_674 : memref<!tpu.dma_semaphore, #tpu.memory_space<semaphore_mem>>) src(%dma_wait3A_666 : memref<128x16xf32, #tpu.memory_space<vmem>>) dst(%dma_wait3A_672 : memref<10112x16xf32, #tpu.memory_space<vmem_shared>>)
      %dma_start3A_675 = arith.constant 2 : i32
      %dma_start3A_676 = arith.constant 2 : i32
      %dma_start3A_677 = arith.constant 0 : i32
      %dma_start3A_678 = arith.constant 0 : i32
      %dma_start3A_679 = tpu.memref_slice %arg6[%dma_start3A_675, %dma_start3A_677, %dma_start3A_678] : memref<5x2x128xi32, #tpu.memory_space<vmem>> -> memref<1x2x128xi32, #tpu.memory_space<vmem>>
      %dma_start3A_680 = tpu.memref_squeeze %dma_start3A_679 : memref<1x2x128xi32, #tpu.memory_space<vmem>> -> memref<2x128xi32, #tpu.memory_space<vmem>>
      %dma_start3A_681 = arith.constant 0 : i32
      %dma_start3A_682 = arith.constant 0 : i32
      %dma_start3A_683 = tpu.memref_slice %arg3[%add3A_658, %dma_start3A_681, %dma_start3A_682] : memref<5120x2x128xi32, #tpu.memory_space<hbm>> -> memref<1x2x128xi32, #tpu.memory_space<hbm>>
      %dma_start3A_684 = tpu.memref_squeeze %dma_start3A_683 : memref<1x2x128xi32, #tpu.memory_space<hbm>> -> memref<2x128xi32, #tpu.memory_space<hbm>>
      %dma_start3A_685 = tpu.memref_slice %arg9[%dma_start3A_676] : memref<5x!tpu.dma_semaphore, #tpu.memory_space<semaphore_mem>> -> memref<1x!tpu.dma_semaphore, #tpu.memory_space<semaphore_mem>>
      %dma_start3A_686 = tpu.memref_squeeze %dma_start3A_685 : memref<1x!tpu.dma_semaphore, #tpu.memory_space<semaphore_mem>> -> memref<!tpu.dma_semaphore, #tpu.memory_space<semaphore_mem>>
      %dma_start3A_687 = arith.constant 0 : i32
      %dma_start3A_688 = arith.constant 0 : i32
      %dma_start3A_689 = tpu.memref_slice %arg6[%dma_start3A_675, %dma_start3A_687, %dma_start3A_688] : memref<5x2x128xi32, #tpu.memory_space<vmem>> -> memref<1x2x128xi32, #tpu.memory_space<vmem>>
      %dma_start3A_690 = tpu.memref_squeeze %dma_start3A_689 : memref<1x2x128xi32, #tpu.memory_space<vmem>> -> memref<2x128xi32, #tpu.memory_space<vmem>>
      %dma_start3A_691 = arith.constant 0 : i32
      %dma_start3A_692 = arith.constant 0 : i32
      %dma_start3A_693 = tpu.memref_slice %arg3[%add3A_658, %dma_start3A_691, %dma_start3A_692] : memref<5120x2x128xi32, #tpu.memory_space<hbm>> -> memref<1x2x128xi32, #tpu.memory_space<hbm>>
      %dma_start3A_694 = tpu.memref_squeeze %dma_start3A_693 : memref<1x2x128xi32, #tpu.memory_space<hbm>> -> memref<2x128xi32, #tpu.memory_space<hbm>>
      tpu.enqueue_dma source(%dma_start3A_694 : memref<2x128xi32, #tpu.memory_space<hbm>>) target(%dma_start3A_690 : memref<2x128xi32, #tpu.memory_space<vmem>>) target_semaphore(%dma_start3A_686 : memref<!tpu.dma_semaphore, #tpu.memory_space<semaphore_mem>>)
      %mul3A_695 = arith.constant 5 : i32
      %mul3A_696 = arith.muli %scan3A_570, %mul3A_695 : i32
      %add3A_697 = arith.addi %mul3A_4, %mul3A_696 : i32
      %add3A_698 = arith.constant 3 : i32
      %add3A_699 = arith.addi %add3A_697, %add3A_698 : i32
      %dma_wait3A_700 = arith.constant 3 : i32
      %dma_wait3A_701 = arith.constant 3 : i32
      %dma_wait3A_702 = arith.constant 1 : i32
      %dma_wait3A_703 = arith.constant 3 : i32
      %dma_wait3A_704 = arith.constant 0 : i32
      %dma_wait3A_705 = arith.constant 0 : i32
      %dma_wait3A_706 = tpu.memref_slice %arg7[%dma_wait3A_700, %dma_wait3A_704, %dma_wait3A_705] : memref<5x128x16xf32, #tpu.memory_space<vmem>> -> memref<1x128x16xf32, #tpu.memory_space<vmem>>
      %dma_wait3A_707 = tpu.memref_squeeze %dma_wait3A_706 : memref<1x128x16xf32, #tpu.memory_space<vmem>> -> memref<128x16xf32, #tpu.memory_space<vmem>>
      %dma_wait3A_708 = arith.constant 0 : i32
      %dma_wait3A_709 = tpu.memref_slice %arg6[%dma_wait3A_701, %dma_wait3A_702, %dma_wait3A_708] : memref<5x2x128xi32, #tpu.memory_space<vmem>> -> memref<1x1x128xi32, #tpu.memory_space<vmem>>
      %dma_wait3A_710 = tpu.memref_squeeze %dma_wait3A_709 : memref<1x1x128xi32, #tpu.memory_space<vmem>> -> memref<128xi32, #tpu.memory_space<vmem>>
      %dma_wait3A_711 = arith.constant 0 : i32
      %dma_wait3A_712 = arith.constant 0 : i32
      %dma_wait3A_713 = tpu.memref_slice %arg8[%dma_wait3A_711, %dma_wait3A_712] : memref<10112x16xf32, #tpu.memory_space<vmem_shared>> -> memref<10112x16xf32, #tpu.memory_space<vmem_shared>>
      %dma_wait3A_714 = tpu.memref_slice %arg11[%dma_wait3A_703] : memref<5x!tpu.dma_semaphore, #tpu.memory_space<semaphore_mem>> -> memref<1x!tpu.dma_semaphore, #tpu.memory_space<semaphore_mem>>
      %dma_wait3A_715 = tpu.memref_squeeze %dma_wait3A_714 : memref<1x!tpu.dma_semaphore, #tpu.memory_space<semaphore_mem>> -> memref<!tpu.dma_semaphore, #tpu.memory_space<semaphore_mem>>
      tpu.wait_indirect_dma semaphore(%dma_wait3A_715 : memref<!tpu.dma_semaphore, #tpu.memory_space<semaphore_mem>>) src(%dma_wait3A_707 : memref<128x16xf32, #tpu.memory_space<vmem>>) dst(%dma_wait3A_713 : memref<10112x16xf32, #tpu.memory_space<vmem_shared>>)
      %dma_start3A_716 = arith.constant 3 : i32
      %dma_start3A_717 = arith.constant 3 : i32
      %dma_start3A_718 = arith.constant 0 : i32
      %dma_start3A_719 = arith.constant 0 : i32
      %dma_start3A_720 = tpu.memref_slice %arg6[%dma_start3A_716, %dma_start3A_718, %dma_start3A_719] : memref<5x2x128xi32, #tpu.memory_space<vmem>> -> memref<1x2x128xi32, #tpu.memory_space<vmem>>
      %dma_start3A_721 = tpu.memref_squeeze %dma_start3A_720 : memref<1x2x128xi32, #tpu.memory_space<vmem>> -> memref<2x128xi32, #tpu.memory_space<vmem>>
      %dma_start3A_722 = arith.constant 0 : i32
      %dma_start3A_723 = arith.constant 0 : i32
      %dma_start3A_724 = tpu.memref_slice %arg3[%add3A_699, %dma_start3A_722, %dma_start3A_723] : memref<5120x2x128xi32, #tpu.memory_space<hbm>> -> memref<1x2x128xi32, #tpu.memory_space<hbm>>
      %dma_start3A_725 = tpu.memref_squeeze %dma_start3A_724 : memref<1x2x128xi32, #tpu.memory_space<hbm>> -> memref<2x128xi32, #tpu.memory_space<hbm>>
      %dma_start3A_726 = tpu.memref_slice %arg9[%dma_start3A_717] : memref<5x!tpu.dma_semaphore, #tpu.memory_space<semaphore_mem>> -> memref<1x!tpu.dma_semaphore, #tpu.memory_space<semaphore_mem>>
      %dma_start3A_727 = tpu.memref_squeeze %dma_start3A_726 : memref<1x!tpu.dma_semaphore, #tpu.memory_space<semaphore_mem>> -> memref<!tpu.dma_semaphore, #tpu.memory_space<semaphore_mem>>
      %dma_start3A_728 = arith.constant 0 : i32
      %dma_start3A_729 = arith.constant 0 : i32
      %dma_start3A_730 = tpu.memref_slice %arg6[%dma_start3A_716, %dma_start3A_728, %dma_start3A_729] : memref<5x2x128xi32, #tpu.memory_space<vmem>> -> memref<1x2x128xi32, #tpu.memory_space<vmem>>
      %dma_start3A_731 = tpu.memref_squeeze %dma_start3A_730 : memref<1x2x128xi32, #tpu.memory_space<vmem>> -> memref<2x128xi32, #tpu.memory_space<vmem>>
      %dma_start3A_732 = arith.constant 0 : i32
      %dma_start3A_733 = arith.constant 0 : i32
      %dma_start3A_734 = tpu.memref_slice %arg3[%add3A_699, %dma_start3A_732, %dma_start3A_733] : memref<5120x2x128xi32, #tpu.memory_space<hbm>> -> memref<1x2x128xi32, #tpu.memory_space<hbm>>
      %dma_start3A_735 = tpu.memref_squeeze %dma_start3A_734 : memref<1x2x128xi32, #tpu.memory_space<hbm>> -> memref<2x128xi32, #tpu.memory_space<hbm>>
      tpu.enqueue_dma source(%dma_start3A_735 : memref<2x128xi32, #tpu.memory_space<hbm>>) target(%dma_start3A_731 : memref<2x128xi32, #tpu.memory_space<vmem>>) target_semaphore(%dma_start3A_727 : memref<!tpu.dma_semaphore, #tpu.memory_space<semaphore_mem>>)
      %mul3A_736 = arith.constant 5 : i32
      %mul3A_737 = arith.muli %scan3A_570, %mul3A_736 : i32
      %add3A_738 = arith.addi %mul3A_4, %mul3A_737 : i32
      %add3A_739 = arith.constant 4 : i32
      %add3A_740 = arith.addi %add3A_738, %add3A_739 : i32
      %dma_wait3A_741 = arith.constant 4 : i32
      %dma_wait3A_742 = arith.constant 4 : i32
      %dma_wait3A_743 = arith.constant 1 : i32
      %dma_wait3A_744 = arith.constant 4 : i32
      %dma_wait3A_745 = arith.constant 0 : i32
      %dma_wait3A_746 = arith.constant 0 : i32
      %dma_wait3A_747 = tpu.memref_slice %arg7[%dma_wait3A_741, %dma_wait3A_745, %dma_wait3A_746] : memref<5x128x16xf32, #tpu.memory_space<vmem>> -> memref<1x128x16xf32, #tpu.memory_space<vmem>>
      %dma_wait3A_748 = tpu.memref_squeeze %dma_wait3A_747 : memref<1x128x16xf32, #tpu.memory_space<vmem>> -> memref<128x16xf32, #tpu.memory_space<vmem>>
      %dma_wait3A_749 = arith.constant 0 : i32
      %dma_wait3A_750 = tpu.memref_slice %arg6[%dma_wait3A_742, %dma_wait3A_743, %dma_wait3A_749] : memref<5x2x128xi32, #tpu.memory_space<vmem>> -> memref<1x1x128xi32, #tpu.memory_space<vmem>>
      %dma_wait3A_751 = tpu.memref_squeeze %dma_wait3A_750 : memref<1x1x128xi32, #tpu.memory_space<vmem>> -> memref<128xi32, #tpu.memory_space<vmem>>
      %dma_wait3A_752 = arith.constant 0 : i32
      %dma_wait3A_753 = arith.constant 0 : i32
      %dma_wait3A_754 = tpu.memref_slice %arg8[%dma_wait3A_752, %dma_wait3A_753] : memref<10112x16xf32, #tpu.memory_space<vmem_shared>> -> memref<10112x16xf32, #tpu.memory_space<vmem_shared>>
      %dma_wait3A_755 = tpu.memref_slice %arg11[%dma_wait3A_744] : memref<5x!tpu.dma_semaphore, #tpu.memory_space<semaphore_mem>> -> memref<1x!tpu.dma_semaphore, #tpu.memory_space<semaphore_mem>>
      %dma_wait3A_756 = tpu.memref_squeeze %dma_wait3A_755 : memref<1x!tpu.dma_semaphore, #tpu.memory_space<semaphore_mem>> -> memref<!tpu.dma_semaphore, #tpu.memory_space<semaphore_mem>>
      tpu.wait_indirect_dma semaphore(%dma_wait3A_756 : memref<!tpu.dma_semaphore, #tpu.memory_space<semaphore_mem>>) src(%dma_wait3A_748 : memref<128x16xf32, #tpu.memory_space<vmem>>) dst(%dma_wait3A_754 : memref<10112x16xf32, #tpu.memory_space<vmem_shared>>)
      %dma_start3A_757 = arith.constant 4 : i32
      %dma_start3A_758 = arith.constant 4 : i32
      %dma_start3A_759 = arith.constant 0 : i32
      %dma_start3A_760 = arith.constant 0 : i32
      %dma_start3A_761 = tpu.memref_slice %arg6[%dma_start3A_757, %dma_start3A_759, %dma_start3A_760] : memref<5x2x128xi32, #tpu.memory_space<vmem>> -> memref<1x2x128xi32, #tpu.memory_space<vmem>>
      %dma_start3A_762 = tpu.memref_squeeze %dma_start3A_761 : memref<1x2x128xi32, #tpu.memory_space<vmem>> -> memref<2x128xi32, #tpu.memory_space<vmem>>
      %dma_start3A_763 = arith.constant 0 : i32
      %dma_start3A_764 = arith.constant 0 : i32
      %dma_start3A_765 = tpu.memref_slice %arg3[%add3A_740, %dma_start3A_763, %dma_start3A_764] : memref<5120x2x128xi32, #tpu.memory_space<hbm>> -> memref<1x2x128xi32, #tpu.memory_space<hbm>>
      %dma_start3A_766 = tpu.memref_squeeze %dma_start3A_765 : memref<1x2x128xi32, #tpu.memory_space<hbm>> -> memref<2x128xi32, #tpu.memory_space<hbm>>
      %dma_start3A_767 = tpu.memref_slice %arg9[%dma_start3A_758] : memref<5x!tpu.dma_semaphore, #tpu.memory_space<semaphore_mem>> -> memref<1x!tpu.dma_semaphore, #tpu.memory_space<semaphore_mem>>
      %dma_start3A_768 = tpu.memref_squeeze %dma_start3A_767 : memref<1x!tpu.dma_semaphore, #tpu.memory_space<semaphore_mem>> -> memref<!tpu.dma_semaphore, #tpu.memory_space<semaphore_mem>>
      %dma_start3A_769 = arith.constant 0 : i32
      %dma_start3A_770 = arith.constant 0 : i32
      %dma_start3A_771 = tpu.memref_slice %arg6[%dma_start3A_757, %dma_start3A_769, %dma_start3A_770] : memref<5x2x128xi32, #tpu.memory_space<vmem>> -> memref<1x2x128xi32, #tpu.memory_space<vmem>>
      %dma_start3A_772 = tpu.memref_squeeze %dma_start3A_771 : memref<1x2x128xi32, #tpu.memory_space<vmem>> -> memref<2x128xi32, #tpu.memory_space<vmem>>
      %dma_start3A_773 = arith.constant 0 : i32
      %dma_start3A_774 = arith.constant 0 : i32
      %dma_start3A_775 = tpu.memref_slice %arg3[%add3A_740, %dma_start3A_773, %dma_start3A_774] : memref<5120x2x128xi32, #tpu.memory_space<hbm>> -> memref<1x2x128xi32, #tpu.memory_space<hbm>>
      %dma_start3A_776 = tpu.memref_squeeze %dma_start3A_775 : memref<1x2x128xi32, #tpu.memory_space<hbm>> -> memref<2x128xi32, #tpu.memory_space<hbm>>
      tpu.enqueue_dma source(%dma_start3A_776 : memref<2x128xi32, #tpu.memory_space<hbm>>) target(%dma_start3A_772 : memref<2x128xi32, #tpu.memory_space<vmem>>) target_semaphore(%dma_start3A_768 : memref<!tpu.dma_semaphore, #tpu.memory_space<semaphore_mem>>)
      %mul3A_777 = arith.constant 5 : i32
      %mul3A_778 = arith.muli %scan3A_570, %mul3A_777 : i32
      %add3A_779 = arith.addi %mul3A_4, %mul3A_778 : i32
      %add3A_780 = arith.constant 0 : i32
      %add3A_781 = arith.addi %add3A_779, %add3A_780 : i32
      %dma_wait3A_782 = arith.constant 0 : i32
      %dma_wait3A_783 = arith.constant 0 : i32
      %dma_wait3A_784 = arith.constant 0 : i32
      %dma_wait3A_785 = arith.constant 0 : i32
      %dma_wait3A_786 = tpu.memref_slice %arg6[%dma_wait3A_782, %dma_wait3A_784, %dma_wait3A_785] : memref<5x2x128xi32, #tpu.memory_space<vmem>> -> memref<1x2x128xi32, #tpu.memory_space<vmem>>
      %dma_wait3A_787 = tpu.memref_squeeze %dma_wait3A_786 : memref<1x2x128xi32, #tpu.memory_space<vmem>> -> memref<2x128xi32, #tpu.memory_space<vmem>>
      %dma_wait3A_788 = arith.constant 0 : i32
      %dma_wait3A_789 = arith.constant 0 : i32
      %dma_wait3A_790 = tpu.memref_slice %arg3[%add3A_781, %dma_wait3A_788, %dma_wait3A_789] : memref<5120x2x128xi32, #tpu.memory_space<hbm>> -> memref<1x2x128xi32, #tpu.memory_space<hbm>>
      %dma_wait3A_791 = tpu.memref_squeeze %dma_wait3A_790 : memref<1x2x128xi32, #tpu.memory_space<hbm>> -> memref<2x128xi32, #tpu.memory_space<hbm>>
      %dma_wait3A_792 = tpu.memref_slice %arg9[%dma_wait3A_783] : memref<5x!tpu.dma_semaphore, #tpu.memory_space<semaphore_mem>> -> memref<1x!tpu.dma_semaphore, #tpu.memory_space<semaphore_mem>>
      %dma_wait3A_793 = tpu.memref_squeeze %dma_wait3A_792 : memref<1x!tpu.dma_semaphore, #tpu.memory_space<semaphore_mem>> -> memref<!tpu.dma_semaphore, #tpu.memory_space<semaphore_mem>>
      %dma_wait3A_794 = arith.constant 0 : i32
      %dma_wait3A_795 = arith.constant 0 : i32
      %dma_wait3A_796 = tpu.memref_slice %arg6[%dma_wait3A_782, %dma_wait3A_794, %dma_wait3A_795] : memref<5x2x128xi32, #tpu.memory_space<vmem>> -> memref<1x2x128xi32, #tpu.memory_space<vmem>>
      %dma_wait3A_797 = tpu.memref_squeeze %dma_wait3A_796 : memref<1x2x128xi32, #tpu.memory_space<vmem>> -> memref<2x128xi32, #tpu.memory_space<vmem>>
      %dma_wait3A_798 = arith.constant 0 : i32
      %dma_wait3A_799 = arith.constant 0 : i32
      %dma_wait3A_800 = tpu.memref_slice %arg3[%add3A_781, %dma_wait3A_798, %dma_wait3A_799] : memref<5120x2x128xi32, #tpu.memory_space<hbm>> -> memref<1x2x128xi32, #tpu.memory_space<hbm>>
      %dma_wait3A_801 = tpu.memref_squeeze %dma_wait3A_800 : memref<1x2x128xi32, #tpu.memory_space<hbm>> -> memref<2x128xi32, #tpu.memory_space<hbm>>
      tpu.wait_dma2 semaphore(%dma_wait3A_793 : memref<!tpu.dma_semaphore, #tpu.memory_space<semaphore_mem>>) src(%dma_wait3A_801 : memref<2x128xi32, #tpu.memory_space<hbm>>) dst(%dma_wait3A_797 : memref<2x128xi32, #tpu.memory_space<vmem>>)
      %dma_start3A_802 = arith.constant 0 : i32
      %dma_start3A_803 = arith.constant 0 : i32
      %dma_start3A_804 = arith.constant 0 : i32
      %dma_start3A_805 = arith.constant 0 : i32
      %dma_start3A_806 = arith.constant 0 : i32
      %dma_start3A_807 = arith.constant 0 : i32
      %dma_start3A_808 = tpu.memref_slice %arg7[%dma_start3A_804, %dma_start3A_806, %dma_start3A_807] : memref<5x128x16xf32, #tpu.memory_space<vmem>> -> memref<1x128x16xf32, #tpu.memory_space<vmem>>
      %dma_start3A_809 = tpu.memref_squeeze %dma_start3A_808 : memref<1x128x16xf32, #tpu.memory_space<vmem>> -> memref<128x16xf32, #tpu.memory_space<vmem>>
      %dma_start3A_810 = arith.constant 0 : i32
      %dma_start3A_811 = tpu.memref_slice %arg6[%dma_start3A_802, %dma_start3A_803, %dma_start3A_810] : memref<5x2x128xi32, #tpu.memory_space<vmem>> -> memref<1x1x128xi32, #tpu.memory_space<vmem>>
      %dma_start3A_812 = tpu.memref_squeeze %dma_start3A_811 : memref<1x1x128xi32, #tpu.memory_space<vmem>> -> memref<128xi32, #tpu.memory_space<vmem>>
      %dma_start3A_813 = arith.constant 0 : i32
      %dma_start3A_814 = arith.constant 0 : i32
      %dma_start3A_815 = tpu.memref_slice %arg2[%dma_start3A_813, %dma_start3A_814] : memref<10112x16xf32, #tpu.memory_space<hbm>> -> memref<10112x16xf32, #tpu.memory_space<hbm>>
      %dma_start3A_816 = tpu.memref_slice %arg10[%dma_start3A_805] : memref<5x!tpu.dma_semaphore, #tpu.memory_space<semaphore_mem>> -> memref<1x!tpu.dma_semaphore, #tpu.memory_space<semaphore_mem>>
      %dma_start3A_817 = tpu.memref_squeeze %dma_start3A_816 : memref<1x!tpu.dma_semaphore, #tpu.memory_space<semaphore_mem>> -> memref<!tpu.dma_semaphore, #tpu.memory_space<semaphore_mem>>
      tpu.enqueue_indirect_dma source(%dma_start3A_815 : memref<10112x16xf32, #tpu.memory_space<hbm>>) target(%dma_start3A_809 : memref<128x16xf32, #tpu.memory_space<vmem>>) offsets(%dma_start3A_812 : memref<128xi32, #tpu.memory_space<vmem>>) semaphore(%dma_start3A_817 : memref<!tpu.dma_semaphore, #tpu.memory_space<semaphore_mem>>)
      %mul3A_818 = arith.constant 5 : i32
      %mul3A_819 = arith.muli %scan3A_570, %mul3A_818 : i32
      %add3A_820 = arith.addi %mul3A_4, %mul3A_819 : i32
      %add3A_821 = arith.constant 1 : i32
      %add3A_822 = arith.addi %add3A_820, %add3A_821 : i32
      %dma_wait3A_823 = arith.constant 1 : i32
      %dma_wait3A_824 = arith.constant 1 : i32
      %dma_wait3A_825 = arith.constant 0 : i32
      %dma_wait3A_826 = arith.constant 0 : i32
      %dma_wait3A_827 = tpu.memref_slice %arg6[%dma_wait3A_823, %dma_wait3A_825, %dma_wait3A_826] : memref<5x2x128xi32, #tpu.memory_space<vmem>> -> memref<1x2x128xi32, #tpu.memory_space<vmem>>
      %dma_wait3A_828 = tpu.memref_squeeze %dma_wait3A_827 : memref<1x2x128xi32, #tpu.memory_space<vmem>> -> memref<2x128xi32, #tpu.memory_space<vmem>>
      %dma_wait3A_829 = arith.constant 0 : i32
      %dma_wait3A_830 = arith.constant 0 : i32
      %dma_wait3A_831 = tpu.memref_slice %arg3[%add3A_822, %dma_wait3A_829, %dma_wait3A_830] : memref<5120x2x128xi32, #tpu.memory_space<hbm>> -> memref<1x2x128xi32, #tpu.memory_space<hbm>>
      %dma_wait3A_832 = tpu.memref_squeeze %dma_wait3A_831 : memref<1x2x128xi32, #tpu.memory_space<hbm>> -> memref<2x128xi32, #tpu.memory_space<hbm>>
      %dma_wait3A_833 = tpu.memref_slice %arg9[%dma_wait3A_824] : memref<5x!tpu.dma_semaphore, #tpu.memory_space<semaphore_mem>> -> memref<1x!tpu.dma_semaphore, #tpu.memory_space<semaphore_mem>>
      %dma_wait3A_834 = tpu.memref_squeeze %dma_wait3A_833 : memref<1x!tpu.dma_semaphore, #tpu.memory_space<semaphore_mem>> -> memref<!tpu.dma_semaphore, #tpu.memory_space<semaphore_mem>>
      %dma_wait3A_835 = arith.constant 0 : i32
      %dma_wait3A_836 = arith.constant 0 : i32
      %dma_wait3A_837 = tpu.memref_slice %arg6[%dma_wait3A_823, %dma_wait3A_835, %dma_wait3A_836] : memref<5x2x128xi32, #tpu.memory_space<vmem>> -> memref<1x2x128xi32, #tpu.memory_space<vmem>>
      %dma_wait3A_838 = tpu.memref_squeeze %dma_wait3A_837 : memref<1x2x128xi32, #tpu.memory_space<vmem>> -> memref<2x128xi32, #tpu.memory_space<vmem>>
      %dma_wait3A_839 = arith.constant 0 : i32
      %dma_wait3A_840 = arith.constant 0 : i32
      %dma_wait3A_841 = tpu.memref_slice %arg3[%add3A_822, %dma_wait3A_839, %dma_wait3A_840] : memref<5120x2x128xi32, #tpu.memory_space<hbm>> -> memref<1x2x128xi32, #tpu.memory_space<hbm>>
      %dma_wait3A_842 = tpu.memref_squeeze %dma_wait3A_841 : memref<1x2x128xi32, #tpu.memory_space<hbm>> -> memref<2x128xi32, #tpu.memory_space<hbm>>
      tpu.wait_dma2 semaphore(%dma_wait3A_834 : memref<!tpu.dma_semaphore, #tpu.memory_space<semaphore_mem>>) src(%dma_wait3A_842 : memref<2x128xi32, #tpu.memory_space<hbm>>) dst(%dma_wait3A_838 : memref<2x128xi32, #tpu.memory_space<vmem>>)
      %dma_start3A_843 = arith.constant 1 : i32
      %dma_start3A_844 = arith.constant 0 : i32
      %dma_start3A_845 = arith.constant 1 : i32
      %dma_start3A_846 = arith.constant 1 : i32
      %dma_start3A_847 = arith.constant 0 : i32
      %dma_start3A_848 = arith.constant 0 : i32
      %dma_start3A_849 = tpu.memref_slice %arg7[%dma_start3A_845, %dma_start3A_847, %dma_start3A_848] : memref<5x128x16xf32, #tpu.memory_space<vmem>> -> memref<1x128x16xf32, #tpu.memory_space<vmem>>
      %dma_start3A_850 = tpu.memref_squeeze %dma_start3A_849 : memref<1x128x16xf32, #tpu.memory_space<vmem>> -> memref<128x16xf32, #tpu.memory_space<vmem>>
      %dma_start3A_851 = arith.constant 0 : i32
      %dma_start3A_852 = tpu.memref_slice %arg6[%dma_start3A_843, %dma_start3A_844, %dma_start3A_851] : memref<5x2x128xi32, #tpu.memory_space<vmem>> -> memref<1x1x128xi32, #tpu.memory_space<vmem>>
      %dma_start3A_853 = tpu.memref_squeeze %dma_start3A_852 : memref<1x1x128xi32, #tpu.memory_space<vmem>> -> memref<128xi32, #tpu.memory_space<vmem>>
      %dma_start3A_854 = arith.constant 0 : i32
      %dma_start3A_855 = arith.constant 0 : i32
      %dma_start3A_856 = tpu.memref_slice %arg2[%dma_start3A_854, %dma_start3A_855] : memref<10112x16xf32, #tpu.memory_space<hbm>> -> memref<10112x16xf32, #tpu.memory_space<hbm>>
      %dma_start3A_857 = tpu.memref_slice %arg10[%dma_start3A_846] : memref<5x!tpu.dma_semaphore, #tpu.memory_space<semaphore_mem>> -> memref<1x!tpu.dma_semaphore, #tpu.memory_space<semaphore_mem>>
      %dma_start3A_858 = tpu.memref_squeeze %dma_start3A_857 : memref<1x!tpu.dma_semaphore, #tpu.memory_space<semaphore_mem>> -> memref<!tpu.dma_semaphore, #tpu.memory_space<semaphore_mem>>
      tpu.enqueue_indirect_dma source(%dma_start3A_856 : memref<10112x16xf32, #tpu.memory_space<hbm>>) target(%dma_start3A_850 : memref<128x16xf32, #tpu.memory_space<vmem>>) offsets(%dma_start3A_853 : memref<128xi32, #tpu.memory_space<vmem>>) semaphore(%dma_start3A_858 : memref<!tpu.dma_semaphore, #tpu.memory_space<semaphore_mem>>)
      %mul3A_859 = arith.constant 5 : i32
      %mul3A_860 = arith.muli %scan3A_570, %mul3A_859 : i32
      %add3A_861 = arith.addi %mul3A_4, %mul3A_860 : i32
      %add3A_862 = arith.constant 2 : i32
      %add3A_863 = arith.addi %add3A_861, %add3A_862 : i32
      %dma_wait3A_864 = arith.constant 2 : i32
      %dma_wait3A_865 = arith.constant 2 : i32
      %dma_wait3A_866 = arith.constant 0 : i32
      %dma_wait3A_867 = arith.constant 0 : i32
      %dma_wait3A_868 = tpu.memref_slice %arg6[%dma_wait3A_864, %dma_wait3A_866, %dma_wait3A_867] : memref<5x2x128xi32, #tpu.memory_space<vmem>> -> memref<1x2x128xi32, #tpu.memory_space<vmem>>
      %dma_wait3A_869 = tpu.memref_squeeze %dma_wait3A_868 : memref<1x2x128xi32, #tpu.memory_space<vmem>> -> memref<2x128xi32, #tpu.memory_space<vmem>>
      %dma_wait3A_870 = arith.constant 0 : i32
      %dma_wait3A_871 = arith.constant 0 : i32
      %dma_wait3A_872 = tpu.memref_slice %arg3[%add3A_863, %dma_wait3A_870, %dma_wait3A_871] : memref<5120x2x128xi32, #tpu.memory_space<hbm>> -> memref<1x2x128xi32, #tpu.memory_space<hbm>>
      %dma_wait3A_873 = tpu.memref_squeeze %dma_wait3A_872 : memref<1x2x128xi32, #tpu.memory_space<hbm>> -> memref<2x128xi32, #tpu.memory_space<hbm>>
      %dma_wait3A_874 = tpu.memref_slice %arg9[%dma_wait3A_865] : memref<5x!tpu.dma_semaphore, #tpu.memory_space<semaphore_mem>> -> memref<1x!tpu.dma_semaphore, #tpu.memory_space<semaphore_mem>>
      %dma_wait3A_875 = tpu.memref_squeeze %dma_wait3A_874 : memref<1x!tpu.dma_semaphore, #tpu.memory_space<semaphore_mem>> -> memref<!tpu.dma_semaphore, #tpu.memory_space<semaphore_mem>>
      %dma_wait3A_876 = arith.constant 0 : i32
      %dma_wait3A_877 = arith.constant 0 : i32
      %dma_wait3A_878 = tpu.memref_slice %arg6[%dma_wait3A_864, %dma_wait3A_876, %dma_wait3A_877] : memref<5x2x128xi32, #tpu.memory_space<vmem>> -> memref<1x2x128xi32, #tpu.memory_space<vmem>>
      %dma_wait3A_879 = tpu.memref_squeeze %dma_wait3A_878 : memref<1x2x128xi32, #tpu.memory_space<vmem>> -> memref<2x128xi32, #tpu.memory_space<vmem>>
      %dma_wait3A_880 = arith.constant 0 : i32
      %dma_wait3A_881 = arith.constant 0 : i32
      %dma_wait3A_882 = tpu.memref_slice %arg3[%add3A_863, %dma_wait3A_880, %dma_wait3A_881] : memref<5120x2x128xi32, #tpu.memory_space<hbm>> -> memref<1x2x128xi32, #tpu.memory_space<hbm>>
      %dma_wait3A_883 = tpu.memref_squeeze %dma_wait3A_882 : memref<1x2x128xi32, #tpu.memory_space<hbm>> -> memref<2x128xi32, #tpu.memory_space<hbm>>
      tpu.wait_dma2 semaphore(%dma_wait3A_875 : memref<!tpu.dma_semaphore, #tpu.memory_space<semaphore_mem>>) src(%dma_wait3A_883 : memref<2x128xi32, #tpu.memory_space<hbm>>) dst(%dma_wait3A_879 : memref<2x128xi32, #tpu.memory_space<vmem>>)
      %dma_start3A_884 = arith.constant 2 : i32
      %dma_start3A_885 = arith.constant 0 : i32
      %dma_start3A_886 = arith.constant 2 : i32
      %dma_start3A_887 = arith.constant 2 : i32
      %dma_start3A_888 = arith.constant 0 : i32
      %dma_start3A_889 = arith.constant 0 : i32
      %dma_start3A_890 = tpu.memref_slice %arg7[%dma_start3A_886, %dma_start3A_888, %dma_start3A_889] : memref<5x128x16xf32, #tpu.memory_space<vmem>> -> memref<1x128x16xf32, #tpu.memory_space<vmem>>
      %dma_start3A_891 = tpu.memref_squeeze %dma_start3A_890 : memref<1x128x16xf32, #tpu.memory_space<vmem>> -> memref<128x16xf32, #tpu.memory_space<vmem>>
      %dma_start3A_892 = arith.constant 0 : i32
      %dma_start3A_893 = tpu.memref_slice %arg6[%dma_start3A_884, %dma_start3A_885, %dma_start3A_892] : memref<5x2x128xi32, #tpu.memory_space<vmem>> -> memref<1x1x128xi32, #tpu.memory_space<vmem>>
      %dma_start3A_894 = tpu.memref_squeeze %dma_start3A_893 : memref<1x1x128xi32, #tpu.memory_space<vmem>> -> memref<128xi32, #tpu.memory_space<vmem>>
      %dma_start3A_895 = arith.constant 0 : i32
      %dma_start3A_896 = arith.constant 0 : i32
      %dma_start3A_897 = tpu.memref_slice %arg2[%dma_start3A_895, %dma_start3A_896] : memref<10112x16xf32, #tpu.memory_space<hbm>> -> memref<10112x16xf32, #tpu.memory_space<hbm>>
      %dma_start3A_898 = tpu.memref_slice %arg10[%dma_start3A_887] : memref<5x!tpu.dma_semaphore, #tpu.memory_space<semaphore_mem>> -> memref<1x!tpu.dma_semaphore, #tpu.memory_space<semaphore_mem>>
      %dma_start3A_899 = tpu.memref_squeeze %dma_start3A_898 : memref<1x!tpu.dma_semaphore, #tpu.memory_space<semaphore_mem>> -> memref<!tpu.dma_semaphore, #tpu.memory_space<semaphore_mem>>
      tpu.enqueue_indirect_dma source(%dma_start3A_897 : memref<10112x16xf32, #tpu.memory_space<hbm>>) target(%dma_start3A_891 : memref<128x16xf32, #tpu.memory_space<vmem>>) offsets(%dma_start3A_894 : memref<128xi32, #tpu.memory_space<vmem>>) semaphore(%dma_start3A_899 : memref<!tpu.dma_semaphore, #tpu.memory_space<semaphore_mem>>)
      %mul3A_900 = arith.constant 5 : i32
      %mul3A_901 = arith.muli %scan3A_570, %mul3A_900 : i32
      %add3A_902 = arith.addi %mul3A_4, %mul3A_901 : i32
      %add3A_903 = arith.constant 3 : i32
      %add3A_904 = arith.addi %add3A_902, %add3A_903 : i32
      %dma_wait3A_905 = arith.constant 3 : i32
      %dma_wait3A_906 = arith.constant 3 : i32
      %dma_wait3A_907 = arith.constant 0 : i32
      %dma_wait3A_908 = arith.constant 0 : i32
      %dma_wait3A_909 = tpu.memref_slice %arg6[%dma_wait3A_905, %dma_wait3A_907, %dma_wait3A_908] : memref<5x2x128xi32, #tpu.memory_space<vmem>> -> memref<1x2x128xi32, #tpu.memory_space<vmem>>
      %dma_wait3A_910 = tpu.memref_squeeze %dma_wait3A_909 : memref<1x2x128xi32, #tpu.memory_space<vmem>> -> memref<2x128xi32, #tpu.memory_space<vmem>>
      %dma_wait3A_911 = arith.constant 0 : i32
      %dma_wait3A_912 = arith.constant 0 : i32
      %dma_wait3A_913 = tpu.memref_slice %arg3[%add3A_904, %dma_wait3A_911, %dma_wait3A_912] : memref<5120x2x128xi32, #tpu.memory_space<hbm>> -> memref<1x2x128xi32, #tpu.memory_space<hbm>>
      %dma_wait3A_914 = tpu.memref_squeeze %dma_wait3A_913 : memref<1x2x128xi32, #tpu.memory_space<hbm>> -> memref<2x128xi32, #tpu.memory_space<hbm>>
      %dma_wait3A_915 = tpu.memref_slice %arg9[%dma_wait3A_906] : memref<5x!tpu.dma_semaphore, #tpu.memory_space<semaphore_mem>> -> memref<1x!tpu.dma_semaphore, #tpu.memory_space<semaphore_mem>>
      %dma_wait3A_916 = tpu.memref_squeeze %dma_wait3A_915 : memref<1x!tpu.dma_semaphore, #tpu.memory_space<semaphore_mem>> -> memref<!tpu.dma_semaphore, #tpu.memory_space<semaphore_mem>>
      %dma_wait3A_917 = arith.constant 0 : i32
      %dma_wait3A_918 = arith.constant 0 : i32
      %dma_wait3A_919 = tpu.memref_slice %arg6[%dma_wait3A_905, %dma_wait3A_917, %dma_wait3A_918] : memref<5x2x128xi32, #tpu.memory_space<vmem>> -> memref<1x2x128xi32, #tpu.memory_space<vmem>>
      %dma_wait3A_920 = tpu.memref_squeeze %dma_wait3A_919 : memref<1x2x128xi32, #tpu.memory_space<vmem>> -> memref<2x128xi32, #tpu.memory_space<vmem>>
      %dma_wait3A_921 = arith.constant 0 : i32
      %dma_wait3A_922 = arith.constant 0 : i32
      %dma_wait3A_923 = tpu.memref_slice %arg3[%add3A_904, %dma_wait3A_921, %dma_wait3A_922] : memref<5120x2x128xi32, #tpu.memory_space<hbm>> -> memref<1x2x128xi32, #tpu.memory_space<hbm>>
      %dma_wait3A_924 = tpu.memref_squeeze %dma_wait3A_923 : memref<1x2x128xi32, #tpu.memory_space<hbm>> -> memref<2x128xi32, #tpu.memory_space<hbm>>
      tpu.wait_dma2 semaphore(%dma_wait3A_916 : memref<!tpu.dma_semaphore, #tpu.memory_space<semaphore_mem>>) src(%dma_wait3A_924 : memref<2x128xi32, #tpu.memory_space<hbm>>) dst(%dma_wait3A_920 : memref<2x128xi32, #tpu.memory_space<vmem>>)
      %dma_start3A_925 = arith.constant 3 : i32
      %dma_start3A_926 = arith.constant 0 : i32
      %dma_start3A_927 = arith.constant 3 : i32
      %dma_start3A_928 = arith.constant 3 : i32
      %dma_start3A_929 = arith.constant 0 : i32
      %dma_start3A_930 = arith.constant 0 : i32
      %dma_start3A_931 = tpu.memref_slice %arg7[%dma_start3A_927, %dma_start3A_929, %dma_start3A_930] : memref<5x128x16xf32, #tpu.memory_space<vmem>> -> memref<1x128x16xf32, #tpu.memory_space<vmem>>
      %dma_start3A_932 = tpu.memref_squeeze %dma_start3A_931 : memref<1x128x16xf32, #tpu.memory_space<vmem>> -> memref<128x16xf32, #tpu.memory_space<vmem>>
      %dma_start3A_933 = arith.constant 0 : i32
      %dma_start3A_934 = tpu.memref_slice %arg6[%dma_start3A_925, %dma_start3A_926, %dma_start3A_933] : memref<5x2x128xi32, #tpu.memory_space<vmem>> -> memref<1x1x128xi32, #tpu.memory_space<vmem>>
      %dma_start3A_935 = tpu.memref_squeeze %dma_start3A_934 : memref<1x1x128xi32, #tpu.memory_space<vmem>> -> memref<128xi32, #tpu.memory_space<vmem>>
      %dma_start3A_936 = arith.constant 0 : i32
      %dma_start3A_937 = arith.constant 0 : i32
      %dma_start3A_938 = tpu.memref_slice %arg2[%dma_start3A_936, %dma_start3A_937] : memref<10112x16xf32, #tpu.memory_space<hbm>> -> memref<10112x16xf32, #tpu.memory_space<hbm>>
      %dma_start3A_939 = tpu.memref_slice %arg10[%dma_start3A_928] : memref<5x!tpu.dma_semaphore, #tpu.memory_space<semaphore_mem>> -> memref<1x!tpu.dma_semaphore, #tpu.memory_space<semaphore_mem>>
      %dma_start3A_940 = tpu.memref_squeeze %dma_start3A_939 : memref<1x!tpu.dma_semaphore, #tpu.memory_space<semaphore_mem>> -> memref<!tpu.dma_semaphore, #tpu.memory_space<semaphore_mem>>
      tpu.enqueue_indirect_dma source(%dma_start3A_938 : memref<10112x16xf32, #tpu.memory_space<hbm>>) target(%dma_start3A_932 : memref<128x16xf32, #tpu.memory_space<vmem>>) offsets(%dma_start3A_935 : memref<128xi32, #tpu.memory_space<vmem>>) semaphore(%dma_start3A_940 : memref<!tpu.dma_semaphore, #tpu.memory_space<semaphore_mem>>)
      %mul3A_941 = arith.constant 5 : i32
      %mul3A_942 = arith.muli %scan3A_570, %mul3A_941 : i32
      %add3A_943 = arith.addi %mul3A_4, %mul3A_942 : i32
      %add3A_944 = arith.constant 4 : i32
      %add3A_945 = arith.addi %add3A_943, %add3A_944 : i32
      %dma_wait3A_946 = arith.constant 4 : i32
      %dma_wait3A_947 = arith.constant 4 : i32
      %dma_wait3A_948 = arith.constant 0 : i32
      %dma_wait3A_949 = arith.constant 0 : i32
      %dma_wait3A_950 = tpu.memref_slice %arg6[%dma_wait3A_946, %dma_wait3A_948, %dma_wait3A_949] : memref<5x2x128xi32, #tpu.memory_space<vmem>> -> memref<1x2x128xi32, #tpu.memory_space<vmem>>
      %dma_wait3A_951 = tpu.memref_squeeze %dma_wait3A_950 : memref<1x2x128xi32, #tpu.memory_space<vmem>> -> memref<2x128xi32, #tpu.memory_space<vmem>>
      %dma_wait3A_952 = arith.constant 0 : i32
      %dma_wait3A_953 = arith.constant 0 : i32
      %dma_wait3A_954 = tpu.memref_slice %arg3[%add3A_945, %dma_wait3A_952, %dma_wait3A_953] : memref<5120x2x128xi32, #tpu.memory_space<hbm>> -> memref<1x2x128xi32, #tpu.memory_space<hbm>>
      %dma_wait3A_955 = tpu.memref_squeeze %dma_wait3A_954 : memref<1x2x128xi32, #tpu.memory_space<hbm>> -> memref<2x128xi32, #tpu.memory_space<hbm>>
      %dma_wait3A_956 = tpu.memref_slice %arg9[%dma_wait3A_947] : memref<5x!tpu.dma_semaphore, #tpu.memory_space<semaphore_mem>> -> memref<1x!tpu.dma_semaphore, #tpu.memory_space<semaphore_mem>>
      %dma_wait3A_957 = tpu.memref_squeeze %dma_wait3A_956 : memref<1x!tpu.dma_semaphore, #tpu.memory_space<semaphore_mem>> -> memref<!tpu.dma_semaphore, #tpu.memory_space<semaphore_mem>>
      %dma_wait3A_958 = arith.constant 0 : i32
      %dma_wait3A_959 = arith.constant 0 : i32
      %dma_wait3A_960 = tpu.memref_slice %arg6[%dma_wait3A_946, %dma_wait3A_958, %dma_wait3A_959] : memref<5x2x128xi32, #tpu.memory_space<vmem>> -> memref<1x2x128xi32, #tpu.memory_space<vmem>>
      %dma_wait3A_961 = tpu.memref_squeeze %dma_wait3A_960 : memref<1x2x128xi32, #tpu.memory_space<vmem>> -> memref<2x128xi32, #tpu.memory_space<vmem>>
      %dma_wait3A_962 = arith.constant 0 : i32
      %dma_wait3A_963 = arith.constant 0 : i32
      %dma_wait3A_964 = tpu.memref_slice %arg3[%add3A_945, %dma_wait3A_962, %dma_wait3A_963] : memref<5120x2x128xi32, #tpu.memory_space<hbm>> -> memref<1x2x128xi32, #tpu.memory_space<hbm>>
      %dma_wait3A_965 = tpu.memref_squeeze %dma_wait3A_964 : memref<1x2x128xi32, #tpu.memory_space<hbm>> -> memref<2x128xi32, #tpu.memory_space<hbm>>
      tpu.wait_dma2 semaphore(%dma_wait3A_957 : memref<!tpu.dma_semaphore, #tpu.memory_space<semaphore_mem>>) src(%dma_wait3A_965 : memref<2x128xi32, #tpu.memory_space<hbm>>) dst(%dma_wait3A_961 : memref<2x128xi32, #tpu.memory_space<vmem>>)
      %dma_start3A_966 = arith.constant 4 : i32
      %dma_start3A_967 = arith.constant 0 : i32
      %dma_start3A_968 = arith.constant 4 : i32
      %dma_start3A_969 = arith.constant 4 : i32
      %dma_start3A_970 = arith.constant 0 : i32
      %dma_start3A_971 = arith.constant 0 : i32
      %dma_start3A_972 = tpu.memref_slice %arg7[%dma_start3A_968, %dma_start3A_970, %dma_start3A_971] : memref<5x128x16xf32, #tpu.memory_space<vmem>> -> memref<1x128x16xf32, #tpu.memory_space<vmem>>
      %dma_start3A_973 = tpu.memref_squeeze %dma_start3A_972 : memref<1x128x16xf32, #tpu.memory_space<vmem>> -> memref<128x16xf32, #tpu.memory_space<vmem>>
      %dma_start3A_974 = arith.constant 0 : i32
      %dma_start3A_975 = tpu.memref_slice %arg6[%dma_start3A_966, %dma_start3A_967, %dma_start3A_974] : memref<5x2x128xi32, #tpu.memory_space<vmem>> -> memref<1x1x128xi32, #tpu.memory_space<vmem>>
      %dma_start3A_976 = tpu.memref_squeeze %dma_start3A_975 : memref<1x1x128xi32, #tpu.memory_space<vmem>> -> memref<128xi32, #tpu.memory_space<vmem>>
      %dma_start3A_977 = arith.constant 0 : i32
      %dma_start3A_978 = arith.constant 0 : i32
      %dma_start3A_979 = tpu.memref_slice %arg2[%dma_start3A_977, %dma_start3A_978] : memref<10112x16xf32, #tpu.memory_space<hbm>> -> memref<10112x16xf32, #tpu.memory_space<hbm>>
      %dma_start3A_980 = tpu.memref_slice %arg10[%dma_start3A_969] : memref<5x!tpu.dma_semaphore, #tpu.memory_space<semaphore_mem>> -> memref<1x!tpu.dma_semaphore, #tpu.memory_space<semaphore_mem>>
      %dma_start3A_981 = tpu.memref_squeeze %dma_start3A_980 : memref<1x!tpu.dma_semaphore, #tpu.memory_space<semaphore_mem>> -> memref<!tpu.dma_semaphore, #tpu.memory_space<semaphore_mem>>
      tpu.enqueue_indirect_dma source(%dma_start3A_979 : memref<10112x16xf32, #tpu.memory_space<hbm>>) target(%dma_start3A_973 : memref<128x16xf32, #tpu.memory_space<vmem>>) offsets(%dma_start3A_976 : memref<128xi32, #tpu.memory_space<vmem>>) semaphore(%dma_start3A_981 : memref<!tpu.dma_semaphore, #tpu.memory_space<semaphore_mem>>)
      %dma_wait3A_982 = arith.constant 0 : i32
      %dma_wait3A_983 = arith.constant 0 : i32
      %dma_wait3A_984 = arith.constant 0 : i32
      %dma_wait3A_985 = arith.constant 0 : i32
      %dma_wait3A_986 = arith.constant 0 : i32
      %dma_wait3A_987 = arith.constant 0 : i32
      %dma_wait3A_988 = tpu.memref_slice %arg7[%dma_wait3A_984, %dma_wait3A_986, %dma_wait3A_987] : memref<5x128x16xf32, #tpu.memory_space<vmem>> -> memref<1x128x16xf32, #tpu.memory_space<vmem>>
      %dma_wait3A_989 = tpu.memref_squeeze %dma_wait3A_988 : memref<1x128x16xf32, #tpu.memory_space<vmem>> -> memref<128x16xf32, #tpu.memory_space<vmem>>
      %dma_wait3A_990 = arith.constant 0 : i32
      %dma_wait3A_991 = tpu.memref_slice %arg6[%dma_wait3A_982, %dma_wait3A_983, %dma_wait3A_990] : memref<5x2x128xi32, #tpu.memory_space<vmem>> -> memref<1x1x128xi32, #tpu.memory_space<vmem>>
      %dma_wait3A_992 = tpu.memref_squeeze %dma_wait3A_991 : memref<1x1x128xi32, #tpu.memory_space<vmem>> -> memref<128xi32, #tpu.memory_space<vmem>>
      %dma_wait3A_993 = arith.constant 0 : i32
      %dma_wait3A_994 = arith.constant 0 : i32
      %dma_wait3A_995 = tpu.memref_slice %arg2[%dma_wait3A_993, %dma_wait3A_994] : memref<10112x16xf32, #tpu.memory_space<hbm>> -> memref<10112x16xf32, #tpu.memory_space<hbm>>
      %dma_wait3A_996 = tpu.memref_slice %arg10[%dma_wait3A_985] : memref<5x!tpu.dma_semaphore, #tpu.memory_space<semaphore_mem>> -> memref<1x!tpu.dma_semaphore, #tpu.memory_space<semaphore_mem>>
      %dma_wait3A_997 = tpu.memref_squeeze %dma_wait3A_996 : memref<1x!tpu.dma_semaphore, #tpu.memory_space<semaphore_mem>> -> memref<!tpu.dma_semaphore, #tpu.memory_space<semaphore_mem>>
      tpu.wait_indirect_dma semaphore(%dma_wait3A_997 : memref<!tpu.dma_semaphore, #tpu.memory_space<semaphore_mem>>) src(%dma_wait3A_995 : memref<10112x16xf32, #tpu.memory_space<hbm>>) dst(%dma_wait3A_989 : memref<128x16xf32, #tpu.memory_space<vmem>>)
      %dma_start3A_998 = arith.constant 0 : i32
      %dma_start3A_999 = arith.constant 0 : i32
      %dma_start3A_1000 = arith.constant 1 : i32
      %dma_start3A_1001 = arith.constant 0 : i32
      %dma_start3A_1002 = arith.constant 0 : i32
      %dma_start3A_1003 = arith.constant 0 : i32
      %dma_start3A_1004 = tpu.memref_slice %arg7[%dma_start3A_998, %dma_start3A_1002, %dma_start3A_1003] : memref<5x128x16xf32, #tpu.memory_space<vmem>> -> memref<1x128x16xf32, #tpu.memory_space<vmem>>
      %dma_start3A_1005 = tpu.memref_squeeze %dma_start3A_1004 : memref<1x128x16xf32, #tpu.memory_space<vmem>> -> memref<128x16xf32, #tpu.memory_space<vmem>>
      %dma_start3A_1006 = arith.constant 0 : i32
      %dma_start3A_1007 = tpu.memref_slice %arg6[%dma_start3A_999, %dma_start3A_1000, %dma_start3A_1006] : memref<5x2x128xi32, #tpu.memory_space<vmem>> -> memref<1x1x128xi32, #tpu.memory_space<vmem>>
      %dma_start3A_1008 = tpu.memref_squeeze %dma_start3A_1007 : memref<1x1x128xi32, #tpu.memory_space<vmem>> -> memref<128xi32, #tpu.memory_space<vmem>>
      %dma_start3A_1009 = arith.constant 0 : i32
      %dma_start3A_1010 = arith.constant 0 : i32
      %dma_start3A_1011 = tpu.memref_slice %arg8[%dma_start3A_1009, %dma_start3A_1010] : memref<10112x16xf32, #tpu.memory_space<vmem_shared>> -> memref<10112x16xf32, #tpu.memory_space<vmem_shared>>
      %dma_start3A_1012 = tpu.memref_slice %arg11[%dma_start3A_1001] : memref<5x!tpu.dma_semaphore, #tpu.memory_space<semaphore_mem>> -> memref<1x!tpu.dma_semaphore, #tpu.memory_space<semaphore_mem>>
      %dma_start3A_1013 = tpu.memref_squeeze %dma_start3A_1012 : memref<1x!tpu.dma_semaphore, #tpu.memory_space<semaphore_mem>> -> memref<!tpu.dma_semaphore, #tpu.memory_space<semaphore_mem>>
      tpu.enqueue_indirect_dma source(%dma_start3A_1005 : memref<128x16xf32, #tpu.memory_space<vmem>>) target(%dma_start3A_1011 : memref<10112x16xf32, #tpu.memory_space<vmem_shared>>) offsets(%dma_start3A_1008 : memref<128xi32, #tpu.memory_space<vmem>>) semaphore(%dma_start3A_1013 : memref<!tpu.dma_semaphore, #tpu.memory_space<semaphore_mem>>) {add = true}
      %dma_wait3A_1014 = arith.constant 1 : i32
      %dma_wait3A_1015 = arith.constant 0 : i32
      %dma_wait3A_1016 = arith.constant 1 : i32
      %dma_wait3A_1017 = arith.constant 1 : i32
      %dma_wait3A_1018 = arith.constant 0 : i32
      %dma_wait3A_1019 = arith.constant 0 : i32
      %dma_wait3A_1020 = tpu.memref_slice %arg7[%dma_wait3A_1016, %dma_wait3A_1018, %dma_wait3A_1019] : memref<5x128x16xf32, #tpu.memory_space<vmem>> -> memref<1x128x16xf32, #tpu.memory_space<vmem>>
      %dma_wait3A_1021 = tpu.memref_squeeze %dma_wait3A_1020 : memref<1x128x16xf32, #tpu.memory_space<vmem>> -> memref<128x16xf32, #tpu.memory_space<vmem>>
      %dma_wait3A_1022 = arith.constant 0 : i32
      %dma_wait3A_1023 = tpu.memref_slice %arg6[%dma_wait3A_1014, %dma_wait3A_1015, %dma_wait3A_1022] : memref<5x2x128xi32, #tpu.memory_space<vmem>> -> memref<1x1x128xi32, #tpu.memory_space<vmem>>
      %dma_wait3A_1024 = tpu.memref_squeeze %dma_wait3A_1023 : memref<1x1x128xi32, #tpu.memory_space<vmem>> -> memref<128xi32, #tpu.memory_space<vmem>>
      %dma_wait3A_1025 = arith.constant 0 : i32
      %dma_wait3A_1026 = arith.constant 0 : i32
      %dma_wait3A_1027 = tpu.memref_slice %arg2[%dma_wait3A_1025, %dma_wait3A_1026] : memref<10112x16xf32, #tpu.memory_space<hbm>> -> memref<10112x16xf32, #tpu.memory_space<hbm>>
      %dma_wait3A_1028 = tpu.memref_slice %arg10[%dma_wait3A_1017] : memref<5x!tpu.dma_semaphore, #tpu.memory_space<semaphore_mem>> -> memref<1x!tpu.dma_semaphore, #tpu.memory_space<semaphore_mem>>
      %dma_wait3A_1029 = tpu.memref_squeeze %dma_wait3A_1028 : memref<1x!tpu.dma_semaphore, #tpu.memory_space<semaphore_mem>> -> memref<!tpu.dma_semaphore, #tpu.memory_space<semaphore_mem>>
      tpu.wait_indirect_dma semaphore(%dma_wait3A_1029 : memref<!tpu.dma_semaphore, #tpu.memory_space<semaphore_mem>>) src(%dma_wait3A_1027 : memref<10112x16xf32, #tpu.memory_space<hbm>>) dst(%dma_wait3A_1021 : memref<128x16xf32, #tpu.memory_space<vmem>>)
      %dma_start3A_1030 = arith.constant 1 : i32
      %dma_start3A_1031 = arith.constant 1 : i32
      %dma_start3A_1032 = arith.constant 1 : i32
      %dma_start3A_1033 = arith.constant 1 : i32
      %dma_start3A_1034 = arith.constant 0 : i32
      %dma_start3A_1035 = arith.constant 0 : i32
      %dma_start3A_1036 = tpu.memref_slice %arg7[%dma_start3A_1030, %dma_start3A_1034, %dma_start3A_1035] : memref<5x128x16xf32, #tpu.memory_space<vmem>> -> memref<1x128x16xf32, #tpu.memory_space<vmem>>
      %dma_start3A_1037 = tpu.memref_squeeze %dma_start3A_1036 : memref<1x128x16xf32, #tpu.memory_space<vmem>> -> memref<128x16xf32, #tpu.memory_space<vmem>>
      %dma_start3A_1038 = arith.constant 0 : i32
      %dma_start3A_1039 = tpu.memref_slice %arg6[%dma_start3A_1031, %dma_start3A_1032, %dma_start3A_1038] : memref<5x2x128xi32, #tpu.memory_space<vmem>> -> memref<1x1x128xi32, #tpu.memory_space<vmem>>
      %dma_start3A_1040 = tpu.memref_squeeze %dma_start3A_1039 : memref<1x1x128xi32, #tpu.memory_space<vmem>> -> memref<128xi32, #tpu.memory_space<vmem>>
      %dma_start3A_1041 = arith.constant 0 : i32
      %dma_start3A_1042 = arith.constant 0 : i32
      %dma_start3A_1043 = tpu.memref_slice %arg8[%dma_start3A_1041, %dma_start3A_1042] : memref<10112x16xf32, #tpu.memory_space<vmem_shared>> -> memref<10112x16xf32, #tpu.memory_space<vmem_shared>>
      %dma_start3A_1044 = tpu.memref_slice %arg11[%dma_start3A_1033] : memref<5x!tpu.dma_semaphore, #tpu.memory_space<semaphore_mem>> -> memref<1x!tpu.dma_semaphore, #tpu.memory_space<semaphore_mem>>
      %dma_start3A_1045 = tpu.memref_squeeze %dma_start3A_1044 : memref<1x!tpu.dma_semaphore, #tpu.memory_space<semaphore_mem>> -> memref<!tpu.dma_semaphore, #tpu.memory_space<semaphore_mem>>
      tpu.enqueue_indirect_dma source(%dma_start3A_1037 : memref<128x16xf32, #tpu.memory_space<vmem>>) target(%dma_start3A_1043 : memref<10112x16xf32, #tpu.memory_space<vmem_shared>>) offsets(%dma_start3A_1040 : memref<128xi32, #tpu.memory_space<vmem>>) semaphore(%dma_start3A_1045 : memref<!tpu.dma_semaphore, #tpu.memory_space<semaphore_mem>>) {add = true}
      %dma_wait3A_1046 = arith.constant 2 : i32
      %dma_wait3A_1047 = arith.constant 0 : i32
      %dma_wait3A_1048 = arith.constant 2 : i32
      %dma_wait3A_1049 = arith.constant 2 : i32
      %dma_wait3A_1050 = arith.constant 0 : i32
      %dma_wait3A_1051 = arith.constant 0 : i32
      %dma_wait3A_1052 = tpu.memref_slice %arg7[%dma_wait3A_1048, %dma_wait3A_1050, %dma_wait3A_1051] : memref<5x128x16xf32, #tpu.memory_space<vmem>> -> memref<1x128x16xf32, #tpu.memory_space<vmem>>
      %dma_wait3A_1053 = tpu.memref_squeeze %dma_wait3A_1052 : memref<1x128x16xf32, #tpu.memory_space<vmem>> -> memref<128x16xf32, #tpu.memory_space<vmem>>
      %dma_wait3A_1054 = arith.constant 0 : i32
      %dma_wait3A_1055 = tpu.memref_slice %arg6[%dma_wait3A_1046, %dma_wait3A_1047, %dma_wait3A_1054] : memref<5x2x128xi32, #tpu.memory_space<vmem>> -> memref<1x1x128xi32, #tpu.memory_space<vmem>>
      %dma_wait3A_1056 = tpu.memref_squeeze %dma_wait3A_1055 : memref<1x1x128xi32, #tpu.memory_space<vmem>> -> memref<128xi32, #tpu.memory_space<vmem>>
      %dma_wait3A_1057 = arith.constant 0 : i32
      %dma_wait3A_1058 = arith.constant 0 : i32
      %dma_wait3A_1059 = tpu.memref_slice %arg2[%dma_wait3A_1057, %dma_wait3A_1058] : memref<10112x16xf32, #tpu.memory_space<hbm>> -> memref<10112x16xf32, #tpu.memory_space<hbm>>
      %dma_wait3A_1060 = tpu.memref_slice %arg10[%dma_wait3A_1049] : memref<5x!tpu.dma_semaphore, #tpu.memory_space<semaphore_mem>> -> memref<1x!tpu.dma_semaphore, #tpu.memory_space<semaphore_mem>>
      %dma_wait3A_1061 = tpu.memref_squeeze %dma_wait3A_1060 : memref<1x!tpu.dma_semaphore, #tpu.memory_space<semaphore_mem>> -> memref<!tpu.dma_semaphore, #tpu.memory_space<semaphore_mem>>
      tpu.wait_indirect_dma semaphore(%dma_wait3A_1061 : memref<!tpu.dma_semaphore, #tpu.memory_space<semaphore_mem>>) src(%dma_wait3A_1059 : memref<10112x16xf32, #tpu.memory_space<hbm>>) dst(%dma_wait3A_1053 : memref<128x16xf32, #tpu.memory_space<vmem>>)
      %dma_start3A_1062 = arith.constant 2 : i32
      %dma_start3A_1063 = arith.constant 2 : i32
      %dma_start3A_1064 = arith.constant 1 : i32
      %dma_start3A_1065 = arith.constant 2 : i32
      %dma_start3A_1066 = arith.constant 0 : i32
      %dma_start3A_1067 = arith.constant 0 : i32
      %dma_start3A_1068 = tpu.memref_slice %arg7[%dma_start3A_1062, %dma_start3A_1066, %dma_start3A_1067] : memref<5x128x16xf32, #tpu.memory_space<vmem>> -> memref<1x128x16xf32, #tpu.memory_space<vmem>>
      %dma_start3A_1069 = tpu.memref_squeeze %dma_start3A_1068 : memref<1x128x16xf32, #tpu.memory_space<vmem>> -> memref<128x16xf32, #tpu.memory_space<vmem>>
      %dma_start3A_1070 = arith.constant 0 : i32
      %dma_start3A_1071 = tpu.memref_slice %arg6[%dma_start3A_1063, %dma_start3A_1064, %dma_start3A_1070] : memref<5x2x128xi32, #tpu.memory_space<vmem>> -> memref<1x1x128xi32, #tpu.memory_space<vmem>>
      %dma_start3A_1072 = tpu.memref_squeeze %dma_start3A_1071 : memref<1x1x128xi32, #tpu.memory_space<vmem>> -> memref<128xi32, #tpu.memory_space<vmem>>
      %dma_start3A_1073 = arith.constant 0 : i32
      %dma_start3A_1074 = arith.constant 0 : i32
      %dma_start3A_1075 = tpu.memref_slice %arg8[%dma_start3A_1073, %dma_start3A_1074] : memref<10112x16xf32, #tpu.memory_space<vmem_shared>> -> memref<10112x16xf32, #tpu.memory_space<vmem_shared>>
      %dma_start3A_1076 = tpu.memref_slice %arg11[%dma_start3A_1065] : memref<5x!tpu.dma_semaphore, #tpu.memory_space<semaphore_mem>> -> memref<1x!tpu.dma_semaphore, #tpu.memory_space<semaphore_mem>>
      %dma_start3A_1077 = tpu.memref_squeeze %dma_start3A_1076 : memref<1x!tpu.dma_semaphore, #tpu.memory_space<semaphore_mem>> -> memref<!tpu.dma_semaphore, #tpu.memory_space<semaphore_mem>>
      tpu.enqueue_indirect_dma source(%dma_start3A_1069 : memref<128x16xf32, #tpu.memory_space<vmem>>) target(%dma_start3A_1075 : memref<10112x16xf32, #tpu.memory_space<vmem_shared>>) offsets(%dma_start3A_1072 : memref<128xi32, #tpu.memory_space<vmem>>) semaphore(%dma_start3A_1077 : memref<!tpu.dma_semaphore, #tpu.memory_space<semaphore_mem>>) {add = true}
      %dma_wait3A_1078 = arith.constant 3 : i32
      %dma_wait3A_1079 = arith.constant 0 : i32
      %dma_wait3A_1080 = arith.constant 3 : i32
      %dma_wait3A_1081 = arith.constant 3 : i32
      %dma_wait3A_1082 = arith.constant 0 : i32
      %dma_wait3A_1083 = arith.constant 0 : i32
      %dma_wait3A_1084 = tpu.memref_slice %arg7[%dma_wait3A_1080, %dma_wait3A_1082, %dma_wait3A_1083] : memref<5x128x16xf32, #tpu.memory_space<vmem>> -> memref<1x128x16xf32, #tpu.memory_space<vmem>>
      %dma_wait3A_1085 = tpu.memref_squeeze %dma_wait3A_1084 : memref<1x128x16xf32, #tpu.memory_space<vmem>> -> memref<128x16xf32, #tpu.memory_space<vmem>>
      %dma_wait3A_1086 = arith.constant 0 : i32
      %dma_wait3A_1087 = tpu.memref_slice %arg6[%dma_wait3A_1078, %dma_wait3A_1079, %dma_wait3A_1086] : memref<5x2x128xi32, #tpu.memory_space<vmem>> -> memref<1x1x128xi32, #tpu.memory_space<vmem>>
      %dma_wait3A_1088 = tpu.memref_squeeze %dma_wait3A_1087 : memref<1x1x128xi32, #tpu.memory_space<vmem>> -> memref<128xi32, #tpu.memory_space<vmem>>
      %dma_wait3A_1089 = arith.constant 0 : i32
      %dma_wait3A_1090 = arith.constant 0 : i32
      %dma_wait3A_1091 = tpu.memref_slice %arg2[%dma_wait3A_1089, %dma_wait3A_1090] : memref<10112x16xf32, #tpu.memory_space<hbm>> -> memref<10112x16xf32, #tpu.memory_space<hbm>>
      %dma_wait3A_1092 = tpu.memref_slice %arg10[%dma_wait3A_1081] : memref<5x!tpu.dma_semaphore, #tpu.memory_space<semaphore_mem>> -> memref<1x!tpu.dma_semaphore, #tpu.memory_space<semaphore_mem>>
      %dma_wait3A_1093 = tpu.memref_squeeze %dma_wait3A_1092 : memref<1x!tpu.dma_semaphore, #tpu.memory_space<semaphore_mem>> -> memref<!tpu.dma_semaphore, #tpu.memory_space<semaphore_mem>>
      tpu.wait_indirect_dma semaphore(%dma_wait3A_1093 : memref<!tpu.dma_semaphore, #tpu.memory_space<semaphore_mem>>) src(%dma_wait3A_1091 : memref<10112x16xf32, #tpu.memory_space<hbm>>) dst(%dma_wait3A_1085 : memref<128x16xf32, #tpu.memory_space<vmem>>)
      %dma_start3A_1094 = arith.constant 3 : i32
      %dma_start3A_1095 = arith.constant 3 : i32
      %dma_start3A_1096 = arith.constant 1 : i32
      %dma_start3A_1097 = arith.constant 3 : i32
      %dma_start3A_1098 = arith.constant 0 : i32
      %dma_start3A_1099 = arith.constant 0 : i32
      %dma_start3A_1100 = tpu.memref_slice %arg7[%dma_start3A_1094, %dma_start3A_1098, %dma_start3A_1099] : memref<5x128x16xf32, #tpu.memory_space<vmem>> -> memref<1x128x16xf32, #tpu.memory_space<vmem>>
      %dma_start3A_1101 = tpu.memref_squeeze %dma_start3A_1100 : memref<1x128x16xf32, #tpu.memory_space<vmem>> -> memref<128x16xf32, #tpu.memory_space<vmem>>
      %dma_start3A_1102 = arith.constant 0 : i32
      %dma_start3A_1103 = tpu.memref_slice %arg6[%dma_start3A_1095, %dma_start3A_1096, %dma_start3A_1102] : memref<5x2x128xi32, #tpu.memory_space<vmem>> -> memref<1x1x128xi32, #tpu.memory_space<vmem>>
      %dma_start3A_1104 = tpu.memref_squeeze %dma_start3A_1103 : memref<1x1x128xi32, #tpu.memory_space<vmem>> -> memref<128xi32, #tpu.memory_space<vmem>>
      %dma_start3A_1105 = arith.constant 0 : i32
      %dma_start3A_1106 = arith.constant 0 : i32
      %dma_start3A_1107 = tpu.memref_slice %arg8[%dma_start3A_1105, %dma_start3A_1106] : memref<10112x16xf32, #tpu.memory_space<vmem_shared>> -> memref<10112x16xf32, #tpu.memory_space<vmem_shared>>
      %dma_start3A_1108 = tpu.memref_slice %arg11[%dma_start3A_1097] : memref<5x!tpu.dma_semaphore, #tpu.memory_space<semaphore_mem>> -> memref<1x!tpu.dma_semaphore, #tpu.memory_space<semaphore_mem>>
      %dma_start3A_1109 = tpu.memref_squeeze %dma_start3A_1108 : memref<1x!tpu.dma_semaphore, #tpu.memory_space<semaphore_mem>> -> memref<!tpu.dma_semaphore, #tpu.memory_space<semaphore_mem>>
      tpu.enqueue_indirect_dma source(%dma_start3A_1101 : memref<128x16xf32, #tpu.memory_space<vmem>>) target(%dma_start3A_1107 : memref<10112x16xf32, #tpu.memory_space<vmem_shared>>) offsets(%dma_start3A_1104 : memref<128xi32, #tpu.memory_space<vmem>>) semaphore(%dma_start3A_1109 : memref<!tpu.dma_semaphore, #tpu.memory_space<semaphore_mem>>) {add = true}
      %dma_wait3A_1110 = arith.constant 4 : i32
      %dma_wait3A_1111 = arith.constant 0 : i32
      %dma_wait3A_1112 = arith.constant 4 : i32
      %dma_wait3A_1113 = arith.constant 4 : i32
      %dma_wait3A_1114 = arith.constant 0 : i32
      %dma_wait3A_1115 = arith.constant 0 : i32
      %dma_wait3A_1116 = tpu.memref_slice %arg7[%dma_wait3A_1112, %dma_wait3A_1114, %dma_wait3A_1115] : memref<5x128x16xf32, #tpu.memory_space<vmem>> -> memref<1x128x16xf32, #tpu.memory_space<vmem>>
      %dma_wait3A_1117 = tpu.memref_squeeze %dma_wait3A_1116 : memref<1x128x16xf32, #tpu.memory_space<vmem>> -> memref<128x16xf32, #tpu.memory_space<vmem>>
      %dma_wait3A_1118 = arith.constant 0 : i32
      %dma_wait3A_1119 = tpu.memref_slice %arg6[%dma_wait3A_1110, %dma_wait3A_1111, %dma_wait3A_1118] : memref<5x2x128xi32, #tpu.memory_space<vmem>> -> memref<1x1x128xi32, #tpu.memory_space<vmem>>
      %dma_wait3A_1120 = tpu.memref_squeeze %dma_wait3A_1119 : memref<1x1x128xi32, #tpu.memory_space<vmem>> -> memref<128xi32, #tpu.memory_space<vmem>>
      %dma_wait3A_1121 = arith.constant 0 : i32
      %dma_wait3A_1122 = arith.constant 0 : i32
      %dma_wait3A_1123 = tpu.memref_slice %arg2[%dma_wait3A_1121, %dma_wait3A_1122] : memref<10112x16xf32, #tpu.memory_space<hbm>> -> memref<10112x16xf32, #tpu.memory_space<hbm>>
      %dma_wait3A_1124 = tpu.memref_slice %arg10[%dma_wait3A_1113] : memref<5x!tpu.dma_semaphore, #tpu.memory_space<semaphore_mem>> -> memref<1x!tpu.dma_semaphore, #tpu.memory_space<semaphore_mem>>
      %dma_wait3A_1125 = tpu.memref_squeeze %dma_wait3A_1124 : memref<1x!tpu.dma_semaphore, #tpu.memory_space<semaphore_mem>> -> memref<!tpu.dma_semaphore, #tpu.memory_space<semaphore_mem>>
      tpu.wait_indirect_dma semaphore(%dma_wait3A_1125 : memref<!tpu.dma_semaphore, #tpu.memory_space<semaphore_mem>>) src(%dma_wait3A_1123 : memref<10112x16xf32, #tpu.memory_space<hbm>>) dst(%dma_wait3A_1117 : memref<128x16xf32, #tpu.memory_space<vmem>>)
      %dma_start3A_1126 = arith.constant 4 : i32
      %dma_start3A_1127 = arith.constant 4 : i32
      %dma_start3A_1128 = arith.constant 1 : i32
      %dma_start3A_1129 = arith.constant 4 : i32
      %dma_start3A_1130 = arith.constant 0 : i32
      %dma_start3A_1131 = arith.constant 0 : i32
      %dma_start3A_1132 = tpu.memref_slice %arg7[%dma_start3A_1126, %dma_start3A_1130, %dma_start3A_1131] : memref<5x128x16xf32, #tpu.memory_space<vmem>> -> memref<1x128x16xf32, #tpu.memory_space<vmem>>
      %dma_start3A_1133 = tpu.memref_squeeze %dma_start3A_1132 : memref<1x128x16xf32, #tpu.memory_space<vmem>> -> memref<128x16xf32, #tpu.memory_space<vmem>>
      %dma_start3A_1134 = arith.constant 0 : i32
      %dma_start3A_1135 = tpu.memref_slice %arg6[%dma_start3A_1127, %dma_start3A_1128, %dma_start3A_1134] : memref<5x2x128xi32, #tpu.memory_space<vmem>> -> memref<1x1x128xi32, #tpu.memory_space<vmem>>
      %dma_start3A_1136 = tpu.memref_squeeze %dma_start3A_1135 : memref<1x1x128xi32, #tpu.memory_space<vmem>> -> memref<128xi32, #tpu.memory_space<vmem>>
      %dma_start3A_1137 = arith.constant 0 : i32
      %dma_start3A_1138 = arith.constant 0 : i32
      %dma_start3A_1139 = tpu.memref_slice %arg8[%dma_start3A_1137, %dma_start3A_1138] : memref<10112x16xf32, #tpu.memory_space<vmem_shared>> -> memref<10112x16xf32, #tpu.memory_space<vmem_shared>>
      %dma_start3A_1140 = tpu.memref_slice %arg11[%dma_start3A_1129] : memref<5x!tpu.dma_semaphore, #tpu.memory_space<semaphore_mem>> -> memref<1x!tpu.dma_semaphore, #tpu.memory_space<semaphore_mem>>
      %dma_start3A_1141 = tpu.memref_squeeze %dma_start3A_1140 : memref<1x!tpu.dma_semaphore, #tpu.memory_space<semaphore_mem>> -> memref<!tpu.dma_semaphore, #tpu.memory_space<semaphore_mem>>
      tpu.enqueue_indirect_dma source(%dma_start3A_1133 : memref<128x16xf32, #tpu.memory_space<vmem>>) target(%dma_start3A_1139 : memref<10112x16xf32, #tpu.memory_space<vmem_shared>>) offsets(%dma_start3A_1136 : memref<128xi32, #tpu.memory_space<vmem>>) semaphore(%dma_start3A_1141 : memref<!tpu.dma_semaphore, #tpu.memory_space<semaphore_mem>>) {add = true}
      %scan3A_1142 = arith.constant 0 : i32
      scf.yield %scan3A_1142 : i32
    }
    %scan3A_488 = arith.constant 31 : i32
    %dma_wait3A_489 = arith.constant 0 : i32
    %dma_wait3A_490 = arith.constant 0 : i32
    %dma_wait3A_491 = arith.constant 1 : i32
    %dma_wait3A_492 = arith.constant 0 : i32
    %dma_wait3A_493 = arith.constant 0 : i32
    %dma_wait3A_494 = arith.constant 0 : i32
    %dma_wait3A_495 = tpu.memref_slice %arg7[%dma_wait3A_489, %dma_wait3A_493, %dma_wait3A_494] : memref<5x128x16xf32, #tpu.memory_space<vmem>> -> memref<1x128x16xf32, #tpu.memory_space<vmem>>
    %dma_wait3A_496 = tpu.memref_squeeze %dma_wait3A_495 : memref<1x128x16xf32, #tpu.memory_space<vmem>> -> memref<128x16xf32, #tpu.memory_space<vmem>>
    %dma_wait3A_497 = arith.constant 0 : i32
    %dma_wait3A_498 = tpu.memref_slice %arg6[%dma_wait3A_490, %dma_wait3A_491, %dma_wait3A_497] : memref<5x2x128xi32, #tpu.memory_space<vmem>> -> memref<1x1x128xi32, #tpu.memory_space<vmem>>
    %dma_wait3A_499 = tpu.memref_squeeze %dma_wait3A_498 : memref<1x1x128xi32, #tpu.memory_space<vmem>> -> memref<128xi32, #tpu.memory_space<vmem>>
    %dma_wait3A_500 = arith.constant 0 : i32
    %dma_wait3A_501 = arith.constant 0 : i32
    %dma_wait3A_502 = tpu.memref_slice %arg8[%dma_wait3A_500, %dma_wait3A_501] : memref<10112x16xf32, #tpu.memory_space<vmem_shared>> -> memref<10112x16xf32, #tpu.memory_space<vmem_shared>>
    %dma_wait3A_503 = tpu.memref_slice %arg11[%dma_wait3A_492] : memref<5x!tpu.dma_semaphore, #tpu.memory_space<semaphore_mem>> -> memref<1x!tpu.dma_semaphore, #tpu.memory_space<semaphore_mem>>
    %dma_wait3A_504 = tpu.memref_squeeze %dma_wait3A_503 : memref<1x!tpu.dma_semaphore, #tpu.memory_space<semaphore_mem>> -> memref<!tpu.dma_semaphore, #tpu.memory_space<semaphore_mem>>
    tpu.wait_indirect_dma semaphore(%dma_wait3A_504 : memref<!tpu.dma_semaphore, #tpu.memory_space<semaphore_mem>>) src(%dma_wait3A_496 : memref<128x16xf32, #tpu.memory_space<vmem>>) dst(%dma_wait3A_502 : memref<10112x16xf32, #tpu.memory_space<vmem_shared>>)
    %dma_wait3A_505 = arith.constant 1 : i32
    %dma_wait3A_506 = arith.constant 1 : i32
    %dma_wait3A_507 = arith.constant 1 : i32
    %dma_wait3A_508 = arith.constant 1 : i32
    %dma_wait3A_509 = arith.constant 0 : i32
    %dma_wait3A_510 = arith.constant 0 : i32
    %dma_wait3A_511 = tpu.memref_slice %arg7[%dma_wait3A_505, %dma_wait3A_509, %dma_wait3A_510] : memref<5x128x16xf32, #tpu.memory_space<vmem>> -> memref<1x128x16xf32, #tpu.memory_space<vmem>>
    %dma_wait3A_512 = tpu.memref_squeeze %dma_wait3A_511 : memref<1x128x16xf32, #tpu.memory_space<vmem>> -> memref<128x16xf32, #tpu.memory_space<vmem>>
    %dma_wait3A_513 = arith.constant 0 : i32
    %dma_wait3A_514 = tpu.memref_slice %arg6[%dma_wait3A_506, %dma_wait3A_507, %dma_wait3A_513] : memref<5x2x128xi32, #tpu.memory_space<vmem>> -> memref<1x1x128xi32, #tpu.memory_space<vmem>>
    %dma_wait3A_515 = tpu.memref_squeeze %dma_wait3A_514 : memref<1x1x128xi32, #tpu.memory_space<vmem>> -> memref<128xi32, #tpu.memory_space<vmem>>
    %dma_wait3A_516 = arith.constant 0 : i32
    %dma_wait3A_517 = arith.constant 0 : i32
    %dma_wait3A_518 = tpu.memref_slice %arg8[%dma_wait3A_516, %dma_wait3A_517] : memref<10112x16xf32, #tpu.memory_space<vmem_shared>> -> memref<10112x16xf32, #tpu.memory_space<vmem_shared>>
    %dma_wait3A_519 = tpu.memref_slice %arg11[%dma_wait3A_508] : memref<5x!tpu.dma_semaphore, #tpu.memory_space<semaphore_mem>> -> memref<1x!tpu.dma_semaphore, #tpu.memory_space<semaphore_mem>>
    %dma_wait3A_520 = tpu.memref_squeeze %dma_wait3A_519 : memref<1x!tpu.dma_semaphore, #tpu.memory_space<semaphore_mem>> -> memref<!tpu.dma_semaphore, #tpu.memory_space<semaphore_mem>>
    tpu.wait_indirect_dma semaphore(%dma_wait3A_520 : memref<!tpu.dma_semaphore, #tpu.memory_space<semaphore_mem>>) src(%dma_wait3A_512 : memref<128x16xf32, #tpu.memory_space<vmem>>) dst(%dma_wait3A_518 : memref<10112x16xf32, #tpu.memory_space<vmem_shared>>)
    %dma_wait3A_521 = arith.constant 2 : i32
    %dma_wait3A_522 = arith.constant 2 : i32
    %dma_wait3A_523 = arith.constant 1 : i32
    %dma_wait3A_524 = arith.constant 2 : i32
    %dma_wait3A_525 = arith.constant 0 : i32
    %dma_wait3A_526 = arith.constant 0 : i32
    %dma_wait3A_527 = tpu.memref_slice %arg7[%dma_wait3A_521, %dma_wait3A_525, %dma_wait3A_526] : memref<5x128x16xf32, #tpu.memory_space<vmem>> -> memref<1x128x16xf32, #tpu.memory_space<vmem>>
    %dma_wait3A_528 = tpu.memref_squeeze %dma_wait3A_527 : memref<1x128x16xf32, #tpu.memory_space<vmem>> -> memref<128x16xf32, #tpu.memory_space<vmem>>
    %dma_wait3A_529 = arith.constant 0 : i32
    %dma_wait3A_530 = tpu.memref_slice %arg6[%dma_wait3A_522, %dma_wait3A_523, %dma_wait3A_529] : memref<5x2x128xi32, #tpu.memory_space<vmem>> -> memref<1x1x128xi32, #tpu.memory_space<vmem>>
    %dma_wait3A_531 = tpu.memref_squeeze %dma_wait3A_530 : memref<1x1x128xi32, #tpu.memory_space<vmem>> -> memref<128xi32, #tpu.memory_space<vmem>>
    %dma_wait3A_532 = arith.constant 0 : i32
    %dma_wait3A_533 = arith.constant 0 : i32
    %dma_wait3A_534 = tpu.memref_slice %arg8[%dma_wait3A_532, %dma_wait3A_533] : memref<10112x16xf32, #tpu.memory_space<vmem_shared>> -> memref<10112x16xf32, #tpu.memory_space<vmem_shared>>
    %dma_wait3A_535 = tpu.memref_slice %arg11[%dma_wait3A_524] : memref<5x!tpu.dma_semaphore, #tpu.memory_space<semaphore_mem>> -> memref<1x!tpu.dma_semaphore, #tpu.memory_space<semaphore_mem>>
    %dma_wait3A_536 = tpu.memref_squeeze %dma_wait3A_535 : memref<1x!tpu.dma_semaphore, #tpu.memory_space<semaphore_mem>> -> memref<!tpu.dma_semaphore, #tpu.memory_space<semaphore_mem>>
    tpu.wait_indirect_dma semaphore(%dma_wait3A_536 : memref<!tpu.dma_semaphore, #tpu.memory_space<semaphore_mem>>) src(%dma_wait3A_528 : memref<128x16xf32, #tpu.memory_space<vmem>>) dst(%dma_wait3A_534 : memref<10112x16xf32, #tpu.memory_space<vmem_shared>>)
    %dma_wait3A_537 = arith.constant 3 : i32
    %dma_wait3A_538 = arith.constant 3 : i32
    %dma_wait3A_539 = arith.constant 1 : i32
    %dma_wait3A_540 = arith.constant 3 : i32
    %dma_wait3A_541 = arith.constant 0 : i32
    %dma_wait3A_542 = arith.constant 0 : i32
    %dma_wait3A_543 = tpu.memref_slice %arg7[%dma_wait3A_537, %dma_wait3A_541, %dma_wait3A_542] : memref<5x128x16xf32, #tpu.memory_space<vmem>> -> memref<1x128x16xf32, #tpu.memory_space<vmem>>
    %dma_wait3A_544 = tpu.memref_squeeze %dma_wait3A_543 : memref<1x128x16xf32, #tpu.memory_space<vmem>> -> memref<128x16xf32, #tpu.memory_space<vmem>>
    %dma_wait3A_545 = arith.constant 0 : i32
    %dma_wait3A_546 = tpu.memref_slice %arg6[%dma_wait3A_538, %dma_wait3A_539, %dma_wait3A_545] : memref<5x2x128xi32, #tpu.memory_space<vmem>> -> memref<1x1x128xi32, #tpu.memory_space<vmem>>
    %dma_wait3A_547 = tpu.memref_squeeze %dma_wait3A_546 : memref<1x1x128xi32, #tpu.memory_space<vmem>> -> memref<128xi32, #tpu.memory_space<vmem>>
    %dma_wait3A_548 = arith.constant 0 : i32
    %dma_wait3A_549 = arith.constant 0 : i32
    %dma_wait3A_550 = tpu.memref_slice %arg8[%dma_wait3A_548, %dma_wait3A_549] : memref<10112x16xf32, #tpu.memory_space<vmem_shared>> -> memref<10112x16xf32, #tpu.memory_space<vmem_shared>>
    %dma_wait3A_551 = tpu.memref_slice %arg11[%dma_wait3A_540] : memref<5x!tpu.dma_semaphore, #tpu.memory_space<semaphore_mem>> -> memref<1x!tpu.dma_semaphore, #tpu.memory_space<semaphore_mem>>
    %dma_wait3A_552 = tpu.memref_squeeze %dma_wait3A_551 : memref<1x!tpu.dma_semaphore, #tpu.memory_space<semaphore_mem>> -> memref<!tpu.dma_semaphore, #tpu.memory_space<semaphore_mem>>
    tpu.wait_indirect_dma semaphore(%dma_wait3A_552 : memref<!tpu.dma_semaphore, #tpu.memory_space<semaphore_mem>>) src(%dma_wait3A_544 : memref<128x16xf32, #tpu.memory_space<vmem>>) dst(%dma_wait3A_550 : memref<10112x16xf32, #tpu.memory_space<vmem_shared>>)
    %dma_wait3A_553 = arith.constant 4 : i32
    %dma_wait3A_554 = arith.constant 4 : i32
    %dma_wait3A_555 = arith.constant 1 : i32
    %dma_wait3A_556 = arith.constant 4 : i32
    %dma_wait3A_557 = arith.constant 0 : i32
    %dma_wait3A_558 = arith.constant 0 : i32
    %dma_wait3A_559 = tpu.memref_slice %arg7[%dma_wait3A_553, %dma_wait3A_557, %dma_wait3A_558] : memref<5x128x16xf32, #tpu.memory_space<vmem>> -> memref<1x128x16xf32, #tpu.memory_space<vmem>>
    %dma_wait3A_560 = tpu.memref_squeeze %dma_wait3A_559 : memref<1x128x16xf32, #tpu.memory_space<vmem>> -> memref<128x16xf32, #tpu.memory_space<vmem>>
    %dma_wait3A_561 = arith.constant 0 : i32
    %dma_wait3A_562 = tpu.memref_slice %arg6[%dma_wait3A_554, %dma_wait3A_555, %dma_wait3A_561] : memref<5x2x128xi32, #tpu.memory_space<vmem>> -> memref<1x1x128xi32, #tpu.memory_space<vmem>>
    %dma_wait3A_563 = tpu.memref_squeeze %dma_wait3A_562 : memref<1x1x128xi32, #tpu.memory_space<vmem>> -> memref<128xi32, #tpu.memory_space<vmem>>
    %dma_wait3A_564 = arith.constant 0 : i32
    %dma_wait3A_565 = arith.constant 0 : i32
    %dma_wait3A_566 = tpu.memref_slice %arg8[%dma_wait3A_564, %dma_wait3A_565] : memref<10112x16xf32, #tpu.memory_space<vmem_shared>> -> memref<10112x16xf32, #tpu.memory_space<vmem_shared>>
    %dma_wait3A_567 = tpu.memref_slice %arg11[%dma_wait3A_556] : memref<5x!tpu.dma_semaphore, #tpu.memory_space<semaphore_mem>> -> memref<1x!tpu.dma_semaphore, #tpu.memory_space<semaphore_mem>>
    %dma_wait3A_568 = tpu.memref_squeeze %dma_wait3A_567 : memref<1x!tpu.dma_semaphore, #tpu.memory_space<semaphore_mem>> -> memref<!tpu.dma_semaphore, #tpu.memory_space<semaphore_mem>>
    tpu.wait_indirect_dma semaphore(%dma_wait3A_568 : memref<!tpu.dma_semaphore, #tpu.memory_space<semaphore_mem>>) src(%dma_wait3A_560 : memref<128x16xf32, #tpu.memory_space<vmem>>) dst(%dma_wait3A_566 : memref<10112x16xf32, #tpu.memory_space<vmem_shared>>)
    %barrier3A_569 = arith.constant 0 : index
    tpu.barrier barrier_id(%barrier3A_569)
    "tpu.region"() ({
      %run_scoped3A = tpu.sem_alloc : memref<!tpu.dma_semaphore, #tpu.memory_space<semaphore_mem>>
      %dma_start3A_570 = arith.constant 0 : i32
      %dma_start3A_571 = tpu.memref_slice %arg5[%arg0, %mul3A_2, %dma_start3A_570] : memref<2x10112x16xf32, #tpu.memory_space<hbm>> -> memref<1x632x16xf32, #tpu.memory_space<hbm>>
      %dma_start3A_572 = tpu.memref_squeeze %dma_start3A_571 : memref<1x632x16xf32, #tpu.memory_space<hbm>> -> memref<632x16xf32, #tpu.memory_space<hbm>>
      %dma_start3A_573 = arith.constant 0 : i32
      %dma_start3A_574 = tpu.memref_slice %arg8[%mul3A_2, %dma_start3A_573] : memref<10112x16xf32, #tpu.memory_space<vmem_shared>> -> memref<632x16xf32, #tpu.memory_space<vmem_shared>>
      tpu.enqueue_dma source(%dma_start3A_574 : memref<632x16xf32, #tpu.memory_space<vmem_shared>>) target(%dma_start3A_572 : memref<632x16xf32, #tpu.memory_space<hbm>>) target_semaphore(%run_scoped3A : memref<!tpu.dma_semaphore, #tpu.memory_space<semaphore_mem>>)
      %dma_wait3A_575 = arith.constant 0 : i32
      %dma_wait3A_576 = tpu.memref_slice %arg5[%arg0, %mul3A_2, %dma_wait3A_575] : memref<2x10112x16xf32, #tpu.memory_space<hbm>> -> memref<1x632x16xf32, #tpu.memory_space<hbm>>
      %dma_wait3A_577 = tpu.memref_squeeze %dma_wait3A_576 : memref<1x632x16xf32, #tpu.memory_space<hbm>> -> memref<632x16xf32, #tpu.memory_space<hbm>>
      %dma_wait3A_578 = arith.constant 0 : i32
      %dma_wait3A_579 = tpu.memref_slice %arg8[%mul3A_2, %dma_wait3A_578] : memref<10112x16xf32, #tpu.memory_space<vmem_shared>> -> memref<632x16xf32, #tpu.memory_space<vmem_shared>>
      tpu.wait_dma2 semaphore(%run_scoped3A : memref<!tpu.dma_semaphore, #tpu.memory_space<semaphore_mem>>) src(%dma_wait3A_579 : memref<632x16xf32, #tpu.memory_space<vmem_shared>>) dst(%dma_wait3A_577 : memref<632x16xf32, #tpu.memory_space<hbm>>)
      tpu.yield
    }) : () -> ()
    return
  }
}

module attributes {stable_mosaic.version = 14 : i64} {
  func.func @_tc_body(%arg0: i32, %arg1: memref<2x1264x16xf32, #tpu.memory_space<vmem>>, %arg2: memref<2x1264x16xf32, #tpu.memory_space<vmem>>, %arg3: memref<1264x16xf32, #tpu.memory_space<vmem>>, %arg4: memref<16x128xf32, #tpu.memory_space<vmem>>, %arg5: memref<1x128xf32, #tpu.memory_space<vmem>>, %arg6: memref<16x128xf32, #tpu.memory_space<vmem>>, %arg7: memref<2x1x1264x64xf32, #tpu.memory_space<vmem>>) attributes {dimension_semantics = [#tpu.dimension_semantics<arbitrary>], iteration_bounds = array<i64: 8>, scalar_prefetch = 0 : i64, scratch_operands = 0 : i64, tpu.core_type = #tpu.core_type<tc>, window_params = [{transform_indices = @transform_0, window_bounds = array<i64: 2, 1264, 16>}, {transform_indices = @transform_1, window_bounds = array<i64: 2, 1264, 16>}, {transform_indices = @transform_2, window_bounds = array<i64: 1264, 16>}, {pipeline_mode = #tpu.pipeline_mode<synchronous>, transform_indices = @transform_3, window_bounds = array<i64: 16, 128>}, {pipeline_mode = #tpu.pipeline_mode<synchronous>, transform_indices = @transform_4, window_bounds = array<i64: 1, 128>}, {pipeline_mode = #tpu.pipeline_mode<synchronous>, transform_indices = @transform_5, window_bounds = array<i64: 16, 128>}, {transform_indices = @transform_6, window_bounds = array<i64: 2, 1, 1264, 64>}]} {
    %get3A = arith.constant 0 : index
    %get3A_0 = arith.constant 0 : index
    %get3A_1 = arith.constant 0 : index
    %get3A_2 = vector.load %arg1[%get3A, %get3A_0, %get3A_1] : memref<2x1264x16xf32, #tpu.memory_space<vmem>>, vector<1x1264x16xf32>
    %get3A_3 = vector.shape_cast %get3A_2 : vector<1x1264x16xf32> to vector<1264x16xf32>
    %get3A_4 = arith.constant 1 : index
    %get3A_5 = arith.constant 0 : index
    %get3A_6 = arith.constant 0 : index
    %get3A_7 = vector.load %arg1[%get3A_4, %get3A_5, %get3A_6] : memref<2x1264x16xf32, #tpu.memory_space<vmem>>, vector<1x1264x16xf32>
    %get3A_8 = vector.shape_cast %get3A_7 : vector<1x1264x16xf32> to vector<1264x16xf32>
    %add3A = arith.addf %get3A_3, %get3A_8 : vector<1264x16xf32>
    %get3A_9 = arith.constant 0 : index
    %get3A_10 = arith.constant 0 : index
    %get3A_11 = arith.constant 0 : index
    %get3A_12 = vector.load %arg2[%get3A_9, %get3A_10, %get3A_11] : memref<2x1264x16xf32, #tpu.memory_space<vmem>>, vector<1x1264x16xf32>
    %get3A_13 = vector.shape_cast %get3A_12 : vector<1x1264x16xf32> to vector<1264x16xf32>
    %get3A_14 = arith.constant 1 : index
    %get3A_15 = arith.constant 0 : index
    %get3A_16 = arith.constant 0 : index
    %get3A_17 = vector.load %arg2[%get3A_14, %get3A_15, %get3A_16] : memref<2x1264x16xf32, #tpu.memory_space<vmem>>, vector<1x1264x16xf32>
    %get3A_18 = vector.shape_cast %get3A_17 : vector<1x1264x16xf32> to vector<1264x16xf32>
    %add3A_19 = arith.addf %get3A_13, %get3A_18 : vector<1264x16xf32>
    %slice3A = vector.extract_strided_slice %add3A_19 {offsets = [0, 3], sizes = [1264, 1], strides = [1, 1]} : vector<1264x16xf32> to vector<1264x1xf32>
    %max3A = arith.constant 1.000000e+00 : f32
    %max3A_20 = vector.broadcast %max3A : f32 to vector<1264x1xf32>
    %max3A_21 = arith.maximumf %slice3A, %max3A_20 : vector<1264x1xf32>
    %div3A = arith.constant 1.000000e+00 : f32
    %div3A_22 = vector.broadcast %div3A : f32 to vector<1264x1xf32>
    %div3A_23 = arith.divf %div3A_22, %max3A_21 : vector<1264x1xf32>
    %mul3A = vector.broadcast %div3A_23 : vector<1264x1xf32> to vector<1264x16xf32>
    %mul3A_24 = arith.mulf %add3A, %mul3A : vector<1264x16xf32>
    %get3A_25 = arith.constant 0 : index
    %get3A_26 = arith.constant 0 : index
    %get3A_27 = vector.load %arg3[%get3A_25, %get3A_26] : memref<1264x16xf32, #tpu.memory_space<vmem>>, vector<1264x16xf32>
    %get3A_28 = arith.constant 0 : index
    %get3A_29 = arith.constant 0 : index
    %get3A_30 = vector.load %arg4[%get3A_28, %get3A_29] : memref<16x128xf32, #tpu.memory_space<vmem>>, vector<16x128xf32>
    %dot_general3A = arith.constant dense<0.000000e+00> : vector<1264x128xf32>
    %dot_general3A_31 = tpu.matmul %mul3A_24, %get3A_30, %dot_general3A {dimension_numbers = #tpu.dot_dimension_numbers<[1], [0], [0], [1], [0, 0, 1, 1], [], []>, transpose_lhs_hint = false} : vector<1264x16xf32>, vector<16x128xf32>, vector<1264x128xf32> -> vector<1264x128xf32>
    %get3A_32 = arith.constant 0 : index
    %get3A_33 = arith.constant 0 : index
    %get3A_34 = vector.load %arg5[%get3A_32, %get3A_33] : memref<1x128xf32, #tpu.memory_space<vmem>>, vector<1x128xf32>
    %add3A_35 = vector.broadcast %get3A_34 : vector<1x128xf32> to vector<1264x128xf32>
    %add3A_36 = arith.addf %dot_general3A_31, %add3A_35 : vector<1264x128xf32>
    %get3A_37 = arith.constant 0 : index
    %get3A_38 = arith.constant 0 : index
    %get3A_39 = vector.load %arg6[%get3A_37, %get3A_38] : memref<16x128xf32, #tpu.memory_space<vmem>>, vector<16x128xf32>
    %dot_general3A_40 = arith.constant dense<0.000000e+00> : vector<1264x128xf32>
    %dot_general3A_41 = tpu.matmul %get3A_27, %get3A_39, %dot_general3A_40 {dimension_numbers = #tpu.dot_dimension_numbers<[1], [0], [0], [1], [0, 0, 1, 1], [], []>, transpose_lhs_hint = false} : vector<1264x16xf32>, vector<16x128xf32>, vector<1264x128xf32> -> vector<1264x128xf32>
    %add3A_42 = arith.addf %add3A_36, %dot_general3A_41 : vector<1264x128xf32>
    %max3A_43 = arith.constant 0.000000e+00 : f32
    %max3A_44 = vector.broadcast %max3A_43 : f32 to vector<1264x128xf32>
    %max3A_45 = arith.maximumf %add3A_42, %max3A_44 : vector<1264x128xf32>
    %slice3A_46 = vector.extract_strided_slice %max3A_45 {offsets = [0, 0], sizes = [1264, 64], strides = [1, 1]} : vector<1264x128xf32> to vector<1264x64xf32>
    %swap3A = arith.constant 0 : index
    %swap3A_47 = arith.constant 0 : index
    %swap3A_48 = arith.constant 0 : index
    %swap3A_49 = arith.constant 0 : index
    %swap3A_50 = vector.load %arg7[%swap3A, %swap3A_47, %swap3A_48, %swap3A_49] : memref<2x1x1264x64xf32, #tpu.memory_space<vmem>>, vector<1x1x1264x64xf32>
    %swap3A_51 = vector.shape_cast %swap3A_50 : vector<1x1x1264x64xf32> to vector<1264x64xf32>
    %swap3A_52 = vector.shape_cast %slice3A_46 : vector<1264x64xf32> to vector<1x1x1264x64xf32>
    tpu.vector_store %arg7[%swap3A, %swap3A_47, %swap3A_48, %swap3A_49], %swap3A_52 {strides = array<i32>} : memref<2x1x1264x64xf32, #tpu.memory_space<vmem>>, vector<1x1x1264x64xf32>,
    %slice3A_53 = vector.extract_strided_slice %max3A_45 {offsets = [0, 64], sizes = [1264, 64], strides = [1, 1]} : vector<1264x128xf32> to vector<1264x64xf32>
    %swap3A_54 = arith.constant 1 : index
    %swap3A_55 = arith.constant 0 : index
    %swap3A_56 = arith.constant 0 : index
    %swap3A_57 = arith.constant 0 : index
    %swap3A_58 = vector.load %arg7[%swap3A_54, %swap3A_55, %swap3A_56, %swap3A_57] : memref<2x1x1264x64xf32, #tpu.memory_space<vmem>>, vector<1x1x1264x64xf32>
    %swap3A_59 = vector.shape_cast %swap3A_58 : vector<1x1x1264x64xf32> to vector<1264x64xf32>
    %swap3A_60 = vector.shape_cast %slice3A_53 : vector<1264x64xf32> to vector<1x1x1264x64xf32>
    tpu.vector_store %arg7[%swap3A_54, %swap3A_55, %swap3A_56, %swap3A_57], %swap3A_60 {strides = array<i32>} : memref<2x1x1264x64xf32, #tpu.memory_space<vmem>>, vector<1x1x1264x64xf32>,
    return
  }
  func.func @transform_0(%arg0: i32) -> (i32, i32, i32) {
    %c0_i32 = arith.constant 0 : i32
    %c0_i32_0 = arith.constant 0 : i32
    %c0_i32_1 = arith.constant 0 : i32
    return %c0_i32, %arg0, %c0_i32_0 : i32, i32, i32
  }
  func.func @transform_1(%arg0: i32) -> (i32, i32, i32) {
    %c0_i32 = arith.constant 0 : i32
    %c0_i32_0 = arith.constant 0 : i32
    %c0_i32_1 = arith.constant 0 : i32
    return %c0_i32, %arg0, %c0_i32_0 : i32, i32, i32
  }
  func.func @transform_2(%arg0: i32) -> (i32, i32) {
    %c0_i32 = arith.constant 0 : i32
    %c0_i32_0 = arith.constant 0 : i32
    return %arg0, %c0_i32 : i32, i32
  }
  func.func @transform_3(%arg0: i32) -> (i32, i32) {
    %c0_i32 = arith.constant 0 : i32
    %c0_i32_0 = arith.constant 0 : i32
    %c0_i32_1 = arith.constant 0 : i32
    return %c0_i32, %c0_i32_0 : i32, i32
  }
  func.func @transform_4(%arg0: i32) -> (i32, i32) {
    %c0_i32 = arith.constant 0 : i32
    %c0_i32_0 = arith.constant 0 : i32
    %c0_i32_1 = arith.constant 0 : i32
    return %c0_i32, %c0_i32_0 : i32, i32
  }
  func.func @transform_5(%arg0: i32) -> (i32, i32) {
    %c0_i32 = arith.constant 0 : i32
    %c0_i32_0 = arith.constant 0 : i32
    %c0_i32_1 = arith.constant 0 : i32
    return %c0_i32, %c0_i32_0 : i32, i32
  }
  func.func @transform_6(%arg0: i32) -> (i32, i32, i32, i32) {
    %c0_i32 = arith.constant 0 : i32
    %c0_i32_0 = arith.constant 0 : i32
    %c0_i32_1 = arith.constant 0 : i32
    %c0_i32_2 = arith.constant 0 : i32
    return %c0_i32, %c0_i32_0, %arg0, %c0_i32_1 : i32, i32, i32, i32
  }
}

module attributes {stable_mosaic.version = 14 : i64} {
  func.func @_tc_body(%arg0: i32, %arg1: memref<2x1x1264x64xf32, #tpu.memory_space<vmem>>, %arg2: memref<2x1264x16xf32, #tpu.memory_space<vmem>>, %arg3: memref<2x1x1264x64xf32, #tpu.memory_space<vmem>>, %arg4: memref<128x128xf32, #tpu.memory_space<vmem>>, %arg5: memref<1x128xf32, #tpu.memory_space<vmem>>, %arg6: memref<128x128xf32, #tpu.memory_space<vmem>>, %arg7: memref<2x1x1264x64xf32, #tpu.memory_space<vmem>>) attributes {dimension_semantics = [#tpu.dimension_semantics<arbitrary>], iteration_bounds = array<i64: 8>, scalar_prefetch = 0 : i64, scratch_operands = 0 : i64, tpu.core_type = #tpu.core_type<tc>, window_params = [{transform_indices = @transform_0, window_bounds = array<i64: 2, 1, 1264, 64>}, {transform_indices = @transform_1, window_bounds = array<i64: 2, 1264, 16>}, {transform_indices = @transform_2, window_bounds = array<i64: 2, 1, 1264, 64>}, {pipeline_mode = #tpu.pipeline_mode<synchronous>, transform_indices = @transform_3, window_bounds = array<i64: 128, 128>}, {pipeline_mode = #tpu.pipeline_mode<synchronous>, transform_indices = @transform_4, window_bounds = array<i64: 1, 128>}, {pipeline_mode = #tpu.pipeline_mode<synchronous>, transform_indices = @transform_5, window_bounds = array<i64: 128, 128>}, {transform_indices = @transform_6, window_bounds = array<i64: 2, 1, 1264, 64>}]} {
    %get3A = arith.constant 0 : index
    %get3A_0 = arith.constant 0 : index
    %get3A_1 = arith.constant 0 : index
    %get3A_2 = arith.constant 0 : index
    %get3A_3 = vector.load %arg1[%get3A, %get3A_0, %get3A_1, %get3A_2] : memref<2x1x1264x64xf32, #tpu.memory_space<vmem>>, vector<1x1x1264x64xf32>
    %get3A_4 = vector.shape_cast %get3A_3 : vector<1x1x1264x64xf32> to vector<1264x64xf32>
    %get3A_5 = arith.constant 1 : index
    %get3A_6 = arith.constant 0 : index
    %get3A_7 = arith.constant 0 : index
    %get3A_8 = arith.constant 0 : index
    %get3A_9 = vector.load %arg1[%get3A_5, %get3A_6, %get3A_7, %get3A_8] : memref<2x1x1264x64xf32, #tpu.memory_space<vmem>>, vector<1x1x1264x64xf32>
    %get3A_10 = vector.shape_cast %get3A_9 : vector<1x1x1264x64xf32> to vector<1264x64xf32>
    %concatenate3A = tpu.concatenate %get3A_4, %get3A_10 in 1 : vector<1264x64xf32>, vector<1264x64xf32> -> vector<1264x128xf32>
    %get3A_11 = arith.constant 0 : index
    %get3A_12 = arith.constant 0 : index
    %get3A_13 = arith.constant 0 : index
    %get3A_14 = vector.load %arg2[%get3A_11, %get3A_12, %get3A_13] : memref<2x1264x16xf32, #tpu.memory_space<vmem>>, vector<1x1264x16xf32>
    %get3A_15 = vector.shape_cast %get3A_14 : vector<1x1264x16xf32> to vector<1264x16xf32>
    %get3A_16 = arith.constant 1 : index
    %get3A_17 = arith.constant 0 : index
    %get3A_18 = arith.constant 0 : index
    %get3A_19 = vector.load %arg2[%get3A_16, %get3A_17, %get3A_18] : memref<2x1264x16xf32, #tpu.memory_space<vmem>>, vector<1x1264x16xf32>
    %get3A_20 = vector.shape_cast %get3A_19 : vector<1x1264x16xf32> to vector<1264x16xf32>
    %add3A = arith.addf %get3A_15, %get3A_20 : vector<1264x16xf32>
    %slice3A = vector.extract_strided_slice %add3A {offsets = [0, 3], sizes = [1264, 1], strides = [1, 1]} : vector<1264x16xf32> to vector<1264x1xf32>
    %max3A = arith.constant 1.000000e+00 : f32
    %max3A_21 = vector.broadcast %max3A : f32 to vector<1264x1xf32>
    %max3A_22 = arith.maximumf %slice3A, %max3A_21 : vector<1264x1xf32>
    %div3A = arith.constant 1.000000e+00 : f32
    %div3A_23 = vector.broadcast %div3A : f32 to vector<1264x1xf32>
    %div3A_24 = arith.divf %div3A_23, %max3A_22 : vector<1264x1xf32>
    %mul3A = vector.broadcast %div3A_24 : vector<1264x1xf32> to vector<1264x128xf32>
    %mul3A_25 = arith.mulf %concatenate3A, %mul3A : vector<1264x128xf32>
    %get3A_26 = arith.constant 0 : index
    %get3A_27 = arith.constant 0 : index
    %get3A_28 = arith.constant 0 : index
    %get3A_29 = arith.constant 0 : index
    %get3A_30 = vector.load %arg3[%get3A_26, %get3A_27, %get3A_28, %get3A_29] : memref<2x1x1264x64xf32, #tpu.memory_space<vmem>>, vector<2x1x1264x64xf32>
    %slice3A_31 = vector.extract_strided_slice %get3A_30 {offsets = [0, 0, 0, 0], sizes = [1, 1, 1264, 64], strides = [1, 1, 1, 1]} : vector<2x1x1264x64xf32> to vector<1x1x1264x64xf32>
    %squeeze3A = vector.shape_cast %slice3A_31 : vector<1x1x1264x64xf32> to vector<1264x64xf32>
    %slice3A_32 = vector.extract_strided_slice %get3A_30 {offsets = [1, 0, 0, 0], sizes = [1, 1, 1264, 64], strides = [1, 1, 1, 1]} : vector<2x1x1264x64xf32> to vector<1x1x1264x64xf32>
    %squeeze3A_33 = vector.shape_cast %slice3A_32 : vector<1x1x1264x64xf32> to vector<1264x64xf32>
    %concatenate3A_34 = tpu.concatenate %squeeze3A, %squeeze3A_33 in 1 : vector<1264x64xf32>, vector<1264x64xf32> -> vector<1264x128xf32>
    %get3A_35 = arith.constant 0 : index
    %get3A_36 = arith.constant 0 : index
    %get3A_37 = vector.load %arg4[%get3A_35, %get3A_36] : memref<128x128xf32, #tpu.memory_space<vmem>>, vector<128x128xf32>
    %dot_general3A = arith.constant dense<0.000000e+00> : vector<1264x128xf32>
    %dot_general3A_38 = tpu.matmul %mul3A_25, %get3A_37, %dot_general3A {dimension_numbers = #tpu.dot_dimension_numbers<[1], [0], [0], [1], [0, 0, 1, 1], [], []>, transpose_lhs_hint = false} : vector<1264x128xf32>, vector<128x128xf32>, vector<1264x128xf32> -> vector<1264x128xf32>
    %get3A_39 = arith.constant 0 : index
    %get3A_40 = arith.constant 0 : index
    %get3A_41 = vector.load %arg5[%get3A_39, %get3A_40] : memref<1x128xf32, #tpu.memory_space<vmem>>, vector<1x128xf32>
    %add3A_42 = vector.broadcast %get3A_41 : vector<1x128xf32> to vector<1264x128xf32>
    %add3A_43 = arith.addf %dot_general3A_38, %add3A_42 : vector<1264x128xf32>
    %get3A_44 = arith.constant 0 : index
    %get3A_45 = arith.constant 0 : index
    %get3A_46 = vector.load %arg6[%get3A_44, %get3A_45] : memref<128x128xf32, #tpu.memory_space<vmem>>, vector<128x128xf32>
    %dot_general3A_47 = arith.constant dense<0.000000e+00> : vector<1264x128xf32>
    %dot_general3A_48 = tpu.matmul %concatenate3A_34, %get3A_46, %dot_general3A_47 {dimension_numbers = #tpu.dot_dimension_numbers<[1], [0], [0], [1], [0, 0, 1, 1], [], []>, transpose_lhs_hint = false} : vector<1264x128xf32>, vector<128x128xf32>, vector<1264x128xf32> -> vector<1264x128xf32>
    %add3A_49 = arith.addf %add3A_43, %dot_general3A_48 : vector<1264x128xf32>
    %max3A_50 = arith.constant 0.000000e+00 : f32
    %max3A_51 = vector.broadcast %max3A_50 : f32 to vector<1264x128xf32>
    %max3A_52 = arith.maximumf %add3A_49, %max3A_51 : vector<1264x128xf32>
    %slice3A_53 = vector.extract_strided_slice %max3A_52 {offsets = [0, 0], sizes = [1264, 64], strides = [1, 1]} : vector<1264x128xf32> to vector<1264x64xf32>
    %swap3A = arith.constant 0 : index
    %swap3A_54 = arith.constant 0 : index
    %swap3A_55 = arith.constant 0 : index
    %swap3A_56 = arith.constant 0 : index
    %swap3A_57 = vector.load %arg7[%swap3A, %swap3A_54, %swap3A_55, %swap3A_56] : memref<2x1x1264x64xf32, #tpu.memory_space<vmem>>, vector<1x1x1264x64xf32>
    %swap3A_58 = vector.shape_cast %swap3A_57 : vector<1x1x1264x64xf32> to vector<1264x64xf32>
    %swap3A_59 = vector.shape_cast %slice3A_53 : vector<1264x64xf32> to vector<1x1x1264x64xf32>
    tpu.vector_store %arg7[%swap3A, %swap3A_54, %swap3A_55, %swap3A_56], %swap3A_59 {strides = array<i32>} : memref<2x1x1264x64xf32, #tpu.memory_space<vmem>>, vector<1x1x1264x64xf32>,
    %slice3A_60 = vector.extract_strided_slice %max3A_52 {offsets = [0, 64], sizes = [1264, 64], strides = [1, 1]} : vector<1264x128xf32> to vector<1264x64xf32>
    %swap3A_61 = arith.constant 1 : index
    %swap3A_62 = arith.constant 0 : index
    %swap3A_63 = arith.constant 0 : index
    %swap3A_64 = arith.constant 0 : index
    %swap3A_65 = vector.load %arg7[%swap3A_61, %swap3A_62, %swap3A_63, %swap3A_64] : memref<2x1x1264x64xf32, #tpu.memory_space<vmem>>, vector<1x1x1264x64xf32>
    %swap3A_66 = vector.shape_cast %swap3A_65 : vector<1x1x1264x64xf32> to vector<1264x64xf32>
    %swap3A_67 = vector.shape_cast %slice3A_60 : vector<1264x64xf32> to vector<1x1x1264x64xf32>
    tpu.vector_store %arg7[%swap3A_61, %swap3A_62, %swap3A_63, %swap3A_64], %swap3A_67 {strides = array<i32>} : memref<2x1x1264x64xf32, #tpu.memory_space<vmem>>, vector<1x1x1264x64xf32>,
    return
  }
  func.func @transform_0(%arg0: i32) -> (i32, i32, i32, i32) {
    %c0_i32 = arith.constant 0 : i32
    %c0_i32_0 = arith.constant 0 : i32
    %c0_i32_1 = arith.constant 0 : i32
    %c0_i32_2 = arith.constant 0 : i32
    return %c0_i32, %c0_i32_0, %arg0, %c0_i32_1 : i32, i32, i32, i32
  }
  func.func @transform_1(%arg0: i32) -> (i32, i32, i32) {
    %c0_i32 = arith.constant 0 : i32
    %c0_i32_0 = arith.constant 0 : i32
    %c0_i32_1 = arith.constant 0 : i32
    return %c0_i32, %arg0, %c0_i32_0 : i32, i32, i32
  }
  func.func @transform_2(%arg0: i32) -> (i32, i32, i32, i32) {
    %c0_i32 = arith.constant 0 : i32
    %c0_i32_0 = arith.constant 0 : i32
    %c0_i32_1 = arith.constant 0 : i32
    %c0_i32_2 = arith.constant 0 : i32
    return %c0_i32, %c0_i32_0, %arg0, %c0_i32_1 : i32, i32, i32, i32
  }
  func.func @transform_3(%arg0: i32) -> (i32, i32) {
    %c0_i32 = arith.constant 0 : i32
    %c0_i32_0 = arith.constant 0 : i32
    %c0_i32_1 = arith.constant 0 : i32
    return %c0_i32, %c0_i32_0 : i32, i32
  }
  func.func @transform_4(%arg0: i32) -> (i32, i32) {
    %c0_i32 = arith.constant 0 : i32
    %c0_i32_0 = arith.constant 0 : i32
    %c0_i32_1 = arith.constant 0 : i32
    return %c0_i32, %c0_i32_0 : i32, i32
  }
  func.func @transform_5(%arg0: i32) -> (i32, i32) {
    %c0_i32 = arith.constant 0 : i32
    %c0_i32_0 = arith.constant 0 : i32
    %c0_i32_1 = arith.constant 0 : i32
    return %c0_i32, %c0_i32_0 : i32, i32
  }
  func.func @transform_6(%arg0: i32) -> (i32, i32, i32, i32) {
    %c0_i32 = arith.constant 0 : i32
    %c0_i32_0 = arith.constant 0 : i32
    %c0_i32_1 = arith.constant 0 : i32
    %c0_i32_2 = arith.constant 0 : i32
    return %c0_i32, %c0_i32_0, %arg0, %c0_i32_1 : i32, i32, i32, i32
  }
}

</mosaic_0001>

<sc_bundles>
// kernel: closed_call.9.cloned.1.call-start
scs
__scs_entry_jumppad:
0x0: {  	(pc) =	sbr.rel $0x88, $3  }
0x1: {  	(tag) =	ssettag $0x0;
	lr =	simm.s32 $0x1  }
0x2: {  	[smem:$0x3F96] =	sst lr;
	_ =	strace $0xD0000000  }
0x3: {  	_ = 	snop  }
0x4: {  	_ = 	snop  }
0x5: {  	_ = 	snop  }
0x6: {  	_ = 	snop  }
0x7: {  	_ = 	snop  }
__scs_overlays_trampoline_lowered:
0x8: {  	[smem:$0x3FA5] =	sst s0  }
0x9: {  	[smem:$0x3FA6] =	sst s1  }
0xa: {  	[smem:$0x3FA7] =	sst s2  }
0xb: {  	[smem:$0x3FA8] =	sst s3  }
0xc: {  	[smem:$0x3FA9] =	sst s4  }
0xd: {  	[smem:$0x3FAA] =	sst s5  }
0xe: {  	[smem:$0x3FAB] =	sst s6  }
0xf: {  	[smem:$0x3FAC] =	sst s7  }
0x10: {  	[smem:$0x3FAD] =	sst s8  }
0x11: {  	[smem:$0x3FAE] =	sst s9;
	s0 =	simm.s32 @!p0 $0x0  }
0x12: {  	s1 =	sld [smem:$0x3F94];
	s0 =	simm.s32 @p0 $0x1  }
0x13: {  	[smem:$0x3FAF] =	sst s0;
	s0 =	simm.s32 @!p1 $0x0  }
0x14: {  	s2 =	sld [smem:$0x3F93];
	s0 =	simm.s32 @p1 $0x1  }
0x15: {  	[smem:$0x3FB0] =	sst s0;
	s0 =	simm.s32 @!p2 $0x0  }
0x16: {  	s3 =	sld [smem:$0x3FDB];
	s0 =	simm.s32 @p2 $0x1  }
0x17: {  	s4 =	simm.s32 $0x1BF5;
	[smem:$0x3FB2] =	sst s0  }
0x18: {  	s0 =	sld [smem:$0x3F95];
	_ =	swait.ge [sflag:s4], $0x0  }
0x19: {  	s7 =	sld [smem:$0x3F96]  }
0x1a: {  	s8 =	sadd.s32 $0xFFFFE003, lr  }
0x1b: {  	s9 =	sadd.s32 $0xFFFFFEF7, lr;
	s5 =	simm.s32 $0xFFFFFFFF;
	p2 =	slt.u32 s8, $0xFFFFF086  }
0x1c: {  	p1 =	slt.u32 s9, $0xF7A;
	s5 =	simm.s32 @!p2 $0x0  }
0x1d: {  	s5 =	simm.s32 @p1 $0x1;
	p0 =	seq.s32 s7, s2  }
0x1e: {  	s7 =	smul.u32 @!p0 $0xF7A, s2;
	p2 =	seq.s32 @!p0 s5, $0x0  }
0x1f: {  	s9 =	smul.u32 $0xF7A, s1;
	s8 =	simm.s32 @!p0 $0x1BF5;
	p2 =	por !p2, p0  }
0x20: {  	[sflag:s8] =	ssyncset.s32 @!p0 $0xFFFFF086;
	s6 =	sadd.s32 @!p0 s3, s7;
	s7 =	simm.s32 @!p0 $0x108  }
0x21: {  	s3 =	sadd.s32 s3, s9;
	s6 =	sadd.s32 @!p0 $0x88, s6;
	s7 =	simm.s32 @p2 $0x1082  }
0x22: {  	[simem:s7], [sflag:s8] =	dma.local @!p0 [hbm:s6], $0xF7A  }
0x23: {  	s9 =	sor.u32 $0xD0000000, s2;
	s6 =	simm.s32 $0x108;
	_ =	swait.ge @!p0 [sflag:s8], $0x0  }
0x24: {  	s3 =	sadd.s32 $0x88, s3;
	s6 =	simm.s32 @!p1 $0x1082;
	[sflag:s4] =	ssyncset.s32 $0xFFFFF086  }
0x25: {  	[simem:s6], [sflag:s4] =	dma.local [hbm:s3], $0xF7A  }
0x26: {  	[smem:$0x3F96] =	sst s1;
	(tag) =	ssettag s2;
	_ =	strace s9  }
0x27: {  	s1 =	sld [smem:$0x3FA6]  }
0x28: {  	s2 =	sld [smem:$0x3FA7]  }
0x29: {  	s4 =	sld [smem:$0x3FA9]  }
0x2a: {  	p0 =	seq.s32 s5, $0x0;
	s5 =	sld [smem:$0x3FAA]  }
0x2b: {  	s6 =	sld [smem:$0x3FAB]  }
0x2c: {  	s7 =	sld [smem:$0x3FAC]  }
0x2d: {  	s3 =	simm.s32 $0x108;
	s8 =	sld [smem:$0x3FAD]  }
0x2e: {  	s3 =	simm.s32 @!p0 $0x1082;
	s9 =	sld [smem:$0x3FAE]  }
0x2f: {  	lr =	sadd.s32 s0, s3;
	s0 =	sld [smem:$0x3FA5]  }
0x30: {  	s3 =	sld [smem:$0x3FA8]  }
0x31: {  	[smem:$0x3FB1] =	sst s10  }
0x32: {  	s10 =	sld [smem:$0x3FAF];
	_ =	sdelay $0x3  }
0x33: {  	p0 =	seq.s32 s10, $0x1;
	s10 =	sld [smem:$0x3FB1];
	_ =	sdelay $0x3  }
0x34: {  	[smem:$0x3FB1] =	sst s10  }
0x35: {  	s10 =	sld [smem:$0x3FB0];
	_ =	sdelay $0x3  }
0x36: {  	p1 =	seq.s32 s10, $0x1;
	s10 =	sld [smem:$0x3FB1];
	_ =	sdelay $0x3  }
0x37: {  	[smem:$0x3FB1] =	sst s10  }
0x38: {  	s10 =	sld [smem:$0x3FB2]  }
0x39: {  	_ = 	snop;
	(pc) =	sbr.ind lr, $3  }
0x3a: {  	_ = 	snop  }
0x3b: {  	_ = 	snop  }
0x3c: {  	p2 =	seq.s32 s10, $0x1;
	s10 =	sld [smem:$0x3FB1]  }
0x3d: {  	_ =	shalt  }
0x3e: {  	_ =	shalt  }
0x3f: {  	_ =	shalt  }
0x40: {  	_ =	shalt  }
0x41: {  	_ =	shalt  }
0x42: {  	_ =	shalt  }
0x43: {  	_ =	shalt  }
0x44: {  	_ =	shalt  }
0x45: {  	_ =	shalt  }
0x46: {  	_ =	shalt  }
0x47: {  	_ =	shalt  }
0x48: {  	_ =	shalt  }
0x49: {  	_ =	shalt  }
0x4a: {  	_ =	shalt  }
0x4b: {  	_ =	shalt  }
0x4c: {  	_ =	shalt  }
0x4d: {  	_ =	shalt  }
0x4e: {  	_ =	shalt  }
0x4f: {  	_ =	shalt  }
0x50: {  	_ =	shalt  }
0x51: {  	_ =	shalt  }
0x52: {  	_ =	shalt  }
0x53: {  	_ =	shalt  }
0x54: {  	_ =	shalt  }
0x55: {  	_ =	shalt  }
0x56: {  	_ =	shalt  }
0x57: {  	_ =	shalt  }
0x58: {  	_ =	shalt  }
0x59: {  	_ =	shalt  }
0x5a: {  	_ =	shalt  }
0x5b: {  	_ =	shalt  }
0x5c: {  	_ =	shalt  }
0x5d: {  	_ =	shalt  }
0x5e: {  	_ =	shalt  }
0x5f: {  	_ =	shalt  }
0x60: {  	_ =	shalt  }
0x61: {  	_ =	shalt  }
0x62: {  	_ =	shalt  }
0x63: {  	_ =	shalt  }
0x64: {  	_ =	shalt  }
0x65: {  	_ =	shalt  }
0x66: {  	_ =	shalt  }
0x67: {  	_ =	shalt  }
0x68: {  	_ =	shalt  }
0x69: {  	_ =	shalt  }
0x6a: {  	_ =	shalt  }
0x6b: {  	_ =	shalt  }
0x6c: {  	_ =	shalt  }
0x6d: {  	_ =	shalt  }
0x6e: {  	_ =	shalt  }
0x6f: {  	_ =	shalt  }
0x70: {  	_ =	shalt  }
0x71: {  	_ =	shalt  }
0x72: {  	_ =	shalt  }
0x73: {  	_ =	shalt  }
0x74: {  	_ =	shalt  }
0x75: {  	_ =	shalt  }
0x76: {  	_ =	shalt  }
0x77: {  	_ =	shalt  }
0x78: {  	_ =	shalt  }
0x79: {  	_ =	shalt  }
0x7a: {  	_ =	shalt  }
0x7b: {  	_ =	shalt  }
0x7c: {  	_ =	shalt  }
0x7d: {  	_ =	shalt  }
0x7e: {  	_ =	shalt  }
0x7f: {  	_ =	shalt  }
0x80: {  	_ =	shalt  }
0x81: {  	_ =	shalt  }
0x82: {  	_ =	shalt  }
0x83: {  	_ =	shalt  }
0x84: {  	_ =	shalt  }
0x85: {  	_ =	shalt  }
0x86: {  	_ =	shalt  }
0x87: {  	_ =	shalt  }
.Lfunc_end0:
.L_simem_size_0:
called_computation_lowered:
.L_overlay_start_0:
0x88: {  	s2 =	sld [smem:$0x3FD9]  }
0x89: {  	s3 =	sld [smem:$0x3FFE];
	_ =	sdelay $0x1  }
0x8a: {  	s1 =	srdreg.scid  }
0x8b: {  	s0 =	sand.u32 $0x1, s1  }
0x8c: {  	s17 =	sshll.u32 s0, $0xA;
	s2 =	sadd.s32 s3, s2  }
0x8d: {  	s2 =	sadd.s32 s2, s17  }
0x8e: {  	[smem:$0x3FBD] =	sst s2  }
0x8f: {  	_ = 	snop  }
0x90: {  	s2 =	sld [smem:$0x3FD0];
	(tm) =	ssettm $0x1  }
0x91: {  	s18 =	sld [smem:$0x3FFB];
	_ =	sdelay $0x3  }
0x92: {  	_ =	strace s18  }
0x93: {  	s3 =	sld [smem:$0x3FFC];
	_ =	sdelay $0x3  }
0x94: {  	_ =	strace s3  }
0x95: {  	s3 =	sld [smem:$0x3FFD];
	_ =	sdelay $0x3  }
0x96: {  	_ =	strace s3  }
0x97: {  	_ =	strace $0x8FFFFFFF  }
0x98: {  	s19 =	sld [smem:$0x3FDB];
	_ =	sdelay $0x1  }
0x99: {  	s4 =	simm.s32 $_scs_section_size  }
0x9a: {  	s5 =	simm.s32 $_size__tile_overlayer_lowered;
	s6 =	simm.s32 $_tile_overlayer_lowered  }
0x9b: {  	s22 =	simm.s32 $0x1BFF;
	s21 =	sshll.u32 s6, $0x1;
	s3 =	sadd.s32 s4, s19  }
0x9c: {  	s7 =	simm.s32 $0x0;
	s20 =	sshll.u32 s5, $0x1;
	s5 =	sadd.s32 s21, s3  }
0x9d: {  	[timem:s7], [sflag:s22] =	dma.local [hbm:s5], s20  }
0x9e: {  	_ =	swait.ge [sflag:s22], s20  }
0x9f: {  	s4 =	ssub.s32 $0x0, s20;
	[sflag:s22] =	ssyncset.done $0x0  }
0xa0: {  	[sflag:s22] =	ssyncadd.s32 s4;
	_ =	sdelay $0x1  }
0xa1: {  	s23 =	simm.s32 $0x1B8B  }
0xa2: {  	_ =	swait.ge [sflag:s23], $0x1  }
0xa3: {  	[sflag:s23] =	ssyncset.done $0x0  }
0xa4: {  	s25 =	simm.s32 $0x1B8E;
	s24 =	sld [smem:$0x3FFE];
	[sflag:s23] =	ssyncadd.s32 $0xFFFFFFFF  }
0xa5: {  	s26 =	simm.s32 $execute0_lowered;
	[smem:$0x3FD2] =	sst s25  }
0xa6: {  	s5 =	sshll.u32 s26, $0x1;
	_ =	strace $0x80000049;
	[dreg:$0x1] =	wrdreg $0xFFFFFFFF  }
0xa7: {  	s28 =	simm.s32 $_size_execute0_lowered;
	s3 =	sadd.s32 s3, s5;
	[dreg:$0x0] =	wrdreg $0x0  }
0xa8: {  	s5 =	sshll.u32 s28, $0x1;
	[dreg:$0x2] =	wrdreg s3  }
0xa9: {  	[dreg:$0x3] =	wrdreg s5  }
0xaa: {  	[dreg:$0x4] =	wrdreg $0xC0  }
0xab: {  	_ =	task [dreg:s7], $0x5FFFF  }
0xac: {  	[dreg:$0x1] =	wrdreg $0xFFFFFFFF  }
0xad: {  	[dreg:$0x0] =	wrdreg $0x60  }
0xae: {  	[dreg:$0x2] =	wrdreg s24  }
0xaf: {  	[dreg:$0x3] =	wrdreg s2  }
0xb0: {  	[dreg:$0x4] =	wrdreg $0xA5000  }
0xb1: {  	[dreg:$0x5] =	wrdreg $0x9  }
0xb2: {  	_ =	task.clear_ibuf [dreg:s7], $0x6FFFF;
	_ =	strace $0x90000049  }
0xb3: {  	s29 =	simm.s32 $0x9;
	_ =	strace $0x8000004B  }
0xb4: {  	_ =	swait.ge [sflag:s29], $0x1  }
0xb5: {  	[sflag:s29] =	ssyncadd.s32 $0xFFFFFFFF  }
0xb6: {  	_ =	strace $0x9000004B  }
0xb7: {  	_ =	sfence  }
0xb8: {  	s30 =	sld [smem:$0x0];
	_ =	sdelay $0x2  }
0xb9: {  	s31 =	sshll.u32 s1, $0xD;
	s1 =	sshrl.u32 s1, $0x2  }
0xba: {  	s3 =	sand.u32 $0x4000, s31;
	s1 =	sadd.s32 s1, s30  }
0xbb: {  	s0 =	sor.u32 s3, s0;
	s1 =	sshll.u32 s1, $0x11  }
0xbc: {  	s0 =	sor.u32 s1, s0  }
0xbd: {  	s0 =	sadd.s32 $0x8F2B, s0  }
0xbe: {  	[sflag:s0] =	ssyncadd.remote.s32 $0x1  }
0xbf: {  	_ =	sfence.sel $0xFFFF  }
0xc0: {  	[dreg:$0x0] =	wrdreg $0xFFFFFFFF;
	(pc) =	sbr.abs _section_cstart, $3  }
0xc1: {  	[dreg:$0x1] =	wrdreg $0xFFFFFFFF  }
0xc2: {  	_ =	task.clear_ibuf [dreg:s7], $0x2FFFF;
	_ =	strace $0x9FFFFFFF  }
0xc3: {  	(tm) =	ssettm $0x7FFFFFFF  }
tec
execute0_lowered:
.L_overlay_start_1:
0x0: {  	(tag) =	ssettag $0x1  }
0x1: {  	s0 =	rddreg [dreg:$0x0]  }
0x2: {  	s2 =	rddreg [dreg:$0x1]  }
0x3: {  	s1 =	rddreg [dreg:$0x2];
	s3 =	srdreg.scid  }
0x4: {  	s10 =	stileid.u32;
	s13 =	simm.s32 $0x10;
	s28 =	simm.s32 $0x4  }
0x5: {  	s30 =	simm.s32 $0x5;
	s17 =	simm.s32 $0x180;
	s12 =	simm.s32 $0xA  }
0x6: {  	s14 =	simm.s32 $0xC;
	s15 =	simm.s32 $0xD;
	s18 =	simm.s32 $0x0  }
0x7: {  	s29 =	simm.s32 $0x4500;
	s31 =	simm.s32 $0x6500;
	s6 =	smul.u32 $0x9E00, s10  }
0x8: {  	s4 =	sand.u32 $0x1, s3;
	s3 =	simm.s32 $0x0;
	s8 =	smul.u32 $0x2800, s10  }
0x9: {  	s21 =	sshll.u32 s10, $0x6;
	s5 =	smul.u32 $0x9E000, s4;
	[smem:$0x7FF] =	sst s3  }
0xa: {  	s4 =	ssub.s32 $0x2, s4;
	s10 =	sor.u32 $0x1C10, s21;
	s21 =	simm.s32 $0x80  }
0xb: {  	_ =	strace $0x8000004A;
	s9 =	sshrl.u32 s4, $0x1;
	s8 =	sadd.s32 s8, s0  }
0xc: {  	s20 =	sadd.s32 s6, s1;
	[dreg:$0x5] =	wrdreg s10;
	s7 =	sshrl.u32 s5, $0x3  }
0xd: {  	s5 =	sadd.s32 s6, s5;
	s4 =	ssub.s32 s4, s9;
	s6 =	sshrl.u32 s6, $0x3  }
0xe: {  	s19 =	sadd.s32 $0x7C00, s8;
	s22 =	sadd.s32 $0x7C20, s8;
	s23 =	sadd.s32 $0x7C40, s8  }
0xf: {  	s24 =	sadd.s32 $0x7C60, s8;
	s25 =	sadd.s32 $0x7C80, s8;
	s16 =	sshrl.u32 s20, $0x3  }
0x10: {  	s20 =	simm.s32 $0x1;
	s9 =	simm.s32 $0x9;
	[dreg:$0x6] =	wrdreg s22  }
0x11: {  	s8 =	simm.s32 $0xF;
	s7 =	sadd.s32 s7, s0;
	[dreg:$0x7] =	wrdreg s23  }
0x12: {  	s5 =	sshrl.u32 s5, $0x3;
	s2 =	sadd.s32 s2, s6;
	[dreg:$0x8] =	wrdreg s24  }
0x13: {  	[dreg:$0x9] =	wrdreg s25;
	s26 =	smax.u32 s4, $0x1;
	s23 =	simm.s32 $0x2  }
0x14: {  	s25 =	simm.s32 $0x3;
	s4 =	simm.s32 $0xE;
	[dreg:$0xc] =	wrdreg s16  }
0x15: {  	s24 =	simm.s32 $0x500;
	s0 =	sadd.s32 s5, s0;
	[dreg:$0x4] =	wrdreg s2  }
0x16: {  	s11 =	sadd.s32 $0x7EC00, s7;
	[dreg:$0xb] =	wrdreg s26;
	s2 =	simm.s32 $0x7  }
0x17: {  	s7 =	simm.s32 $0x8;
	s5 =	simm.s32 $0xB;
	s0 =	sadd.s32 $0xA6400, s0  }
0x18: {  	s26 =	simm.s32 $0x2500;
	[dreg:$0xa] =	wrdreg s0;
	s0 =	simm.s32 $0x6  }
.LBB2_1:
0x19: {  	[dreg:$0xd] =	wrdreg s18  }
0x1a: {  	s6 =	rddreg [dreg:$0x4]  }
0x1b: {  	[spmem:s16], [sflag:s10] =	dma.local [hbm:s6], $0x13C0  }
0x1c: {  	_ =	swait.ge [sflag:s13], $0x13C0  }
0x1d: {  	[sflag:s13] =	ssyncset.done $0x0  }
0x1e: {  	[sflag:s13] =	ssyncadd.s32 $0xFFFFEC40  }
0x1f: {  	[bflag:$0x0] =	sbarrier.arrive $0xFFFF  }
0x20: {  	[tilespmem:s3], [sflag:$0x1] =	stream.linear.gather [hbm4b:s19+s3], $0x100, $0x38;
	[tilespmem:$0x14300] =	vst v63  }
0x21: {  	s13 =	simm.s32 $0x100;
	s16 =	rddreg [dreg:$0x6]  }
0x22: {  	[tilespmem:s13], [sflag:$0x2] =	stream.linear.gather [hbm4b:s16+s3], $0x100, $0x38;
	[tilespmem:$0x14300] =	vst v63  }
0x23: {  	s18 =	rddreg [dreg:$0x7];
	s16 =	simm.s32 $0x200  }
0x24: {  	[tilespmem:s16], [sflag:$0x3] =	stream.linear.gather [hbm4b:s18+s3], $0x100, $0x38;
	[tilespmem:$0x14300] =	vst v63  }
0x25: {  	s22 =	rddreg [dreg:$0x8];
	s18 =	simm.s32 $0x300  }
0x26: {  	[tilespmem:s18], [sflag:$0x4] =	stream.linear.gather [hbm4b:s22+s3], $0x100, $0x38;
	[tilespmem:$0x14300] =	vst v63  }
0x27: {  	s10 =	rddreg [dreg:$0x9];
	s22 =	simm.s32 $0x400  }
0x28: {  	[tilespmem:s22], [sflag:$0x5] =	stream.linear.gather [hbm4b:s10+s3], $0x100, $0x38;
	[tilespmem:$0x14300] =	vst v63  }
0x29: {  	_ =	swait.ge [sflag:s20], $0x100  }
0x2a: {  	[sflag:s20] =	ssyncset.done $0x0  }
0x2b: {  	[sflag:s20] =	ssyncadd.s32 $0xFFFFFF00  }
0x2c: {  	[tilespmem:s24], [sflag:$0x6] =	stream.indirect.gather [hbm4b:s11+s21], $0x40, s3, s21, $0xb8;
	[tilespmem:$0x14300] =	vst v63  }
0x2d: {  	_ =	swait.ge [sflag:s23], $0x100  }
0x2e: {  	[sflag:s23] =	ssyncset.done $0x0  }
0x2f: {  	[sflag:s23] =	ssyncadd.s32 $0xFFFFFF00  }
0x30: {  	[tilespmem:s26], [sflag:$0x7] =	stream.indirect.gather [hbm4b:s11+s21], $0x40, s13, s21, $0xb8;
	[tilespmem:$0x14300] =	vst v63  }
0x31: {  	_ =	swait.ge [sflag:s25], $0x100  }
0x32: {  	[sflag:s25] =	ssyncset.done $0x0  }
0x33: {  	[sflag:s25] =	ssyncadd.s32 $0xFFFFFF00  }
0x34: {  	[tilespmem:s29], [sflag:$0x8] =	stream.indirect.gather [hbm4b:s11+s21], $0x40, s16, s21, $0xb8;
	[tilespmem:$0x14300] =	vst v63  }
0x35: {  	_ =	swait.ge [sflag:s28], $0x100  }
0x36: {  	[sflag:s28] =	ssyncset.done $0x0  }
0x37: {  	[sflag:s28] =	ssyncadd.s32 $0xFFFFFF00  }
0x38: {  	[tilespmem:s31], [sflag:$0x9] =	stream.indirect.gather [hbm4b:s11+s21], $0x40, s18, s21, $0xb8;
	[tilespmem:$0x14300] =	vst v63  }
0x39: {  	_ =	swait.ge [sflag:s30], $0x100  }
0x3a: {  	[sflag:s30] =	ssyncset.done $0x0  }
0x3b: {  	s10 =	simm.s32 $0x8500;
	[sflag:s30] =	ssyncadd.s32 $0xFFFFFF00  }
0x3c: {  	[tilespmem:s10], [sflag:$0xA] =	stream.indirect.gather [hbm4b:s11+s21], $0x40, s22, s21, $0xb8;
	[tilespmem:$0x14300] =	vst v63  }
0x3d: {  	_ =	swait.ge [sflag:s0], $0x2000  }
0x3e: {  	[sflag:s0] =	ssyncset.done $0x0  }
0x3f: {  	[sflag:s0] =	ssyncadd.s32 $0xFFFFE000  }
0x40: {  	[spmem:s1] =	stream.indirect.scatter.add.f32 [tilespmem:s24], [sflag:$0xB], $0x40, s21, s21, $0xb8;
	[tilespmem:$0x14300] =	vst v63  }
0x41: {  	_ =	swait.ge [sflag:s2], $0x2000  }
0x42: {  	[sflag:s2] =	ssyncset.done $0x0  }
0x43: {  	[sflag:s2] =	ssyncadd.s32 $0xFFFFE000  }
0x44: {  	[spmem:s1] =	stream.indirect.scatter.add.f32 [tilespmem:s26], [sflag:$0xC], $0x40, s17, s21, $0xb8;
	[tilespmem:$0x14300] =	vst v63  }
0x45: {  	_ =	swait.ge [sflag:s7], $0x2000  }
0x46: {  	[sflag:s7] =	ssyncset.done $0x0  }
0x47: {  	s10 =	simm.s32 $0x280;
	[sflag:s7] =	ssyncadd.s32 $0xFFFFE000  }
0x48: {  	[spmem:s1] =	stream.indirect.scatter.add.f32 [tilespmem:s29], [sflag:$0xD], $0x40, s10, s21, $0xb8;
	[tilespmem:$0x14300] =	vst v63  }
0x49: {  	_ =	swait.ge [sflag:s9], $0x2000  }
0x4a: {  	[sflag:s9] =	ssyncset.done $0x0  }
0x4b: {  	s10 =	simm.s32 $0x380;
	[sflag:s9] =	ssyncadd.s32 $0xFFFFE000  }
0x4c: {  	[spmem:s1] =	stream.indirect.scatter.add.f32 [tilespmem:s31], [sflag:$0xE], $0x40, s10, s21, $0xb8;
	[tilespmem:$0x14300] =	vst v63  }
0x4d: {  	_ =	swait.ge [sflag:s12], $0x2000  }
0x4e: {  	[sflag:s12] =	ssyncset.done $0x0  }
0x4f: {  	s6 =	simm.s32 $0x8500;
	s10 =	simm.s32 $0x480;
	[sflag:s12] =	ssyncadd.s32 $0xFFFFE000  }
0x50: {  	[spmem:s1] =	stream.indirect.scatter.add.f32 [tilespmem:s6], [sflag:$0xF], $0x40, s10, s21, $0xb8;
	[tilespmem:$0x14300] =	vst v63  }
0x51: {  	_ =	swait.ge [sflag:s5], $0x2000  }
0x52: {  	s6 =	sadd.s32 $0x0, s19;
	[sflag:s5] =	ssyncset.done $0x0  }
0x53: {  	s10 =	sadd.s32 $0xA0, s6;
	[sflag:s5] =	ssyncadd.s32 $0xFFFFE000  }
0x54: {  	[tilespmem:s3], [sflag:$0x1] =	stream.linear.gather [hbm4b:s10+s3], $0x100, $0x38;
	[tilespmem:$0x14300] =	vst v63  }
0x55: {  	_ =	swait.ge [sflag:s14], $0x2000  }
0x56: {  	[sflag:s14] =	ssyncset.done $0x0  }
0x57: {  	s10 =	sadd.s32 $0xC0, s6;
	[sflag:s14] =	ssyncadd.s32 $0xFFFFE000  }
0x58: {  	[tilespmem:s13], [sflag:$0x2] =	stream.linear.gather [hbm4b:s10+s3], $0x100, $0x38;
	[tilespmem:$0x14300] =	vst v63  }
0x59: {  	_ =	swait.ge [sflag:s15], $0x2000  }
0x5a: {  	[sflag:s15] =	ssyncset.done $0x0  }
0x5b: {  	s10 =	sadd.s32 $0xE0, s6;
	[sflag:s15] =	ssyncadd.s32 $0xFFFFE000  }
0x5c: {  	[tilespmem:s16], [sflag:$0x3] =	stream.linear.gather [hbm4b:s10+s3], $0x100, $0x38;
	[tilespmem:$0x14300] =	vst v63  }
0x5d: {  	_ =	swait.ge [sflag:s4], $0x2000  }
0x5e: {  	[sflag:s4] =	ssyncset.done $0x0  }
0x5f: {  	s10 =	sadd.s32 $0x100, s6;
	[sflag:s4] =	ssyncadd.s32 $0xFFFFE000  }
0x60: {  	[tilespmem:s18], [sflag:$0x4] =	stream.linear.gather [hbm4b:s10+s3], $0x100, $0x38;
	[tilespmem:$0x14300] =	vst v63  }
0x61: {  	_ =	swait.ge [sflag:s8], $0x2000  }
0x62: {  	[sflag:s8] =	ssyncset.done $0x0  }
0x63: {  	s6 =	sadd.s32 $0x120, s6;
	[sflag:s8] =	ssyncadd.s32 $0xFFFFE000  }
0x64: {  	[tilespmem:s22], [sflag:$0x5] =	stream.linear.gather [hbm4b:s6+s3], $0x100, $0x38;
	[tilespmem:$0x14300] =	vst v63  }
0x65: {  	_ =	swait.ge [sflag:s20], $0x100  }
0x66: {  	[sflag:s20] =	ssyncset.done $0x0  }
0x67: {  	[sflag:s20] =	ssyncadd.s32 $0xFFFFFF00  }
0x68: {  	[tilespmem:s24], [sflag:$0x6] =	stream.indirect.gather [hbm4b:s11+s21], $0x40, s3, s21, $0xb8;
	[tilespmem:$0x14300] =	vst v63  }
0x69: {  	_ =	swait.ge [sflag:s23], $0x100  }
0x6a: {  	[sflag:s23] =	ssyncset.done $0x0  }
0x6b: {  	[sflag:s23] =	ssyncadd.s32 $0xFFFFFF00  }
0x6c: {  	[tilespmem:s26], [sflag:$0x7] =	stream.indirect.gather [hbm4b:s11+s21], $0x40, s13, s21, $0xb8;
	[tilespmem:$0x14300] =	vst v63  }
0x6d: {  	_ =	swait.ge [sflag:s25], $0x100  }
0x6e: {  	[sflag:s25] =	ssyncset.done $0x0  }
0x6f: {  	[sflag:s25] =	ssyncadd.s32 $0xFFFFFF00  }
0x70: {  	[tilespmem:s29], [sflag:$0x8] =	stream.indirect.gather [hbm4b:s11+s21], $0x40, s16, s21, $0xb8;
	[tilespmem:$0x14300] =	vst v63  }
0x71: {  	_ =	swait.ge [sflag:s28], $0x100  }
0x72: {  	[sflag:s28] =	ssyncset.done $0x0  }
0x73: {  	[sflag:s28] =	ssyncadd.s32 $0xFFFFFF00  }
0x74: {  	[tilespmem:s31], [sflag:$0x9] =	stream.indirect.gather [hbm4b:s11+s21], $0x40, s18, s21, $0xb8;
	[tilespmem:$0x14300] =	vst v63  }
0x75: {  	_ =	swait.ge [sflag:s30], $0x100  }
0x76: {  	[sflag:s30] =	ssyncset.done $0x0  }
0x77: {  	s16 =	simm.s32 $0x8500;
	[sflag:s30] =	ssyncadd.s32 $0xFFFFFF00  }
0x78: {  	[tilespmem:s16], [sflag:$0xA] =	stream.indirect.gather [hbm4b:s11+s21], $0x40, s22, s21, $0xb8;
	[tilespmem:$0x14300] =	vst v63  }
0x79: {  	_ =	swait.ge [sflag:s0], $0x2000  }
0x7a: {  	[sflag:s0] =	ssyncset.done $0x0  }
0x7b: {  	[sflag:s0] =	ssyncadd.s32 $0xFFFFE000  }
0x7c: {  	[spmem:s1] =	stream.indirect.scatter.add.f32 [tilespmem:s24], [sflag:$0xB], $0x40, s21, s21, $0xb8;
	[tilespmem:$0x14300] =	vst v63  }
0x7d: {  	_ =	swait.ge [sflag:s2], $0x2000  }
0x7e: {  	[sflag:s2] =	ssyncset.done $0x0  }
0x7f: {  	[sflag:s2] =	ssyncadd.s32 $0xFFFFE000  }
0x80: {  	[spmem:s1] =	stream.indirect.scatter.add.f32 [tilespmem:s26], [sflag:$0xC], $0x40, s17, s21, $0xb8;
	[tilespmem:$0x14300] =	vst v63  }
0x81: {  	_ =	swait.ge [sflag:s7], $0x2000  }
0x82: {  	[sflag:s7] =	ssyncset.done $0x0  }
0x83: {  	s18 =	simm.s32 $0x280;
	[sflag:s7] =	ssyncadd.s32 $0xFFFFE000  }
0x84: {  	[spmem:s1] =	stream.indirect.scatter.add.f32 [tilespmem:s29], [sflag:$0xD], $0x40, s18, s21, $0xb8;
	[tilespmem:$0x14300] =	vst v63  }
0x85: {  	_ =	swait.ge [sflag:s9], $0x2000  }
0x86: {  	[sflag:s9] =	ssyncset.done $0x0  }
0x87: {  	s22 =	simm.s32 $0x380;
	[sflag:s9] =	ssyncadd.s32 $0xFFFFE000  }
0x88: {  	[spmem:s1] =	stream.indirect.scatter.add.f32 [tilespmem:s31], [sflag:$0xE], $0x40, s22, s21, $0xb8;
	[tilespmem:$0x14300] =	vst v63  }
0x89: {  	_ =	swait.ge [sflag:s12], $0x2000  }
0x8a: {  	[sflag:s12] =	ssyncset.done $0x0  }
0x8b: {  	s10 =	simm.s32 $0xA0;
	s16 =	smov.u32 s19;
	[sflag:s12] =	ssyncadd.s32 $0xFFFFE000  }
.LBB2_2:
0x8c: {  	s17 =	simm.s32 $0x8500;
	s6 =	simm.s32 $0x480;
	s13 =	smov.u32 s10  }
0x8d: {  	[spmem:s1] =	stream.indirect.scatter.add.f32 [tilespmem:s17], [sflag:$0xF], $0x40, s6, s21, $0xb8;
	[tilespmem:$0x14300] =	vst v63  }
0x8e: {  	p0 =	sne.s32 s10, $0x26C0;
	s10 =	sadd.s32 $0xA0, s10;
	_ =	swait.ge [sflag:s5], $0x2000  }
0x8f: {  	s13 =	sadd.s32 s13, s16;
	[sflag:s5] =	ssyncset.done $0x0  }
0x90: {  	s6 =	sadd.s32 $0xA0, s13;
	[sflag:s5] =	ssyncadd.s32 $0xFFFFE000  }
0x91: {  	[tilespmem:s3], [sflag:$0x1] =	stream.linear.gather [hbm4b:s6+s3], $0x100, $0x38;
	[tilespmem:$0x14300] =	vst v63  }
0x92: {  	_ =	swait.ge [sflag:s14], $0x2000  }
0x93: {  	[sflag:s14] =	ssyncset.done $0x0  }
0x94: {  	s18 =	simm.s32 $0x100;
	s6 =	sadd.s32 $0xC0, s13;
	[sflag:s14] =	ssyncadd.s32 $0xFFFFE000  }
0x95: {  	[tilespmem:s18], [sflag:$0x2] =	stream.linear.gather [hbm4b:s6+s3], $0x100, $0x38;
	[tilespmem:$0x14300] =	vst v63  }
0x96: {  	_ =	swait.ge [sflag:s15], $0x2000  }
0x97: {  	[sflag:s15] =	ssyncset.done $0x0  }
0x98: {  	s19 =	simm.s32 $0x200;
	s6 =	sadd.s32 $0xE0, s13;
	[sflag:s15] =	ssyncadd.s32 $0xFFFFE000  }
0x99: {  	[tilespmem:s19], [sflag:$0x3] =	stream.linear.gather [hbm4b:s6+s3], $0x100, $0x38;
	[tilespmem:$0x14300] =	vst v63  }
0x9a: {  	_ =	swait.ge [sflag:s4], $0x2000  }
0x9b: {  	[sflag:s4] =	ssyncset.done $0x0  }
0x9c: {  	s22 =	simm.s32 $0x300;
	s6 =	sadd.s32 $0x100, s13;
	[sflag:s4] =	ssyncadd.s32 $0xFFFFE000  }
0x9d: {  	[tilespmem:s22], [sflag:$0x4] =	stream.linear.gather [hbm4b:s6+s3], $0x100, $0x38;
	[tilespmem:$0x14300] =	vst v63  }
0x9e: {  	_ =	swait.ge [sflag:s8], $0x2000  }
0x9f: {  	[sflag:s8] =	ssyncset.done $0x0  }
0xa0: {  	s6 =	sadd.s32 $0x120, s13;
	s13 =	simm.s32 $0x400;
	[sflag:s8] =	ssyncadd.s32 $0xFFFFE000  }
0xa1: {  	[tilespmem:s13], [sflag:$0x5] =	stream.linear.gather [hbm4b:s6+s3], $0x100, $0x38;
	[tilespmem:$0x14300] =	vst v63  }
0xa2: {  	_ =	swait.ge [sflag:s20], $0x100  }
0xa3: {  	[sflag:s20] =	ssyncset.done $0x0  }
0xa4: {  	[sflag:s20] =	ssyncadd.s32 $0xFFFFFF00  }
0xa5: {  	[tilespmem:s24], [sflag:$0x6] =	stream.indirect.gather [hbm4b:s11+s21], $0x40, s3, s21, $0xb8;
	[tilespmem:$0x14300] =	vst v63  }
0xa6: {  	_ =	swait.ge [sflag:s23], $0x100  }
0xa7: {  	[sflag:s23] =	ssyncset.done $0x0  }
0xa8: {  	[sflag:s23] =	ssyncadd.s32 $0xFFFFFF00  }
0xa9: {  	[tilespmem:s26], [sflag:$0x7] =	stream.indirect.gather [hbm4b:s11+s21], $0x40, s18, s21, $0xb8;
	[tilespmem:$0x14300] =	vst v63  }
0xaa: {  	_ =	swait.ge [sflag:s25], $0x100  }
0xab: {  	[sflag:s25] =	ssyncset.done $0x0  }
0xac: {  	[sflag:s25] =	ssyncadd.s32 $0xFFFFFF00  }
0xad: {  	[tilespmem:s29], [sflag:$0x8] =	stream.indirect.gather [hbm4b:s11+s21], $0x40, s19, s21, $0xb8;
	[tilespmem:$0x14300] =	vst v63  }
0xae: {  	_ =	swait.ge [sflag:s28], $0x100  }
0xaf: {  	[sflag:s28] =	ssyncset.done $0x0  }
0xb0: {  	[sflag:s28] =	ssyncadd.s32 $0xFFFFFF00  }
0xb1: {  	[tilespmem:s31], [sflag:$0x9] =	stream.indirect.gather [hbm4b:s11+s21], $0x40, s22, s21, $0xb8;
	[tilespmem:$0x14300] =	vst v63  }
0xb2: {  	_ =	swait.ge [sflag:s30], $0x100  }
0xb3: {  	[sflag:s30] =	ssyncset.done $0x0  }
0xb4: {  	[sflag:s30] =	ssyncadd.s32 $0xFFFFFF00  }
0xb5: {  	[tilespmem:s17], [sflag:$0xA] =	stream.indirect.gather [hbm4b:s11+s21], $0x40, s13, s21, $0xb8;
	[tilespmem:$0x14300] =	vst v63  }
0xb6: {  	s6 =	simm.s32 $0x8500;
	s17 =	simm.s32 $0x180  }
0xb7: {  	_ =	swait.ge [sflag:s0], $0x2000  }
0xb8: {  	[sflag:s0] =	ssyncset.done $0x0  }
0xb9: {  	[sflag:s0] =	ssyncadd.s32 $0xFFFFE000  }
0xba: {  	[spmem:s1] =	stream.indirect.scatter.add.f32 [tilespmem:s24], [sflag:$0xB], $0x40, s21, s21, $0xb8;
	[tilespmem:$0x14300] =	vst v63  }
0xbb: {  	_ =	swait.ge [sflag:s2], $0x2000  }
0xbc: {  	[sflag:s2] =	ssyncset.done $0x0  }
0xbd: {  	[sflag:s2] =	ssyncadd.s32 $0xFFFFE000  }
0xbe: {  	[spmem:s1] =	stream.indirect.scatter.add.f32 [tilespmem:s26], [sflag:$0xC], $0x40, s17, s21, $0xb8;
	[tilespmem:$0x14300] =	vst v63  }
0xbf: {  	_ =	swait.ge [sflag:s7], $0x2000  }
0xc0: {  	[sflag:s7] =	ssyncset.done $0x0  }
0xc1: {  	s13 =	simm.s32 $0x280;
	[sflag:s7] =	ssyncadd.s32 $0xFFFFE000  }
0xc2: {  	[spmem:s1] =	stream.indirect.scatter.add.f32 [tilespmem:s29], [sflag:$0xD], $0x40, s13, s21, $0xb8;
	[tilespmem:$0x14300] =	vst v63  }
0xc3: {  	_ =	swait.ge [sflag:s9], $0x2000  }
0xc4: {  	[sflag:s9] =	ssyncset.done $0x0  }
.Ltmp0:
0xc5: {  	s13 =	simm.s32 $0x380;
	[sflag:s9] =	ssyncadd.s32 $0xFFFFE000;
	(pc) =	sbr.rel @p0 .LBB2_2-.Ltmp0, $4  }
0xc6: {  	[spmem:s1] =	stream.indirect.scatter.add.f32 [tilespmem:s31], [sflag:$0xE], $0x40, s13, s21, $0xb8;
	[tilespmem:$0x14300] =	vst v63  }
0xc7: {  	_ =	swait.ge [sflag:s12], $0x2000  }
0xc8: {  	[sflag:s12] =	ssyncset.done $0x0  }
0xc9: {  	[sflag:s12] =	ssyncadd.s32 $0xFFFFE000  }
0xca: {  	s10 =	simm.s32 $0x480  }
0xcb: {  	[spmem:s1] =	stream.indirect.scatter.add.f32 [tilespmem:s6], [sflag:$0xF], $0x40, s10, s21, $0xb8;
	[tilespmem:$0x14300] =	vst v63  }
0xcc: {  	_ =	swait.ge [sflag:s5], $0x2000  }
0xcd: {  	[sflag:s5] =	ssyncset.done $0x0  }
0xce: {  	[sflag:s5] =	ssyncadd.s32 $0xFFFFE000  }
0xcf: {  	_ =	swait.ge [sflag:s14], $0x2000  }
0xd0: {  	[sflag:s14] =	ssyncset.done $0x0  }
0xd1: {  	[sflag:s14] =	ssyncadd.s32 $0xFFFFE000  }
0xd2: {  	_ =	swait.ge [sflag:s15], $0x2000  }
0xd3: {  	[sflag:s15] =	ssyncset.done $0x0  }
0xd4: {  	[sflag:s15] =	ssyncadd.s32 $0xFFFFE000  }
0xd5: {  	_ =	swait.ge [sflag:s4], $0x2000  }
0xd6: {  	[sflag:s4] =	ssyncset.done $0x0  }
0xd7: {  	[sflag:s4] =	ssyncadd.s32 $0xFFFFE000  }
0xd8: {  	_ =	swait.ge [sflag:s8], $0x2000  }
0xd9: {  	[sflag:s8] =	ssyncset.done $0x0  }
0xda: {  	[sflag:s8] =	ssyncadd.s32 $0xFFFFE000  }
0xdb: {  	[bflag:$0x0] =	sbarrier.arrive $0xFFFF  }
0xdc: {  	s10 =	rddreg [dreg:$0x5]  }
0xdd: {  	s19 =	rddreg [dreg:$0xa]  }
0xde: {  	s13 =	rddreg [dreg:$0xc]  }
0xdf: {  	[hbm:s19], [sflag:s10] =	dma.local [spmem:s13], $0x13C0  }
0xe0: {  	s19 =	simm.s32 $0x10  }
0xe1: {  	_ =	swait.ge [sflag:s19], $0x13C0  }
0xe2: {  	s18 =	rddreg [dreg:$0xd]  }
0xe3: {  	s22 =	rddreg [dreg:$0xb];
	s18 =	sadd.s32 $0x1, s18  }
0xe4: {  	p0 =	sne.s32 s18, s22  }
.Ltmp1:
0xe5: {  	_ = 	snop;
	(pc) =	sbr.rel @p0 .LBB2_1-.Ltmp1, $4  }
0xe6: {  	_ = 	snop  }
0xe7: {  	[sflag:s19] =	ssyncset.done $0x0  }
0xe8: {  	[sflag:s19] =	ssyncadd.s32 $0xFFFFEC40  }
0xe9: {  	s19 =	smov.u32 s16;
	s16 =	smov.u32 s13;
	s13 =	simm.s32 $0x10  }
0xea: {  	_ =	sfence.sel $0x180000  }
0xeb: {  	[bflag:$0x0] =	sbarrier.arrive $0xFFFF  }
0xec: {  	_ =	strace $0x9000004A  }
0xed: {  	s0 =	stileid.u32;
	[bflag:$0x2] =	sbarrier.arrive $0xFFFF  }
0xee: {  	p0 =	sne.s32 s0, $0x0;
	s0 =	rddreg [dreg:$0x3]  }
0xef: {  	s0 =	sadd.s32 @!p0 $0x100000, s0  }
0xf0: {  	[sflag:s0] =	ssyncadd.tile.s32 @!p0 $0x1;
	_ =	shalt  }
.Lfunc_end2:
_tile_overlayer_lowered:
.L_overlay_start_2:
0xf1: {  	(tag) =	ssettag $0x2  }
0xf2: {  	s0 =	rddreg [dreg:$0x0];
	s2 =	stileid.u32  }
0xf3: {  	s1 =	rddreg [dreg:$0x1];
	p0 =	sne.s32 s2, $0x0  }
0xf4: {  	s3 =	rddreg [dreg:$0x2];
	[bflag:$0x3] =	sbarrier.arrive $0xFFFF;
	s2 =	simm.s32 @!p0 $0x1C10  }
0xf5: {  	[timem:s3], [sflag:s2] =	dma.local @!p0 [hbm:s0], s1  }
0xf6: {  	s0 =	simm.s32 @!p0 $0x10  }
0xf7: {  	_ =	swait.ge @!p0 [sflag:s0], s1  }
0xf8: {  	s1 =	ssub.s32 @!p0 $0x0, s1;
	[sflag:s0] =	ssyncset.done @!p0 $0x0  }
0xf9: {  	[sflag:s0] =	ssyncadd.s32 @!p0 s1  }
0xfa: {  	[bflag:$0x3] =	sbarrier.arrive $0xFFFF  }
0xfb: {  	_ =	shalt  }

// kernel: kernel.4.cloned.1.call-start
scs
__scs_entry_jumppad:
0x0: {  	(pc) =	sbr.rel $0x88, $3  }
0x1: {  	(tag) =	ssettag $0x0;
	lr =	simm.s32 $0x1  }
0x2: {  	[smem:$0x3F96] =	sst lr;
	_ =	strace $0xD0000000  }
0x3: {  	_ = 	snop  }
0x4: {  	_ = 	snop  }
0x5: {  	_ = 	snop  }
0x6: {  	_ = 	snop  }
0x7: {  	_ = 	snop  }
__scs_overlays_trampoline_lowered:
0x8: {  	[smem:$0x3FA5] =	sst s0  }
0x9: {  	[smem:$0x3FA6] =	sst s1  }
0xa: {  	[smem:$0x3FA7] =	sst s2  }
0xb: {  	[smem:$0x3FA8] =	sst s3  }
0xc: {  	[smem:$0x3FA9] =	sst s4  }
0xd: {  	[smem:$0x3FAA] =	sst s5  }
0xe: {  	[smem:$0x3FAB] =	sst s6  }
0xf: {  	[smem:$0x3FAC] =	sst s7  }
0x10: {  	[smem:$0x3FAD] =	sst s8  }
0x11: {  	[smem:$0x3FAE] =	sst s9;
	s0 =	simm.s32 @!p0 $0x0  }
0x12: {  	s1 =	sld [smem:$0x3F94];
	s0 =	simm.s32 @p0 $0x1  }
0x13: {  	[smem:$0x3FAF] =	sst s0;
	s0 =	simm.s32 @!p1 $0x0  }
0x14: {  	s2 =	sld [smem:$0x3F93];
	s0 =	simm.s32 @p1 $0x1  }
0x15: {  	[smem:$0x3FB0] =	sst s0;
	s0 =	simm.s32 @!p2 $0x0  }
0x16: {  	s3 =	sld [smem:$0x3FDB];
	s0 =	simm.s32 @p2 $0x1  }
0x17: {  	s4 =	simm.s32 $0x1BF5;
	[smem:$0x3FB2] =	sst s0  }
0x18: {  	s0 =	sld [smem:$0x3F95];
	_ =	swait.ge [sflag:s4], $0x0  }
0x19: {  	s7 =	sld [smem:$0x3F96]  }
0x1a: {  	s8 =	sadd.s32 $0xFFFFE003, lr  }
0x1b: {  	s9 =	sadd.s32 $0xFFFFFEF7, lr;
	s5 =	simm.s32 $0xFFFFFFFF;
	p2 =	slt.u32 s8, $0xFFFFF086  }
0x1c: {  	p1 =	slt.u32 s9, $0xF7A;
	s5 =	simm.s32 @!p2 $0x0  }
0x1d: {  	s5 =	simm.s32 @p1 $0x1;
	p0 =	seq.s32 s7, s2  }
0x1e: {  	s7 =	smul.u32 @!p0 $0xF7A, s2;
	p2 =	seq.s32 @!p0 s5, $0x0  }
0x1f: {  	s9 =	smul.u32 $0xF7A, s1;
	s8 =	simm.s32 @!p0 $0x1BF5;
	p2 =	por !p2, p0  }
0x20: {  	[sflag:s8] =	ssyncset.s32 @!p0 $0xFFFFF086;
	s6 =	sadd.s32 @!p0 s3, s7;
	s7 =	simm.s32 @!p0 $0x108  }
0x21: {  	s3 =	sadd.s32 s3, s9;
	s6 =	sadd.s32 @!p0 $0x88, s6;
	s7 =	simm.s32 @p2 $0x1082  }
0x22: {  	[simem:s7], [sflag:s8] =	dma.local @!p0 [hbm:s6], $0xF7A  }
0x23: {  	s9 =	sor.u32 $0xD0000000, s2;
	s6 =	simm.s32 $0x108;
	_ =	swait.ge @!p0 [sflag:s8], $0x0  }
0x24: {  	s3 =	sadd.s32 $0x88, s3;
	s6 =	simm.s32 @!p1 $0x1082;
	[sflag:s4] =	ssyncset.s32 $0xFFFFF086  }
0x25: {  	[simem:s6], [sflag:s4] =	dma.local [hbm:s3], $0xF7A  }
0x26: {  	[smem:$0x3F96] =	sst s1;
	(tag) =	ssettag s2;
	_ =	strace s9  }
0x27: {  	s1 =	sld [smem:$0x3FA6]  }
0x28: {  	s2 =	sld [smem:$0x3FA7]  }
0x29: {  	s4 =	sld [smem:$0x3FA9]  }
0x2a: {  	p0 =	seq.s32 s5, $0x0;
	s5 =	sld [smem:$0x3FAA]  }
0x2b: {  	s6 =	sld [smem:$0x3FAB]  }
0x2c: {  	s7 =	sld [smem:$0x3FAC]  }
0x2d: {  	s3 =	simm.s32 $0x108;
	s8 =	sld [smem:$0x3FAD]  }
0x2e: {  	s3 =	simm.s32 @!p0 $0x1082;
	s9 =	sld [smem:$0x3FAE]  }
0x2f: {  	lr =	sadd.s32 s0, s3;
	s0 =	sld [smem:$0x3FA5]  }
0x30: {  	s3 =	sld [smem:$0x3FA8]  }
0x31: {  	[smem:$0x3FB1] =	sst s10  }
0x32: {  	s10 =	sld [smem:$0x3FAF];
	_ =	sdelay $0x3  }
0x33: {  	p0 =	seq.s32 s10, $0x1;
	s10 =	sld [smem:$0x3FB1];
	_ =	sdelay $0x3  }
0x34: {  	[smem:$0x3FB1] =	sst s10  }
0x35: {  	s10 =	sld [smem:$0x3FB0];
	_ =	sdelay $0x3  }
0x36: {  	p1 =	seq.s32 s10, $0x1;
	s10 =	sld [smem:$0x3FB1];
	_ =	sdelay $0x3  }
0x37: {  	[smem:$0x3FB1] =	sst s10  }
0x38: {  	s10 =	sld [smem:$0x3FB2]  }
0x39: {  	_ = 	snop;
	(pc) =	sbr.ind lr, $3  }
0x3a: {  	_ = 	snop  }
0x3b: {  	_ = 	snop  }
0x3c: {  	p2 =	seq.s32 s10, $0x1;
	s10 =	sld [smem:$0x3FB1]  }
0x3d: {  	_ =	shalt  }
0x3e: {  	_ =	shalt  }
0x3f: {  	_ =	shalt  }
0x40: {  	_ =	shalt  }
0x41: {  	_ =	shalt  }
0x42: {  	_ =	shalt  }
0x43: {  	_ =	shalt  }
0x44: {  	_ =	shalt  }
0x45: {  	_ =	shalt  }
0x46: {  	_ =	shalt  }
0x47: {  	_ =	shalt  }
0x48: {  	_ =	shalt  }
0x49: {  	_ =	shalt  }
0x4a: {  	_ =	shalt  }
0x4b: {  	_ =	shalt  }
0x4c: {  	_ =	shalt  }
0x4d: {  	_ =	shalt  }
0x4e: {  	_ =	shalt  }
0x4f: {  	_ =	shalt  }
0x50: {  	_ =	shalt  }
0x51: {  	_ =	shalt  }
0x52: {  	_ =	shalt  }
0x53: {  	_ =	shalt  }
0x54: {  	_ =	shalt  }
0x55: {  	_ =	shalt  }
0x56: {  	_ =	shalt  }
0x57: {  	_ =	shalt  }
0x58: {  	_ =	shalt  }
0x59: {  	_ =	shalt  }
0x5a: {  	_ =	shalt  }
0x5b: {  	_ =	shalt  }
0x5c: {  	_ =	shalt  }
0x5d: {  	_ =	shalt  }
0x5e: {  	_ =	shalt  }
0x5f: {  	_ =	shalt  }
0x60: {  	_ =	shalt  }
0x61: {  	_ =	shalt  }
0x62: {  	_ =	shalt  }
0x63: {  	_ =	shalt  }
0x64: {  	_ =	shalt  }
0x65: {  	_ =	shalt  }
0x66: {  	_ =	shalt  }
0x67: {  	_ =	shalt  }
0x68: {  	_ =	shalt  }
0x69: {  	_ =	shalt  }
0x6a: {  	_ =	shalt  }
0x6b: {  	_ =	shalt  }
0x6c: {  	_ =	shalt  }
0x6d: {  	_ =	shalt  }
0x6e: {  	_ =	shalt  }
0x6f: {  	_ =	shalt  }
0x70: {  	_ =	shalt  }
0x71: {  	_ =	shalt  }
0x72: {  	_ =	shalt  }
0x73: {  	_ =	shalt  }
0x74: {  	_ =	shalt  }
0x75: {  	_ =	shalt  }
0x76: {  	_ =	shalt  }
0x77: {  	_ =	shalt  }
0x78: {  	_ =	shalt  }
0x79: {  	_ =	shalt  }
0x7a: {  	_ =	shalt  }
0x7b: {  	_ =	shalt  }
0x7c: {  	_ =	shalt  }
0x7d: {  	_ =	shalt  }
0x7e: {  	_ =	shalt  }
0x7f: {  	_ =	shalt  }
0x80: {  	_ =	shalt  }
0x81: {  	_ =	shalt  }
0x82: {  	_ =	shalt  }
0x83: {  	_ =	shalt  }
0x84: {  	_ =	shalt  }
0x85: {  	_ =	shalt  }
0x86: {  	_ =	shalt  }
0x87: {  	_ =	shalt  }
.Lfunc_end0:
.L_simem_size_0:
called_computation.1_lowered:
.L_overlay_start_0:
0x88: {  	s2 =	sld [smem:$0x3FD9]  }
0x89: {  	s3 =	sld [smem:$0x3FFE];
	_ =	sdelay $0x1  }
0x8a: {  	s1 =	srdreg.scid  }
0x8b: {  	s0 =	sand.u32 $0x1, s1  }
0x8c: {  	s17 =	sshll.u32 s0, $0xA;
	s2 =	sadd.s32 s3, s2  }
0x8d: {  	s2 =	sadd.s32 s2, s17  }
0x8e: {  	[smem:$0x3FBD] =	sst s2  }
0x8f: {  	_ = 	snop  }
0x90: {  	s2 =	sld [smem:$0x3FD0];
	(tm) =	ssettm $0x1  }
0x91: {  	s18 =	sld [smem:$0x3FFB];
	_ =	sdelay $0x3  }
0x92: {  	_ =	strace s18  }
0x93: {  	s3 =	sld [smem:$0x3FFC];
	_ =	sdelay $0x3  }
0x94: {  	_ =	strace s3  }
0x95: {  	s3 =	sld [smem:$0x3FFD];
	_ =	sdelay $0x3  }
0x96: {  	_ =	strace s3  }
0x97: {  	_ =	strace $0x8FFFFFFF  }
0x98: {  	s19 =	sld [smem:$0x3FDB];
	_ =	sdelay $0x1  }
0x99: {  	s4 =	simm.s32 $_scs_section_size  }
0x9a: {  	s5 =	simm.s32 $_size__tile_overlayer_lowered;
	s6 =	simm.s32 $_tile_overlayer_lowered  }
0x9b: {  	s22 =	simm.s32 $0x1BFF;
	s21 =	sshll.u32 s6, $0x1;
	s3 =	sadd.s32 s4, s19  }
0x9c: {  	s7 =	simm.s32 $0x0;
	s20 =	sshll.u32 s5, $0x1;
	s5 =	sadd.s32 s21, s3  }
0x9d: {  	[timem:s7], [sflag:s22] =	dma.local [hbm:s5], s20  }
0x9e: {  	_ =	swait.ge [sflag:s22], s20  }
0x9f: {  	s4 =	ssub.s32 $0x0, s20;
	[sflag:s22] =	ssyncset.done $0x0  }
0xa0: {  	[sflag:s22] =	ssyncadd.s32 s4;
	_ =	sdelay $0x1  }
0xa1: {  	s23 =	simm.s32 $0x1B8B  }
0xa2: {  	_ =	swait.ge [sflag:s23], $0x1  }
0xa3: {  	[sflag:s23] =	ssyncset.done $0x0  }
0xa4: {  	s25 =	simm.s32 $0x1B8E;
	s24 =	sld [smem:$0x3FFE];
	[sflag:s23] =	ssyncadd.s32 $0xFFFFFFFF  }
0xa5: {  	s26 =	simm.s32 $execute0_lowered;
	[smem:$0x3FD2] =	sst s25  }
0xa6: {  	s5 =	sshll.u32 s26, $0x1;
	_ =	strace $0x80000046;
	[dreg:$0x1] =	wrdreg $0xFFFFFFFF  }
0xa7: {  	s28 =	simm.s32 $_size_execute0_lowered;
	s3 =	sadd.s32 s3, s5;
	[dreg:$0x0] =	wrdreg $0x0  }
0xa8: {  	s5 =	sshll.u32 s28, $0x1;
	[dreg:$0x2] =	wrdreg s3  }
0xa9: {  	[dreg:$0x3] =	wrdreg s5  }
0xaa: {  	[dreg:$0x4] =	wrdreg $0xC0  }
0xab: {  	_ =	task [dreg:s7], $0x5FFFF  }
0xac: {  	[dreg:$0x1] =	wrdreg $0xFFFFFFFF  }
0xad: {  	[dreg:$0x0] =	wrdreg $0x60  }
0xae: {  	[dreg:$0x2] =	wrdreg s24  }
0xaf: {  	[dreg:$0x3] =	wrdreg s2  }
0xb0: {  	[dreg:$0x4] =	wrdreg $0x2D000  }
0xb1: {  	[dreg:$0x5] =	wrdreg $0x9  }
0xb2: {  	_ =	task.clear_ibuf [dreg:s7], $0x6FFFF;
	_ =	strace $0x90000046  }
0xb3: {  	s29 =	simm.s32 $0x9;
	_ =	strace $0x80000048  }
0xb4: {  	_ =	swait.ge [sflag:s29], $0x1  }
0xb5: {  	[sflag:s29] =	ssyncadd.s32 $0xFFFFFFFF  }
0xb6: {  	_ =	strace $0x90000048  }
0xb7: {  	_ =	sfence  }
0xb8: {  	s30 =	sld [smem:$0x0];
	_ =	sdelay $0x2  }
0xb9: {  	s31 =	sshll.u32 s1, $0xD;
	s1 =	sshrl.u32 s1, $0x2  }
0xba: {  	s3 =	sand.u32 $0x4000, s31;
	s1 =	sadd.s32 s1, s30  }
0xbb: {  	s0 =	sor.u32 s3, s0;
	s1 =	sshll.u32 s1, $0x11  }
0xbc: {  	s0 =	sor.u32 s1, s0  }
0xbd: {  	s0 =	sadd.s32 $0x8F2B, s0  }
0xbe: {  	[sflag:s0] =	ssyncadd.remote.s32 $0x1  }
0xbf: {  	_ =	sfence.sel $0xFFFF  }
0xc0: {  	[dreg:$0x0] =	wrdreg $0xFFFFFFFF;
	(pc) =	sbr.abs _section_cstart, $3  }
0xc1: {  	[dreg:$0x1] =	wrdreg $0xFFFFFFFF  }
0xc2: {  	_ =	task.clear_ibuf [dreg:s7], $0x2FFFF;
	_ =	strace $0x9FFFFFFF  }
0xc3: {  	(tm) =	ssettm $0x7FFFFFFF  }
tec
execute0_lowered:
.L_overlay_start_1:
0x0: {  	(tag) =	ssettag $0x1  }
0x1: {  	s0 =	rddreg [dreg:$0x0]  }
0x2: {  	s1 =	rddreg [dreg:$0x1]  }
0x3: {  	s2 =	rddreg [dreg:$0x2];
	s3 =	simm.s32 $0x0;
	s12 =	stileid.u32  }
0x4: {  	s6 =	srdreg.scid;
	s16 =	simm.s32 $0x100;
	s28 =	simm.s32 $0x4  }
0x5: {  	s29 =	simm.s32 $0x1D00;
	s30 =	simm.s32 $0x5;
	s5 =	smul.u32 $0x2780, s12  }
0x6: {  	s31 =	simm.s32 $0x2500;
	s13 =	simm.s32 $0x0;
	s22 =	smul.u32 $0xA0, s12  }
0x7: {  	[smem:$0x7FF] =	sst s3;
	s6 =	sand.u32 $0x1, s6;
	s23 =	smul.u32 $0x1400, s12  }
0x8: {  	s4 =	sadd.s32 $0x2C00, s0;
	s7 =	sadd.s32 $0x7C00, s0;
	s11 =	smul.u32 $0x27800, s6  }
0x9: {  	s19 =	sshll.u32 s12, $0x6;
	_ =	strace $0x80000047;
	s20 =	smul.u32 $0xA00, s6  }
0xa: {  	s9 =	ssub.s32 $0x2, s6;
	s10 =	sshll.u32 s6, $0x4;
	s6 =	smul.u32 $0x14000, s6  }
0xb: {  	s8 =	sshrl.u32 s5, $0x3;
	s17 =	sshrl.u32 s9, $0x1;
	s10 =	sor.u32 s12, s10  }
0xc: {  	s18 =	sadd.s32 s5, s2;
	s12 =	simm.s32 $0xA;
	s0 =	sadd.s32 s8, s0  }
0xd: {  	s8 =	ssub.s32 s9, s17;
	s10 =	smul.u32 $0x1400, s10;
	s5 =	sadd.s32 s5, s11  }
0xe: {  	s6 =	sadd.s32 s6, s7;
	s26 =	sshrl.u32 s18, $0x3;
	s17 =	simm.s32 $0x200  }
0xf: {  	s18 =	simm.s32 $0x300;
	s0 =	sadd.s32 $0x2FC00, s0;
	s5 =	sshrl.u32 s5, $0x3  }
0x10: {  	s24 =	sadd.s32 s23, s6;
	s25 =	smax.u32 s8, $0x1;
	[dreg:$0xf] =	wrdreg s26  }
0x11: {  	s23 =	simm.s32 $0x2;
	s26 =	simm.s32 $0x1500;
	[dreg:$0x6] =	wrdreg s0  }
0x12: {  	s8 =	simm.s32 $0x8;
	s6 =	simm.s32 $0xC;
	[dreg:$0xe] =	wrdreg s25  }
0x13: {  	s0 =	sor.u32 $0x1C10, s19;
	s14 =	sadd.s32 s7, s10;
	[dreg:$0x4] =	wrdreg s24  }
0x14: {  	s1 =	sadd.s32 s1, s5;
	s19 =	simm.s32 $0x400;
	[dreg:$0x7] =	wrdreg s0  }
0x15: {  	s24 =	simm.s32 $0xD00;
	s25 =	simm.s32 $0x3;
	[dreg:$0x8] =	wrdreg s14  }
0x16: {  	s5 =	simm.s32 $0xF;
	s10 =	sadd.s32 $0x20, s14;
	[dreg:$0xd] =	wrdreg s1  }
0x17: {  	s21 =	sadd.s32 $0x40, s14;
	s15 =	sadd.s32 $0x60, s14;
	[dreg:$0x9] =	wrdreg s10  }
0x18: {  	s14 =	sadd.s32 $0x80, s14;
	s0 =	sadd.s32 s22, s20;
	[dreg:$0xa] =	wrdreg s21  }
0x19: {  	s20 =	simm.s32 $0x1;
	s22 =	simm.s32 $0x500;
	[dreg:$0xb] =	wrdreg s15  }
0x1a: {  	s1 =	simm.s32 $0x7;
	[dreg:$0xc] =	wrdreg s14;
	s0 =	sshll.u32 s0, $0x5  }
0x1b: {  	s21 =	simm.s32 $0x80;
	s10 =	simm.s32 $0x9;
	s0 =	sadd.s32 s0, s7  }
0x1c: {  	s14 =	simm.s32 $0xD;
	s15 =	simm.s32 $0xE;
	s0 =	sadd.s32 $0xA0, s0  }
0x1d: {  	s7 =	simm.s32 $0xB;
	[dreg:$0x5] =	wrdreg s0;
	s0 =	simm.s32 $0x6  }
.LBB2_1:
0x1e: {  	[dreg:$0x10] =	wrdreg s13  }
0x1f: {  	s9 =	rddreg [dreg:$0x6]  }
0x20: {  	s13 =	rddreg [dreg:$0x7]  }
0x21: {  	s11 =	rddreg [dreg:$0xf]  }
0x22: {  	[spmem:s11], [sflag:s13] =	dma.local [hbm:s9], $0x4F0  }
0x23: {  	s13 =	simm.s32 $0x10  }
0x24: {  	_ =	swait.ge [sflag:s13], $0x4F0  }
0x25: {  	[sflag:s13] =	ssyncset.done $0x0  }
0x26: {  	[sflag:s13] =	ssyncadd.s32 $0xFFFFFB10  }
0x27: {  	[bflag:$0x0] =	sbarrier.arrive $0xFFFF  }
0x28: {  	s11 =	rddreg [dreg:$0x8]  }
0x29: {  	[tilespmem:s3], [sflag:$0x1] =	stream.linear.gather [hbm4b:s11+s3], $0x100, $0x38;
	[tilespmem:$0x5480] =	vst v63  }
0x2a: {  	s13 =	rddreg [dreg:$0x9]  }
0x2b: {  	[tilespmem:s16], [sflag:$0x2] =	stream.linear.gather [hbm4b:s13+s3], $0x100, $0x38;
	[tilespmem:$0x5480] =	vst v63  }
0x2c: {  	s11 =	rddreg [dreg:$0xa]  }
0x2d: {  	[tilespmem:s17], [sflag:$0x3] =	stream.linear.gather [hbm4b:s11+s3], $0x100, $0x38;
	[tilespmem:$0x5480] =	vst v63  }
0x2e: {  	s13 =	rddreg [dreg:$0xb]  }
0x2f: {  	[tilespmem:s18], [sflag:$0x4] =	stream.linear.gather [hbm4b:s13+s3], $0x100, $0x38;
	[tilespmem:$0x5480] =	vst v63  }
0x30: {  	s11 =	rddreg [dreg:$0xc]  }
0x31: {  	[tilespmem:s19], [sflag:$0x5] =	stream.linear.gather [hbm4b:s11+s3], $0x100, $0x38;
	[tilespmem:$0x5480] =	vst v63  }
0x32: {  	_ =	swait.ge [sflag:s20], $0x100  }
0x33: {  	[sflag:s20] =	ssyncset.done $0x0  }
0x34: {  	[sflag:s20] =	ssyncadd.s32 $0xFFFFFF00  }
0x35: {  	[tilespmem:s22], [sflag:$0x6] =	stream.indirect.gather [hbm4b:s4+s21], $0x10, s3, s21, $0xb8;
	[tilespmem:$0x5480] =	vst v63  }
0x36: {  	_ =	swait.ge [sflag:s23], $0x100  }
0x37: {  	[sflag:s23] =	ssyncset.done $0x0  }
0x38: {  	[sflag:s23] =	ssyncadd.s32 $0xFFFFFF00  }
0x39: {  	[tilespmem:s24], [sflag:$0x7] =	stream.indirect.gather [hbm4b:s4+s21], $0x10, s16, s21, $0xb8;
	[tilespmem:$0x5480] =	vst v63  }
0x3a: {  	_ =	swait.ge [sflag:s25], $0x100  }
0x3b: {  	[sflag:s25] =	ssyncset.done $0x0  }
0x3c: {  	[sflag:s25] =	ssyncadd.s32 $0xFFFFFF00  }
0x3d: {  	[tilespmem:s26], [sflag:$0x8] =	stream.indirect.gather [hbm4b:s4+s21], $0x10, s17, s21, $0xb8;
	[tilespmem:$0x5480] =	vst v63  }
0x3e: {  	_ =	swait.ge [sflag:s28], $0x100  }
0x3f: {  	[sflag:s28] =	ssyncset.done $0x0  }
0x40: {  	[sflag:s28] =	ssyncadd.s32 $0xFFFFFF00  }
0x41: {  	[tilespmem:s29], [sflag:$0x9] =	stream.indirect.gather [hbm4b:s4+s21], $0x10, s18, s21, $0xb8;
	[tilespmem:$0x5480] =	vst v63  }
0x42: {  	_ =	swait.ge [sflag:s30], $0x100  }
0x43: {  	[sflag:s30] =	ssyncset.done $0x0  }
0x44: {  	[sflag:s30] =	ssyncadd.s32 $0xFFFFFF00  }
0x45: {  	[tilespmem:s31], [sflag:$0xA] =	stream.indirect.gather [hbm4b:s4+s21], $0x10, s19, s21, $0xb8;
	[tilespmem:$0x5480] =	vst v63  }
0x46: {  	_ =	swait.ge [sflag:s0], $0x800  }
0x47: {  	[sflag:s0] =	ssyncset.done $0x0  }
0x48: {  	[sflag:s0] =	ssyncadd.s32 $0xFFFFF800  }
0x49: {  	[spmem:s2] =	stream.indirect.scatter.add.f32 [tilespmem:s22], [sflag:$0xB], $0x10, s21, s21, $0xb8;
	[tilespmem:$0x5480] =	vst v63  }
0x4a: {  	_ =	swait.ge [sflag:s1], $0x800  }
0x4b: {  	[sflag:s1] =	ssyncset.done $0x0  }
0x4c: {  	s13 =	simm.s32 $0x180;
	[sflag:s1] =	ssyncadd.s32 $0xFFFFF800  }
0x4d: {  	[spmem:s2] =	stream.indirect.scatter.add.f32 [tilespmem:s24], [sflag:$0xC], $0x10, s13, s21, $0xb8;
	[tilespmem:$0x5480] =	vst v63  }
0x4e: {  	_ =	swait.ge [sflag:s8], $0x800  }
0x4f: {  	[sflag:s8] =	ssyncset.done $0x0  }
0x50: {  	s13 =	simm.s32 $0x280;
	[sflag:s8] =	ssyncadd.s32 $0xFFFFF800  }
0x51: {  	[spmem:s2] =	stream.indirect.scatter.add.f32 [tilespmem:s26], [sflag:$0xD], $0x10, s13, s21, $0xb8;
	[tilespmem:$0x5480] =	vst v63  }
0x52: {  	_ =	swait.ge [sflag:s10], $0x800  }
0x53: {  	[sflag:s10] =	ssyncset.done $0x0  }
0x54: {  	s11 =	simm.s32 $0x380;
	[sflag:s10] =	ssyncadd.s32 $0xFFFFF800  }
0x55: {  	[spmem:s2] =	stream.indirect.scatter.add.f32 [tilespmem:s29], [sflag:$0xE], $0x10, s11, s21, $0xb8;
	[tilespmem:$0x5480] =	vst v63  }
0x56: {  	_ =	swait.ge [sflag:s12], $0x800  }
0x57: {  	[sflag:s12] =	ssyncset.done $0x0  }
0x58: {  	s11 =	simm.s32 $0x480;
	[sflag:s12] =	ssyncadd.s32 $0xFFFFF800  }
0x59: {  	[spmem:s2] =	stream.indirect.scatter.add.f32 [tilespmem:s31], [sflag:$0xF], $0x10, s11, s21, $0xb8;
	[tilespmem:$0x5480] =	vst v63  }
0x5a: {  	_ =	swait.ge [sflag:s7], $0x800  }
0x5b: {  	s11 =	rddreg [dreg:$0x5];
	[sflag:s7] =	ssyncset.done $0x0  }
0x5c: {  	[sflag:s7] =	ssyncadd.s32 $0xFFFFF800;
	s9 =	sadd.s32 $0x0, s11  }
0x5d: {  	[tilespmem:s3], [sflag:$0x1] =	stream.linear.gather [hbm4b:s9+s3], $0x100, $0x38;
	[tilespmem:$0x5480] =	vst v63  }
0x5e: {  	_ =	swait.ge [sflag:s6], $0x800  }
0x5f: {  	s11 =	rddreg [dreg:$0x4]  }
0x60: {  	[sflag:s6] =	ssyncset.done $0x0;
	s11 =	sadd.s32 $0x0, s11  }
0x61: {  	[sflag:s6] =	ssyncadd.s32 $0xFFFFF800;
	s9 =	sadd.s32 $0xC0, s11  }
0x62: {  	[tilespmem:s16], [sflag:$0x2] =	stream.linear.gather [hbm4b:s9+s3], $0x100, $0x38;
	[tilespmem:$0x5480] =	vst v63  }
0x63: {  	_ =	swait.ge [sflag:s14], $0x800  }
0x64: {  	[sflag:s14] =	ssyncset.done $0x0  }
0x65: {  	s9 =	sadd.s32 $0xE0, s11;
	[sflag:s14] =	ssyncadd.s32 $0xFFFFF800  }
0x66: {  	[tilespmem:s17], [sflag:$0x3] =	stream.linear.gather [hbm4b:s9+s3], $0x100, $0x38;
	[tilespmem:$0x5480] =	vst v63  }
0x67: {  	_ =	swait.ge [sflag:s15], $0x800  }
0x68: {  	[sflag:s15] =	ssyncset.done $0x0  }
0x69: {  	s9 =	sadd.s32 $0x100, s11;
	[sflag:s15] =	ssyncadd.s32 $0xFFFFF800  }
0x6a: {  	[tilespmem:s18], [sflag:$0x4] =	stream.linear.gather [hbm4b:s9+s3], $0x100, $0x38;
	[tilespmem:$0x5480] =	vst v63  }
0x6b: {  	_ =	swait.ge [sflag:s5], $0x800  }
0x6c: {  	[sflag:s5] =	ssyncset.done $0x0  }
0x6d: {  	s11 =	sadd.s32 $0x120, s11;
	[sflag:s5] =	ssyncadd.s32 $0xFFFFF800  }
0x6e: {  	[tilespmem:s19], [sflag:$0x5] =	stream.linear.gather [hbm4b:s11+s3], $0x100, $0x38;
	[tilespmem:$0x5480] =	vst v63  }
0x6f: {  	_ =	swait.ge [sflag:s20], $0x100  }
0x70: {  	[sflag:s20] =	ssyncset.done $0x0  }
0x71: {  	[sflag:s20] =	ssyncadd.s32 $0xFFFFFF00  }
0x72: {  	[tilespmem:s22], [sflag:$0x6] =	stream.indirect.gather [hbm4b:s4+s21], $0x10, s3, s21, $0xb8;
	[tilespmem:$0x5480] =	vst v63  }
0x73: {  	_ =	swait.ge [sflag:s23], $0x100  }
0x74: {  	[sflag:s23] =	ssyncset.done $0x0  }
0x75: {  	[sflag:s23] =	ssyncadd.s32 $0xFFFFFF00  }
0x76: {  	[tilespmem:s24], [sflag:$0x7] =	stream.indirect.gather [hbm4b:s4+s21], $0x10, s16, s21, $0xb8;
	[tilespmem:$0x5480] =	vst v63  }
0x77: {  	_ =	swait.ge [sflag:s25], $0x100  }
0x78: {  	[sflag:s25] =	ssyncset.done $0x0  }
0x79: {  	[sflag:s25] =	ssyncadd.s32 $0xFFFFFF00  }
0x7a: {  	[tilespmem:s26], [sflag:$0x8] =	stream.indirect.gather [hbm4b:s4+s21], $0x10, s17, s21, $0xb8;
	[tilespmem:$0x5480] =	vst v63  }
0x7b: {  	_ =	swait.ge [sflag:s28], $0x100  }
0x7c: {  	[sflag:s28] =	ssyncset.done $0x0  }
0x7d: {  	[sflag:s28] =	ssyncadd.s32 $0xFFFFFF00  }
0x7e: {  	[tilespmem:s29], [sflag:$0x9] =	stream.indirect.gather [hbm4b:s4+s21], $0x10, s18, s21, $0xb8;
	[tilespmem:$0x5480] =	vst v63  }
0x7f: {  	_ =	swait.ge [sflag:s30], $0x100  }
0x80: {  	[sflag:s30] =	ssyncset.done $0x0  }
0x81: {  	[sflag:s30] =	ssyncadd.s32 $0xFFFFFF00  }
0x82: {  	[tilespmem:s31], [sflag:$0xA] =	stream.indirect.gather [hbm4b:s4+s21], $0x10, s19, s21, $0xb8;
	[tilespmem:$0x5480] =	vst v63  }
0x83: {  	_ =	swait.ge [sflag:s0], $0x800  }
0x84: {  	[sflag:s0] =	ssyncset.done $0x0  }
0x85: {  	[sflag:s0] =	ssyncadd.s32 $0xFFFFF800  }
0x86: {  	[spmem:s2] =	stream.indirect.scatter.add.f32 [tilespmem:s22], [sflag:$0xB], $0x10, s21, s21, $0xb8;
	[tilespmem:$0x5480] =	vst v63  }
0x87: {  	_ =	swait.ge [sflag:s1], $0x800  }
0x88: {  	[sflag:s1] =	ssyncset.done $0x0  }
0x89: {  	s11 =	simm.s32 $0x180;
	[sflag:s1] =	ssyncadd.s32 $0xFFFFF800  }
0x8a: {  	[spmem:s2] =	stream.indirect.scatter.add.f32 [tilespmem:s24], [sflag:$0xC], $0x10, s11, s21, $0xb8;
	[tilespmem:$0x5480] =	vst v63  }
0x8b: {  	_ =	swait.ge [sflag:s8], $0x800  }
0x8c: {  	[sflag:s8] =	ssyncset.done $0x0  }
0x8d: {  	[sflag:s8] =	ssyncadd.s32 $0xFFFFF800  }
0x8e: {  	[spmem:s2] =	stream.indirect.scatter.add.f32 [tilespmem:s26], [sflag:$0xD], $0x10, s13, s21, $0xb8;
	[tilespmem:$0x5480] =	vst v63  }
0x8f: {  	_ =	swait.ge [sflag:s10], $0x800  }
0x90: {  	[sflag:s10] =	ssyncset.done $0x0  }
0x91: {  	s13 =	simm.s32 $0x380;
	[sflag:s10] =	ssyncadd.s32 $0xFFFFF800  }
0x92: {  	[spmem:s2] =	stream.indirect.scatter.add.f32 [tilespmem:s29], [sflag:$0xE], $0x10, s13, s21, $0xb8;
	[tilespmem:$0x5480] =	vst v63  }
0x93: {  	_ =	swait.ge [sflag:s12], $0x800  }
0x94: {  	[sflag:s12] =	ssyncset.done $0x0  }
0x95: {  	s9 =	simm.s32 $0xA0;
	[sflag:s12] =	ssyncadd.s32 $0xFFFFF800  }
.LBB2_2:
0x96: {  	s11 =	simm.s32 $0x480  }
0x97: {  	[spmem:s2] =	stream.indirect.scatter.add.f32 [tilespmem:s31], [sflag:$0xF], $0x10, s11, s21, $0xb8;
	[tilespmem:$0x5480] =	vst v63  }
0x98: {  	_ =	swait.ge [sflag:s7], $0x800  }
0x99: {  	s11 =	smov.u32 s9;
	s13 =	rddreg [dreg:$0x5];
	[sflag:s7] =	ssyncset.done $0x0  }
0x9a: {  	[sflag:s7] =	ssyncadd.s32 $0xFFFFF800;
	s13 =	sadd.s32 s11, s13  }
0x9b: {  	[tilespmem:s3], [sflag:$0x1] =	stream.linear.gather [hbm4b:s13+s3], $0x100, $0x38;
	[tilespmem:$0x5480] =	vst v63  }
0x9c: {  	_ =	swait.ge [sflag:s6], $0x800  }
0x9d: {  	s13 =	rddreg [dreg:$0x4]  }
0x9e: {  	[sflag:s6] =	ssyncset.done $0x0;
	s11 =	sadd.s32 s11, s13  }
0x9f: {  	[sflag:s6] =	ssyncadd.s32 $0xFFFFF800;
	s13 =	sadd.s32 $0xC0, s11  }
0xa0: {  	[tilespmem:s16], [sflag:$0x2] =	stream.linear.gather [hbm4b:s13+s3], $0x100, $0x38;
	[tilespmem:$0x5480] =	vst v63  }
0xa1: {  	_ =	swait.ge [sflag:s14], $0x800  }
0xa2: {  	[sflag:s14] =	ssyncset.done $0x0  }
0xa3: {  	s13 =	sadd.s32 $0xE0, s11;
	[sflag:s14] =	ssyncadd.s32 $0xFFFFF800  }
0xa4: {  	[tilespmem:s17], [sflag:$0x3] =	stream.linear.gather [hbm4b:s13+s3], $0x100, $0x38;
	[tilespmem:$0x5480] =	vst v63  }
0xa5: {  	_ =	swait.ge [sflag:s15], $0x800  }
0xa6: {  	[sflag:s15] =	ssyncset.done $0x0  }
0xa7: {  	s13 =	sadd.s32 $0x100, s11;
	[sflag:s15] =	ssyncadd.s32 $0xFFFFF800  }
0xa8: {  	[tilespmem:s18], [sflag:$0x4] =	stream.linear.gather [hbm4b:s13+s3], $0x100, $0x38;
	[tilespmem:$0x5480] =	vst v63  }
0xa9: {  	_ =	swait.ge [sflag:s5], $0x800  }
0xaa: {  	[sflag:s5] =	ssyncset.done $0x0  }
0xab: {  	s11 =	sadd.s32 $0x120, s11;
	[sflag:s5] =	ssyncadd.s32 $0xFFFFF800  }
0xac: {  	[tilespmem:s19], [sflag:$0x5] =	stream.linear.gather [hbm4b:s11+s3], $0x100, $0x38;
	[tilespmem:$0x5480] =	vst v63  }
0xad: {  	_ =	swait.ge [sflag:s20], $0x100  }
0xae: {  	[sflag:s20] =	ssyncset.done $0x0  }
0xaf: {  	[sflag:s20] =	ssyncadd.s32 $0xFFFFFF00  }
0xb0: {  	[tilespmem:s22], [sflag:$0x6] =	stream.indirect.gather [hbm4b:s4+s21], $0x10, s3, s21, $0xb8;
	[tilespmem:$0x5480] =	vst v63  }
0xb1: {  	_ =	swait.ge [sflag:s23], $0x100  }
0xb2: {  	[sflag:s23] =	ssyncset.done $0x0  }
0xb3: {  	[sflag:s23] =	ssyncadd.s32 $0xFFFFFF00  }
0xb4: {  	[tilespmem:s24], [sflag:$0x7] =	stream.indirect.gather [hbm4b:s4+s21], $0x10, s16, s21, $0xb8;
	[tilespmem:$0x5480] =	vst v63  }
0xb5: {  	_ =	swait.ge [sflag:s25], $0x100  }
0xb6: {  	[sflag:s25] =	ssyncset.done $0x0  }
0xb7: {  	[sflag:s25] =	ssyncadd.s32 $0xFFFFFF00  }
0xb8: {  	[tilespmem:s26], [sflag:$0x8] =	stream.indirect.gather [hbm4b:s4+s21], $0x10, s17, s21, $0xb8;
	[tilespmem:$0x5480] =	vst v63  }
0xb9: {  	_ =	swait.ge [sflag:s28], $0x100  }
0xba: {  	[sflag:s28] =	ssyncset.done $0x0  }
0xbb: {  	[sflag:s28] =	ssyncadd.s32 $0xFFFFFF00  }
0xbc: {  	[tilespmem:s29], [sflag:$0x9] =	stream.indirect.gather [hbm4b:s4+s21], $0x10, s18, s21, $0xb8;
	[tilespmem:$0x5480] =	vst v63  }
0xbd: {  	_ =	swait.ge [sflag:s30], $0x100  }
0xbe: {  	[sflag:s30] =	ssyncset.done $0x0  }
0xbf: {  	[sflag:s30] =	ssyncadd.s32 $0xFFFFFF00  }
0xc0: {  	[tilespmem:s31], [sflag:$0xA] =	stream.indirect.gather [hbm4b:s4+s21], $0x10, s19, s21, $0xb8;
	[tilespmem:$0x5480] =	vst v63  }
0xc1: {  	_ =	swait.ge [sflag:s0], $0x800  }
0xc2: {  	[sflag:s0] =	ssyncset.done $0x0  }
0xc3: {  	[sflag:s0] =	ssyncadd.s32 $0xFFFFF800  }
0xc4: {  	[spmem:s2] =	stream.indirect.scatter.add.f32 [tilespmem:s22], [sflag:$0xB], $0x10, s21, s21, $0xb8;
	[tilespmem:$0x5480] =	vst v63  }
0xc5: {  	_ =	swait.ge [sflag:s1], $0x800  }
0xc6: {  	[sflag:s1] =	ssyncset.done $0x0  }
0xc7: {  	s13 =	simm.s32 $0x180;
	[sflag:s1] =	ssyncadd.s32 $0xFFFFF800  }
0xc8: {  	[spmem:s2] =	stream.indirect.scatter.add.f32 [tilespmem:s24], [sflag:$0xC], $0x10, s13, s21, $0xb8;
	[tilespmem:$0x5480] =	vst v63  }
0xc9: {  	_ =	swait.ge [sflag:s8], $0x800  }
0xca: {  	[sflag:s8] =	ssyncset.done $0x0  }
0xcb: {  	s13 =	simm.s32 $0x280;
	[sflag:s8] =	ssyncadd.s32 $0xFFFFF800  }
0xcc: {  	[spmem:s2] =	stream.indirect.scatter.add.f32 [tilespmem:s26], [sflag:$0xD], $0x10, s13, s21, $0xb8;
	[tilespmem:$0x5480] =	vst v63  }
0xcd: {  	_ =	swait.ge [sflag:s10], $0x800  }
0xce: {  	p0 =	sne.s32 s9, $0x12C0;
	[sflag:s10] =	ssyncset.done $0x0  }
.Ltmp0:
0xcf: {  	s13 =	simm.s32 $0x380;
	[sflag:s10] =	ssyncadd.s32 $0xFFFFF800;
	(pc) =	sbr.rel @p0 .LBB2_2-.Ltmp0, $4  }
0xd0: {  	[spmem:s2] =	stream.indirect.scatter.add.f32 [tilespmem:s29], [sflag:$0xE], $0x10, s13, s21, $0xb8;
	[tilespmem:$0x5480] =	vst v63  }
0xd1: {  	_ =	swait.ge [sflag:s12], $0x800  }
0xd2: {  	[sflag:s12] =	ssyncset.done $0x0  }
0xd3: {  	s9 =	sadd.s32 $0xA0, s9;
	[sflag:s12] =	ssyncadd.s32 $0xFFFFF800  }
0xd4: {  	s9 =	simm.s32 $0x480  }
0xd5: {  	[spmem:s2] =	stream.indirect.scatter.add.f32 [tilespmem:s31], [sflag:$0xF], $0x10, s9, s21, $0xb8;
	[tilespmem:$0x5480] =	vst v63  }
0xd6: {  	_ =	swait.ge [sflag:s7], $0x800  }
0xd7: {  	[sflag:s7] =	ssyncset.done $0x0  }
0xd8: {  	[sflag:s7] =	ssyncadd.s32 $0xFFFFF800  }
0xd9: {  	_ =	swait.ge [sflag:s6], $0x800  }
0xda: {  	[sflag:s6] =	ssyncset.done $0x0  }
0xdb: {  	[sflag:s6] =	ssyncadd.s32 $0xFFFFF800  }
0xdc: {  	_ =	swait.ge [sflag:s14], $0x800  }
0xdd: {  	[sflag:s14] =	ssyncset.done $0x0  }
0xde: {  	[sflag:s14] =	ssyncadd.s32 $0xFFFFF800  }
0xdf: {  	_ =	swait.ge [sflag:s15], $0x800  }
0xe0: {  	[sflag:s15] =	ssyncset.done $0x0  }
0xe1: {  	[sflag:s15] =	ssyncadd.s32 $0xFFFFF800  }
0xe2: {  	_ =	swait.ge [sflag:s5], $0x800  }
0xe3: {  	[sflag:s5] =	ssyncset.done $0x0  }
0xe4: {  	[sflag:s5] =	ssyncadd.s32 $0xFFFFF800  }
0xe5: {  	[bflag:$0x0] =	sbarrier.arrive $0xFFFF  }
0xe6: {  	s11 =	rddreg [dreg:$0x7]  }
0xe7: {  	s9 =	rddreg [dreg:$0xd]  }
0xe8: {  	s13 =	rddreg [dreg:$0xf]  }
0xe9: {  	[hbm:s9], [sflag:s11] =	dma.local [spmem:s13], $0x4F0  }
0xea: {  	s9 =	simm.s32 $0x10  }
0xeb: {  	_ =	swait.ge [sflag:s9], $0x4F0  }
0xec: {  	s11 =	rddreg [dreg:$0x10]  }
0xed: {  	s13 =	sadd.s32 $0x1, s11;
	s11 =	rddreg [dreg:$0xe]  }
0xee: {  	p0 =	sne.s32 s13, s11  }
.Ltmp1:
0xef: {  	_ = 	snop;
	(pc) =	sbr.rel @p0 .LBB2_1-.Ltmp1, $3  }
0xf0: {  	_ =	sdelay $0x1  }
0xf1: {  	[sflag:s9] =	ssyncset.done $0x0;
	s11 =	simm.s32 $0x10  }
0xf2: {  	[sflag:s11] =	ssyncadd.s32 $0xFFFFFB10  }
0xf3: {  	_ =	sfence.sel $0x180000  }
0xf4: {  	[bflag:$0x0] =	sbarrier.arrive $0xFFFF  }
0xf5: {  	_ =	strace $0x90000047  }
0xf6: {  	s0 =	stileid.u32;
	[bflag:$0x2] =	sbarrier.arrive $0xFFFF  }
0xf7: {  	p0 =	sne.s32 s0, $0x0;
	s0 =	rddreg [dreg:$0x3]  }
0xf8: {  	s0 =	sadd.s32 @!p0 $0x100000, s0  }
0xf9: {  	[sflag:s0] =	ssyncadd.tile.s32 @!p0 $0x1;
	_ =	shalt  }
.Lfunc_end2:
_tile_overlayer_lowered:
.L_overlay_start_2:
0xfa: {  	(tag) =	ssettag $0x2  }
0xfb: {  	s0 =	rddreg [dreg:$0x0];
	s2 =	stileid.u32  }
0xfc: {  	s1 =	rddreg [dreg:$0x1];
	p0 =	sne.s32 s2, $0x0  }
0xfd: {  	s3 =	rddreg [dreg:$0x2];
	[bflag:$0x3] =	sbarrier.arrive $0xFFFF;
	s2 =	simm.s32 @!p0 $0x1C10  }
0xfe: {  	[timem:s3], [sflag:s2] =	dma.local @!p0 [hbm:s0], s1  }
0xff: {  	s0 =	simm.s32 @!p0 $0x10  }
0x100: {  	_ =	swait.ge @!p0 [sflag:s0], s1  }
0x101: {  	s1 =	ssub.s32 @!p0 $0x0, s1;
	[sflag:s0] =	ssyncset.done @!p0 $0x0  }
0x102: {  	[sflag:s0] =	ssyncadd.s32 @!p0 s1  }
0x103: {  	[bflag:$0x3] =	sbarrier.arrive $0xFFFF  }
0x104: {  	_ =	shalt  }

</sc_bundles>
